<compile_context>
chip_gen: v7x
topology: tpu7x:2x2x1
jax: 0.10.2.dev20260603
libtpu: 0.0.44.dev20260713+nightly
codegen_flags: <defaults>
</compile_context>

<pallas_src>
import functools

import jax
import jax.numpy as jnp
from jax import lax
from jax.experimental import pallas as pl
from jax.experimental.pallas import tpu as pltpu
from jax.experimental.pallas import tpu_sc as plsc

N = 10000
DEG = 16
D = 256
DW = D // 2
LANES = 16

NW = 32
NPW = 320
CHUNK = 8
NCHUNKS = NPW // CHUNK
IPC = CHUNK * DEG
E_PER_W = NPW * DEG
E_TAIL = (N - (NW - 1) * NPW) * DEG

MM_BLOCK = 1000

_RND = 0x8000
_HI = -65536


def _mm_body(f_ref, w_ref, b_ref, o_ref):
    acc = lax.dot_general(
        f_ref[...], w_ref[...],
        dimension_numbers=(((1,), (1,)), ((), ())),
        preferred_element_type=jnp.float32,
    )
    r = jnp.maximum(acc + b_ref[...], 0.0) * (1.0 / DEG)
    lo = lax.bitcast_convert_type(r[:, :DW], jnp.int32)
    hi = lax.bitcast_convert_type(r[:, DW:], jnp.int32)
    o_ref[...] = lax.shift_right_logical(lo + _RND, 16) | ((hi + _RND) & _HI)


def _linear_relu_packed(feats, W, b_row):
    return pl.pallas_call(
        _mm_body,
        grid=(N // MM_BLOCK,),
        in_specs=[
            pl.BlockSpec((MM_BLOCK, D), lambda i: (i, 0)),
            pl.BlockSpec((D, D), lambda i: (0, 0)),
            pl.BlockSpec((1, D), lambda i: (0, 0)),
        ],
        out_specs=pl.BlockSpec((MM_BLOCK, DW), lambda i: (i, 0)),
        out_shape=jax.ShapeDtypeStruct((N, DW), jnp.int32),
    )(feats, W, b_row)


def _agg_body(x_hbm, edge_hbm, out_hbm, idx_v, xs, rows0, rows1, out0, out1,
              sem0, sem1, osem0, osem1):
    sid = lax.axis_index("s")
    wid = sid * 2 + lax.axis_index("c")

    eoff = pl.multiple_of(wid * E_PER_W, 8)

    @pl.when(wid < NW - 1)
    def _():
        pltpu.sync_copy(edge_hbm.at[pl.ds(eoff, E_PER_W)], idx_v)

    @pl.when(wid == NW - 1)
    def _():
        pltpu.sync_copy(
            edge_hbm.at[pl.ds(eoff, E_TAIL)], idx_v.at[pl.ds(0, E_TAIL)]
        )

    rps = 624
    off = pl.multiple_of(sid * rps, 8)
    pltpu.sync_copy(x_hbm.at[pl.ds(off, rps)], xs.at[pl.ds(off, rps)])

    @pl.when(sid == 0)
    def _():
        pltpu.sync_copy(
            x_hbm.at[pl.ds(16 * rps, N - 16 * rps)],
            xs.at[pl.ds(16 * rps, N - 16 * rps)],
        )

    plsc.subcore_barrier()

    bufs = (rows0, rows1)
    sems = (sem0, sem1)
    obufs = (out0, out1)
    osems = (osem0, osem1)

    def gather(g, rbuf, sem):
        pltpu.async_copy(
            xs.at[idx_v.at[pl.ds(g * IPC, IPC)]], rbuf, sem
        )

    gather(0, rows0, sem0)
    gather(1, rows1, sem1)

    def accum(rbuf, ob):
        @plsc.parallel_loop(0, CHUNK, 1, unroll=2)
        def node_body(n):
            base = n * DEG
            for k in range(DW // LANES):
                sl = pl.ds(k * LANES, LANES)
                words = [rbuf[base + j, sl] for j in range(DEG)]
                lo = [lax.bitcast_convert_type(lax.shift_left(w, 16),
                                               jnp.float32)
                      for w in words]
                hi = [lax.bitcast_convert_type(w, jnp.float32)
                      for w in words]
                while len(lo) > 1:
                    lo = [lo[2 * i] + lo[2 * i + 1]
                          for i in range(len(lo) // 2)]
                    hi = [hi[2 * i] + hi[2 * i + 1]
                          for i in range(len(hi) // 2)]
                ob[n, sl] = lo[0]
                ob[n, pl.ds(DW + k * LANES, LANES)] = hi[0]

    def valid(g):
        return wid * NPW + g * CHUNK + CHUNK <= N

    def pair_body(p, carry):
        for b in range(2):
            g = p * 2 + b
            rbuf, sem = bufs[b], sems[b]
            ob, osem = obufs[b], osems[b]
            row0 = wid * NPW + g * CHUNK

            @pl.when(jnp.logical_and(g >= 2, valid(g - 2)))
            def _():
                pltpu.make_async_copy(
                    ob,
                    out_hbm.at[pl.ds(row0 - 2 * CHUNK, CHUNK)],
                    osem,
                ).wait()

            @pl.when(valid(g))
            def _():
                pltpu.make_async_copy(
                    xs.at[idx_v.at[pl.ds(g * IPC, IPC)]], rbuf, sem
                ).wait()
                accum(rbuf, ob)
                pltpu.async_copy(ob, out_hbm.at[pl.ds(row0, CHUNK)], osem)

            @pl.when(jnp.logical_and(g + 2 < NCHUNKS, valid(g + 2)))
            def _():
                gather(g + 2, rbuf, sem)

        return carry

    lax.fori_loop(0, NCHUNKS // 2, pair_body, 0)

    for b, last_g in ((0, NCHUNKS - 2), (1, NCHUNKS - 1)):

        @pl.when(valid(last_g))
        def _():
            pltpu.make_async_copy(
                obufs[b],
                out_hbm.at[pl.ds(wid * NPW + last_g * CHUNK, CHUNK)],
                osems[b],
            ).wait()


def _aggregate(x_words, edge_flat):
    mesh = plsc.VectorSubcoreMesh(core_axis_name="c", subcore_axis_name="s")
    agg = functools.partial(
        pl.kernel,
        out_type=jax.ShapeDtypeStruct((N, D), jnp.float32),
        mesh=mesh,
        scratch_types=[
            pltpu.VMEM((NCHUNKS * IPC,), jnp.int32),
            pltpu.VMEM_SHARED((N, DW), jnp.int32),
            pltpu.VMEM((CHUNK * DEG, DW), jnp.int32),
            pltpu.VMEM((CHUNK * DEG, DW), jnp.int32),
            pltpu.VMEM((CHUNK, D), jnp.float32),
            pltpu.VMEM((CHUNK, D), jnp.float32),
            pltpu.SemaphoreType.DMA,
            pltpu.SemaphoreType.DMA,
            pltpu.SemaphoreType.DMA,
            pltpu.SemaphoreType.DMA,
        ],
    )(_agg_body)
    return agg(x_words, edge_flat)


def kernel(feats, edge_dict, W, b):
    x_words = _linear_relu_packed(feats, W, b.reshape(1, D))
    return _aggregate(x_words, edge_dict.reshape(-1))

# --- scband reference (transcript-rebuilt; emitter-appended) ---
"""Pipeline reference for scband-graph-convolution-23648089932274 (READ-ONLY COPY).

The authoritative reference and input builder live on the scoring server;
editing this copy changes nothing except your own understanding.
"""

import jax, jax.numpy as jnp
import numpy as np

N = 10000
DEG = 16
DIM_IN = 256
DIM_OUT = 256


def setup_inputs(seed: int = 0) -> dict:
    key = jax.random.key(seed)
    k1, k2, k3, k4 = jax.random.split(key, 4)
    feats = jax.random.normal(k1, (N, DIM_IN), dtype=jnp.float32)
    # edge_dict: per-node neighbor index lists, represented as a uniform-degree
    # [N, DEG] index tensor (values in [0, N)).
    edge_dict = jax.random.randint(k2, (N, DEG), 0, N, dtype=jnp.int32)
    # Linear layer parameters (nn.Linear(dim_in, dim_out, bias=True)).
    bound = 1.0 / np.sqrt(DIM_IN)
    W = jax.random.uniform(k3, (DIM_OUT, DIM_IN), dtype=jnp.float32, minval=-bound, maxval=bound)
    b = jax.random.uniform(k4, (DIM_OUT,), dtype=jnp.float32, minval=-bound, maxval=bound)
    return {"feats": feats, "edge_dict": edge_dict, "W": W, "b": b}


def reference(feats, edge_dict, W, b):
    # x = dropout(activation(fc(x)))  -- dropout is identity in eval mode
    x = feats @ W.T + b
    x = jnp.maximum(x, 0.0)  # relu activation
    # _region_aggregate: for each node i, mean over feats[edge_dict[i]]
    gathered = jnp.take(x, edge_dict, axis=0)  # [N, DEG, DIM_OUT]
    pooled = jnp.mean(gathered, axis=1)  # [N, DIM_OUT]
    return pooled

if __name__ == "__main__":
    import jax
    _d = setup_inputs()
    print(jax.jit(kernel)(*tuple(_d.values())))

</pallas_src>

<mosaic_0001>
#map = affine_map<(d0, d1) -> (0, 0)>
#map1 = affine_map<(d0, d1) -> (0)>
module attributes {stable_mosaic.version = 14 : i64} {
  func.func @_agg_body(%arg0: i32, %arg1: i32, %arg2: memref<10000x128xi32, #tpu.memory_space<hbm>>, %arg3: memref<160000xi32, #tpu.memory_space<hbm>>, %arg4: memref<10000x256xf32, #tpu.memory_space<hbm>>, %arg5: memref<5120xi32, #tpu.memory_space<vmem>>, %arg6: memref<10000x128xi32, #tpu.memory_space<vmem_shared>>, %arg7: memref<128x128xi32, #tpu.memory_space<vmem>>, %arg8: memref<128x128xi32, #tpu.memory_space<vmem>>, %arg9: memref<8x256xf32, #tpu.memory_space<vmem>>, %arg10: memref<8x256xf32, #tpu.memory_space<vmem>>, %arg11: memref<!tpu.dma_semaphore, #tpu.memory_space<semaphore_mem>>, %arg12: memref<!tpu.dma_semaphore, #tpu.memory_space<semaphore_mem>>, %arg13: memref<!tpu.dma_semaphore, #tpu.memory_space<semaphore_mem>>, %arg14: memref<!tpu.dma_semaphore, #tpu.memory_space<semaphore_mem>>) attributes {dimension_semantics = [#tpu.dimension_semantics<core_parallel>, #tpu.dimension_semantics<subcore_parallel>], iteration_bounds = array<i64: 2, 16>, scalar_prefetch = 0 : i64, scratch_operands = 10 : i64, tpu.core_type = #tpu.core_type<sc_vector_subcore>, window_params = [{transform_indices = #map}, {transform_indices = #map1}, {transform_indices = #map}]} {
    %mul3A = arith.constant 2 : i32
    %mul3A_0 = arith.muli %arg1, %mul3A : i32
    %add3A = arith.addi %mul3A_0, %arg0 : i32
    %mul3A_1 = arith.constant 5120 : i32
    %mul3A_2 = arith.muli %add3A, %mul3A_1 : i32
    %multiple_of3A = tpu.assume_multiple %mul3A_2, 8 : i32
    %lt3A = arith.constant 31 : i32
    %lt3A_3 = arith.cmpi slt, %add3A, %lt3A : i32
    %convert_element_type3A = arith.extui %lt3A_3 : i1 to i32
    %cond3A = arith.constant 0 : i32
    %cond3A_4 = arith.cmpi ne, %convert_element_type3A, %cond3A : i32
    scf.if %cond3A_4 {
      "tpu.region"() ({
        %run_scoped3A = tpu.sem_alloc : memref<!tpu.dma_semaphore, #tpu.memory_space<semaphore_mem>>
        %dma_start3A_52 = tpu.memref_slice %arg3[%multiple_of3A] : memref<160000xi32, #tpu.memory_space<hbm>> -> memref<5120xi32, #tpu.memory_space<hbm>>
        %dma_start3A_53 = tpu.memref_slice %arg3[%multiple_of3A] : memref<160000xi32, #tpu.memory_space<hbm>> -> memref<5120xi32, #tpu.memory_space<hbm>>
        tpu.enqueue_dma source(%dma_start3A_53 : memref<5120xi32, #tpu.memory_space<hbm>>) target(%arg5 : memref<5120xi32, #tpu.memory_space<vmem>>) target_semaphore(%run_scoped3A : memref<!tpu.dma_semaphore, #tpu.memory_space<semaphore_mem>>)
        %dma_wait3A = tpu.memref_slice %arg3[%multiple_of3A] : memref<160000xi32, #tpu.memory_space<hbm>> -> memref<5120xi32, #tpu.memory_space<hbm>>
        %dma_wait3A_54 = tpu.memref_slice %arg3[%multiple_of3A] : memref<160000xi32, #tpu.memory_space<hbm>> -> memref<5120xi32, #tpu.memory_space<hbm>>
        tpu.wait_dma2 semaphore(%run_scoped3A : memref<!tpu.dma_semaphore, #tpu.memory_space<semaphore_mem>>) src(%dma_wait3A_54 : memref<5120xi32, #tpu.memory_space<hbm>>) dst(%arg5 : memref<5120xi32, #tpu.memory_space<vmem>>)
        tpu.yield
      }) : () -> ()
    } else {
    }
    %eq3A = arith.constant 31 : i32
    %eq3A_5 = arith.cmpi eq, %add3A, %eq3A : i32
    %convert_element_type3A_6 = arith.extui %eq3A_5 : i1 to i32
    %cond3A_7 = arith.constant 0 : i32
    %cond3A_8 = arith.cmpi ne, %convert_element_type3A_6, %cond3A_7 : i32
    scf.if %cond3A_8 {
      "tpu.region"() ({
        %run_scoped3A = tpu.sem_alloc : memref<!tpu.dma_semaphore, #tpu.memory_space<semaphore_mem>>
        %dma_start3A_52 = arith.constant 0 : i32
        %dma_start3A_53 = tpu.memref_slice %arg5[%dma_start3A_52] : memref<5120xi32, #tpu.memory_space<vmem>> -> memref<1280xi32, #tpu.memory_space<vmem>>
        %dma_start3A_54 = tpu.memref_slice %arg3[%multiple_of3A] : memref<160000xi32, #tpu.memory_space<hbm>> -> memref<1280xi32, #tpu.memory_space<hbm>>
        %dma_start3A_55 = arith.constant 0 : i32
        %dma_start3A_56 = tpu.memref_slice %arg5[%dma_start3A_55] : memref<5120xi32, #tpu.memory_space<vmem>> -> memref<1280xi32, #tpu.memory_space<vmem>>
        %dma_start3A_57 = tpu.memref_slice %arg3[%multiple_of3A] : memref<160000xi32, #tpu.memory_space<hbm>> -> memref<1280xi32, #tpu.memory_space<hbm>>
        tpu.enqueue_dma source(%dma_start3A_57 : memref<1280xi32, #tpu.memory_space<hbm>>) target(%dma_start3A_56 : memref<1280xi32, #tpu.memory_space<vmem>>) target_semaphore(%run_scoped3A : memref<!tpu.dma_semaphore, #tpu.memory_space<semaphore_mem>>)
        %dma_wait3A = arith.constant 0 : i32
        %dma_wait3A_58 = tpu.memref_slice %arg5[%dma_wait3A] : memref<5120xi32, #tpu.memory_space<vmem>> -> memref<1280xi32, #tpu.memory_space<vmem>>
        %dma_wait3A_59 = tpu.memref_slice %arg3[%multiple_of3A] : memref<160000xi32, #tpu.memory_space<hbm>> -> memref<1280xi32, #tpu.memory_space<hbm>>
        %dma_wait3A_60 = arith.constant 0 : i32
        %dma_wait3A_61 = tpu.memref_slice %arg5[%dma_wait3A_60] : memref<5120xi32, #tpu.memory_space<vmem>> -> memref<1280xi32, #tpu.memory_space<vmem>>
        %dma_wait3A_62 = tpu.memref_slice %arg3[%multiple_of3A] : memref<160000xi32, #tpu.memory_space<hbm>> -> memref<1280xi32, #tpu.memory_space<hbm>>
        tpu.wait_dma2 semaphore(%run_scoped3A : memref<!tpu.dma_semaphore, #tpu.memory_space<semaphore_mem>>) src(%dma_wait3A_62 : memref<1280xi32, #tpu.memory_space<hbm>>) dst(%dma_wait3A_61 : memref<1280xi32, #tpu.memory_space<vmem>>)
        tpu.yield
      }) : () -> ()
    } else {
    }
    %mul3A_9 = arith.constant 624 : i32
    %mul3A_10 = arith.muli %arg1, %mul3A_9 : i32
    %multiple_of3A_11 = tpu.assume_multiple %mul3A_10, 8 : i32
    "tpu.region"() ({
      %run_scoped3A = tpu.sem_alloc : memref<!tpu.dma_semaphore, #tpu.memory_space<semaphore_mem>>
      %dma_start3A_52 = arith.constant 0 : i32
      %dma_start3A_53 = tpu.memref_slice %arg6[%multiple_of3A_11, %dma_start3A_52] : memref<10000x128xi32, #tpu.memory_space<vmem_shared>> -> memref<624x128xi32, #tpu.memory_space<vmem_shared>>
      %dma_start3A_54 = arith.constant 0 : i32
      %dma_start3A_55 = tpu.memref_slice %arg2[%multiple_of3A_11, %dma_start3A_54] : memref<10000x128xi32, #tpu.memory_space<hbm>> -> memref<624x128xi32, #tpu.memory_space<hbm>>
      tpu.enqueue_dma source(%dma_start3A_55 : memref<624x128xi32, #tpu.memory_space<hbm>>) target(%dma_start3A_53 : memref<624x128xi32, #tpu.memory_space<vmem_shared>>) target_semaphore(%run_scoped3A : memref<!tpu.dma_semaphore, #tpu.memory_space<semaphore_mem>>)
      %dma_wait3A = arith.constant 0 : i32
      %dma_wait3A_56 = tpu.memref_slice %arg6[%multiple_of3A_11, %dma_wait3A] : memref<10000x128xi32, #tpu.memory_space<vmem_shared>> -> memref<624x128xi32, #tpu.memory_space<vmem_shared>>
      %dma_wait3A_57 = arith.constant 0 : i32
      %dma_wait3A_58 = tpu.memref_slice %arg2[%multiple_of3A_11, %dma_wait3A_57] : memref<10000x128xi32, #tpu.memory_space<hbm>> -> memref<624x128xi32, #tpu.memory_space<hbm>>
      tpu.wait_dma2 semaphore(%run_scoped3A : memref<!tpu.dma_semaphore, #tpu.memory_space<semaphore_mem>>) src(%dma_wait3A_58 : memref<624x128xi32, #tpu.memory_space<hbm>>) dst(%dma_wait3A_56 : memref<624x128xi32, #tpu.memory_space<vmem_shared>>)
      tpu.yield
    }) : () -> ()
    %eq3A_12 = arith.constant 0 : i32
    %eq3A_13 = arith.cmpi eq, %arg1, %eq3A_12 : i32
    %convert_element_type3A_14 = arith.extui %eq3A_13 : i1 to i32
    %cond3A_15 = arith.constant 0 : i32
    %cond3A_16 = arith.cmpi ne, %convert_element_type3A_14, %cond3A_15 : i32
    scf.if %cond3A_16 {
      "tpu.region"() ({
        %run_scoped3A = tpu.sem_alloc : memref<!tpu.dma_semaphore, #tpu.memory_space<semaphore_mem>>
        %dma_start3A_52 = arith.constant 9984 : i32
        %dma_start3A_53 = arith.constant 0 : i32
        %dma_start3A_54 = tpu.memref_slice %arg6[%dma_start3A_52, %dma_start3A_53] : memref<10000x128xi32, #tpu.memory_space<vmem_shared>> -> memref<16x128xi32, #tpu.memory_space<vmem_shared>>
        %dma_start3A_55 = arith.constant 9984 : i32
        %dma_start3A_56 = arith.constant 0 : i32
        %dma_start3A_57 = tpu.memref_slice %arg2[%dma_start3A_55, %dma_start3A_56] : memref<10000x128xi32, #tpu.memory_space<hbm>> -> memref<16x128xi32, #tpu.memory_space<hbm>>
        tpu.enqueue_dma source(%dma_start3A_57 : memref<16x128xi32, #tpu.memory_space<hbm>>) target(%dma_start3A_54 : memref<16x128xi32, #tpu.memory_space<vmem_shared>>) target_semaphore(%run_scoped3A : memref<!tpu.dma_semaphore, #tpu.memory_space<semaphore_mem>>)
        %dma_wait3A = arith.constant 9984 : i32
        %dma_wait3A_58 = arith.constant 0 : i32
        %dma_wait3A_59 = tpu.memref_slice %arg6[%dma_wait3A, %dma_wait3A_58] : memref<10000x128xi32, #tpu.memory_space<vmem_shared>> -> memref<16x128xi32, #tpu.memory_space<vmem_shared>>
        %dma_wait3A_60 = arith.constant 9984 : i32
        %dma_wait3A_61 = arith.constant 0 : i32
        %dma_wait3A_62 = tpu.memref_slice %arg2[%dma_wait3A_60, %dma_wait3A_61] : memref<10000x128xi32, #tpu.memory_space<hbm>> -> memref<16x128xi32, #tpu.memory_space<hbm>>
        tpu.wait_dma2 semaphore(%run_scoped3A : memref<!tpu.dma_semaphore, #tpu.memory_space<semaphore_mem>>) src(%dma_wait3A_62 : memref<16x128xi32, #tpu.memory_space<hbm>>) dst(%dma_wait3A_59 : memref<16x128xi32, #tpu.memory_space<vmem_shared>>)
        tpu.yield
      }) : () -> ()
    } else {
    }
    %barrier3A = arith.constant 0 : index
    tpu.barrier barrier_id(%barrier3A)
    %dma_start3A = arith.constant 0 : i32
    %dma_start3A_17 = tpu.memref_slice %arg5[%dma_start3A] : memref<5120xi32, #tpu.memory_space<vmem>> -> memref<128xi32, #tpu.memory_space<vmem>>
    %dma_start3A_18 = arith.constant 0 : i32
    %dma_start3A_19 = arith.constant 0 : i32
    %dma_start3A_20 = tpu.memref_slice %arg6[%dma_start3A_18, %dma_start3A_19] : memref<10000x128xi32, #tpu.memory_space<vmem_shared>> -> memref<10000x128xi32, #tpu.memory_space<vmem_shared>>
    tpu.enqueue_indirect_dma source(%dma_start3A_20 : memref<10000x128xi32, #tpu.memory_space<vmem_shared>>) target(%arg7 : memref<128x128xi32, #tpu.memory_space<vmem>>) offsets(%dma_start3A_17 : memref<128xi32, #tpu.memory_space<vmem>>) semaphore(%arg11 : memref<!tpu.dma_semaphore, #tpu.memory_space<semaphore_mem>>)
    %dma_start3A_21 = arith.constant 128 : i32
    %dma_start3A_22 = tpu.memref_slice %arg5[%dma_start3A_21] : memref<5120xi32, #tpu.memory_space<vmem>> -> memref<128xi32, #tpu.memory_space<vmem>>
    %dma_start3A_23 = arith.constant 0 : i32
    %dma_start3A_24 = arith.constant 0 : i32
    %dma_start3A_25 = tpu.memref_slice %arg6[%dma_start3A_23, %dma_start3A_24] : memref<10000x128xi32, #tpu.memory_space<vmem_shared>> -> memref<10000x128xi32, #tpu.memory_space<vmem_shared>>
    tpu.enqueue_indirect_dma source(%dma_start3A_25 : memref<10000x128xi32, #tpu.memory_space<vmem_shared>>) target(%arg8 : memref<128x128xi32, #tpu.memory_space<vmem>>) offsets(%dma_start3A_22 : memref<128xi32, #tpu.memory_space<vmem>>) semaphore(%arg12 : memref<!tpu.dma_semaphore, #tpu.memory_space<semaphore_mem>>)
    %scan3A = arith.constant 0 : i32
    %scan3A_26 = arith.constant 0 : i32
    %scan3A_27 = arith.constant 20 : i32
    %scan3A_28 = arith.addi %scan3A_26, %scan3A_27 : i32
    %scan3A_29 = arith.constant 1 : i32
    scf.for %scan3A_52 = %scan3A_26 to %scan3A_28 step %scan3A_29  : i32 {
      %mul3A_53 = arith.constant 2 : i32
      %mul3A_54 = arith.muli %scan3A_52, %mul3A_53 : i32
      %add3A_55 = arith.constant 0 : i32
      %add3A_56 = arith.addi %mul3A_54, %add3A_55 : i32
      %mul3A_57 = arith.constant 320 : i32
      %mul3A_58 = arith.muli %add3A, %mul3A_57 : i32
      %mul3A_59 = arith.constant 8 : i32
      %mul3A_60 = arith.muli %add3A_56, %mul3A_59 : i32
      %add3A_61 = arith.addi %mul3A_58, %mul3A_60 : i32
      %ge3A = arith.constant 2 : i32
      %ge3A_62 = arith.cmpi sge, %add3A_56, %ge3A : i32
      %sub3A = arith.constant 2 : i32
      %sub3A_63 = arith.subi %add3A_56, %sub3A : i32
      %mul3A_64 = arith.constant 320 : i32
      %mul3A_65 = arith.muli %add3A, %mul3A_64 : i32
      %mul3A_66 = arith.constant 8 : i32
      %mul3A_67 = arith.muli %sub3A_63, %mul3A_66 : i32
      %add3A_68 = arith.addi %mul3A_65, %mul3A_67 : i32
      %add3A_69 = arith.constant 8 : i32
      %add3A_70 = arith.addi %add3A_68, %add3A_69 : i32
      %le3A_71 = arith.constant 10000 : i32
      %le3A_72 = arith.cmpi sle, %add3A_70, %le3A_71 : i32
      %and3A = arith.andi %ge3A_62, %le3A_72 : i1
      %convert_element_type3A_73 = arith.extui %and3A : i1 to i32
      %cond3A_74 = arith.constant 0 : i32
      %cond3A_75 = arith.cmpi ne, %convert_element_type3A_73, %cond3A_74 : i32
      scf.if %cond3A_75 {
        %sub3A_164 = arith.constant 16 : i32
        %sub3A_165 = arith.subi %add3A_61, %sub3A_164 : i32
        %dma_wait3A = arith.constant 0 : i32
        %dma_wait3A_166 = tpu.memref_slice %arg4[%sub3A_165, %dma_wait3A] : memref<10000x256xf32, #tpu.memory_space<hbm>> -> memref<8x256xf32, #tpu.memory_space<hbm>>
        %dma_wait3A_167 = arith.constant 0 : i32
        %dma_wait3A_168 = tpu.memref_slice %arg4[%sub3A_165, %dma_wait3A_167] : memref<10000x256xf32, #tpu.memory_space<hbm>> -> memref<8x256xf32, #tpu.memory_space<hbm>>
        tpu.wait_dma2 semaphore(%arg13 : memref<!tpu.dma_semaphore, #tpu.memory_space<semaphore_mem>>) src(%arg9 : memref<8x256xf32, #tpu.memory_space<vmem>>) dst(%dma_wait3A_168 : memref<8x256xf32, #tpu.memory_space<hbm>>)
      } else {
      }
      %mul3A_76 = arith.constant 320 : i32
      %mul3A_77 = arith.muli %add3A, %mul3A_76 : i32
      %mul3A_78 = arith.constant 8 : i32
      %mul3A_79 = arith.muli %add3A_56, %mul3A_78 : i32
      %add3A_80 = arith.addi %mul3A_77, %mul3A_79 : i32
      %add3A_81 = arith.constant 8 : i32
      %add3A_82 = arith.addi %add3A_80, %add3A_81 : i32
      %le3A_83 = arith.constant 10000 : i32
      %le3A_84 = arith.cmpi sle, %add3A_82, %le3A_83 : i32
      %convert_element_type3A_85 = arith.extui %le3A_84 : i1 to i32
      %cond3A_86 = arith.constant 0 : i32
      %cond3A_87 = arith.cmpi ne, %convert_element_type3A_85, %cond3A_86 : i32
      scf.if %cond3A_87 {
        %mul3A_164 = arith.constant 128 : i32
        %mul3A_165 = arith.muli %add3A_56, %mul3A_164 : i32
        %dma_wait3A = tpu.memref_slice %arg5[%mul3A_165] : memref<5120xi32, #tpu.memory_space<vmem>> -> memref<128xi32, #tpu.memory_space<vmem>>
        %dma_wait3A_166 = arith.constant 0 : i32
        %dma_wait3A_167 = arith.constant 0 : i32
        %dma_wait3A_168 = tpu.memref_slice %arg6[%dma_wait3A_166, %dma_wait3A_167] : memref<10000x128xi32, #tpu.memory_space<vmem_shared>> -> memref<10000x128xi32, #tpu.memory_space<vmem_shared>>
        tpu.wait_indirect_dma semaphore(%arg11 : memref<!tpu.dma_semaphore, #tpu.memory_space<semaphore_mem>>) src(%dma_wait3A_168 : memref<10000x128xi32, #tpu.memory_space<vmem_shared>>) dst(%arg7 : memref<128x128xi32, #tpu.memory_space<vmem>>)
        %parallel_loop3A = arith.constant 0 : i32
        %parallel_loop3A_169 = arith.constant 8 : i32
        %parallel_loop3A_170 = arith.constant 1 : i32
        scf.for %parallel_loop3A_175 = %parallel_loop3A to %parallel_loop3A_169 step %parallel_loop3A_170  : i32 {
          %parallel_loop3A_176 = arith.constant 16 : i32
          %parallel_loop3A_177 = arith.muli %parallel_loop3A_175, %parallel_loop3A_176 : i32
          %parallel_loop3A_178 = arith.constant 0 : i32
          %parallel_loop3A_179 = arith.addi %parallel_loop3A_177, %parallel_loop3A_178 : i32
          %parallel_loop3A_180 = arith.index_cast %parallel_loop3A_179 : i32 to index
          %parallel_loop3A_181 = arith.constant 0 : index
          %parallel_loop3A_182 = tpu.vector_load %arg7[%parallel_loop3A_180, %parallel_loop3A_181] {strides = array<i32>} : memref<128x128xi32, #tpu.memory_space<vmem>>, vector<1x16xi32>,
          %parallel_loop3A_183 = vector.shape_cast %parallel_loop3A_182 : vector<1x16xi32> to vector<16xi32>
          %parallel_loop3A_184 = arith.constant 1 : i32
          %parallel_loop3A_185 = arith.addi %parallel_loop3A_177, %parallel_loop3A_184 : i32
          %parallel_loop3A_186 = arith.index_cast %parallel_loop3A_185 : i32 to index
          %parallel_loop3A_187 = arith.constant 0 : index
          %parallel_loop3A_188 = tpu.vector_load %arg7[%parallel_loop3A_186, %parallel_loop3A_187] {strides = array<i32>} : memref<128x128xi32, #tpu.memory_space<vmem>>, vector<1x16xi32>,
          %parallel_loop3A_189 = vector.shape_cast %parallel_loop3A_188 : vector<1x16xi32> to vector<16xi32>
          %parallel_loop3A_190 = arith.constant 2 : i32
          %parallel_loop3A_191 = arith.addi %parallel_loop3A_177, %parallel_loop3A_190 : i32
          %parallel_loop3A_192 = arith.index_cast %parallel_loop3A_191 : i32 to index
          %parallel_loop3A_193 = arith.constant 0 : index
          %parallel_loop3A_194 = tpu.vector_load %arg7[%parallel_loop3A_192, %parallel_loop3A_193] {strides = array<i32>} : memref<128x128xi32, #tpu.memory_space<vmem>>, vector<1x16xi32>,
          %parallel_loop3A_195 = vector.shape_cast %parallel_loop3A_194 : vector<1x16xi32> to vector<16xi32>
          %parallel_loop3A_196 = arith.constant 3 : i32
          %parallel_loop3A_197 = arith.addi %parallel_loop3A_177, %parallel_loop3A_196 : i32
          %parallel_loop3A_198 = arith.index_cast %parallel_loop3A_197 : i32 to index
          %parallel_loop3A_199 = arith.constant 0 : index
          %parallel_loop3A_200 = tpu.vector_load %arg7[%parallel_loop3A_198, %parallel_loop3A_199] {strides = array<i32>} : memref<128x128xi32, #tpu.memory_space<vmem>>, vector<1x16xi32>,
          %parallel_loop3A_201 = vector.shape_cast %parallel_loop3A_200 : vector<1x16xi32> to vector<16xi32>
          %parallel_loop3A_202 = arith.constant 4 : i32
          %parallel_loop3A_203 = arith.addi %parallel_loop3A_177, %parallel_loop3A_202 : i32
          %parallel_loop3A_204 = arith.index_cast %parallel_loop3A_203 : i32 to index
          %parallel_loop3A_205 = arith.constant 0 : index
          %parallel_loop3A_206 = tpu.vector_load %arg7[%parallel_loop3A_204, %parallel_loop3A_205] {strides = array<i32>} : memref<128x128xi32, #tpu.memory_space<vmem>>, vector<1x16xi32>,
          %parallel_loop3A_207 = vector.shape_cast %parallel_loop3A_206 : vector<1x16xi32> to vector<16xi32>
          %parallel_loop3A_208 = arith.constant 5 : i32
          %parallel_loop3A_209 = arith.addi %parallel_loop3A_177, %parallel_loop3A_208 : i32
          %parallel_loop3A_210 = arith.index_cast %parallel_loop3A_209 : i32 to index
          %parallel_loop3A_211 = arith.constant 0 : index
          %parallel_loop3A_212 = tpu.vector_load %arg7[%parallel_loop3A_210, %parallel_loop3A_211] {strides = array<i32>} : memref<128x128xi32, #tpu.memory_space<vmem>>, vector<1x16xi32>,
          %parallel_loop3A_213 = vector.shape_cast %parallel_loop3A_212 : vector<1x16xi32> to vector<16xi32>
          %parallel_loop3A_214 = arith.constant 6 : i32
          %parallel_loop3A_215 = arith.addi %parallel_loop3A_177, %parallel_loop3A_214 : i32
          %parallel_loop3A_216 = arith.index_cast %parallel_loop3A_215 : i32 to index
          %parallel_loop3A_217 = arith.constant 0 : index
          %parallel_loop3A_218 = tpu.vector_load %arg7[%parallel_loop3A_216, %parallel_loop3A_217] {strides = array<i32>} : memref<128x128xi32, #tpu.memory_space<vmem>>, vector<1x16xi32>,
          %parallel_loop3A_219 = vector.shape_cast %parallel_loop3A_218 : vector<1x16xi32> to vector<16xi32>
          %parallel_loop3A_220 = arith.constant 7 : i32
          %parallel_loop3A_221 = arith.addi %parallel_loop3A_177, %parallel_loop3A_220 : i32
          %parallel_loop3A_222 = arith.index_cast %parallel_loop3A_221 : i32 to index
          %parallel_loop3A_223 = arith.constant 0 : index
          %parallel_loop3A_224 = tpu.vector_load %arg7[%parallel_loop3A_222, %parallel_loop3A_223] {strides = array<i32>} : memref<128x128xi32, #tpu.memory_space<vmem>>, vector<1x16xi32>,
          %parallel_loop3A_225 = vector.shape_cast %parallel_loop3A_224 : vector<1x16xi32> to vector<16xi32>
          %parallel_loop3A_226 = arith.constant 8 : i32
          %parallel_loop3A_227 = arith.addi %parallel_loop3A_177, %parallel_loop3A_226 : i32
          %parallel_loop3A_228 = arith.index_cast %parallel_loop3A_227 : i32 to index
          %parallel_loop3A_229 = arith.constant 0 : index
          %parallel_loop3A_230 = tpu.vector_load %arg7[%parallel_loop3A_228, %parallel_loop3A_229] {strides = array<i32>} : memref<128x128xi32, #tpu.memory_space<vmem>>, vector<1x16xi32>,
          %parallel_loop3A_231 = vector.shape_cast %parallel_loop3A_230 : vector<1x16xi32> to vector<16xi32>
          %parallel_loop3A_232 = arith.constant 9 : i32
          %parallel_loop3A_233 = arith.addi %parallel_loop3A_177, %parallel_loop3A_232 : i32
          %parallel_loop3A_234 = arith.index_cast %parallel_loop3A_233 : i32 to index
          %parallel_loop3A_235 = arith.constant 0 : index
          %parallel_loop3A_236 = tpu.vector_load %arg7[%parallel_loop3A_234, %parallel_loop3A_235] {strides = array<i32>} : memref<128x128xi32, #tpu.memory_space<vmem>>, vector<1x16xi32>,
          %parallel_loop3A_237 = vector.shape_cast %parallel_loop3A_236 : vector<1x16xi32> to vector<16xi32>
          %parallel_loop3A_238 = arith.constant 10 : i32
          %parallel_loop3A_239 = arith.addi %parallel_loop3A_177, %parallel_loop3A_238 : i32
          %parallel_loop3A_240 = arith.index_cast %parallel_loop3A_239 : i32 to index
          %parallel_loop3A_241 = arith.constant 0 : index
          %parallel_loop3A_242 = tpu.vector_load %arg7[%parallel_loop3A_240, %parallel_loop3A_241] {strides = array<i32>} : memref<128x128xi32, #tpu.memory_space<vmem>>, vector<1x16xi32>,
          %parallel_loop3A_243 = vector.shape_cast %parallel_loop3A_242 : vector<1x16xi32> to vector<16xi32>
          %parallel_loop3A_244 = arith.constant 11 : i32
          %parallel_loop3A_245 = arith.addi %parallel_loop3A_177, %parallel_loop3A_244 : i32
          %parallel_loop3A_246 = arith.index_cast %parallel_loop3A_245 : i32 to index
          %parallel_loop3A_247 = arith.constant 0 : index
          %parallel_loop3A_248 = tpu.vector_load %arg7[%parallel_loop3A_246, %parallel_loop3A_247] {strides = array<i32>} : memref<128x128xi32, #tpu.memory_space<vmem>>, vector<1x16xi32>,
          %parallel_loop3A_249 = vector.shape_cast %parallel_loop3A_248 : vector<1x16xi32> to vector<16xi32>
          %parallel_loop3A_250 = arith.constant 12 : i32
          %parallel_loop3A_251 = arith.addi %parallel_loop3A_177, %parallel_loop3A_250 : i32
          %parallel_loop3A_252 = arith.index_cast %parallel_loop3A_251 : i32 to index
          %parallel_loop3A_253 = arith.constant 0 : index
          %parallel_loop3A_254 = tpu.vector_load %arg7[%parallel_loop3A_252, %parallel_loop3A_253] {strides = array<i32>} : memref<128x128xi32, #tpu.memory_space<vmem>>, vector<1x16xi32>,
          %parallel_loop3A_255 = vector.shape_cast %parallel_loop3A_254 : vector<1x16xi32> to vector<16xi32>
          %parallel_loop3A_256 = arith.constant 13 : i32
          %parallel_loop3A_257 = arith.addi %parallel_loop3A_177, %parallel_loop3A_256 : i32
          %parallel_loop3A_258 = arith.index_cast %parallel_loop3A_257 : i32 to index
          %parallel_loop3A_259 = arith.constant 0 : index
          %parallel_loop3A_260 = tpu.vector_load %arg7[%parallel_loop3A_258, %parallel_loop3A_259] {strides = array<i32>} : memref<128x128xi32, #tpu.memory_space<vmem>>, vector<1x16xi32>,
          %parallel_loop3A_261 = vector.shape_cast %parallel_loop3A_260 : vector<1x16xi32> to vector<16xi32>
          %parallel_loop3A_262 = arith.constant 14 : i32
          %parallel_loop3A_263 = arith.addi %parallel_loop3A_177, %parallel_loop3A_262 : i32
          %parallel_loop3A_264 = arith.index_cast %parallel_loop3A_263 : i32 to index
          %parallel_loop3A_265 = arith.constant 0 : index
          %parallel_loop3A_266 = tpu.vector_load %arg7[%parallel_loop3A_264, %parallel_loop3A_265] {strides = array<i32>} : memref<128x128xi32, #tpu.memory_space<vmem>>, vector<1x16xi32>,
          %parallel_loop3A_267 = vector.shape_cast %parallel_loop3A_266 : vector<1x16xi32> to vector<16xi32>
          %parallel_loop3A_268 = arith.constant 15 : i32
          %parallel_loop3A_269 = arith.addi %parallel_loop3A_177, %parallel_loop3A_268 : i32
          %parallel_loop3A_270 = arith.index_cast %parallel_loop3A_269 : i32 to index
          %parallel_loop3A_271 = arith.constant 0 : index
          %parallel_loop3A_272 = tpu.vector_load %arg7[%parallel_loop3A_270, %parallel_loop3A_271] {strides = array<i32>} : memref<128x128xi32, #tpu.memory_space<vmem>>, vector<1x16xi32>,
          %parallel_loop3A_273 = vector.shape_cast %parallel_loop3A_272 : vector<1x16xi32> to vector<16xi32>
          %parallel_loop3A_274 = arith.constant 16 : i32
          %parallel_loop3A_275 = vector.broadcast %parallel_loop3A_274 : i32 to vector<16xi32>
          %parallel_loop3A_276 = arith.shli %parallel_loop3A_183, %parallel_loop3A_275 : vector<16xi32>
          %parallel_loop3A_277 = tpu.bitcast %parallel_loop3A_276 : vector<16xi32> -> vector<16xf32>
          %parallel_loop3A_278 = arith.constant 16 : i32
          %parallel_loop3A_279 = vector.broadcast %parallel_loop3A_278 : i32 to vector<16xi32>
          %parallel_loop3A_280 = arith.shli %parallel_loop3A_189, %parallel_loop3A_279 : vector<16xi32>
          %parallel_loop3A_281 = tpu.bitcast %parallel_loop3A_280 : vector<16xi32> -> vector<16xf32>
          %parallel_loop3A_282 = arith.constant 16 : i32
          %parallel_loop3A_283 = vector.broadcast %parallel_loop3A_282 : i32 to vector<16xi32>
          %parallel_loop3A_284 = arith.shli %parallel_loop3A_195, %parallel_loop3A_283 : vector<16xi32>
          %parallel_loop3A_285 = tpu.bitcast %parallel_loop3A_284 : vector<16xi32> -> vector<16xf32>
          %parallel_loop3A_286 = arith.constant 16 : i32
          %parallel_loop3A_287 = vector.broadcast %parallel_loop3A_286 : i32 to vector<16xi32>
          %parallel_loop3A_288 = arith.shli %parallel_loop3A_201, %parallel_loop3A_287 : vector<16xi32>
          %parallel_loop3A_289 = tpu.bitcast %parallel_loop3A_288 : vector<16xi32> -> vector<16xf32>
          %parallel_loop3A_290 = arith.constant 16 : i32
          %parallel_loop3A_291 = vector.broadcast %parallel_loop3A_290 : i32 to vector<16xi32>
          %parallel_loop3A_292 = arith.shli %parallel_loop3A_207, %parallel_loop3A_291 : vector<16xi32>
          %parallel_loop3A_293 = tpu.bitcast %parallel_loop3A_292 : vector<16xi32> -> vector<16xf32>
          %parallel_loop3A_294 = arith.constant 16 : i32
          %parallel_loop3A_295 = vector.broadcast %parallel_loop3A_294 : i32 to vector<16xi32>
          %parallel_loop3A_296 = arith.shli %parallel_loop3A_213, %parallel_loop3A_295 : vector<16xi32>
          %parallel_loop3A_297 = tpu.bitcast %parallel_loop3A_296 : vector<16xi32> -> vector<16xf32>
          %parallel_loop3A_298 = arith.constant 16 : i32
          %parallel_loop3A_299 = vector.broadcast %parallel_loop3A_298 : i32 to vector<16xi32>
          %parallel_loop3A_300 = arith.shli %parallel_loop3A_219, %parallel_loop3A_299 : vector<16xi32>
          %parallel_loop3A_301 = tpu.bitcast %parallel_loop3A_300 : vector<16xi32> -> vector<16xf32>
          %parallel_loop3A_302 = arith.constant 16 : i32
          %parallel_loop3A_303 = vector.broadcast %parallel_loop3A_302 : i32 to vector<16xi32>
          %parallel_loop3A_304 = arith.shli %parallel_loop3A_225, %parallel_loop3A_303 : vector<16xi32>
          %parallel_loop3A_305 = tpu.bitcast %parallel_loop3A_304 : vector<16xi32> -> vector<16xf32>
          %parallel_loop3A_306 = arith.constant 16 : i32
          %parallel_loop3A_307 = vector.broadcast %parallel_loop3A_306 : i32 to vector<16xi32>
          %parallel_loop3A_308 = arith.shli %parallel_loop3A_231, %parallel_loop3A_307 : vector<16xi32>
          %parallel_loop3A_309 = tpu.bitcast %parallel_loop3A_308 : vector<16xi32> -> vector<16xf32>
          %parallel_loop3A_310 = arith.constant 16 : i32
          %parallel_loop3A_311 = vector.broadcast %parallel_loop3A_310 : i32 to vector<16xi32>
          %parallel_loop3A_312 = arith.shli %parallel_loop3A_237, %parallel_loop3A_311 : vector<16xi32>
          %parallel_loop3A_313 = tpu.bitcast %parallel_loop3A_312 : vector<16xi32> -> vector<16xf32>
          %parallel_loop3A_314 = arith.constant 16 : i32
          %parallel_loop3A_315 = vector.broadcast %parallel_loop3A_314 : i32 to vector<16xi32>
          %parallel_loop3A_316 = arith.shli %parallel_loop3A_243, %parallel_loop3A_315 : vector<16xi32>
          %parallel_loop3A_317 = tpu.bitcast %parallel_loop3A_316 : vector<16xi32> -> vector<16xf32>
          %parallel_loop3A_318 = arith.constant 16 : i32
          %parallel_loop3A_319 = vector.broadcast %parallel_loop3A_318 : i32 to vector<16xi32>
          %parallel_loop3A_320 = arith.shli %parallel_loop3A_249, %parallel_loop3A_319 : vector<16xi32>
          %parallel_loop3A_321 = tpu.bitcast %parallel_loop3A_320 : vector<16xi32> -> vector<16xf32>
          %parallel_loop3A_322 = arith.constant 16 : i32
          %parallel_loop3A_323 = vector.broadcast %parallel_loop3A_322 : i32 to vector<16xi32>
          %parallel_loop3A_324 = arith.shli %parallel_loop3A_255, %parallel_loop3A_323 : vector<16xi32>
          %parallel_loop3A_325 = tpu.bitcast %parallel_loop3A_324 : vector<16xi32> -> vector<16xf32>
          %parallel_loop3A_326 = arith.constant 16 : i32
          %parallel_loop3A_327 = vector.broadcast %parallel_loop3A_326 : i32 to vector<16xi32>
          %parallel_loop3A_328 = arith.shli %parallel_loop3A_261, %parallel_loop3A_327 : vector<16xi32>
          %parallel_loop3A_329 = tpu.bitcast %parallel_loop3A_328 : vector<16xi32> -> vector<16xf32>
          %parallel_loop3A_330 = arith.constant 16 : i32
          %parallel_loop3A_331 = vector.broadcast %parallel_loop3A_330 : i32 to vector<16xi32>
          %parallel_loop3A_332 = arith.shli %parallel_loop3A_267, %parallel_loop3A_331 : vector<16xi32>
          %parallel_loop3A_333 = tpu.bitcast %parallel_loop3A_332 : vector<16xi32> -> vector<16xf32>
          %parallel_loop3A_334 = arith.constant 16 : i32
          %parallel_loop3A_335 = vector.broadcast %parallel_loop3A_334 : i32 to vector<16xi32>
          %parallel_loop3A_336 = arith.shli %parallel_loop3A_273, %parallel_loop3A_335 : vector<16xi32>
          %parallel_loop3A_337 = tpu.bitcast %parallel_loop3A_336 : vector<16xi32> -> vector<16xf32>
          %parallel_loop3A_338 = tpu.bitcast %parallel_loop3A_183 : vector<16xi32> -> vector<16xf32>
          %parallel_loop3A_339 = tpu.bitcast %parallel_loop3A_189 : vector<16xi32> -> vector<16xf32>
          %parallel_loop3A_340 = tpu.bitcast %parallel_loop3A_195 : vector<16xi32> -> vector<16xf32>
          %parallel_loop3A_341 = tpu.bitcast %parallel_loop3A_201 : vector<16xi32> -> vector<16xf32>
          %parallel_loop3A_342 = tpu.bitcast %parallel_loop3A_207 : vector<16xi32> -> vector<16xf32>
          %parallel_loop3A_343 = tpu.bitcast %parallel_loop3A_213 : vector<16xi32> -> vector<16xf32>
          %parallel_loop3A_344 = tpu.bitcast %parallel_loop3A_219 : vector<16xi32> -> vector<16xf32>
          %parallel_loop3A_345 = tpu.bitcast %parallel_loop3A_225 : vector<16xi32> -> vector<16xf32>
          %parallel_loop3A_346 = tpu.bitcast %parallel_loop3A_231 : vector<16xi32> -> vector<16xf32>
          %parallel_loop3A_347 = tpu.bitcast %parallel_loop3A_237 : vector<16xi32> -> vector<16xf32>
          %parallel_loop3A_348 = tpu.bitcast %parallel_loop3A_243 : vector<16xi32> -> vector<16xf32>
          %parallel_loop3A_349 = tpu.bitcast %parallel_loop3A_249 : vector<16xi32> -> vector<16xf32>
          %parallel_loop3A_350 = tpu.bitcast %parallel_loop3A_255 : vector<16xi32> -> vector<16xf32>
          %parallel_loop3A_351 = tpu.bitcast %parallel_loop3A_261 : vector<16xi32> -> vector<16xf32>
          %parallel_loop3A_352 = tpu.bitcast %parallel_loop3A_267 : vector<16xi32> -> vector<16xf32>
          %parallel_loop3A_353 = tpu.bitcast %parallel_loop3A_273 : vector<16xi32> -> vector<16xf32>
          %parallel_loop3A_354 = arith.addf %parallel_loop3A_277, %parallel_loop3A_281 : vector<16xf32>
          %parallel_loop3A_355 = arith.addf %parallel_loop3A_285, %parallel_loop3A_289 : vector<16xf32>
          %parallel_loop3A_356 = arith.addf %parallel_loop3A_293, %parallel_loop3A_297 : vector<16xf32>
          %parallel_loop3A_357 = arith.addf %parallel_loop3A_301, %parallel_loop3A_305 : vector<16xf32>
          %parallel_loop3A_358 = arith.addf %parallel_loop3A_309, %parallel_loop3A_313 : vector<16xf32>
          %parallel_loop3A_359 = arith.addf %parallel_loop3A_317, %parallel_loop3A_321 : vector<16xf32>
          %parallel_loop3A_360 = arith.addf %parallel_loop3A_325, %parallel_loop3A_329 : vector<16xf32>
          %parallel_loop3A_361 = arith.addf %parallel_loop3A_333, %parallel_loop3A_337 : vector<16xf32>
          %parallel_loop3A_362 = arith.addf %parallel_loop3A_338, %parallel_loop3A_339 : vector<16xf32>
          %parallel_loop3A_363 = arith.addf %parallel_loop3A_340, %parallel_loop3A_341 : vector<16xf32>
          %parallel_loop3A_364 = arith.addf %parallel_loop3A_342, %parallel_loop3A_343 : vector<16xf32>
          %parallel_loop3A_365 = arith.addf %parallel_loop3A_344, %parallel_loop3A_345 : vector<16xf32>
          %parallel_loop3A_366 = arith.addf %parallel_loop3A_346, %parallel_loop3A_347 : vector<16xf32>
          %parallel_loop3A_367 = arith.addf %parallel_loop3A_348, %parallel_loop3A_349 : vector<16xf32>
          %parallel_loop3A_368 = arith.addf %parallel_loop3A_350, %parallel_loop3A_351 : vector<16xf32>
          %parallel_loop3A_369 = arith.addf %parallel_loop3A_352, %parallel_loop3A_353 : vector<16xf32>
          %parallel_loop3A_370 = arith.addf %parallel_loop3A_354, %parallel_loop3A_355 : vector<16xf32>
          %parallel_loop3A_371 = arith.addf %parallel_loop3A_356, %parallel_loop3A_357 : vector<16xf32>
          %parallel_loop3A_372 = arith.addf %parallel_loop3A_358, %parallel_loop3A_359 : vector<16xf32>
          %parallel_loop3A_373 = arith.addf %parallel_loop3A_360, %parallel_loop3A_361 : vector<16xf32>
          %parallel_loop3A_374 = arith.addf %parallel_loop3A_362, %parallel_loop3A_363 : vector<16xf32>
          %parallel_loop3A_375 = arith.addf %parallel_loop3A_364, %parallel_loop3A_365 : vector<16xf32>
          %parallel_loop3A_376 = arith.addf %parallel_loop3A_366, %parallel_loop3A_367 : vector<16xf32>
          %parallel_loop3A_377 = arith.addf %parallel_loop3A_368, %parallel_loop3A_369 : vector<16xf32>
          %parallel_loop3A_378 = arith.addf %parallel_loop3A_370, %parallel_loop3A_371 : vector<16xf32>
          %parallel_loop3A_379 = arith.addf %parallel_loop3A_372, %parallel_loop3A_373 : vector<16xf32>
          %parallel_loop3A_380 = arith.addf %parallel_loop3A_374, %parallel_loop3A_375 : vector<16xf32>
          %parallel_loop3A_381 = arith.addf %parallel_loop3A_376, %parallel_loop3A_377 : vector<16xf32>
          %parallel_loop3A_382 = arith.addf %parallel_loop3A_378, %parallel_loop3A_379 : vector<16xf32>
          %parallel_loop3A_383 = arith.addf %parallel_loop3A_380, %parallel_loop3A_381 : vector<16xf32>
          %parallel_loop3A_384 = arith.index_cast %parallel_loop3A_175 : i32 to index
          %parallel_loop3A_385 = arith.constant 0 : index
          %parallel_loop3A_386 = tpu.vector_load %arg9[%parallel_loop3A_384, %parallel_loop3A_385] {strides = array<i32>} : memref<8x256xf32, #tpu.memory_space<vmem>>, vector<1x16xf32>,
          %parallel_loop3A_387 = vector.shape_cast %parallel_loop3A_386 : vector<1x16xf32> to vector<16xf32>
          %parallel_loop3A_388 = vector.shape_cast %parallel_loop3A_382 : vector<16xf32> to vector<1x16xf32>
          tpu.vector_store %arg9[%parallel_loop3A_384, %parallel_loop3A_385], %parallel_loop3A_388 {strides = array<i32>} : memref<8x256xf32, #tpu.memory_space<vmem>>, vector<1x16xf32>,
          %parallel_loop3A_389 = arith.index_cast %parallel_loop3A_175 : i32 to index
          %parallel_loop3A_390 = arith.constant 128 : index
          %parallel_loop3A_391 = tpu.vector_load %arg9[%parallel_loop3A_389, %parallel_loop3A_390] {strides = array<i32>} : memref<8x256xf32, #tpu.memory_space<vmem>>, vector<1x16xf32>,
          %parallel_loop3A_392 = vector.shape_cast %parallel_loop3A_391 : vector<1x16xf32> to vector<16xf32>
          %parallel_loop3A_393 = vector.shape_cast %parallel_loop3A_383 : vector<16xf32> to vector<1x16xf32>
          tpu.vector_store %arg9[%parallel_loop3A_389, %parallel_loop3A_390], %parallel_loop3A_393 {strides = array<i32>} : memref<8x256xf32, #tpu.memory_space<vmem>>, vector<1x16xf32>,
          %parallel_loop3A_394 = arith.constant 0 : i32
          %parallel_loop3A_395 = arith.addi %parallel_loop3A_177, %parallel_loop3A_394 : i32
          %parallel_loop3A_396 = arith.index_cast %parallel_loop3A_395 : i32 to index
          %parallel_loop3A_397 = arith.constant 16 : index
          %parallel_loop3A_398 = tpu.vector_load %arg7[%parallel_loop3A_396, %parallel_loop3A_397] {strides = array<i32>} : memref<128x128xi32, #tpu.memory_space<vmem>>, vector<1x16xi32>,
          %parallel_loop3A_399 = vector.shape_cast %parallel_loop3A_398 : vector<1x16xi32> to vector<16xi32>
          %parallel_loop3A_400 = arith.constant 1 : i32
          %parallel_loop3A_401 = arith.addi %parallel_loop3A_177, %parallel_loop3A_400 : i32
          %parallel_loop3A_402 = arith.index_cast %parallel_loop3A_401 : i32 to index
          %parallel_loop3A_403 = arith.constant 16 : index
          %parallel_loop3A_404 = tpu.vector_load %arg7[%parallel_loop3A_402, %parallel_loop3A_403] {strides = array<i32>} : memref<128x128xi32, #tpu.memory_space<vmem>>, vector<1x16xi32>,
          %parallel_loop3A_405 = vector.shape_cast %parallel_loop3A_404 : vector<1x16xi32> to vector<16xi32>
          %parallel_loop3A_406 = arith.constant 2 : i32
          %parallel_loop3A_407 = arith.addi %parallel_loop3A_177, %parallel_loop3A_406 : i32
          %parallel_loop3A_408 = arith.index_cast %parallel_loop3A_407 : i32 to index
          %parallel_loop3A_409 = arith.constant 16 : index
          %parallel_loop3A_410 = tpu.vector_load %arg7[%parallel_loop3A_408, %parallel_loop3A_409] {strides = array<i32>} : memref<128x128xi32, #tpu.memory_space<vmem>>, vector<1x16xi32>,
          %parallel_loop3A_411 = vector.shape_cast %parallel_loop3A_410 : vector<1x16xi32> to vector<16xi32>
          %parallel_loop3A_412 = arith.constant 3 : i32
          %parallel_loop3A_413 = arith.addi %parallel_loop3A_177, %parallel_loop3A_412 : i32
          %parallel_loop3A_414 = arith.index_cast %parallel_loop3A_413 : i32 to index
          %parallel_loop3A_415 = arith.constant 16 : index
          %parallel_loop3A_416 = tpu.vector_load %arg7[%parallel_loop3A_414, %parallel_loop3A_415] {strides = array<i32>} : memref<128x128xi32, #tpu.memory_space<vmem>>, vector<1x16xi32>,
          %parallel_loop3A_417 = vector.shape_cast %parallel_loop3A_416 : vector<1x16xi32> to vector<16xi32>
          %parallel_loop3A_418 = arith.constant 4 : i32
          %parallel_loop3A_419 = arith.addi %parallel_loop3A_177, %parallel_loop3A_418 : i32
          %parallel_loop3A_420 = arith.index_cast %parallel_loop3A_419 : i32 to index
          %parallel_loop3A_421 = arith.constant 16 : index
          %parallel_loop3A_422 = tpu.vector_load %arg7[%parallel_loop3A_420, %parallel_loop3A_421] {strides = array<i32>} : memref<128x128xi32, #tpu.memory_space<vmem>>, vector<1x16xi32>,
          %parallel_loop3A_423 = vector.shape_cast %parallel_loop3A_422 : vector<1x16xi32> to vector<16xi32>
          %parallel_loop3A_424 = arith.constant 5 : i32
          %parallel_loop3A_425 = arith.addi %parallel_loop3A_177, %parallel_loop3A_424 : i32
          %parallel_loop3A_426 = arith.index_cast %parallel_loop3A_425 : i32 to index
          %parallel_loop3A_427 = arith.constant 16 : index
          %parallel_loop3A_428 = tpu.vector_load %arg7[%parallel_loop3A_426, %parallel_loop3A_427] {strides = array<i32>} : memref<128x128xi32, #tpu.memory_space<vmem>>, vector<1x16xi32>,
          %parallel_loop3A_429 = vector.shape_cast %parallel_loop3A_428 : vector<1x16xi32> to vector<16xi32>
          %parallel_loop3A_430 = arith.constant 6 : i32
          %parallel_loop3A_431 = arith.addi %parallel_loop3A_177, %parallel_loop3A_430 : i32
          %parallel_loop3A_432 = arith.index_cast %parallel_loop3A_431 : i32 to index
          %parallel_loop3A_433 = arith.constant 16 : index
          %parallel_loop3A_434 = tpu.vector_load %arg7[%parallel_loop3A_432, %parallel_loop3A_433] {strides = array<i32>} : memref<128x128xi32, #tpu.memory_space<vmem>>, vector<1x16xi32>,
          %parallel_loop3A_435 = vector.shape_cast %parallel_loop3A_434 : vector<1x16xi32> to vector<16xi32>
          %parallel_loop3A_436 = arith.constant 7 : i32
          %parallel_loop3A_437 = arith.addi %parallel_loop3A_177, %parallel_loop3A_436 : i32
          %parallel_loop3A_438 = arith.index_cast %parallel_loop3A_437 : i32 to index
          %parallel_loop3A_439 = arith.constant 16 : index
          %parallel_loop3A_440 = tpu.vector_load %arg7[%parallel_loop3A_438, %parallel_loop3A_439] {strides = array<i32>} : memref<128x128xi32, #tpu.memory_space<vmem>>, vector<1x16xi32>,
          %parallel_loop3A_441 = vector.shape_cast %parallel_loop3A_440 : vector<1x16xi32> to vector<16xi32>
          %parallel_loop3A_442 = arith.constant 8 : i32
          %parallel_loop3A_443 = arith.addi %parallel_loop3A_177, %parallel_loop3A_442 : i32
          %parallel_loop3A_444 = arith.index_cast %parallel_loop3A_443 : i32 to index
          %parallel_loop3A_445 = arith.constant 16 : index
          %parallel_loop3A_446 = tpu.vector_load %arg7[%parallel_loop3A_444, %parallel_loop3A_445] {strides = array<i32>} : memref<128x128xi32, #tpu.memory_space<vmem>>, vector<1x16xi32>,
          %parallel_loop3A_447 = vector.shape_cast %parallel_loop3A_446 : vector<1x16xi32> to vector<16xi32>
          %parallel_loop3A_448 = arith.constant 9 : i32
          %parallel_loop3A_449 = arith.addi %parallel_loop3A_177, %parallel_loop3A_448 : i32
          %parallel_loop3A_450 = arith.index_cast %parallel_loop3A_449 : i32 to index
          %parallel_loop3A_451 = arith.constant 16 : index
          %parallel_loop3A_452 = tpu.vector_load %arg7[%parallel_loop3A_450, %parallel_loop3A_451] {strides = array<i32>} : memref<128x128xi32, #tpu.memory_space<vmem>>, vector<1x16xi32>,
          %parallel_loop3A_453 = vector.shape_cast %parallel_loop3A_452 : vector<1x16xi32> to vector<16xi32>
          %parallel_loop3A_454 = arith.constant 10 : i32
          %parallel_loop3A_455 = arith.addi %parallel_loop3A_177, %parallel_loop3A_454 : i32
          %parallel_loop3A_456 = arith.index_cast %parallel_loop3A_455 : i32 to index
          %parallel_loop3A_457 = arith.constant 16 : index
          %parallel_loop3A_458 = tpu.vector_load %arg7[%parallel_loop3A_456, %parallel_loop3A_457] {strides = array<i32>} : memref<128x128xi32, #tpu.memory_space<vmem>>, vector<1x16xi32>,
          %parallel_loop3A_459 = vector.shape_cast %parallel_loop3A_458 : vector<1x16xi32> to vector<16xi32>
          %parallel_loop3A_460 = arith.constant 11 : i32
          %parallel_loop3A_461 = arith.addi %parallel_loop3A_177, %parallel_loop3A_460 : i32
          %parallel_loop3A_462 = arith.index_cast %parallel_loop3A_461 : i32 to index
          %parallel_loop3A_463 = arith.constant 16 : index
          %parallel_loop3A_464 = tpu.vector_load %arg7[%parallel_loop3A_462, %parallel_loop3A_463] {strides = array<i32>} : memref<128x128xi32, #tpu.memory_space<vmem>>, vector<1x16xi32>,
          %parallel_loop3A_465 = vector.shape_cast %parallel_loop3A_464 : vector<1x16xi32> to vector<16xi32>
          %parallel_loop3A_466 = arith.constant 12 : i32
          %parallel_loop3A_467 = arith.addi %parallel_loop3A_177, %parallel_loop3A_466 : i32
          %parallel_loop3A_468 = arith.index_cast %parallel_loop3A_467 : i32 to index
          %parallel_loop3A_469 = arith.constant 16 : index
          %parallel_loop3A_470 = tpu.vector_load %arg7[%parallel_loop3A_468, %parallel_loop3A_469] {strides = array<i32>} : memref<128x128xi32, #tpu.memory_space<vmem>>, vector<1x16xi32>,
          %parallel_loop3A_471 = vector.shape_cast %parallel_loop3A_470 : vector<1x16xi32> to vector<16xi32>
          %parallel_loop3A_472 = arith.constant 13 : i32
          %parallel_loop3A_473 = arith.addi %parallel_loop3A_177, %parallel_loop3A_472 : i32
          %parallel_loop3A_474 = arith.index_cast %parallel_loop3A_473 : i32 to index
          %parallel_loop3A_475 = arith.constant 16 : index
          %parallel_loop3A_476 = tpu.vector_load %arg7[%parallel_loop3A_474, %parallel_loop3A_475] {strides = array<i32>} : memref<128x128xi32, #tpu.memory_space<vmem>>, vector<1x16xi32>,
          %parallel_loop3A_477 = vector.shape_cast %parallel_loop3A_476 : vector<1x16xi32> to vector<16xi32>
          %parallel_loop3A_478 = arith.constant 14 : i32
          %parallel_loop3A_479 = arith.addi %parallel_loop3A_177, %parallel_loop3A_478 : i32
          %parallel_loop3A_480 = arith.index_cast %parallel_loop3A_479 : i32 to index
          %parallel_loop3A_481 = arith.constant 16 : index
          %parallel_loop3A_482 = tpu.vector_load %arg7[%parallel_loop3A_480, %parallel_loop3A_481] {strides = array<i32>} : memref<128x128xi32, #tpu.memory_space<vmem>>, vector<1x16xi32>,
          %parallel_loop3A_483 = vector.shape_cast %parallel_loop3A_482 : vector<1x16xi32> to vector<16xi32>
          %parallel_loop3A_484 = arith.constant 15 : i32
          %parallel_loop3A_485 = arith.addi %parallel_loop3A_177, %parallel_loop3A_484 : i32
          %parallel_loop3A_486 = arith.index_cast %parallel_loop3A_485 : i32 to index
          %parallel_loop3A_487 = arith.constant 16 : index
          %parallel_loop3A_488 = tpu.vector_load %arg7[%parallel_loop3A_486, %parallel_loop3A_487] {strides = array<i32>} : memref<128x128xi32, #tpu.memory_space<vmem>>, vector<1x16xi32>,
          %parallel_loop3A_489 = vector.shape_cast %parallel_loop3A_488 : vector<1x16xi32> to vector<16xi32>
          %parallel_loop3A_490 = arith.constant 16 : i32
          %parallel_loop3A_491 = vector.broadcast %parallel_loop3A_490 : i32 to vector<16xi32>
          %parallel_loop3A_492 = arith.shli %parallel_loop3A_399, %parallel_loop3A_491 : vector<16xi32>
          %parallel_loop3A_493 = tpu.bitcast %parallel_loop3A_492 : vector<16xi32> -> vector<16xf32>
          %parallel_loop3A_494 = arith.constant 16 : i32
          %parallel_loop3A_495 = vector.broadcast %parallel_loop3A_494 : i32 to vector<16xi32>
          %parallel_loop3A_496 = arith.shli %parallel_loop3A_405, %parallel_loop3A_495 : vector<16xi32>
          %parallel_loop3A_497 = tpu.bitcast %parallel_loop3A_496 : vector<16xi32> -> vector<16xf32>
          %parallel_loop3A_498 = arith.constant 16 : i32
          %parallel_loop3A_499 = vector.broadcast %parallel_loop3A_498 : i32 to vector<16xi32>
          %parallel_loop3A_500 = arith.shli %parallel_loop3A_411, %parallel_loop3A_499 : vector<16xi32>
          %parallel_loop3A_501 = tpu.bitcast %parallel_loop3A_500 : vector<16xi32> -> vector<16xf32>
          %parallel_loop3A_502 = arith.constant 16 : i32
          %parallel_loop3A_503 = vector.broadcast %parallel_loop3A_502 : i32 to vector<16xi32>
          %parallel_loop3A_504 = arith.shli %parallel_loop3A_417, %parallel_loop3A_503 : vector<16xi32>
          %parallel_loop3A_505 = tpu.bitcast %parallel_loop3A_504 : vector<16xi32> -> vector<16xf32>
          %parallel_loop3A_506 = arith.constant 16 : i32
          %parallel_loop3A_507 = vector.broadcast %parallel_loop3A_506 : i32 to vector<16xi32>
          %parallel_loop3A_508 = arith.shli %parallel_loop3A_423, %parallel_loop3A_507 : vector<16xi32>
          %parallel_loop3A_509 = tpu.bitcast %parallel_loop3A_508 : vector<16xi32> -> vector<16xf32>
          %parallel_loop3A_510 = arith.constant 16 : i32
          %parallel_loop3A_511 = vector.broadcast %parallel_loop3A_510 : i32 to vector<16xi32>
          %parallel_loop3A_512 = arith.shli %parallel_loop3A_429, %parallel_loop3A_511 : vector<16xi32>
          %parallel_loop3A_513 = tpu.bitcast %parallel_loop3A_512 : vector<16xi32> -> vector<16xf32>
          %parallel_loop3A_514 = arith.constant 16 : i32
          %parallel_loop3A_515 = vector.broadcast %parallel_loop3A_514 : i32 to vector<16xi32>
          %parallel_loop3A_516 = arith.shli %parallel_loop3A_435, %parallel_loop3A_515 : vector<16xi32>
          %parallel_loop3A_517 = tpu.bitcast %parallel_loop3A_516 : vector<16xi32> -> vector<16xf32>
          %parallel_loop3A_518 = arith.constant 16 : i32
          %parallel_loop3A_519 = vector.broadcast %parallel_loop3A_518 : i32 to vector<16xi32>
          %parallel_loop3A_520 = arith.shli %parallel_loop3A_441, %parallel_loop3A_519 : vector<16xi32>
          %parallel_loop3A_521 = tpu.bitcast %parallel_loop3A_520 : vector<16xi32> -> vector<16xf32>
          %parallel_loop3A_522 = arith.constant 16 : i32
          %parallel_loop3A_523 = vector.broadcast %parallel_loop3A_522 : i32 to vector<16xi32>
          %parallel_loop3A_524 = arith.shli %parallel_loop3A_447, %parallel_loop3A_523 : vector<16xi32>
          %parallel_loop3A_525 = tpu.bitcast %parallel_loop3A_524 : vector<16xi32> -> vector<16xf32>
          %parallel_loop3A_526 = arith.constant 16 : i32
          %parallel_loop3A_527 = vector.broadcast %parallel_loop3A_526 : i32 to vector<16xi32>
          %parallel_loop3A_528 = arith.shli %parallel_loop3A_453, %parallel_loop3A_527 : vector<16xi32>
          %parallel_loop3A_529 = tpu.bitcast %parallel_loop3A_528 : vector<16xi32> -> vector<16xf32>
          %parallel_loop3A_530 = arith.constant 16 : i32
          %parallel_loop3A_531 = vector.broadcast %parallel_loop3A_530 : i32 to vector<16xi32>
          %parallel_loop3A_532 = arith.shli %parallel_loop3A_459, %parallel_loop3A_531 : vector<16xi32>
          %parallel_loop3A_533 = tpu.bitcast %parallel_loop3A_532 : vector<16xi32> -> vector<16xf32>
          %parallel_loop3A_534 = arith.constant 16 : i32
          %parallel_loop3A_535 = vector.broadcast %parallel_loop3A_534 : i32 to vector<16xi32>
          %parallel_loop3A_536 = arith.shli %parallel_loop3A_465, %parallel_loop3A_535 : vector<16xi32>
          %parallel_loop3A_537 = tpu.bitcast %parallel_loop3A_536 : vector<16xi32> -> vector<16xf32>
          %parallel_loop3A_538 = arith.constant 16 : i32
          %parallel_loop3A_539 = vector.broadcast %parallel_loop3A_538 : i32 to vector<16xi32>
          %parallel_loop3A_540 = arith.shli %parallel_loop3A_471, %parallel_loop3A_539 : vector<16xi32>
          %parallel_loop3A_541 = tpu.bitcast %parallel_loop3A_540 : vector<16xi32> -> vector<16xf32>
          %parallel_loop3A_542 = arith.constant 16 : i32
          %parallel_loop3A_543 = vector.broadcast %parallel_loop3A_542 : i32 to vector<16xi32>
          %parallel_loop3A_544 = arith.shli %parallel_loop3A_477, %parallel_loop3A_543 : vector<16xi32>
          %parallel_loop3A_545 = tpu.bitcast %parallel_loop3A_544 : vector<16xi32> -> vector<16xf32>
          %parallel_loop3A_546 = arith.constant 16 : i32
          %parallel_loop3A_547 = vector.broadcast %parallel_loop3A_546 : i32 to vector<16xi32>
          %parallel_loop3A_548 = arith.shli %parallel_loop3A_483, %parallel_loop3A_547 : vector<16xi32>
          %parallel_loop3A_549 = tpu.bitcast %parallel_loop3A_548 : vector<16xi32> -> vector<16xf32>
          %parallel_loop3A_550 = arith.constant 16 : i32
          %parallel_loop3A_551 = vector.broadcast %parallel_loop3A_550 : i32 to vector<16xi32>
          %parallel_loop3A_552 = arith.shli %parallel_loop3A_489, %parallel_loop3A_551 : vector<16xi32>
          %parallel_loop3A_553 = tpu.bitcast %parallel_loop3A_552 : vector<16xi32> -> vector<16xf32>
          %parallel_loop3A_554 = tpu.bitcast %parallel_loop3A_399 : vector<16xi32> -> vector<16xf32>
          %parallel_loop3A_555 = tpu.bitcast %parallel_loop3A_405 : vector<16xi32> -> vector<16xf32>
          %parallel_loop3A_556 = tpu.bitcast %parallel_loop3A_411 : vector<16xi32> -> vector<16xf32>
          %parallel_loop3A_557 = tpu.bitcast %parallel_loop3A_417 : vector<16xi32> -> vector<16xf32>
          %parallel_loop3A_558 = tpu.bitcast %parallel_loop3A_423 : vector<16xi32> -> vector<16xf32>
          %parallel_loop3A_559 = tpu.bitcast %parallel_loop3A_429 : vector<16xi32> -> vector<16xf32>
          %parallel_loop3A_560 = tpu.bitcast %parallel_loop3A_435 : vector<16xi32> -> vector<16xf32>
          %parallel_loop3A_561 = tpu.bitcast %parallel_loop3A_441 : vector<16xi32> -> vector<16xf32>
          %parallel_loop3A_562 = tpu.bitcast %parallel_loop3A_447 : vector<16xi32> -> vector<16xf32>
          %parallel_loop3A_563 = tpu.bitcast %parallel_loop3A_453 : vector<16xi32> -> vector<16xf32>
          %parallel_loop3A_564 = tpu.bitcast %parallel_loop3A_459 : vector<16xi32> -> vector<16xf32>
          %parallel_loop3A_565 = tpu.bitcast %parallel_loop3A_465 : vector<16xi32> -> vector<16xf32>
          %parallel_loop3A_566 = tpu.bitcast %parallel_loop3A_471 : vector<16xi32> -> vector<16xf32>
          %parallel_loop3A_567 = tpu.bitcast %parallel_loop3A_477 : vector<16xi32> -> vector<16xf32>
          %parallel_loop3A_568 = tpu.bitcast %parallel_loop3A_483 : vector<16xi32> -> vector<16xf32>
          %parallel_loop3A_569 = tpu.bitcast %parallel_loop3A_489 : vector<16xi32> -> vector<16xf32>
          %parallel_loop3A_570 = arith.addf %parallel_loop3A_493, %parallel_loop3A_497 : vector<16xf32>
          %parallel_loop3A_571 = arith.addf %parallel_loop3A_501, %parallel_loop3A_505 : vector<16xf32>
          %parallel_loop3A_572 = arith.addf %parallel_loop3A_509, %parallel_loop3A_513 : vector<16xf32>
          %parallel_loop3A_573 = arith.addf %parallel_loop3A_517, %parallel_loop3A_521 : vector<16xf32>
          %parallel_loop3A_574 = arith.addf %parallel_loop3A_525, %parallel_loop3A_529 : vector<16xf32>
          %parallel_loop3A_575 = arith.addf %parallel_loop3A_533, %parallel_loop3A_537 : vector<16xf32>
          %parallel_loop3A_576 = arith.addf %parallel_loop3A_541, %parallel_loop3A_545 : vector<16xf32>
          %parallel_loop3A_577 = arith.addf %parallel_loop3A_549, %parallel_loop3A_553 : vector<16xf32>
          %parallel_loop3A_578 = arith.addf %parallel_loop3A_554, %parallel_loop3A_555 : vector<16xf32>
          %parallel_loop3A_579 = arith.addf %parallel_loop3A_556, %parallel_loop3A_557 : vector<16xf32>
          %parallel_loop3A_580 = arith.addf %parallel_loop3A_558, %parallel_loop3A_559 : vector<16xf32>
          %parallel_loop3A_581 = arith.addf %parallel_loop3A_560, %parallel_loop3A_561 : vector<16xf32>
          %parallel_loop3A_582 = arith.addf %parallel_loop3A_562, %parallel_loop3A_563 : vector<16xf32>
          %parallel_loop3A_583 = arith.addf %parallel_loop3A_564, %parallel_loop3A_565 : vector<16xf32>
          %parallel_loop3A_584 = arith.addf %parallel_loop3A_566, %parallel_loop3A_567 : vector<16xf32>
          %parallel_loop3A_585 = arith.addf %parallel_loop3A_568, %parallel_loop3A_569 : vector<16xf32>
          %parallel_loop3A_586 = arith.addf %parallel_loop3A_570, %parallel_loop3A_571 : vector<16xf32>
          %parallel_loop3A_587 = arith.addf %parallel_loop3A_572, %parallel_loop3A_573 : vector<16xf32>
          %parallel_loop3A_588 = arith.addf %parallel_loop3A_574, %parallel_loop3A_575 : vector<16xf32>
          %parallel_loop3A_589 = arith.addf %parallel_loop3A_576, %parallel_loop3A_577 : vector<16xf32>
          %parallel_loop3A_590 = arith.addf %parallel_loop3A_578, %parallel_loop3A_579 : vector<16xf32>
          %parallel_loop3A_591 = arith.addf %parallel_loop3A_580, %parallel_loop3A_581 : vector<16xf32>
          %parallel_loop3A_592 = arith.addf %parallel_loop3A_582, %parallel_loop3A_583 : vector<16xf32>
          %parallel_loop3A_593 = arith.addf %parallel_loop3A_584, %parallel_loop3A_585 : vector<16xf32>
          %parallel_loop3A_594 = arith.addf %parallel_loop3A_586, %parallel_loop3A_587 : vector<16xf32>
          %parallel_loop3A_595 = arith.addf %parallel_loop3A_588, %parallel_loop3A_589 : vector<16xf32>
          %parallel_loop3A_596 = arith.addf %parallel_loop3A_590, %parallel_loop3A_591 : vector<16xf32>
          %parallel_loop3A_597 = arith.addf %parallel_loop3A_592, %parallel_loop3A_593 : vector<16xf32>
          %parallel_loop3A_598 = arith.addf %parallel_loop3A_594, %parallel_loop3A_595 : vector<16xf32>
          %parallel_loop3A_599 = arith.addf %parallel_loop3A_596, %parallel_loop3A_597 : vector<16xf32>
          %parallel_loop3A_600 = arith.index_cast %parallel_loop3A_175 : i32 to index
          %parallel_loop3A_601 = arith.constant 16 : index
          %parallel_loop3A_602 = tpu.vector_load %arg9[%parallel_loop3A_600, %parallel_loop3A_601] {strides = array<i32>} : memref<8x256xf32, #tpu.memory_space<vmem>>, vector<1x16xf32>,
          %parallel_loop3A_603 = vector.shape_cast %parallel_loop3A_602 : vector<1x16xf32> to vector<16xf32>
          %parallel_loop3A_604 = vector.shape_cast %parallel_loop3A_598 : vector<16xf32> to vector<1x16xf32>
          tpu.vector_store %arg9[%parallel_loop3A_600, %parallel_loop3A_601], %parallel_loop3A_604 {strides = array<i32>} : memref<8x256xf32, #tpu.memory_space<vmem>>, vector<1x16xf32>,
          %parallel_loop3A_605 = arith.index_cast %parallel_loop3A_175 : i32 to index
          %parallel_loop3A_606 = arith.constant 144 : index
          %parallel_loop3A_607 = tpu.vector_load %arg9[%parallel_loop3A_605, %parallel_loop3A_606] {strides = array<i32>} : memref<8x256xf32, #tpu.memory_space<vmem>>, vector<1x16xf32>,
          %parallel_loop3A_608 = vector.shape_cast %parallel_loop3A_607 : vector<1x16xf32> to vector<16xf32>
          %parallel_loop3A_609 = vector.shape_cast %parallel_loop3A_599 : vector<16xf32> to vector<1x16xf32>
          tpu.vector_store %arg9[%parallel_loop3A_605, %parallel_loop3A_606], %parallel_loop3A_609 {strides = array<i32>} : memref<8x256xf32, #tpu.memory_space<vmem>>, vector<1x16xf32>,
          %parallel_loop3A_610 = arith.constant 0 : i32
          %parallel_loop3A_611 = arith.addi %parallel_loop3A_177, %parallel_loop3A_610 : i32
          %parallel_loop3A_612 = arith.index_cast %parallel_loop3A_611 : i32 to index
          %parallel_loop3A_613 = arith.constant 32 : index
          %parallel_loop3A_614 = tpu.vector_load %arg7[%parallel_loop3A_612, %parallel_loop3A_613] {strides = array<i32>} : memref<128x128xi32, #tpu.memory_space<vmem>>, vector<1x16xi32>,
          %parallel_loop3A_615 = vector.shape_cast %parallel_loop3A_614 : vector<1x16xi32> to vector<16xi32>
          %parallel_loop3A_616 = arith.constant 1 : i32
          %parallel_loop3A_617 = arith.addi %parallel_loop3A_177, %parallel_loop3A_616 : i32
          %parallel_loop3A_618 = arith.index_cast %parallel_loop3A_617 : i32 to index
          %parallel_loop3A_619 = arith.constant 32 : index
          %parallel_loop3A_620 = tpu.vector_load %arg7[%parallel_loop3A_618, %parallel_loop3A_619] {strides = array<i32>} : memref<128x128xi32, #tpu.memory_space<vmem>>, vector<1x16xi32>,
          %parallel_loop3A_621 = vector.shape_cast %parallel_loop3A_620 : vector<1x16xi32> to vector<16xi32>
          %parallel_loop3A_622 = arith.constant 2 : i32
          %parallel_loop3A_623 = arith.addi %parallel_loop3A_177, %parallel_loop3A_622 : i32
          %parallel_loop3A_624 = arith.index_cast %parallel_loop3A_623 : i32 to index
          %parallel_loop3A_625 = arith.constant 32 : index
          %parallel_loop3A_626 = tpu.vector_load %arg7[%parallel_loop3A_624, %parallel_loop3A_625] {strides = array<i32>} : memref<128x128xi32, #tpu.memory_space<vmem>>, vector<1x16xi32>,
          %parallel_loop3A_627 = vector.shape_cast %parallel_loop3A_626 : vector<1x16xi32> to vector<16xi32>
          %parallel_loop3A_628 = arith.constant 3 : i32
          %parallel_loop3A_629 = arith.addi %parallel_loop3A_177, %parallel_loop3A_628 : i32
          %parallel_loop3A_630 = arith.index_cast %parallel_loop3A_629 : i32 to index
          %parallel_loop3A_631 = arith.constant 32 : index
          %parallel_loop3A_632 = tpu.vector_load %arg7[%parallel_loop3A_630, %parallel_loop3A_631] {strides = array<i32>} : memref<128x128xi32, #tpu.memory_space<vmem>>, vector<1x16xi32>,
          %parallel_loop3A_633 = vector.shape_cast %parallel_loop3A_632 : vector<1x16xi32> to vector<16xi32>
          %parallel_loop3A_634 = arith.constant 4 : i32
          %parallel_loop3A_635 = arith.addi %parallel_loop3A_177, %parallel_loop3A_634 : i32
          %parallel_loop3A_636 = arith.index_cast %parallel_loop3A_635 : i32 to index
          %parallel_loop3A_637 = arith.constant 32 : index
          %parallel_loop3A_638 = tpu.vector_load %arg7[%parallel_loop3A_636, %parallel_loop3A_637] {strides = array<i32>} : memref<128x128xi32, #tpu.memory_space<vmem>>, vector<1x16xi32>,
          %parallel_loop3A_639 = vector.shape_cast %parallel_loop3A_638 : vector<1x16xi32> to vector<16xi32>
          %parallel_loop3A_640 = arith.constant 5 : i32
          %parallel_loop3A_641 = arith.addi %parallel_loop3A_177, %parallel_loop3A_640 : i32
          %parallel_loop3A_642 = arith.index_cast %parallel_loop3A_641 : i32 to index
          %parallel_loop3A_643 = arith.constant 32 : index
          %parallel_loop3A_644 = tpu.vector_load %arg7[%parallel_loop3A_642, %parallel_loop3A_643] {strides = array<i32>} : memref<128x128xi32, #tpu.memory_space<vmem>>, vector<1x16xi32>,
          %parallel_loop3A_645 = vector.shape_cast %parallel_loop3A_644 : vector<1x16xi32> to vector<16xi32>
          %parallel_loop3A_646 = arith.constant 6 : i32
          %parallel_loop3A_647 = arith.addi %parallel_loop3A_177, %parallel_loop3A_646 : i32
          %parallel_loop3A_648 = arith.index_cast %parallel_loop3A_647 : i32 to index
          %parallel_loop3A_649 = arith.constant 32 : index
          %parallel_loop3A_650 = tpu.vector_load %arg7[%parallel_loop3A_648, %parallel_loop3A_649] {strides = array<i32>} : memref<128x128xi32, #tpu.memory_space<vmem>>, vector<1x16xi32>,
          %parallel_loop3A_651 = vector.shape_cast %parallel_loop3A_650 : vector<1x16xi32> to vector<16xi32>
          %parallel_loop3A_652 = arith.constant 7 : i32
          %parallel_loop3A_653 = arith.addi %parallel_loop3A_177, %parallel_loop3A_652 : i32
          %parallel_loop3A_654 = arith.index_cast %parallel_loop3A_653 : i32 to index
          %parallel_loop3A_655 = arith.constant 32 : index
          %parallel_loop3A_656 = tpu.vector_load %arg7[%parallel_loop3A_654, %parallel_loop3A_655] {strides = array<i32>} : memref<128x128xi32, #tpu.memory_space<vmem>>, vector<1x16xi32>,
          %parallel_loop3A_657 = vector.shape_cast %parallel_loop3A_656 : vector<1x16xi32> to vector<16xi32>
          %parallel_loop3A_658 = arith.constant 8 : i32
          %parallel_loop3A_659 = arith.addi %parallel_loop3A_177, %parallel_loop3A_658 : i32
          %parallel_loop3A_660 = arith.index_cast %parallel_loop3A_659 : i32 to index
          %parallel_loop3A_661 = arith.constant 32 : index
          %parallel_loop3A_662 = tpu.vector_load %arg7[%parallel_loop3A_660, %parallel_loop3A_661] {strides = array<i32>} : memref<128x128xi32, #tpu.memory_space<vmem>>, vector<1x16xi32>,
          %parallel_loop3A_663 = vector.shape_cast %parallel_loop3A_662 : vector<1x16xi32> to vector<16xi32>
          %parallel_loop3A_664 = arith.constant 9 : i32
          %parallel_loop3A_665 = arith.addi %parallel_loop3A_177, %parallel_loop3A_664 : i32
          %parallel_loop3A_666 = arith.index_cast %parallel_loop3A_665 : i32 to index
          %parallel_loop3A_667 = arith.constant 32 : index
          %parallel_loop3A_668 = tpu.vector_load %arg7[%parallel_loop3A_666, %parallel_loop3A_667] {strides = array<i32>} : memref<128x128xi32, #tpu.memory_space<vmem>>, vector<1x16xi32>,
          %parallel_loop3A_669 = vector.shape_cast %parallel_loop3A_668 : vector<1x16xi32> to vector<16xi32>
          %parallel_loop3A_670 = arith.constant 10 : i32
          %parallel_loop3A_671 = arith.addi %parallel_loop3A_177, %parallel_loop3A_670 : i32
          %parallel_loop3A_672 = arith.index_cast %parallel_loop3A_671 : i32 to index
          %parallel_loop3A_673 = arith.constant 32 : index
          %parallel_loop3A_674 = tpu.vector_load %arg7[%parallel_loop3A_672, %parallel_loop3A_673] {strides = array<i32>} : memref<128x128xi32, #tpu.memory_space<vmem>>, vector<1x16xi32>,
          %parallel_loop3A_675 = vector.shape_cast %parallel_loop3A_674 : vector<1x16xi32> to vector<16xi32>
          %parallel_loop3A_676 = arith.constant 11 : i32
          %parallel_loop3A_677 = arith.addi %parallel_loop3A_177, %parallel_loop3A_676 : i32
          %parallel_loop3A_678 = arith.index_cast %parallel_loop3A_677 : i32 to index
          %parallel_loop3A_679 = arith.constant 32 : index
          %parallel_loop3A_680 = tpu.vector_load %arg7[%parallel_loop3A_678, %parallel_loop3A_679] {strides = array<i32>} : memref<128x128xi32, #tpu.memory_space<vmem>>, vector<1x16xi32>,
          %parallel_loop3A_681 = vector.shape_cast %parallel_loop3A_680 : vector<1x16xi32> to vector<16xi32>
          %parallel_loop3A_682 = arith.constant 12 : i32
          %parallel_loop3A_683 = arith.addi %parallel_loop3A_177, %parallel_loop3A_682 : i32
          %parallel_loop3A_684 = arith.index_cast %parallel_loop3A_683 : i32 to index
          %parallel_loop3A_685 = arith.constant 32 : index
          %parallel_loop3A_686 = tpu.vector_load %arg7[%parallel_loop3A_684, %parallel_loop3A_685] {strides = array<i32>} : memref<128x128xi32, #tpu.memory_space<vmem>>, vector<1x16xi32>,
          %parallel_loop3A_687 = vector.shape_cast %parallel_loop3A_686 : vector<1x16xi32> to vector<16xi32>
          %parallel_loop3A_688 = arith.constant 13 : i32
          %parallel_loop3A_689 = arith.addi %parallel_loop3A_177, %parallel_loop3A_688 : i32
          %parallel_loop3A_690 = arith.index_cast %parallel_loop3A_689 : i32 to index
          %parallel_loop3A_691 = arith.constant 32 : index
          %parallel_loop3A_692 = tpu.vector_load %arg7[%parallel_loop3A_690, %parallel_loop3A_691] {strides = array<i32>} : memref<128x128xi32, #tpu.memory_space<vmem>>, vector<1x16xi32>,
          %parallel_loop3A_693 = vector.shape_cast %parallel_loop3A_692 : vector<1x16xi32> to vector<16xi32>
          %parallel_loop3A_694 = arith.constant 14 : i32
          %parallel_loop3A_695 = arith.addi %parallel_loop3A_177, %parallel_loop3A_694 : i32
          %parallel_loop3A_696 = arith.index_cast %parallel_loop3A_695 : i32 to index
          %parallel_loop3A_697 = arith.constant 32 : index
          %parallel_loop3A_698 = tpu.vector_load %arg7[%parallel_loop3A_696, %parallel_loop3A_697] {strides = array<i32>} : memref<128x128xi32, #tpu.memory_space<vmem>>, vector<1x16xi32>,
          %parallel_loop3A_699 = vector.shape_cast %parallel_loop3A_698 : vector<1x16xi32> to vector<16xi32>
          %parallel_loop3A_700 = arith.constant 15 : i32
          %parallel_loop3A_701 = arith.addi %parallel_loop3A_177, %parallel_loop3A_700 : i32
          %parallel_loop3A_702 = arith.index_cast %parallel_loop3A_701 : i32 to index
          %parallel_loop3A_703 = arith.constant 32 : index
          %parallel_loop3A_704 = tpu.vector_load %arg7[%parallel_loop3A_702, %parallel_loop3A_703] {strides = array<i32>} : memref<128x128xi32, #tpu.memory_space<vmem>>, vector<1x16xi32>,
          %parallel_loop3A_705 = vector.shape_cast %parallel_loop3A_704 : vector<1x16xi32> to vector<16xi32>
          %parallel_loop3A_706 = arith.constant 16 : i32
          %parallel_loop3A_707 = vector.broadcast %parallel_loop3A_706 : i32 to vector<16xi32>
          %parallel_loop3A_708 = arith.shli %parallel_loop3A_615, %parallel_loop3A_707 : vector<16xi32>
          %parallel_loop3A_709 = tpu.bitcast %parallel_loop3A_708 : vector<16xi32> -> vector<16xf32>
          %parallel_loop3A_710 = arith.constant 16 : i32
          %parallel_loop3A_711 = vector.broadcast %parallel_loop3A_710 : i32 to vector<16xi32>
          %parallel_loop3A_712 = arith.shli %parallel_loop3A_621, %parallel_loop3A_711 : vector<16xi32>
          %parallel_loop3A_713 = tpu.bitcast %parallel_loop3A_712 : vector<16xi32> -> vector<16xf32>
          %parallel_loop3A_714 = arith.constant 16 : i32
          %parallel_loop3A_715 = vector.broadcast %parallel_loop3A_714 : i32 to vector<16xi32>
          %parallel_loop3A_716 = arith.shli %parallel_loop3A_627, %parallel_loop3A_715 : vector<16xi32>
          %parallel_loop3A_717 = tpu.bitcast %parallel_loop3A_716 : vector<16xi32> -> vector<16xf32>
          %parallel_loop3A_718 = arith.constant 16 : i32
          %parallel_loop3A_719 = vector.broadcast %parallel_loop3A_718 : i32 to vector<16xi32>
          %parallel_loop3A_720 = arith.shli %parallel_loop3A_633, %parallel_loop3A_719 : vector<16xi32>
          %parallel_loop3A_721 = tpu.bitcast %parallel_loop3A_720 : vector<16xi32> -> vector<16xf32>
          %parallel_loop3A_722 = arith.constant 16 : i32
          %parallel_loop3A_723 = vector.broadcast %parallel_loop3A_722 : i32 to vector<16xi32>
          %parallel_loop3A_724 = arith.shli %parallel_loop3A_639, %parallel_loop3A_723 : vector<16xi32>
          %parallel_loop3A_725 = tpu.bitcast %parallel_loop3A_724 : vector<16xi32> -> vector<16xf32>
          %parallel_loop3A_726 = arith.constant 16 : i32
          %parallel_loop3A_727 = vector.broadcast %parallel_loop3A_726 : i32 to vector<16xi32>
          %parallel_loop3A_728 = arith.shli %parallel_loop3A_645, %parallel_loop3A_727 : vector<16xi32>
          %parallel_loop3A_729 = tpu.bitcast %parallel_loop3A_728 : vector<16xi32> -> vector<16xf32>
          %parallel_loop3A_730 = arith.constant 16 : i32
          %parallel_loop3A_731 = vector.broadcast %parallel_loop3A_730 : i32 to vector<16xi32>
          %parallel_loop3A_732 = arith.shli %parallel_loop3A_651, %parallel_loop3A_731 : vector<16xi32>
          %parallel_loop3A_733 = tpu.bitcast %parallel_loop3A_732 : vector<16xi32> -> vector<16xf32>
          %parallel_loop3A_734 = arith.constant 16 : i32
          %parallel_loop3A_735 = vector.broadcast %parallel_loop3A_734 : i32 to vector<16xi32>
          %parallel_loop3A_736 = arith.shli %parallel_loop3A_657, %parallel_loop3A_735 : vector<16xi32>
          %parallel_loop3A_737 = tpu.bitcast %parallel_loop3A_736 : vector<16xi32> -> vector<16xf32>
          %parallel_loop3A_738 = arith.constant 16 : i32
          %parallel_loop3A_739 = vector.broadcast %parallel_loop3A_738 : i32 to vector<16xi32>
          %parallel_loop3A_740 = arith.shli %parallel_loop3A_663, %parallel_loop3A_739 : vector<16xi32>
          %parallel_loop3A_741 = tpu.bitcast %parallel_loop3A_740 : vector<16xi32> -> vector<16xf32>
          %parallel_loop3A_742 = arith.constant 16 : i32
          %parallel_loop3A_743 = vector.broadcast %parallel_loop3A_742 : i32 to vector<16xi32>
          %parallel_loop3A_744 = arith.shli %parallel_loop3A_669, %parallel_loop3A_743 : vector<16xi32>
          %parallel_loop3A_745 = tpu.bitcast %parallel_loop3A_744 : vector<16xi32> -> vector<16xf32>
          %parallel_loop3A_746 = arith.constant 16 : i32
          %parallel_loop3A_747 = vector.broadcast %parallel_loop3A_746 : i32 to vector<16xi32>
          %parallel_loop3A_748 = arith.shli %parallel_loop3A_675, %parallel_loop3A_747 : vector<16xi32>
          %parallel_loop3A_749 = tpu.bitcast %parallel_loop3A_748 : vector<16xi32> -> vector<16xf32>
          %parallel_loop3A_750 = arith.constant 16 : i32
          %parallel_loop3A_751 = vector.broadcast %parallel_loop3A_750 : i32 to vector<16xi32>
          %parallel_loop3A_752 = arith.shli %parallel_loop3A_681, %parallel_loop3A_751 : vector<16xi32>
          %parallel_loop3A_753 = tpu.bitcast %parallel_loop3A_752 : vector<16xi32> -> vector<16xf32>
          %parallel_loop3A_754 = arith.constant 16 : i32
          %parallel_loop3A_755 = vector.broadcast %parallel_loop3A_754 : i32 to vector<16xi32>
          %parallel_loop3A_756 = arith.shli %parallel_loop3A_687, %parallel_loop3A_755 : vector<16xi32>
          %parallel_loop3A_757 = tpu.bitcast %parallel_loop3A_756 : vector<16xi32> -> vector<16xf32>
          %parallel_loop3A_758 = arith.constant 16 : i32
          %parallel_loop3A_759 = vector.broadcast %parallel_loop3A_758 : i32 to vector<16xi32>
          %parallel_loop3A_760 = arith.shli %parallel_loop3A_693, %parallel_loop3A_759 : vector<16xi32>
          %parallel_loop3A_761 = tpu.bitcast %parallel_loop3A_760 : vector<16xi32> -> vector<16xf32>
          %parallel_loop3A_762 = arith.constant 16 : i32
          %parallel_loop3A_763 = vector.broadcast %parallel_loop3A_762 : i32 to vector<16xi32>
          %parallel_loop3A_764 = arith.shli %parallel_loop3A_699, %parallel_loop3A_763 : vector<16xi32>
          %parallel_loop3A_765 = tpu.bitcast %parallel_loop3A_764 : vector<16xi32> -> vector<16xf32>
          %parallel_loop3A_766 = arith.constant 16 : i32
          %parallel_loop3A_767 = vector.broadcast %parallel_loop3A_766 : i32 to vector<16xi32>
          %parallel_loop3A_768 = arith.shli %parallel_loop3A_705, %parallel_loop3A_767 : vector<16xi32>
          %parallel_loop3A_769 = tpu.bitcast %parallel_loop3A_768 : vector<16xi32> -> vector<16xf32>
          %parallel_loop3A_770 = tpu.bitcast %parallel_loop3A_615 : vector<16xi32> -> vector<16xf32>
          %parallel_loop3A_771 = tpu.bitcast %parallel_loop3A_621 : vector<16xi32> -> vector<16xf32>
          %parallel_loop3A_772 = tpu.bitcast %parallel_loop3A_627 : vector<16xi32> -> vector<16xf32>
          %parallel_loop3A_773 = tpu.bitcast %parallel_loop3A_633 : vector<16xi32> -> vector<16xf32>
          %parallel_loop3A_774 = tpu.bitcast %parallel_loop3A_639 : vector<16xi32> -> vector<16xf32>
          %parallel_loop3A_775 = tpu.bitcast %parallel_loop3A_645 : vector<16xi32> -> vector<16xf32>
          %parallel_loop3A_776 = tpu.bitcast %parallel_loop3A_651 : vector<16xi32> -> vector<16xf32>
          %parallel_loop3A_777 = tpu.bitcast %parallel_loop3A_657 : vector<16xi32> -> vector<16xf32>
          %parallel_loop3A_778 = tpu.bitcast %parallel_loop3A_663 : vector<16xi32> -> vector<16xf32>
          %parallel_loop3A_779 = tpu.bitcast %parallel_loop3A_669 : vector<16xi32> -> vector<16xf32>
          %parallel_loop3A_780 = tpu.bitcast %parallel_loop3A_675 : vector<16xi32> -> vector<16xf32>
          %parallel_loop3A_781 = tpu.bitcast %parallel_loop3A_681 : vector<16xi32> -> vector<16xf32>
          %parallel_loop3A_782 = tpu.bitcast %parallel_loop3A_687 : vector<16xi32> -> vector<16xf32>
          %parallel_loop3A_783 = tpu.bitcast %parallel_loop3A_693 : vector<16xi32> -> vector<16xf32>
          %parallel_loop3A_784 = tpu.bitcast %parallel_loop3A_699 : vector<16xi32> -> vector<16xf32>
          %parallel_loop3A_785 = tpu.bitcast %parallel_loop3A_705 : vector<16xi32> -> vector<16xf32>
          %parallel_loop3A_786 = arith.addf %parallel_loop3A_709, %parallel_loop3A_713 : vector<16xf32>
          %parallel_loop3A_787 = arith.addf %parallel_loop3A_717, %parallel_loop3A_721 : vector<16xf32>
          %parallel_loop3A_788 = arith.addf %parallel_loop3A_725, %parallel_loop3A_729 : vector<16xf32>
          %parallel_loop3A_789 = arith.addf %parallel_loop3A_733, %parallel_loop3A_737 : vector<16xf32>
          %parallel_loop3A_790 = arith.addf %parallel_loop3A_741, %parallel_loop3A_745 : vector<16xf32>
          %parallel_loop3A_791 = arith.addf %parallel_loop3A_749, %parallel_loop3A_753 : vector<16xf32>
          %parallel_loop3A_792 = arith.addf %parallel_loop3A_757, %parallel_loop3A_761 : vector<16xf32>
          %parallel_loop3A_793 = arith.addf %parallel_loop3A_765, %parallel_loop3A_769 : vector<16xf32>
          %parallel_loop3A_794 = arith.addf %parallel_loop3A_770, %parallel_loop3A_771 : vector<16xf32>
          %parallel_loop3A_795 = arith.addf %parallel_loop3A_772, %parallel_loop3A_773 : vector<16xf32>
          %parallel_loop3A_796 = arith.addf %parallel_loop3A_774, %parallel_loop3A_775 : vector<16xf32>
          %parallel_loop3A_797 = arith.addf %parallel_loop3A_776, %parallel_loop3A_777 : vector<16xf32>
          %parallel_loop3A_798 = arith.addf %parallel_loop3A_778, %parallel_loop3A_779 : vector<16xf32>
          %parallel_loop3A_799 = arith.addf %parallel_loop3A_780, %parallel_loop3A_781 : vector<16xf32>
          %parallel_loop3A_800 = arith.addf %parallel_loop3A_782, %parallel_loop3A_783 : vector<16xf32>
          %parallel_loop3A_801 = arith.addf %parallel_loop3A_784, %parallel_loop3A_785 : vector<16xf32>
          %parallel_loop3A_802 = arith.addf %parallel_loop3A_786, %parallel_loop3A_787 : vector<16xf32>
          %parallel_loop3A_803 = arith.addf %parallel_loop3A_788, %parallel_loop3A_789 : vector<16xf32>
          %parallel_loop3A_804 = arith.addf %parallel_loop3A_790, %parallel_loop3A_791 : vector<16xf32>
          %parallel_loop3A_805 = arith.addf %parallel_loop3A_792, %parallel_loop3A_793 : vector<16xf32>
          %parallel_loop3A_806 = arith.addf %parallel_loop3A_794, %parallel_loop3A_795 : vector<16xf32>
          %parallel_loop3A_807 = arith.addf %parallel_loop3A_796, %parallel_loop3A_797 : vector<16xf32>
          %parallel_loop3A_808 = arith.addf %parallel_loop3A_798, %parallel_loop3A_799 : vector<16xf32>
          %parallel_loop3A_809 = arith.addf %parallel_loop3A_800, %parallel_loop3A_801 : vector<16xf32>
          %parallel_loop3A_810 = arith.addf %parallel_loop3A_802, %parallel_loop3A_803 : vector<16xf32>
          %parallel_loop3A_811 = arith.addf %parallel_loop3A_804, %parallel_loop3A_805 : vector<16xf32>
          %parallel_loop3A_812 = arith.addf %parallel_loop3A_806, %parallel_loop3A_807 : vector<16xf32>
          %parallel_loop3A_813 = arith.addf %parallel_loop3A_808, %parallel_loop3A_809 : vector<16xf32>
          %parallel_loop3A_814 = arith.addf %parallel_loop3A_810, %parallel_loop3A_811 : vector<16xf32>
          %parallel_loop3A_815 = arith.addf %parallel_loop3A_812, %parallel_loop3A_813 : vector<16xf32>
          %parallel_loop3A_816 = arith.index_cast %parallel_loop3A_175 : i32 to index
          %parallel_loop3A_817 = arith.constant 32 : index
          %parallel_loop3A_818 = tpu.vector_load %arg9[%parallel_loop3A_816, %parallel_loop3A_817] {strides = array<i32>} : memref<8x256xf32, #tpu.memory_space<vmem>>, vector<1x16xf32>,
          %parallel_loop3A_819 = vector.shape_cast %parallel_loop3A_818 : vector<1x16xf32> to vector<16xf32>
          %parallel_loop3A_820 = vector.shape_cast %parallel_loop3A_814 : vector<16xf32> to vector<1x16xf32>
          tpu.vector_store %arg9[%parallel_loop3A_816, %parallel_loop3A_817], %parallel_loop3A_820 {strides = array<i32>} : memref<8x256xf32, #tpu.memory_space<vmem>>, vector<1x16xf32>,
          %parallel_loop3A_821 = arith.index_cast %parallel_loop3A_175 : i32 to index
          %parallel_loop3A_822 = arith.constant 160 : index
          %parallel_loop3A_823 = tpu.vector_load %arg9[%parallel_loop3A_821, %parallel_loop3A_822] {strides = array<i32>} : memref<8x256xf32, #tpu.memory_space<vmem>>, vector<1x16xf32>,
          %parallel_loop3A_824 = vector.shape_cast %parallel_loop3A_823 : vector<1x16xf32> to vector<16xf32>
          %parallel_loop3A_825 = vector.shape_cast %parallel_loop3A_815 : vector<16xf32> to vector<1x16xf32>
          tpu.vector_store %arg9[%parallel_loop3A_821, %parallel_loop3A_822], %parallel_loop3A_825 {strides = array<i32>} : memref<8x256xf32, #tpu.memory_space<vmem>>, vector<1x16xf32>,
          %parallel_loop3A_826 = arith.constant 0 : i32
          %parallel_loop3A_827 = arith.addi %parallel_loop3A_177, %parallel_loop3A_826 : i32
          %parallel_loop3A_828 = arith.index_cast %parallel_loop3A_827 : i32 to index
          %parallel_loop3A_829 = arith.constant 48 : index
          %parallel_loop3A_830 = tpu.vector_load %arg7[%parallel_loop3A_828, %parallel_loop3A_829] {strides = array<i32>} : memref<128x128xi32, #tpu.memory_space<vmem>>, vector<1x16xi32>,
          %parallel_loop3A_831 = vector.shape_cast %parallel_loop3A_830 : vector<1x16xi32> to vector<16xi32>
          %parallel_loop3A_832 = arith.constant 1 : i32
          %parallel_loop3A_833 = arith.addi %parallel_loop3A_177, %parallel_loop3A_832 : i32
          %parallel_loop3A_834 = arith.index_cast %parallel_loop3A_833 : i32 to index
          %parallel_loop3A_835 = arith.constant 48 : index
          %parallel_loop3A_836 = tpu.vector_load %arg7[%parallel_loop3A_834, %parallel_loop3A_835] {strides = array<i32>} : memref<128x128xi32, #tpu.memory_space<vmem>>, vector<1x16xi32>,
          %parallel_loop3A_837 = vector.shape_cast %parallel_loop3A_836 : vector<1x16xi32> to vector<16xi32>
          %parallel_loop3A_838 = arith.constant 2 : i32
          %parallel_loop3A_839 = arith.addi %parallel_loop3A_177, %parallel_loop3A_838 : i32
          %parallel_loop3A_840 = arith.index_cast %parallel_loop3A_839 : i32 to index
          %parallel_loop3A_841 = arith.constant 48 : index
          %parallel_loop3A_842 = tpu.vector_load %arg7[%parallel_loop3A_840, %parallel_loop3A_841] {strides = array<i32>} : memref<128x128xi32, #tpu.memory_space<vmem>>, vector<1x16xi32>,
          %parallel_loop3A_843 = vector.shape_cast %parallel_loop3A_842 : vector<1x16xi32> to vector<16xi32>
          %parallel_loop3A_844 = arith.constant 3 : i32
          %parallel_loop3A_845 = arith.addi %parallel_loop3A_177, %parallel_loop3A_844 : i32
          %parallel_loop3A_846 = arith.index_cast %parallel_loop3A_845 : i32 to index
          %parallel_loop3A_847 = arith.constant 48 : index
          %parallel_loop3A_848 = tpu.vector_load %arg7[%parallel_loop3A_846, %parallel_loop3A_847] {strides = array<i32>} : memref<128x128xi32, #tpu.memory_space<vmem>>, vector<1x16xi32>,
          %parallel_loop3A_849 = vector.shape_cast %parallel_loop3A_848 : vector<1x16xi32> to vector<16xi32>
          %parallel_loop3A_850 = arith.constant 4 : i32
          %parallel_loop3A_851 = arith.addi %parallel_loop3A_177, %parallel_loop3A_850 : i32
          %parallel_loop3A_852 = arith.index_cast %parallel_loop3A_851 : i32 to index
          %parallel_loop3A_853 = arith.constant 48 : index
          %parallel_loop3A_854 = tpu.vector_load %arg7[%parallel_loop3A_852, %parallel_loop3A_853] {strides = array<i32>} : memref<128x128xi32, #tpu.memory_space<vmem>>, vector<1x16xi32>,
          %parallel_loop3A_855 = vector.shape_cast %parallel_loop3A_854 : vector<1x16xi32> to vector<16xi32>
          %parallel_loop3A_856 = arith.constant 5 : i32
          %parallel_loop3A_857 = arith.addi %parallel_loop3A_177, %parallel_loop3A_856 : i32
          %parallel_loop3A_858 = arith.index_cast %parallel_loop3A_857 : i32 to index
          %parallel_loop3A_859 = arith.constant 48 : index
          %parallel_loop3A_860 = tpu.vector_load %arg7[%parallel_loop3A_858, %parallel_loop3A_859] {strides = array<i32>} : memref<128x128xi32, #tpu.memory_space<vmem>>, vector<1x16xi32>,
          %parallel_loop3A_861 = vector.shape_cast %parallel_loop3A_860 : vector<1x16xi32> to vector<16xi32>
          %parallel_loop3A_862 = arith.constant 6 : i32
          %parallel_loop3A_863 = arith.addi %parallel_loop3A_177, %parallel_loop3A_862 : i32
          %parallel_loop3A_864 = arith.index_cast %parallel_loop3A_863 : i32 to index
          %parallel_loop3A_865 = arith.constant 48 : index
          %parallel_loop3A_866 = tpu.vector_load %arg7[%parallel_loop3A_864, %parallel_loop3A_865] {strides = array<i32>} : memref<128x128xi32, #tpu.memory_space<vmem>>, vector<1x16xi32>,
          %parallel_loop3A_867 = vector.shape_cast %parallel_loop3A_866 : vector<1x16xi32> to vector<16xi32>
          %parallel_loop3A_868 = arith.constant 7 : i32
          %parallel_loop3A_869 = arith.addi %parallel_loop3A_177, %parallel_loop3A_868 : i32
          %parallel_loop3A_870 = arith.index_cast %parallel_loop3A_869 : i32 to index
          %parallel_loop3A_871 = arith.constant 48 : index
          %parallel_loop3A_872 = tpu.vector_load %arg7[%parallel_loop3A_870, %parallel_loop3A_871] {strides = array<i32>} : memref<128x128xi32, #tpu.memory_space<vmem>>, vector<1x16xi32>,
          %parallel_loop3A_873 = vector.shape_cast %parallel_loop3A_872 : vector<1x16xi32> to vector<16xi32>
          %parallel_loop3A_874 = arith.constant 8 : i32
          %parallel_loop3A_875 = arith.addi %parallel_loop3A_177, %parallel_loop3A_874 : i32
          %parallel_loop3A_876 = arith.index_cast %parallel_loop3A_875 : i32 to index
          %parallel_loop3A_877 = arith.constant 48 : index
          %parallel_loop3A_878 = tpu.vector_load %arg7[%parallel_loop3A_876, %parallel_loop3A_877] {strides = array<i32>} : memref<128x128xi32, #tpu.memory_space<vmem>>, vector<1x16xi32>,
          %parallel_loop3A_879 = vector.shape_cast %parallel_loop3A_878 : vector<1x16xi32> to vector<16xi32>
          %parallel_loop3A_880 = arith.constant 9 : i32
          %parallel_loop3A_881 = arith.addi %parallel_loop3A_177, %parallel_loop3A_880 : i32
          %parallel_loop3A_882 = arith.index_cast %parallel_loop3A_881 : i32 to index
          %parallel_loop3A_883 = arith.constant 48 : index
          %parallel_loop3A_884 = tpu.vector_load %arg7[%parallel_loop3A_882, %parallel_loop3A_883] {strides = array<i32>} : memref<128x128xi32, #tpu.memory_space<vmem>>, vector<1x16xi32>,
          %parallel_loop3A_885 = vector.shape_cast %parallel_loop3A_884 : vector<1x16xi32> to vector<16xi32>
          %parallel_loop3A_886 = arith.constant 10 : i32
          %parallel_loop3A_887 = arith.addi %parallel_loop3A_177, %parallel_loop3A_886 : i32
          %parallel_loop3A_888 = arith.index_cast %parallel_loop3A_887 : i32 to index
          %parallel_loop3A_889 = arith.constant 48 : index
          %parallel_loop3A_890 = tpu.vector_load %arg7[%parallel_loop3A_888, %parallel_loop3A_889] {strides = array<i32>} : memref<128x128xi32, #tpu.memory_space<vmem>>, vector<1x16xi32>,
          %parallel_loop3A_891 = vector.shape_cast %parallel_loop3A_890 : vector<1x16xi32> to vector<16xi32>
          %parallel_loop3A_892 = arith.constant 11 : i32
          %parallel_loop3A_893 = arith.addi %parallel_loop3A_177, %parallel_loop3A_892 : i32
          %parallel_loop3A_894 = arith.index_cast %parallel_loop3A_893 : i32 to index
          %parallel_loop3A_895 = arith.constant 48 : index
          %parallel_loop3A_896 = tpu.vector_load %arg7[%parallel_loop3A_894, %parallel_loop3A_895] {strides = array<i32>} : memref<128x128xi32, #tpu.memory_space<vmem>>, vector<1x16xi32>,
          %parallel_loop3A_897 = vector.shape_cast %parallel_loop3A_896 : vector<1x16xi32> to vector<16xi32>
          %parallel_loop3A_898 = arith.constant 12 : i32
          %parallel_loop3A_899 = arith.addi %parallel_loop3A_177, %parallel_loop3A_898 : i32
          %parallel_loop3A_900 = arith.index_cast %parallel_loop3A_899 : i32 to index
          %parallel_loop3A_901 = arith.constant 48 : index
          %parallel_loop3A_902 = tpu.vector_load %arg7[%parallel_loop3A_900, %parallel_loop3A_901] {strides = array<i32>} : memref<128x128xi32, #tpu.memory_space<vmem>>, vector<1x16xi32>,
          %parallel_loop3A_903 = vector.shape_cast %parallel_loop3A_902 : vector<1x16xi32> to vector<16xi32>
          %parallel_loop3A_904 = arith.constant 13 : i32
          %parallel_loop3A_905 = arith.addi %parallel_loop3A_177, %parallel_loop3A_904 : i32
          %parallel_loop3A_906 = arith.index_cast %parallel_loop3A_905 : i32 to index
          %parallel_loop3A_907 = arith.constant 48 : index
          %parallel_loop3A_908 = tpu.vector_load %arg7[%parallel_loop3A_906, %parallel_loop3A_907] {strides = array<i32>} : memref<128x128xi32, #tpu.memory_space<vmem>>, vector<1x16xi32>,
          %parallel_loop3A_909 = vector.shape_cast %parallel_loop3A_908 : vector<1x16xi32> to vector<16xi32>
          %parallel_loop3A_910 = arith.constant 14 : i32
          %parallel_loop3A_911 = arith.addi %parallel_loop3A_177, %parallel_loop3A_910 : i32
          %parallel_loop3A_912 = arith.index_cast %parallel_loop3A_911 : i32 to index
          %parallel_loop3A_913 = arith.constant 48 : index
          %parallel_loop3A_914 = tpu.vector_load %arg7[%parallel_loop3A_912, %parallel_loop3A_913] {strides = array<i32>} : memref<128x128xi32, #tpu.memory_space<vmem>>, vector<1x16xi32>,
          %parallel_loop3A_915 = vector.shape_cast %parallel_loop3A_914 : vector<1x16xi32> to vector<16xi32>
          %parallel_loop3A_916 = arith.constant 15 : i32
          %parallel_loop3A_917 = arith.addi %parallel_loop3A_177, %parallel_loop3A_916 : i32
          %parallel_loop3A_918 = arith.index_cast %parallel_loop3A_917 : i32 to index
          %parallel_loop3A_919 = arith.constant 48 : index
          %parallel_loop3A_920 = tpu.vector_load %arg7[%parallel_loop3A_918, %parallel_loop3A_919] {strides = array<i32>} : memref<128x128xi32, #tpu.memory_space<vmem>>, vector<1x16xi32>,
          %parallel_loop3A_921 = vector.shape_cast %parallel_loop3A_920 : vector<1x16xi32> to vector<16xi32>
          %parallel_loop3A_922 = arith.constant 16 : i32
          %parallel_loop3A_923 = vector.broadcast %parallel_loop3A_922 : i32 to vector<16xi32>
          %parallel_loop3A_924 = arith.shli %parallel_loop3A_831, %parallel_loop3A_923 : vector<16xi32>
          %parallel_loop3A_925 = tpu.bitcast %parallel_loop3A_924 : vector<16xi32> -> vector<16xf32>
          %parallel_loop3A_926 = arith.constant 16 : i32
          %parallel_loop3A_927 = vector.broadcast %parallel_loop3A_926 : i32 to vector<16xi32>
          %parallel_loop3A_928 = arith.shli %parallel_loop3A_837, %parallel_loop3A_927 : vector<16xi32>
          %parallel_loop3A_929 = tpu.bitcast %parallel_loop3A_928 : vector<16xi32> -> vector<16xf32>
          %parallel_loop3A_930 = arith.constant 16 : i32
          %parallel_loop3A_931 = vector.broadcast %parallel_loop3A_930 : i32 to vector<16xi32>
          %parallel_loop3A_932 = arith.shli %parallel_loop3A_843, %parallel_loop3A_931 : vector<16xi32>
          %parallel_loop3A_933 = tpu.bitcast %parallel_loop3A_932 : vector<16xi32> -> vector<16xf32>
          %parallel_loop3A_934 = arith.constant 16 : i32
          %parallel_loop3A_935 = vector.broadcast %parallel_loop3A_934 : i32 to vector<16xi32>
          %parallel_loop3A_936 = arith.shli %parallel_loop3A_849, %parallel_loop3A_935 : vector<16xi32>
          %parallel_loop3A_937 = tpu.bitcast %parallel_loop3A_936 : vector<16xi32> -> vector<16xf32>
          %parallel_loop3A_938 = arith.constant 16 : i32
          %parallel_loop3A_939 = vector.broadcast %parallel_loop3A_938 : i32 to vector<16xi32>
          %parallel_loop3A_940 = arith.shli %parallel_loop3A_855, %parallel_loop3A_939 : vector<16xi32>
          %parallel_loop3A_941 = tpu.bitcast %parallel_loop3A_940 : vector<16xi32> -> vector<16xf32>
          %parallel_loop3A_942 = arith.constant 16 : i32
          %parallel_loop3A_943 = vector.broadcast %parallel_loop3A_942 : i32 to vector<16xi32>
          %parallel_loop3A_944 = arith.shli %parallel_loop3A_861, %parallel_loop3A_943 : vector<16xi32>
          %parallel_loop3A_945 = tpu.bitcast %parallel_loop3A_944 : vector<16xi32> -> vector<16xf32>
          %parallel_loop3A_946 = arith.constant 16 : i32
          %parallel_loop3A_947 = vector.broadcast %parallel_loop3A_946 : i32 to vector<16xi32>
          %parallel_loop3A_948 = arith.shli %parallel_loop3A_867, %parallel_loop3A_947 : vector<16xi32>
          %parallel_loop3A_949 = tpu.bitcast %parallel_loop3A_948 : vector<16xi32> -> vector<16xf32>
          %parallel_loop3A_950 = arith.constant 16 : i32
          %parallel_loop3A_951 = vector.broadcast %parallel_loop3A_950 : i32 to vector<16xi32>
          %parallel_loop3A_952 = arith.shli %parallel_loop3A_873, %parallel_loop3A_951 : vector<16xi32>
          %parallel_loop3A_953 = tpu.bitcast %parallel_loop3A_952 : vector<16xi32> -> vector<16xf32>
          %parallel_loop3A_954 = arith.constant 16 : i32
          %parallel_loop3A_955 = vector.broadcast %parallel_loop3A_954 : i32 to vector<16xi32>
          %parallel_loop3A_956 = arith.shli %parallel_loop3A_879, %parallel_loop3A_955 : vector<16xi32>
          %parallel_loop3A_957 = tpu.bitcast %parallel_loop3A_956 : vector<16xi32> -> vector<16xf32>
          %parallel_loop3A_958 = arith.constant 16 : i32
          %parallel_loop3A_959 = vector.broadcast %parallel_loop3A_958 : i32 to vector<16xi32>
          %parallel_loop3A_960 = arith.shli %parallel_loop3A_885, %parallel_loop3A_959 : vector<16xi32>
          %parallel_loop3A_961 = tpu.bitcast %parallel_loop3A_960 : vector<16xi32> -> vector<16xf32>
          %parallel_loop3A_962 = arith.constant 16 : i32
          %parallel_loop3A_963 = vector.broadcast %parallel_loop3A_962 : i32 to vector<16xi32>
          %parallel_loop3A_964 = arith.shli %parallel_loop3A_891, %parallel_loop3A_963 : vector<16xi32>
          %parallel_loop3A_965 = tpu.bitcast %parallel_loop3A_964 : vector<16xi32> -> vector<16xf32>
          %parallel_loop3A_966 = arith.constant 16 : i32
          %parallel_loop3A_967 = vector.broadcast %parallel_loop3A_966 : i32 to vector<16xi32>
          %parallel_loop3A_968 = arith.shli %parallel_loop3A_897, %parallel_loop3A_967 : vector<16xi32>
          %parallel_loop3A_969 = tpu.bitcast %parallel_loop3A_968 : vector<16xi32> -> vector<16xf32>
          %parallel_loop3A_970 = arith.constant 16 : i32
          %parallel_loop3A_971 = vector.broadcast %parallel_loop3A_970 : i32 to vector<16xi32>
          %parallel_loop3A_972 = arith.shli %parallel_loop3A_903, %parallel_loop3A_971 : vector<16xi32>
          %parallel_loop3A_973 = tpu.bitcast %parallel_loop3A_972 : vector<16xi32> -> vector<16xf32>
          %parallel_loop3A_974 = arith.constant 16 : i32
          %parallel_loop3A_975 = vector.broadcast %parallel_loop3A_974 : i32 to vector<16xi32>
          %parallel_loop3A_976 = arith.shli %parallel_loop3A_909, %parallel_loop3A_975 : vector<16xi32>
          %parallel_loop3A_977 = tpu.bitcast %parallel_loop3A_976 : vector<16xi32> -> vector<16xf32>
          %parallel_loop3A_978 = arith.constant 16 : i32
          %parallel_loop3A_979 = vector.broadcast %parallel_loop3A_978 : i32 to vector<16xi32>
          %parallel_loop3A_980 = arith.shli %parallel_loop3A_915, %parallel_loop3A_979 : vector<16xi32>
          %parallel_loop3A_981 = tpu.bitcast %parallel_loop3A_980 : vector<16xi32> -> vector<16xf32>
          %parallel_loop3A_982 = arith.constant 16 : i32
          %parallel_loop3A_983 = vector.broadcast %parallel_loop3A_982 : i32 to vector<16xi32>
          %parallel_loop3A_984 = arith.shli %parallel_loop3A_921, %parallel_loop3A_983 : vector<16xi32>
          %parallel_loop3A_985 = tpu.bitcast %parallel_loop3A_984 : vector<16xi32> -> vector<16xf32>
          %parallel_loop3A_986 = tpu.bitcast %parallel_loop3A_831 : vector<16xi32> -> vector<16xf32>
          %parallel_loop3A_987 = tpu.bitcast %parallel_loop3A_837 : vector<16xi32> -> vector<16xf32>
          %parallel_loop3A_988 = tpu.bitcast %parallel_loop3A_843 : vector<16xi32> -> vector<16xf32>
          %parallel_loop3A_989 = tpu.bitcast %parallel_loop3A_849 : vector<16xi32> -> vector<16xf32>
          %parallel_loop3A_990 = tpu.bitcast %parallel_loop3A_855 : vector<16xi32> -> vector<16xf32>
          %parallel_loop3A_991 = tpu.bitcast %parallel_loop3A_861 : vector<16xi32> -> vector<16xf32>
          %parallel_loop3A_992 = tpu.bitcast %parallel_loop3A_867 : vector<16xi32> -> vector<16xf32>
          %parallel_loop3A_993 = tpu.bitcast %parallel_loop3A_873 : vector<16xi32> -> vector<16xf32>
          %parallel_loop3A_994 = tpu.bitcast %parallel_loop3A_879 : vector<16xi32> -> vector<16xf32>
          %parallel_loop3A_995 = tpu.bitcast %parallel_loop3A_885 : vector<16xi32> -> vector<16xf32>
          %parallel_loop3A_996 = tpu.bitcast %parallel_loop3A_891 : vector<16xi32> -> vector<16xf32>
          %parallel_loop3A_997 = tpu.bitcast %parallel_loop3A_897 : vector<16xi32> -> vector<16xf32>
          %parallel_loop3A_998 = tpu.bitcast %parallel_loop3A_903 : vector<16xi32> -> vector<16xf32>
          %parallel_loop3A_999 = tpu.bitcast %parallel_loop3A_909 : vector<16xi32> -> vector<16xf32>
          %parallel_loop3A_1000 = tpu.bitcast %parallel_loop3A_915 : vector<16xi32> -> vector<16xf32>
          %parallel_loop3A_1001 = tpu.bitcast %parallel_loop3A_921 : vector<16xi32> -> vector<16xf32>
          %parallel_loop3A_1002 = arith.addf %parallel_loop3A_925, %parallel_loop3A_929 : vector<16xf32>
          %parallel_loop3A_1003 = arith.addf %parallel_loop3A_933, %parallel_loop3A_937 : vector<16xf32>
          %parallel_loop3A_1004 = arith.addf %parallel_loop3A_941, %parallel_loop3A_945 : vector<16xf32>
          %parallel_loop3A_1005 = arith.addf %parallel_loop3A_949, %parallel_loop3A_953 : vector<16xf32>
          %parallel_loop3A_1006 = arith.addf %parallel_loop3A_957, %parallel_loop3A_961 : vector<16xf32>
          %parallel_loop3A_1007 = arith.addf %parallel_loop3A_965, %parallel_loop3A_969 : vector<16xf32>
          %parallel_loop3A_1008 = arith.addf %parallel_loop3A_973, %parallel_loop3A_977 : vector<16xf32>
          %parallel_loop3A_1009 = arith.addf %parallel_loop3A_981, %parallel_loop3A_985 : vector<16xf32>
          %parallel_loop3A_1010 = arith.addf %parallel_loop3A_986, %parallel_loop3A_987 : vector<16xf32>
          %parallel_loop3A_1011 = arith.addf %parallel_loop3A_988, %parallel_loop3A_989 : vector<16xf32>
          %parallel_loop3A_1012 = arith.addf %parallel_loop3A_990, %parallel_loop3A_991 : vector<16xf32>
          %parallel_loop3A_1013 = arith.addf %parallel_loop3A_992, %parallel_loop3A_993 : vector<16xf32>
          %parallel_loop3A_1014 = arith.addf %parallel_loop3A_994, %parallel_loop3A_995 : vector<16xf32>
          %parallel_loop3A_1015 = arith.addf %parallel_loop3A_996, %parallel_loop3A_997 : vector<16xf32>
          %parallel_loop3A_1016 = arith.addf %parallel_loop3A_998, %parallel_loop3A_999 : vector<16xf32>
          %parallel_loop3A_1017 = arith.addf %parallel_loop3A_1000, %parallel_loop3A_1001 : vector<16xf32>
          %parallel_loop3A_1018 = arith.addf %parallel_loop3A_1002, %parallel_loop3A_1003 : vector<16xf32>
          %parallel_loop3A_1019 = arith.addf %parallel_loop3A_1004, %parallel_loop3A_1005 : vector<16xf32>
          %parallel_loop3A_1020 = arith.addf %parallel_loop3A_1006, %parallel_loop3A_1007 : vector<16xf32>
          %parallel_loop3A_1021 = arith.addf %parallel_loop3A_1008, %parallel_loop3A_1009 : vector<16xf32>
          %parallel_loop3A_1022 = arith.addf %parallel_loop3A_1010, %parallel_loop3A_1011 : vector<16xf32>
          %parallel_loop3A_1023 = arith.addf %parallel_loop3A_1012, %parallel_loop3A_1013 : vector<16xf32>
          %parallel_loop3A_1024 = arith.addf %parallel_loop3A_1014, %parallel_loop3A_1015 : vector<16xf32>
          %parallel_loop3A_1025 = arith.addf %parallel_loop3A_1016, %parallel_loop3A_1017 : vector<16xf32>
          %parallel_loop3A_1026 = arith.addf %parallel_loop3A_1018, %parallel_loop3A_1019 : vector<16xf32>
          %parallel_loop3A_1027 = arith.addf %parallel_loop3A_1020, %parallel_loop3A_1021 : vector<16xf32>
          %parallel_loop3A_1028 = arith.addf %parallel_loop3A_1022, %parallel_loop3A_1023 : vector<16xf32>
          %parallel_loop3A_1029 = arith.addf %parallel_loop3A_1024, %parallel_loop3A_1025 : vector<16xf32>
          %parallel_loop3A_1030 = arith.addf %parallel_loop3A_1026, %parallel_loop3A_1027 : vector<16xf32>
          %parallel_loop3A_1031 = arith.addf %parallel_loop3A_1028, %parallel_loop3A_1029 : vector<16xf32>
          %parallel_loop3A_1032 = arith.index_cast %parallel_loop3A_175 : i32 to index
          %parallel_loop3A_1033 = arith.constant 48 : index
          %parallel_loop3A_1034 = tpu.vector_load %arg9[%parallel_loop3A_1032, %parallel_loop3A_1033] {strides = array<i32>} : memref<8x256xf32, #tpu.memory_space<vmem>>, vector<1x16xf32>,
          %parallel_loop3A_1035 = vector.shape_cast %parallel_loop3A_1034 : vector<1x16xf32> to vector<16xf32>
          %parallel_loop3A_1036 = vector.shape_cast %parallel_loop3A_1030 : vector<16xf32> to vector<1x16xf32>
          tpu.vector_store %arg9[%parallel_loop3A_1032, %parallel_loop3A_1033], %parallel_loop3A_1036 {strides = array<i32>} : memref<8x256xf32, #tpu.memory_space<vmem>>, vector<1x16xf32>,
          %parallel_loop3A_1037 = arith.index_cast %parallel_loop3A_175 : i32 to index
          %parallel_loop3A_1038 = arith.constant 176 : index
          %parallel_loop3A_1039 = tpu.vector_load %arg9[%parallel_loop3A_1037, %parallel_loop3A_1038] {strides = array<i32>} : memref<8x256xf32, #tpu.memory_space<vmem>>, vector<1x16xf32>,
          %parallel_loop3A_1040 = vector.shape_cast %parallel_loop3A_1039 : vector<1x16xf32> to vector<16xf32>
          %parallel_loop3A_1041 = vector.shape_cast %parallel_loop3A_1031 : vector<16xf32> to vector<1x16xf32>
          tpu.vector_store %arg9[%parallel_loop3A_1037, %parallel_loop3A_1038], %parallel_loop3A_1041 {strides = array<i32>} : memref<8x256xf32, #tpu.memory_space<vmem>>, vector<1x16xf32>,
          %parallel_loop3A_1042 = arith.constant 0 : i32
          %parallel_loop3A_1043 = arith.addi %parallel_loop3A_177, %parallel_loop3A_1042 : i32
          %parallel_loop3A_1044 = arith.index_cast %parallel_loop3A_1043 : i32 to index
          %parallel_loop3A_1045 = arith.constant 64 : index
          %parallel_loop3A_1046 = tpu.vector_load %arg7[%parallel_loop3A_1044, %parallel_loop3A_1045] {strides = array<i32>} : memref<128x128xi32, #tpu.memory_space<vmem>>, vector<1x16xi32>,
          %parallel_loop3A_1047 = vector.shape_cast %parallel_loop3A_1046 : vector<1x16xi32> to vector<16xi32>
          %parallel_loop3A_1048 = arith.constant 1 : i32
          %parallel_loop3A_1049 = arith.addi %parallel_loop3A_177, %parallel_loop3A_1048 : i32
          %parallel_loop3A_1050 = arith.index_cast %parallel_loop3A_1049 : i32 to index
          %parallel_loop3A_1051 = arith.constant 64 : index
          %parallel_loop3A_1052 = tpu.vector_load %arg7[%parallel_loop3A_1050, %parallel_loop3A_1051] {strides = array<i32>} : memref<128x128xi32, #tpu.memory_space<vmem>>, vector<1x16xi32>,
          %parallel_loop3A_1053 = vector.shape_cast %parallel_loop3A_1052 : vector<1x16xi32> to vector<16xi32>
          %parallel_loop3A_1054 = arith.constant 2 : i32
          %parallel_loop3A_1055 = arith.addi %parallel_loop3A_177, %parallel_loop3A_1054 : i32
          %parallel_loop3A_1056 = arith.index_cast %parallel_loop3A_1055 : i32 to index
          %parallel_loop3A_1057 = arith.constant 64 : index
          %parallel_loop3A_1058 = tpu.vector_load %arg7[%parallel_loop3A_1056, %parallel_loop3A_1057] {strides = array<i32>} : memref<128x128xi32, #tpu.memory_space<vmem>>, vector<1x16xi32>,
          %parallel_loop3A_1059 = vector.shape_cast %parallel_loop3A_1058 : vector<1x16xi32> to vector<16xi32>
          %parallel_loop3A_1060 = arith.constant 3 : i32
          %parallel_loop3A_1061 = arith.addi %parallel_loop3A_177, %parallel_loop3A_1060 : i32
          %parallel_loop3A_1062 = arith.index_cast %parallel_loop3A_1061 : i32 to index
          %parallel_loop3A_1063 = arith.constant 64 : index
          %parallel_loop3A_1064 = tpu.vector_load %arg7[%parallel_loop3A_1062, %parallel_loop3A_1063] {strides = array<i32>} : memref<128x128xi32, #tpu.memory_space<vmem>>, vector<1x16xi32>,
          %parallel_loop3A_1065 = vector.shape_cast %parallel_loop3A_1064 : vector<1x16xi32> to vector<16xi32>
          %parallel_loop3A_1066 = arith.constant 4 : i32
          %parallel_loop3A_1067 = arith.addi %parallel_loop3A_177, %parallel_loop3A_1066 : i32
          %parallel_loop3A_1068 = arith.index_cast %parallel_loop3A_1067 : i32 to index
          %parallel_loop3A_1069 = arith.constant 64 : index
          %parallel_loop3A_1070 = tpu.vector_load %arg7[%parallel_loop3A_1068, %parallel_loop3A_1069] {strides = array<i32>} : memref<128x128xi32, #tpu.memory_space<vmem>>, vector<1x16xi32>,
          %parallel_loop3A_1071 = vector.shape_cast %parallel_loop3A_1070 : vector<1x16xi32> to vector<16xi32>
          %parallel_loop3A_1072 = arith.constant 5 : i32
          %parallel_loop3A_1073 = arith.addi %parallel_loop3A_177, %parallel_loop3A_1072 : i32
          %parallel_loop3A_1074 = arith.index_cast %parallel_loop3A_1073 : i32 to index
          %parallel_loop3A_1075 = arith.constant 64 : index
          %parallel_loop3A_1076 = tpu.vector_load %arg7[%parallel_loop3A_1074, %parallel_loop3A_1075] {strides = array<i32>} : memref<128x128xi32, #tpu.memory_space<vmem>>, vector<1x16xi32>,
          %parallel_loop3A_1077 = vector.shape_cast %parallel_loop3A_1076 : vector<1x16xi32> to vector<16xi32>
          %parallel_loop3A_1078 = arith.constant 6 : i32
          %parallel_loop3A_1079 = arith.addi %parallel_loop3A_177, %parallel_loop3A_1078 : i32
          %parallel_loop3A_1080 = arith.index_cast %parallel_loop3A_1079 : i32 to index
          %parallel_loop3A_1081 = arith.constant 64 : index
          %parallel_loop3A_1082 = tpu.vector_load %arg7[%parallel_loop3A_1080, %parallel_loop3A_1081] {strides = array<i32>} : memref<128x128xi32, #tpu.memory_space<vmem>>, vector<1x16xi32>,
          %parallel_loop3A_1083 = vector.shape_cast %parallel_loop3A_1082 : vector<1x16xi32> to vector<16xi32>
          %parallel_loop3A_1084 = arith.constant 7 : i32
          %parallel_loop3A_1085 = arith.addi %parallel_loop3A_177, %parallel_loop3A_1084 : i32
          %parallel_loop3A_1086 = arith.index_cast %parallel_loop3A_1085 : i32 to index
          %parallel_loop3A_1087 = arith.constant 64 : index
          %parallel_loop3A_1088 = tpu.vector_load %arg7[%parallel_loop3A_1086, %parallel_loop3A_1087] {strides = array<i32>} : memref<128x128xi32, #tpu.memory_space<vmem>>, vector<1x16xi32>,
          %parallel_loop3A_1089 = vector.shape_cast %parallel_loop3A_1088 : vector<1x16xi32> to vector<16xi32>
          %parallel_loop3A_1090 = arith.constant 8 : i32
          %parallel_loop3A_1091 = arith.addi %parallel_loop3A_177, %parallel_loop3A_1090 : i32
          %parallel_loop3A_1092 = arith.index_cast %parallel_loop3A_1091 : i32 to index
          %parallel_loop3A_1093 = arith.constant 64 : index
          %parallel_loop3A_1094 = tpu.vector_load %arg7[%parallel_loop3A_1092, %parallel_loop3A_1093] {strides = array<i32>} : memref<128x128xi32, #tpu.memory_space<vmem>>, vector<1x16xi32>,
          %parallel_loop3A_1095 = vector.shape_cast %parallel_loop3A_1094 : vector<1x16xi32> to vector<16xi32>
          %parallel_loop3A_1096 = arith.constant 9 : i32
          %parallel_loop3A_1097 = arith.addi %parallel_loop3A_177, %parallel_loop3A_1096 : i32
          %parallel_loop3A_1098 = arith.index_cast %parallel_loop3A_1097 : i32 to index
          %parallel_loop3A_1099 = arith.constant 64 : index
          %parallel_loop3A_1100 = tpu.vector_load %arg7[%parallel_loop3A_1098, %parallel_loop3A_1099] {strides = array<i32>} : memref<128x128xi32, #tpu.memory_space<vmem>>, vector<1x16xi32>,
          %parallel_loop3A_1101 = vector.shape_cast %parallel_loop3A_1100 : vector<1x16xi32> to vector<16xi32>
          %parallel_loop3A_1102 = arith.constant 10 : i32
          %parallel_loop3A_1103 = arith.addi %parallel_loop3A_177, %parallel_loop3A_1102 : i32
          %parallel_loop3A_1104 = arith.index_cast %parallel_loop3A_1103 : i32 to index
          %parallel_loop3A_1105 = arith.constant 64 : index
          %parallel_loop3A_1106 = tpu.vector_load %arg7[%parallel_loop3A_1104, %parallel_loop3A_1105] {strides = array<i32>} : memref<128x128xi32, #tpu.memory_space<vmem>>, vector<1x16xi32>,
          %parallel_loop3A_1107 = vector.shape_cast %parallel_loop3A_1106 : vector<1x16xi32> to vector<16xi32>
          %parallel_loop3A_1108 = arith.constant 11 : i32
          %parallel_loop3A_1109 = arith.addi %parallel_loop3A_177, %parallel_loop3A_1108 : i32
          %parallel_loop3A_1110 = arith.index_cast %parallel_loop3A_1109 : i32 to index
          %parallel_loop3A_1111 = arith.constant 64 : index
          %parallel_loop3A_1112 = tpu.vector_load %arg7[%parallel_loop3A_1110, %parallel_loop3A_1111] {strides = array<i32>} : memref<128x128xi32, #tpu.memory_space<vmem>>, vector<1x16xi32>,
          %parallel_loop3A_1113 = vector.shape_cast %parallel_loop3A_1112 : vector<1x16xi32> to vector<16xi32>
          %parallel_loop3A_1114 = arith.constant 12 : i32
          %parallel_loop3A_1115 = arith.addi %parallel_loop3A_177, %parallel_loop3A_1114 : i32
          %parallel_loop3A_1116 = arith.index_cast %parallel_loop3A_1115 : i32 to index
          %parallel_loop3A_1117 = arith.constant 64 : index
          %parallel_loop3A_1118 = tpu.vector_load %arg7[%parallel_loop3A_1116, %parallel_loop3A_1117] {strides = array<i32>} : memref<128x128xi32, #tpu.memory_space<vmem>>, vector<1x16xi32>,
          %parallel_loop3A_1119 = vector.shape_cast %parallel_loop3A_1118 : vector<1x16xi32> to vector<16xi32>
          %parallel_loop3A_1120 = arith.constant 13 : i32
          %parallel_loop3A_1121 = arith.addi %parallel_loop3A_177, %parallel_loop3A_1120 : i32
          %parallel_loop3A_1122 = arith.index_cast %parallel_loop3A_1121 : i32 to index
          %parallel_loop3A_1123 = arith.constant 64 : index
          %parallel_loop3A_1124 = tpu.vector_load %arg7[%parallel_loop3A_1122, %parallel_loop3A_1123] {strides = array<i32>} : memref<128x128xi32, #tpu.memory_space<vmem>>, vector<1x16xi32>,
          %parallel_loop3A_1125 = vector.shape_cast %parallel_loop3A_1124 : vector<1x16xi32> to vector<16xi32>
          %parallel_loop3A_1126 = arith.constant 14 : i32
          %parallel_loop3A_1127 = arith.addi %parallel_loop3A_177, %parallel_loop3A_1126 : i32
          %parallel_loop3A_1128 = arith.index_cast %parallel_loop3A_1127 : i32 to index
          %parallel_loop3A_1129 = arith.constant 64 : index
          %parallel_loop3A_1130 = tpu.vector_load %arg7[%parallel_loop3A_1128, %parallel_loop3A_1129] {strides = array<i32>} : memref<128x128xi32, #tpu.memory_space<vmem>>, vector<1x16xi32>,
          %parallel_loop3A_1131 = vector.shape_cast %parallel_loop3A_1130 : vector<1x16xi32> to vector<16xi32>
          %parallel_loop3A_1132 = arith.constant 15 : i32
          %parallel_loop3A_1133 = arith.addi %parallel_loop3A_177, %parallel_loop3A_1132 : i32
          %parallel_loop3A_1134 = arith.index_cast %parallel_loop3A_1133 : i32 to index
          %parallel_loop3A_1135 = arith.constant 64 : index
          %parallel_loop3A_1136 = tpu.vector_load %arg7[%parallel_loop3A_1134, %parallel_loop3A_1135] {strides = array<i32>} : memref<128x128xi32, #tpu.memory_space<vmem>>, vector<1x16xi32>,
          %parallel_loop3A_1137 = vector.shape_cast %parallel_loop3A_1136 : vector<1x16xi32> to vector<16xi32>
          %parallel_loop3A_1138 = arith.constant 16 : i32
          %parallel_loop3A_1139 = vector.broadcast %parallel_loop3A_1138 : i32 to vector<16xi32>
          %parallel_loop3A_1140 = arith.shli %parallel_loop3A_1047, %parallel_loop3A_1139 : vector<16xi32>
          %parallel_loop3A_1141 = tpu.bitcast %parallel_loop3A_1140 : vector<16xi32> -> vector<16xf32>
          %parallel_loop3A_1142 = arith.constant 16 : i32
          %parallel_loop3A_1143 = vector.broadcast %parallel_loop3A_1142 : i32 to vector<16xi32>
          %parallel_loop3A_1144 = arith.shli %parallel_loop3A_1053, %parallel_loop3A_1143 : vector<16xi32>
          %parallel_loop3A_1145 = tpu.bitcast %parallel_loop3A_1144 : vector<16xi32> -> vector<16xf32>
          %parallel_loop3A_1146 = arith.constant 16 : i32
          %parallel_loop3A_1147 = vector.broadcast %parallel_loop3A_1146 : i32 to vector<16xi32>
          %parallel_loop3A_1148 = arith.shli %parallel_loop3A_1059, %parallel_loop3A_1147 : vector<16xi32>
          %parallel_loop3A_1149 = tpu.bitcast %parallel_loop3A_1148 : vector<16xi32> -> vector<16xf32>
          %parallel_loop3A_1150 = arith.constant 16 : i32
          %parallel_loop3A_1151 = vector.broadcast %parallel_loop3A_1150 : i32 to vector<16xi32>
          %parallel_loop3A_1152 = arith.shli %parallel_loop3A_1065, %parallel_loop3A_1151 : vector<16xi32>
          %parallel_loop3A_1153 = tpu.bitcast %parallel_loop3A_1152 : vector<16xi32> -> vector<16xf32>
          %parallel_loop3A_1154 = arith.constant 16 : i32
          %parallel_loop3A_1155 = vector.broadcast %parallel_loop3A_1154 : i32 to vector<16xi32>
          %parallel_loop3A_1156 = arith.shli %parallel_loop3A_1071, %parallel_loop3A_1155 : vector<16xi32>
          %parallel_loop3A_1157 = tpu.bitcast %parallel_loop3A_1156 : vector<16xi32> -> vector<16xf32>
          %parallel_loop3A_1158 = arith.constant 16 : i32
          %parallel_loop3A_1159 = vector.broadcast %parallel_loop3A_1158 : i32 to vector<16xi32>
          %parallel_loop3A_1160 = arith.shli %parallel_loop3A_1077, %parallel_loop3A_1159 : vector<16xi32>
          %parallel_loop3A_1161 = tpu.bitcast %parallel_loop3A_1160 : vector<16xi32> -> vector<16xf32>
          %parallel_loop3A_1162 = arith.constant 16 : i32
          %parallel_loop3A_1163 = vector.broadcast %parallel_loop3A_1162 : i32 to vector<16xi32>
          %parallel_loop3A_1164 = arith.shli %parallel_loop3A_1083, %parallel_loop3A_1163 : vector<16xi32>
          %parallel_loop3A_1165 = tpu.bitcast %parallel_loop3A_1164 : vector<16xi32> -> vector<16xf32>
          %parallel_loop3A_1166 = arith.constant 16 : i32
          %parallel_loop3A_1167 = vector.broadcast %parallel_loop3A_1166 : i32 to vector<16xi32>
          %parallel_loop3A_1168 = arith.shli %parallel_loop3A_1089, %parallel_loop3A_1167 : vector<16xi32>
          %parallel_loop3A_1169 = tpu.bitcast %parallel_loop3A_1168 : vector<16xi32> -> vector<16xf32>
          %parallel_loop3A_1170 = arith.constant 16 : i32
          %parallel_loop3A_1171 = vector.broadcast %parallel_loop3A_1170 : i32 to vector<16xi32>
          %parallel_loop3A_1172 = arith.shli %parallel_loop3A_1095, %parallel_loop3A_1171 : vector<16xi32>
          %parallel_loop3A_1173 = tpu.bitcast %parallel_loop3A_1172 : vector<16xi32> -> vector<16xf32>
          %parallel_loop3A_1174 = arith.constant 16 : i32
          %parallel_loop3A_1175 = vector.broadcast %parallel_loop3A_1174 : i32 to vector<16xi32>
          %parallel_loop3A_1176 = arith.shli %parallel_loop3A_1101, %parallel_loop3A_1175 : vector<16xi32>
          %parallel_loop3A_1177 = tpu.bitcast %parallel_loop3A_1176 : vector<16xi32> -> vector<16xf32>
          %parallel_loop3A_1178 = arith.constant 16 : i32
          %parallel_loop3A_1179 = vector.broadcast %parallel_loop3A_1178 : i32 to vector<16xi32>
          %parallel_loop3A_1180 = arith.shli %parallel_loop3A_1107, %parallel_loop3A_1179 : vector<16xi32>
          %parallel_loop3A_1181 = tpu.bitcast %parallel_loop3A_1180 : vector<16xi32> -> vector<16xf32>
          %parallel_loop3A_1182 = arith.constant 16 : i32
          %parallel_loop3A_1183 = vector.broadcast %parallel_loop3A_1182 : i32 to vector<16xi32>
          %parallel_loop3A_1184 = arith.shli %parallel_loop3A_1113, %parallel_loop3A_1183 : vector<16xi32>
          %parallel_loop3A_1185 = tpu.bitcast %parallel_loop3A_1184 : vector<16xi32> -> vector<16xf32>
          %parallel_loop3A_1186 = arith.constant 16 : i32
          %parallel_loop3A_1187 = vector.broadcast %parallel_loop3A_1186 : i32 to vector<16xi32>
          %parallel_loop3A_1188 = arith.shli %parallel_loop3A_1119, %parallel_loop3A_1187 : vector<16xi32>
          %parallel_loop3A_1189 = tpu.bitcast %parallel_loop3A_1188 : vector<16xi32> -> vector<16xf32>
          %parallel_loop3A_1190 = arith.constant 16 : i32
          %parallel_loop3A_1191 = vector.broadcast %parallel_loop3A_1190 : i32 to vector<16xi32>
          %parallel_loop3A_1192 = arith.shli %parallel_loop3A_1125, %parallel_loop3A_1191 : vector<16xi32>
          %parallel_loop3A_1193 = tpu.bitcast %parallel_loop3A_1192 : vector<16xi32> -> vector<16xf32>
          %parallel_loop3A_1194 = arith.constant 16 : i32
          %parallel_loop3A_1195 = vector.broadcast %parallel_loop3A_1194 : i32 to vector<16xi32>
          %parallel_loop3A_1196 = arith.shli %parallel_loop3A_1131, %parallel_loop3A_1195 : vector<16xi32>
          %parallel_loop3A_1197 = tpu.bitcast %parallel_loop3A_1196 : vector<16xi32> -> vector<16xf32>
          %parallel_loop3A_1198 = arith.constant 16 : i32
          %parallel_loop3A_1199 = vector.broadcast %parallel_loop3A_1198 : i32 to vector<16xi32>
          %parallel_loop3A_1200 = arith.shli %parallel_loop3A_1137, %parallel_loop3A_1199 : vector<16xi32>
          %parallel_loop3A_1201 = tpu.bitcast %parallel_loop3A_1200 : vector<16xi32> -> vector<16xf32>
          %parallel_loop3A_1202 = tpu.bitcast %parallel_loop3A_1047 : vector<16xi32> -> vector<16xf32>
          %parallel_loop3A_1203 = tpu.bitcast %parallel_loop3A_1053 : vector<16xi32> -> vector<16xf32>
          %parallel_loop3A_1204 = tpu.bitcast %parallel_loop3A_1059 : vector<16xi32> -> vector<16xf32>
          %parallel_loop3A_1205 = tpu.bitcast %parallel_loop3A_1065 : vector<16xi32> -> vector<16xf32>
          %parallel_loop3A_1206 = tpu.bitcast %parallel_loop3A_1071 : vector<16xi32> -> vector<16xf32>
          %parallel_loop3A_1207 = tpu.bitcast %parallel_loop3A_1077 : vector<16xi32> -> vector<16xf32>
          %parallel_loop3A_1208 = tpu.bitcast %parallel_loop3A_1083 : vector<16xi32> -> vector<16xf32>
          %parallel_loop3A_1209 = tpu.bitcast %parallel_loop3A_1089 : vector<16xi32> -> vector<16xf32>
          %parallel_loop3A_1210 = tpu.bitcast %parallel_loop3A_1095 : vector<16xi32> -> vector<16xf32>
          %parallel_loop3A_1211 = tpu.bitcast %parallel_loop3A_1101 : vector<16xi32> -> vector<16xf32>
          %parallel_loop3A_1212 = tpu.bitcast %parallel_loop3A_1107 : vector<16xi32> -> vector<16xf32>
          %parallel_loop3A_1213 = tpu.bitcast %parallel_loop3A_1113 : vector<16xi32> -> vector<16xf32>
          %parallel_loop3A_1214 = tpu.bitcast %parallel_loop3A_1119 : vector<16xi32> -> vector<16xf32>
          %parallel_loop3A_1215 = tpu.bitcast %parallel_loop3A_1125 : vector<16xi32> -> vector<16xf32>
          %parallel_loop3A_1216 = tpu.bitcast %parallel_loop3A_1131 : vector<16xi32> -> vector<16xf32>
          %parallel_loop3A_1217 = tpu.bitcast %parallel_loop3A_1137 : vector<16xi32> -> vector<16xf32>
          %parallel_loop3A_1218 = arith.addf %parallel_loop3A_1141, %parallel_loop3A_1145 : vector<16xf32>
          %parallel_loop3A_1219 = arith.addf %parallel_loop3A_1149, %parallel_loop3A_1153 : vector<16xf32>
          %parallel_loop3A_1220 = arith.addf %parallel_loop3A_1157, %parallel_loop3A_1161 : vector<16xf32>
          %parallel_loop3A_1221 = arith.addf %parallel_loop3A_1165, %parallel_loop3A_1169 : vector<16xf32>
          %parallel_loop3A_1222 = arith.addf %parallel_loop3A_1173, %parallel_loop3A_1177 : vector<16xf32>
          %parallel_loop3A_1223 = arith.addf %parallel_loop3A_1181, %parallel_loop3A_1185 : vector<16xf32>
          %parallel_loop3A_1224 = arith.addf %parallel_loop3A_1189, %parallel_loop3A_1193 : vector<16xf32>
          %parallel_loop3A_1225 = arith.addf %parallel_loop3A_1197, %parallel_loop3A_1201 : vector<16xf32>
          %parallel_loop3A_1226 = arith.addf %parallel_loop3A_1202, %parallel_loop3A_1203 : vector<16xf32>
          %parallel_loop3A_1227 = arith.addf %parallel_loop3A_1204, %parallel_loop3A_1205 : vector<16xf32>
          %parallel_loop3A_1228 = arith.addf %parallel_loop3A_1206, %parallel_loop3A_1207 : vector<16xf32>
          %parallel_loop3A_1229 = arith.addf %parallel_loop3A_1208, %parallel_loop3A_1209 : vector<16xf32>
          %parallel_loop3A_1230 = arith.addf %parallel_loop3A_1210, %parallel_loop3A_1211 : vector<16xf32>
          %parallel_loop3A_1231 = arith.addf %parallel_loop3A_1212, %parallel_loop3A_1213 : vector<16xf32>
          %parallel_loop3A_1232 = arith.addf %parallel_loop3A_1214, %parallel_loop3A_1215 : vector<16xf32>
          %parallel_loop3A_1233 = arith.addf %parallel_loop3A_1216, %parallel_loop3A_1217 : vector<16xf32>
          %parallel_loop3A_1234 = arith.addf %parallel_loop3A_1218, %parallel_loop3A_1219 : vector<16xf32>
          %parallel_loop3A_1235 = arith.addf %parallel_loop3A_1220, %parallel_loop3A_1221 : vector<16xf32>
          %parallel_loop3A_1236 = arith.addf %parallel_loop3A_1222, %parallel_loop3A_1223 : vector<16xf32>
          %parallel_loop3A_1237 = arith.addf %parallel_loop3A_1224, %parallel_loop3A_1225 : vector<16xf32>
          %parallel_loop3A_1238 = arith.addf %parallel_loop3A_1226, %parallel_loop3A_1227 : vector<16xf32>
          %parallel_loop3A_1239 = arith.addf %parallel_loop3A_1228, %parallel_loop3A_1229 : vector<16xf32>
          %parallel_loop3A_1240 = arith.addf %parallel_loop3A_1230, %parallel_loop3A_1231 : vector<16xf32>
          %parallel_loop3A_1241 = arith.addf %parallel_loop3A_1232, %parallel_loop3A_1233 : vector<16xf32>
          %parallel_loop3A_1242 = arith.addf %parallel_loop3A_1234, %parallel_loop3A_1235 : vector<16xf32>
          %parallel_loop3A_1243 = arith.addf %parallel_loop3A_1236, %parallel_loop3A_1237 : vector<16xf32>
          %parallel_loop3A_1244 = arith.addf %parallel_loop3A_1238, %parallel_loop3A_1239 : vector<16xf32>
          %parallel_loop3A_1245 = arith.addf %parallel_loop3A_1240, %parallel_loop3A_1241 : vector<16xf32>
          %parallel_loop3A_1246 = arith.addf %parallel_loop3A_1242, %parallel_loop3A_1243 : vector<16xf32>
          %parallel_loop3A_1247 = arith.addf %parallel_loop3A_1244, %parallel_loop3A_1245 : vector<16xf32>
          %parallel_loop3A_1248 = arith.index_cast %parallel_loop3A_175 : i32 to index
          %parallel_loop3A_1249 = arith.constant 64 : index
          %parallel_loop3A_1250 = tpu.vector_load %arg9[%parallel_loop3A_1248, %parallel_loop3A_1249] {strides = array<i32>} : memref<8x256xf32, #tpu.memory_space<vmem>>, vector<1x16xf32>,
          %parallel_loop3A_1251 = vector.shape_cast %parallel_loop3A_1250 : vector<1x16xf32> to vector<16xf32>
          %parallel_loop3A_1252 = vector.shape_cast %parallel_loop3A_1246 : vector<16xf32> to vector<1x16xf32>
          tpu.vector_store %arg9[%parallel_loop3A_1248, %parallel_loop3A_1249], %parallel_loop3A_1252 {strides = array<i32>} : memref<8x256xf32, #tpu.memory_space<vmem>>, vector<1x16xf32>,
          %parallel_loop3A_1253 = arith.index_cast %parallel_loop3A_175 : i32 to index
          %parallel_loop3A_1254 = arith.constant 192 : index
          %parallel_loop3A_1255 = tpu.vector_load %arg9[%parallel_loop3A_1253, %parallel_loop3A_1254] {strides = array<i32>} : memref<8x256xf32, #tpu.memory_space<vmem>>, vector<1x16xf32>,
          %parallel_loop3A_1256 = vector.shape_cast %parallel_loop3A_1255 : vector<1x16xf32> to vector<16xf32>
          %parallel_loop3A_1257 = vector.shape_cast %parallel_loop3A_1247 : vector<16xf32> to vector<1x16xf32>
          tpu.vector_store %arg9[%parallel_loop3A_1253, %parallel_loop3A_1254], %parallel_loop3A_1257 {strides = array<i32>} : memref<8x256xf32, #tpu.memory_space<vmem>>, vector<1x16xf32>,
          %parallel_loop3A_1258 = arith.constant 0 : i32
          %parallel_loop3A_1259 = arith.addi %parallel_loop3A_177, %parallel_loop3A_1258 : i32
          %parallel_loop3A_1260 = arith.index_cast %parallel_loop3A_1259 : i32 to index
          %parallel_loop3A_1261 = arith.constant 80 : index
          %parallel_loop3A_1262 = tpu.vector_load %arg7[%parallel_loop3A_1260, %parallel_loop3A_1261] {strides = array<i32>} : memref<128x128xi32, #tpu.memory_space<vmem>>, vector<1x16xi32>,
          %parallel_loop3A_1263 = vector.shape_cast %parallel_loop3A_1262 : vector<1x16xi32> to vector<16xi32>
          %parallel_loop3A_1264 = arith.constant 1 : i32
          %parallel_loop3A_1265 = arith.addi %parallel_loop3A_177, %parallel_loop3A_1264 : i32
          %parallel_loop3A_1266 = arith.index_cast %parallel_loop3A_1265 : i32 to index
          %parallel_loop3A_1267 = arith.constant 80 : index
          %parallel_loop3A_1268 = tpu.vector_load %arg7[%parallel_loop3A_1266, %parallel_loop3A_1267] {strides = array<i32>} : memref<128x128xi32, #tpu.memory_space<vmem>>, vector<1x16xi32>,
          %parallel_loop3A_1269 = vector.shape_cast %parallel_loop3A_1268 : vector<1x16xi32> to vector<16xi32>
          %parallel_loop3A_1270 = arith.constant 2 : i32
          %parallel_loop3A_1271 = arith.addi %parallel_loop3A_177, %parallel_loop3A_1270 : i32
          %parallel_loop3A_1272 = arith.index_cast %parallel_loop3A_1271 : i32 to index
          %parallel_loop3A_1273 = arith.constant 80 : index
          %parallel_loop3A_1274 = tpu.vector_load %arg7[%parallel_loop3A_1272, %parallel_loop3A_1273] {strides = array<i32>} : memref<128x128xi32, #tpu.memory_space<vmem>>, vector<1x16xi32>,
          %parallel_loop3A_1275 = vector.shape_cast %parallel_loop3A_1274 : vector<1x16xi32> to vector<16xi32>
          %parallel_loop3A_1276 = arith.constant 3 : i32
          %parallel_loop3A_1277 = arith.addi %parallel_loop3A_177, %parallel_loop3A_1276 : i32
          %parallel_loop3A_1278 = arith.index_cast %parallel_loop3A_1277 : i32 to index
          %parallel_loop3A_1279 = arith.constant 80 : index
          %parallel_loop3A_1280 = tpu.vector_load %arg7[%parallel_loop3A_1278, %parallel_loop3A_1279] {strides = array<i32>} : memref<128x128xi32, #tpu.memory_space<vmem>>, vector<1x16xi32>,
          %parallel_loop3A_1281 = vector.shape_cast %parallel_loop3A_1280 : vector<1x16xi32> to vector<16xi32>
          %parallel_loop3A_1282 = arith.constant 4 : i32
          %parallel_loop3A_1283 = arith.addi %parallel_loop3A_177, %parallel_loop3A_1282 : i32
          %parallel_loop3A_1284 = arith.index_cast %parallel_loop3A_1283 : i32 to index
          %parallel_loop3A_1285 = arith.constant 80 : index
          %parallel_loop3A_1286 = tpu.vector_load %arg7[%parallel_loop3A_1284, %parallel_loop3A_1285] {strides = array<i32>} : memref<128x128xi32, #tpu.memory_space<vmem>>, vector<1x16xi32>,
          %parallel_loop3A_1287 = vector.shape_cast %parallel_loop3A_1286 : vector<1x16xi32> to vector<16xi32>
          %parallel_loop3A_1288 = arith.constant 5 : i32
          %parallel_loop3A_1289 = arith.addi %parallel_loop3A_177, %parallel_loop3A_1288 : i32
          %parallel_loop3A_1290 = arith.index_cast %parallel_loop3A_1289 : i32 to index
          %parallel_loop3A_1291 = arith.constant 80 : index
          %parallel_loop3A_1292 = tpu.vector_load %arg7[%parallel_loop3A_1290, %parallel_loop3A_1291] {strides = array<i32>} : memref<128x128xi32, #tpu.memory_space<vmem>>, vector<1x16xi32>,
          %parallel_loop3A_1293 = vector.shape_cast %parallel_loop3A_1292 : vector<1x16xi32> to vector<16xi32>
          %parallel_loop3A_1294 = arith.constant 6 : i32
          %parallel_loop3A_1295 = arith.addi %parallel_loop3A_177, %parallel_loop3A_1294 : i32
          %parallel_loop3A_1296 = arith.index_cast %parallel_loop3A_1295 : i32 to index
          %parallel_loop3A_1297 = arith.constant 80 : index
          %parallel_loop3A_1298 = tpu.vector_load %arg7[%parallel_loop3A_1296, %parallel_loop3A_1297] {strides = array<i32>} : memref<128x128xi32, #tpu.memory_space<vmem>>, vector<1x16xi32>,
          %parallel_loop3A_1299 = vector.shape_cast %parallel_loop3A_1298 : vector<1x16xi32> to vector<16xi32>
          %parallel_loop3A_1300 = arith.constant 7 : i32
          %parallel_loop3A_1301 = arith.addi %parallel_loop3A_177, %parallel_loop3A_1300 : i32
          %parallel_loop3A_1302 = arith.index_cast %parallel_loop3A_1301 : i32 to index
          %parallel_loop3A_1303 = arith.constant 80 : index
          %parallel_loop3A_1304 = tpu.vector_load %arg7[%parallel_loop3A_1302, %parallel_loop3A_1303] {strides = array<i32>} : memref<128x128xi32, #tpu.memory_space<vmem>>, vector<1x16xi32>,
          %parallel_loop3A_1305 = vector.shape_cast %parallel_loop3A_1304 : vector<1x16xi32> to vector<16xi32>
          %parallel_loop3A_1306 = arith.constant 8 : i32
          %parallel_loop3A_1307 = arith.addi %parallel_loop3A_177, %parallel_loop3A_1306 : i32
          %parallel_loop3A_1308 = arith.index_cast %parallel_loop3A_1307 : i32 to index
          %parallel_loop3A_1309 = arith.constant 80 : index
          %parallel_loop3A_1310 = tpu.vector_load %arg7[%parallel_loop3A_1308, %parallel_loop3A_1309] {strides = array<i32>} : memref<128x128xi32, #tpu.memory_space<vmem>>, vector<1x16xi32>,
          %parallel_loop3A_1311 = vector.shape_cast %parallel_loop3A_1310 : vector<1x16xi32> to vector<16xi32>
          %parallel_loop3A_1312 = arith.constant 9 : i32
          %parallel_loop3A_1313 = arith.addi %parallel_loop3A_177, %parallel_loop3A_1312 : i32
          %parallel_loop3A_1314 = arith.index_cast %parallel_loop3A_1313 : i32 to index
          %parallel_loop3A_1315 = arith.constant 80 : index
          %parallel_loop3A_1316 = tpu.vector_load %arg7[%parallel_loop3A_1314, %parallel_loop3A_1315] {strides = array<i32>} : memref<128x128xi32, #tpu.memory_space<vmem>>, vector<1x16xi32>,
          %parallel_loop3A_1317 = vector.shape_cast %parallel_loop3A_1316 : vector<1x16xi32> to vector<16xi32>
          %parallel_loop3A_1318 = arith.constant 10 : i32
          %parallel_loop3A_1319 = arith.addi %parallel_loop3A_177, %parallel_loop3A_1318 : i32
          %parallel_loop3A_1320 = arith.index_cast %parallel_loop3A_1319 : i32 to index
          %parallel_loop3A_1321 = arith.constant 80 : index
          %parallel_loop3A_1322 = tpu.vector_load %arg7[%parallel_loop3A_1320, %parallel_loop3A_1321] {strides = array<i32>} : memref<128x128xi32, #tpu.memory_space<vmem>>, vector<1x16xi32>,
          %parallel_loop3A_1323 = vector.shape_cast %parallel_loop3A_1322 : vector<1x16xi32> to vector<16xi32>
          %parallel_loop3A_1324 = arith.constant 11 : i32
          %parallel_loop3A_1325 = arith.addi %parallel_loop3A_177, %parallel_loop3A_1324 : i32
          %parallel_loop3A_1326 = arith.index_cast %parallel_loop3A_1325 : i32 to index
          %parallel_loop3A_1327 = arith.constant 80 : index
          %parallel_loop3A_1328 = tpu.vector_load %arg7[%parallel_loop3A_1326, %parallel_loop3A_1327] {strides = array<i32>} : memref<128x128xi32, #tpu.memory_space<vmem>>, vector<1x16xi32>,
          %parallel_loop3A_1329 = vector.shape_cast %parallel_loop3A_1328 : vector<1x16xi32> to vector<16xi32>
          %parallel_loop3A_1330 = arith.constant 12 : i32
          %parallel_loop3A_1331 = arith.addi %parallel_loop3A_177, %parallel_loop3A_1330 : i32
          %parallel_loop3A_1332 = arith.index_cast %parallel_loop3A_1331 : i32 to index
          %parallel_loop3A_1333 = arith.constant 80 : index
          %parallel_loop3A_1334 = tpu.vector_load %arg7[%parallel_loop3A_1332, %parallel_loop3A_1333] {strides = array<i32>} : memref<128x128xi32, #tpu.memory_space<vmem>>, vector<1x16xi32>,
          %parallel_loop3A_1335 = vector.shape_cast %parallel_loop3A_1334 : vector<1x16xi32> to vector<16xi32>
          %parallel_loop3A_1336 = arith.constant 13 : i32
          %parallel_loop3A_1337 = arith.addi %parallel_loop3A_177, %parallel_loop3A_1336 : i32
          %parallel_loop3A_1338 = arith.index_cast %parallel_loop3A_1337 : i32 to index
          %parallel_loop3A_1339 = arith.constant 80 : index
          %parallel_loop3A_1340 = tpu.vector_load %arg7[%parallel_loop3A_1338, %parallel_loop3A_1339] {strides = array<i32>} : memref<128x128xi32, #tpu.memory_space<vmem>>, vector<1x16xi32>,
          %parallel_loop3A_1341 = vector.shape_cast %parallel_loop3A_1340 : vector<1x16xi32> to vector<16xi32>
          %parallel_loop3A_1342 = arith.constant 14 : i32
          %parallel_loop3A_1343 = arith.addi %parallel_loop3A_177, %parallel_loop3A_1342 : i32
          %parallel_loop3A_1344 = arith.index_cast %parallel_loop3A_1343 : i32 to index
          %parallel_loop3A_1345 = arith.constant 80 : index
          %parallel_loop3A_1346 = tpu.vector_load %arg7[%parallel_loop3A_1344, %parallel_loop3A_1345] {strides = array<i32>} : memref<128x128xi32, #tpu.memory_space<vmem>>, vector<1x16xi32>,
          %parallel_loop3A_1347 = vector.shape_cast %parallel_loop3A_1346 : vector<1x16xi32> to vector<16xi32>
          %parallel_loop3A_1348 = arith.constant 15 : i32
          %parallel_loop3A_1349 = arith.addi %parallel_loop3A_177, %parallel_loop3A_1348 : i32
          %parallel_loop3A_1350 = arith.index_cast %parallel_loop3A_1349 : i32 to index
          %parallel_loop3A_1351 = arith.constant 80 : index
          %parallel_loop3A_1352 = tpu.vector_load %arg7[%parallel_loop3A_1350, %parallel_loop3A_1351] {strides = array<i32>} : memref<128x128xi32, #tpu.memory_space<vmem>>, vector<1x16xi32>,
          %parallel_loop3A_1353 = vector.shape_cast %parallel_loop3A_1352 : vector<1x16xi32> to vector<16xi32>
          %parallel_loop3A_1354 = arith.constant 16 : i32
          %parallel_loop3A_1355 = vector.broadcast %parallel_loop3A_1354 : i32 to vector<16xi32>
          %parallel_loop3A_1356 = arith.shli %parallel_loop3A_1263, %parallel_loop3A_1355 : vector<16xi32>
          %parallel_loop3A_1357 = tpu.bitcast %parallel_loop3A_1356 : vector<16xi32> -> vector<16xf32>
          %parallel_loop3A_1358 = arith.constant 16 : i32
          %parallel_loop3A_1359 = vector.broadcast %parallel_loop3A_1358 : i32 to vector<16xi32>
          %parallel_loop3A_1360 = arith.shli %parallel_loop3A_1269, %parallel_loop3A_1359 : vector<16xi32>
          %parallel_loop3A_1361 = tpu.bitcast %parallel_loop3A_1360 : vector<16xi32> -> vector<16xf32>
          %parallel_loop3A_1362 = arith.constant 16 : i32
          %parallel_loop3A_1363 = vector.broadcast %parallel_loop3A_1362 : i32 to vector<16xi32>
          %parallel_loop3A_1364 = arith.shli %parallel_loop3A_1275, %parallel_loop3A_1363 : vector<16xi32>
          %parallel_loop3A_1365 = tpu.bitcast %parallel_loop3A_1364 : vector<16xi32> -> vector<16xf32>
          %parallel_loop3A_1366 = arith.constant 16 : i32
          %parallel_loop3A_1367 = vector.broadcast %parallel_loop3A_1366 : i32 to vector<16xi32>
          %parallel_loop3A_1368 = arith.shli %parallel_loop3A_1281, %parallel_loop3A_1367 : vector<16xi32>
          %parallel_loop3A_1369 = tpu.bitcast %parallel_loop3A_1368 : vector<16xi32> -> vector<16xf32>
          %parallel_loop3A_1370 = arith.constant 16 : i32
          %parallel_loop3A_1371 = vector.broadcast %parallel_loop3A_1370 : i32 to vector<16xi32>
          %parallel_loop3A_1372 = arith.shli %parallel_loop3A_1287, %parallel_loop3A_1371 : vector<16xi32>
          %parallel_loop3A_1373 = tpu.bitcast %parallel_loop3A_1372 : vector<16xi32> -> vector<16xf32>
          %parallel_loop3A_1374 = arith.constant 16 : i32
          %parallel_loop3A_1375 = vector.broadcast %parallel_loop3A_1374 : i32 to vector<16xi32>
          %parallel_loop3A_1376 = arith.shli %parallel_loop3A_1293, %parallel_loop3A_1375 : vector<16xi32>
          %parallel_loop3A_1377 = tpu.bitcast %parallel_loop3A_1376 : vector<16xi32> -> vector<16xf32>
          %parallel_loop3A_1378 = arith.constant 16 : i32
          %parallel_loop3A_1379 = vector.broadcast %parallel_loop3A_1378 : i32 to vector<16xi32>
          %parallel_loop3A_1380 = arith.shli %parallel_loop3A_1299, %parallel_loop3A_1379 : vector<16xi32>
          %parallel_loop3A_1381 = tpu.bitcast %parallel_loop3A_1380 : vector<16xi32> -> vector<16xf32>
          %parallel_loop3A_1382 = arith.constant 16 : i32
          %parallel_loop3A_1383 = vector.broadcast %parallel_loop3A_1382 : i32 to vector<16xi32>
          %parallel_loop3A_1384 = arith.shli %parallel_loop3A_1305, %parallel_loop3A_1383 : vector<16xi32>
          %parallel_loop3A_1385 = tpu.bitcast %parallel_loop3A_1384 : vector<16xi32> -> vector<16xf32>
          %parallel_loop3A_1386 = arith.constant 16 : i32
          %parallel_loop3A_1387 = vector.broadcast %parallel_loop3A_1386 : i32 to vector<16xi32>
          %parallel_loop3A_1388 = arith.shli %parallel_loop3A_1311, %parallel_loop3A_1387 : vector<16xi32>
          %parallel_loop3A_1389 = tpu.bitcast %parallel_loop3A_1388 : vector<16xi32> -> vector<16xf32>
          %parallel_loop3A_1390 = arith.constant 16 : i32
          %parallel_loop3A_1391 = vector.broadcast %parallel_loop3A_1390 : i32 to vector<16xi32>
          %parallel_loop3A_1392 = arith.shli %parallel_loop3A_1317, %parallel_loop3A_1391 : vector<16xi32>
          %parallel_loop3A_1393 = tpu.bitcast %parallel_loop3A_1392 : vector<16xi32> -> vector<16xf32>
          %parallel_loop3A_1394 = arith.constant 16 : i32
          %parallel_loop3A_1395 = vector.broadcast %parallel_loop3A_1394 : i32 to vector<16xi32>
          %parallel_loop3A_1396 = arith.shli %parallel_loop3A_1323, %parallel_loop3A_1395 : vector<16xi32>
          %parallel_loop3A_1397 = tpu.bitcast %parallel_loop3A_1396 : vector<16xi32> -> vector<16xf32>
          %parallel_loop3A_1398 = arith.constant 16 : i32
          %parallel_loop3A_1399 = vector.broadcast %parallel_loop3A_1398 : i32 to vector<16xi32>
          %parallel_loop3A_1400 = arith.shli %parallel_loop3A_1329, %parallel_loop3A_1399 : vector<16xi32>
          %parallel_loop3A_1401 = tpu.bitcast %parallel_loop3A_1400 : vector<16xi32> -> vector<16xf32>
          %parallel_loop3A_1402 = arith.constant 16 : i32
          %parallel_loop3A_1403 = vector.broadcast %parallel_loop3A_1402 : i32 to vector<16xi32>
          %parallel_loop3A_1404 = arith.shli %parallel_loop3A_1335, %parallel_loop3A_1403 : vector<16xi32>
          %parallel_loop3A_1405 = tpu.bitcast %parallel_loop3A_1404 : vector<16xi32> -> vector<16xf32>
          %parallel_loop3A_1406 = arith.constant 16 : i32
          %parallel_loop3A_1407 = vector.broadcast %parallel_loop3A_1406 : i32 to vector<16xi32>
          %parallel_loop3A_1408 = arith.shli %parallel_loop3A_1341, %parallel_loop3A_1407 : vector<16xi32>
          %parallel_loop3A_1409 = tpu.bitcast %parallel_loop3A_1408 : vector<16xi32> -> vector<16xf32>
          %parallel_loop3A_1410 = arith.constant 16 : i32
          %parallel_loop3A_1411 = vector.broadcast %parallel_loop3A_1410 : i32 to vector<16xi32>
          %parallel_loop3A_1412 = arith.shli %parallel_loop3A_1347, %parallel_loop3A_1411 : vector<16xi32>
          %parallel_loop3A_1413 = tpu.bitcast %parallel_loop3A_1412 : vector<16xi32> -> vector<16xf32>
          %parallel_loop3A_1414 = arith.constant 16 : i32
          %parallel_loop3A_1415 = vector.broadcast %parallel_loop3A_1414 : i32 to vector<16xi32>
          %parallel_loop3A_1416 = arith.shli %parallel_loop3A_1353, %parallel_loop3A_1415 : vector<16xi32>
          %parallel_loop3A_1417 = tpu.bitcast %parallel_loop3A_1416 : vector<16xi32> -> vector<16xf32>
          %parallel_loop3A_1418 = tpu.bitcast %parallel_loop3A_1263 : vector<16xi32> -> vector<16xf32>
          %parallel_loop3A_1419 = tpu.bitcast %parallel_loop3A_1269 : vector<16xi32> -> vector<16xf32>
          %parallel_loop3A_1420 = tpu.bitcast %parallel_loop3A_1275 : vector<16xi32> -> vector<16xf32>
          %parallel_loop3A_1421 = tpu.bitcast %parallel_loop3A_1281 : vector<16xi32> -> vector<16xf32>
          %parallel_loop3A_1422 = tpu.bitcast %parallel_loop3A_1287 : vector<16xi32> -> vector<16xf32>
          %parallel_loop3A_1423 = tpu.bitcast %parallel_loop3A_1293 : vector<16xi32> -> vector<16xf32>
          %parallel_loop3A_1424 = tpu.bitcast %parallel_loop3A_1299 : vector<16xi32> -> vector<16xf32>
          %parallel_loop3A_1425 = tpu.bitcast %parallel_loop3A_1305 : vector<16xi32> -> vector<16xf32>
          %parallel_loop3A_1426 = tpu.bitcast %parallel_loop3A_1311 : vector<16xi32> -> vector<16xf32>
          %parallel_loop3A_1427 = tpu.bitcast %parallel_loop3A_1317 : vector<16xi32> -> vector<16xf32>
          %parallel_loop3A_1428 = tpu.bitcast %parallel_loop3A_1323 : vector<16xi32> -> vector<16xf32>
          %parallel_loop3A_1429 = tpu.bitcast %parallel_loop3A_1329 : vector<16xi32> -> vector<16xf32>
          %parallel_loop3A_1430 = tpu.bitcast %parallel_loop3A_1335 : vector<16xi32> -> vector<16xf32>
          %parallel_loop3A_1431 = tpu.bitcast %parallel_loop3A_1341 : vector<16xi32> -> vector<16xf32>
          %parallel_loop3A_1432 = tpu.bitcast %parallel_loop3A_1347 : vector<16xi32> -> vector<16xf32>
          %parallel_loop3A_1433 = tpu.bitcast %parallel_loop3A_1353 : vector<16xi32> -> vector<16xf32>
          %parallel_loop3A_1434 = arith.addf %parallel_loop3A_1357, %parallel_loop3A_1361 : vector<16xf32>
          %parallel_loop3A_1435 = arith.addf %parallel_loop3A_1365, %parallel_loop3A_1369 : vector<16xf32>
          %parallel_loop3A_1436 = arith.addf %parallel_loop3A_1373, %parallel_loop3A_1377 : vector<16xf32>
          %parallel_loop3A_1437 = arith.addf %parallel_loop3A_1381, %parallel_loop3A_1385 : vector<16xf32>
          %parallel_loop3A_1438 = arith.addf %parallel_loop3A_1389, %parallel_loop3A_1393 : vector<16xf32>
          %parallel_loop3A_1439 = arith.addf %parallel_loop3A_1397, %parallel_loop3A_1401 : vector<16xf32>
          %parallel_loop3A_1440 = arith.addf %parallel_loop3A_1405, %parallel_loop3A_1409 : vector<16xf32>
          %parallel_loop3A_1441 = arith.addf %parallel_loop3A_1413, %parallel_loop3A_1417 : vector<16xf32>
          %parallel_loop3A_1442 = arith.addf %parallel_loop3A_1418, %parallel_loop3A_1419 : vector<16xf32>
          %parallel_loop3A_1443 = arith.addf %parallel_loop3A_1420, %parallel_loop3A_1421 : vector<16xf32>
          %parallel_loop3A_1444 = arith.addf %parallel_loop3A_1422, %parallel_loop3A_1423 : vector<16xf32>
          %parallel_loop3A_1445 = arith.addf %parallel_loop3A_1424, %parallel_loop3A_1425 : vector<16xf32>
          %parallel_loop3A_1446 = arith.addf %parallel_loop3A_1426, %parallel_loop3A_1427 : vector<16xf32>
          %parallel_loop3A_1447 = arith.addf %parallel_loop3A_1428, %parallel_loop3A_1429 : vector<16xf32>
          %parallel_loop3A_1448 = arith.addf %parallel_loop3A_1430, %parallel_loop3A_1431 : vector<16xf32>
          %parallel_loop3A_1449 = arith.addf %parallel_loop3A_1432, %parallel_loop3A_1433 : vector<16xf32>
          %parallel_loop3A_1450 = arith.addf %parallel_loop3A_1434, %parallel_loop3A_1435 : vector<16xf32>
          %parallel_loop3A_1451 = arith.addf %parallel_loop3A_1436, %parallel_loop3A_1437 : vector<16xf32>
          %parallel_loop3A_1452 = arith.addf %parallel_loop3A_1438, %parallel_loop3A_1439 : vector<16xf32>
          %parallel_loop3A_1453 = arith.addf %parallel_loop3A_1440, %parallel_loop3A_1441 : vector<16xf32>
          %parallel_loop3A_1454 = arith.addf %parallel_loop3A_1442, %parallel_loop3A_1443 : vector<16xf32>
          %parallel_loop3A_1455 = arith.addf %parallel_loop3A_1444, %parallel_loop3A_1445 : vector<16xf32>
          %parallel_loop3A_1456 = arith.addf %parallel_loop3A_1446, %parallel_loop3A_1447 : vector<16xf32>
          %parallel_loop3A_1457 = arith.addf %parallel_loop3A_1448, %parallel_loop3A_1449 : vector<16xf32>
          %parallel_loop3A_1458 = arith.addf %parallel_loop3A_1450, %parallel_loop3A_1451 : vector<16xf32>
          %parallel_loop3A_1459 = arith.addf %parallel_loop3A_1452, %parallel_loop3A_1453 : vector<16xf32>
          %parallel_loop3A_1460 = arith.addf %parallel_loop3A_1454, %parallel_loop3A_1455 : vector<16xf32>
          %parallel_loop3A_1461 = arith.addf %parallel_loop3A_1456, %parallel_loop3A_1457 : vector<16xf32>
          %parallel_loop3A_1462 = arith.addf %parallel_loop3A_1458, %parallel_loop3A_1459 : vector<16xf32>
          %parallel_loop3A_1463 = arith.addf %parallel_loop3A_1460, %parallel_loop3A_1461 : vector<16xf32>
          %parallel_loop3A_1464 = arith.index_cast %parallel_loop3A_175 : i32 to index
          %parallel_loop3A_1465 = arith.constant 80 : index
          %parallel_loop3A_1466 = tpu.vector_load %arg9[%parallel_loop3A_1464, %parallel_loop3A_1465] {strides = array<i32>} : memref<8x256xf32, #tpu.memory_space<vmem>>, vector<1x16xf32>,
          %parallel_loop3A_1467 = vector.shape_cast %parallel_loop3A_1466 : vector<1x16xf32> to vector<16xf32>
          %parallel_loop3A_1468 = vector.shape_cast %parallel_loop3A_1462 : vector<16xf32> to vector<1x16xf32>
          tpu.vector_store %arg9[%parallel_loop3A_1464, %parallel_loop3A_1465], %parallel_loop3A_1468 {strides = array<i32>} : memref<8x256xf32, #tpu.memory_space<vmem>>, vector<1x16xf32>,
          %parallel_loop3A_1469 = arith.index_cast %parallel_loop3A_175 : i32 to index
          %parallel_loop3A_1470 = arith.constant 208 : index
          %parallel_loop3A_1471 = tpu.vector_load %arg9[%parallel_loop3A_1469, %parallel_loop3A_1470] {strides = array<i32>} : memref<8x256xf32, #tpu.memory_space<vmem>>, vector<1x16xf32>,
          %parallel_loop3A_1472 = vector.shape_cast %parallel_loop3A_1471 : vector<1x16xf32> to vector<16xf32>
          %parallel_loop3A_1473 = vector.shape_cast %parallel_loop3A_1463 : vector<16xf32> to vector<1x16xf32>
          tpu.vector_store %arg9[%parallel_loop3A_1469, %parallel_loop3A_1470], %parallel_loop3A_1473 {strides = array<i32>} : memref<8x256xf32, #tpu.memory_space<vmem>>, vector<1x16xf32>,
          %parallel_loop3A_1474 = arith.constant 0 : i32
          %parallel_loop3A_1475 = arith.addi %parallel_loop3A_177, %parallel_loop3A_1474 : i32
          %parallel_loop3A_1476 = arith.index_cast %parallel_loop3A_1475 : i32 to index
          %parallel_loop3A_1477 = arith.constant 96 : index
          %parallel_loop3A_1478 = tpu.vector_load %arg7[%parallel_loop3A_1476, %parallel_loop3A_1477] {strides = array<i32>} : memref<128x128xi32, #tpu.memory_space<vmem>>, vector<1x16xi32>,
          %parallel_loop3A_1479 = vector.shape_cast %parallel_loop3A_1478 : vector<1x16xi32> to vector<16xi32>
          %parallel_loop3A_1480 = arith.constant 1 : i32
          %parallel_loop3A_1481 = arith.addi %parallel_loop3A_177, %parallel_loop3A_1480 : i32
          %parallel_loop3A_1482 = arith.index_cast %parallel_loop3A_1481 : i32 to index
          %parallel_loop3A_1483 = arith.constant 96 : index
          %parallel_loop3A_1484 = tpu.vector_load %arg7[%parallel_loop3A_1482, %parallel_loop3A_1483] {strides = array<i32>} : memref<128x128xi32, #tpu.memory_space<vmem>>, vector<1x16xi32>,
          %parallel_loop3A_1485 = vector.shape_cast %parallel_loop3A_1484 : vector<1x16xi32> to vector<16xi32>
          %parallel_loop3A_1486 = arith.constant 2 : i32
          %parallel_loop3A_1487 = arith.addi %parallel_loop3A_177, %parallel_loop3A_1486 : i32
          %parallel_loop3A_1488 = arith.index_cast %parallel_loop3A_1487 : i32 to index
          %parallel_loop3A_1489 = arith.constant 96 : index
          %parallel_loop3A_1490 = tpu.vector_load %arg7[%parallel_loop3A_1488, %parallel_loop3A_1489] {strides = array<i32>} : memref<128x128xi32, #tpu.memory_space<vmem>>, vector<1x16xi32>,
          %parallel_loop3A_1491 = vector.shape_cast %parallel_loop3A_1490 : vector<1x16xi32> to vector<16xi32>
          %parallel_loop3A_1492 = arith.constant 3 : i32
          %parallel_loop3A_1493 = arith.addi %parallel_loop3A_177, %parallel_loop3A_1492 : i32
          %parallel_loop3A_1494 = arith.index_cast %parallel_loop3A_1493 : i32 to index
          %parallel_loop3A_1495 = arith.constant 96 : index
          %parallel_loop3A_1496 = tpu.vector_load %arg7[%parallel_loop3A_1494, %parallel_loop3A_1495] {strides = array<i32>} : memref<128x128xi32, #tpu.memory_space<vmem>>, vector<1x16xi32>,
          %parallel_loop3A_1497 = vector.shape_cast %parallel_loop3A_1496 : vector<1x16xi32> to vector<16xi32>
          %parallel_loop3A_1498 = arith.constant 4 : i32
          %parallel_loop3A_1499 = arith.addi %parallel_loop3A_177, %parallel_loop3A_1498 : i32
          %parallel_loop3A_1500 = arith.index_cast %parallel_loop3A_1499 : i32 to index
          %parallel_loop3A_1501 = arith.constant 96 : index
          %parallel_loop3A_1502 = tpu.vector_load %arg7[%parallel_loop3A_1500, %parallel_loop3A_1501] {strides = array<i32>} : memref<128x128xi32, #tpu.memory_space<vmem>>, vector<1x16xi32>,
          %parallel_loop3A_1503 = vector.shape_cast %parallel_loop3A_1502 : vector<1x16xi32> to vector<16xi32>
          %parallel_loop3A_1504 = arith.constant 5 : i32
          %parallel_loop3A_1505 = arith.addi %parallel_loop3A_177, %parallel_loop3A_1504 : i32
          %parallel_loop3A_1506 = arith.index_cast %parallel_loop3A_1505 : i32 to index
          %parallel_loop3A_1507 = arith.constant 96 : index
          %parallel_loop3A_1508 = tpu.vector_load %arg7[%parallel_loop3A_1506, %parallel_loop3A_1507] {strides = array<i32>} : memref<128x128xi32, #tpu.memory_space<vmem>>, vector<1x16xi32>,
          %parallel_loop3A_1509 = vector.shape_cast %parallel_loop3A_1508 : vector<1x16xi32> to vector<16xi32>
          %parallel_loop3A_1510 = arith.constant 6 : i32
          %parallel_loop3A_1511 = arith.addi %parallel_loop3A_177, %parallel_loop3A_1510 : i32
          %parallel_loop3A_1512 = arith.index_cast %parallel_loop3A_1511 : i32 to index
          %parallel_loop3A_1513 = arith.constant 96 : index
          %parallel_loop3A_1514 = tpu.vector_load %arg7[%parallel_loop3A_1512, %parallel_loop3A_1513] {strides = array<i32>} : memref<128x128xi32, #tpu.memory_space<vmem>>, vector<1x16xi32>,
          %parallel_loop3A_1515 = vector.shape_cast %parallel_loop3A_1514 : vector<1x16xi32> to vector<16xi32>
          %parallel_loop3A_1516 = arith.constant 7 : i32
          %parallel_loop3A_1517 = arith.addi %parallel_loop3A_177, %parallel_loop3A_1516 : i32
          %parallel_loop3A_1518 = arith.index_cast %parallel_loop3A_1517 : i32 to index
          %parallel_loop3A_1519 = arith.constant 96 : index
          %parallel_loop3A_1520 = tpu.vector_load %arg7[%parallel_loop3A_1518, %parallel_loop3A_1519] {strides = array<i32>} : memref<128x128xi32, #tpu.memory_space<vmem>>, vector<1x16xi32>,
          %parallel_loop3A_1521 = vector.shape_cast %parallel_loop3A_1520 : vector<1x16xi32> to vector<16xi32>
          %parallel_loop3A_1522 = arith.constant 8 : i32
          %parallel_loop3A_1523 = arith.addi %parallel_loop3A_177, %parallel_loop3A_1522 : i32
          %parallel_loop3A_1524 = arith.index_cast %parallel_loop3A_1523 : i32 to index
          %parallel_loop3A_1525 = arith.constant 96 : index
          %parallel_loop3A_1526 = tpu.vector_load %arg7[%parallel_loop3A_1524, %parallel_loop3A_1525] {strides = array<i32>} : memref<128x128xi32, #tpu.memory_space<vmem>>, vector<1x16xi32>,
          %parallel_loop3A_1527 = vector.shape_cast %parallel_loop3A_1526 : vector<1x16xi32> to vector<16xi32>
          %parallel_loop3A_1528 = arith.constant 9 : i32
          %parallel_loop3A_1529 = arith.addi %parallel_loop3A_177, %parallel_loop3A_1528 : i32
          %parallel_loop3A_1530 = arith.index_cast %parallel_loop3A_1529 : i32 to index
          %parallel_loop3A_1531 = arith.constant 96 : index
          %parallel_loop3A_1532 = tpu.vector_load %arg7[%parallel_loop3A_1530, %parallel_loop3A_1531] {strides = array<i32>} : memref<128x128xi32, #tpu.memory_space<vmem>>, vector<1x16xi32>,
          %parallel_loop3A_1533 = vector.shape_cast %parallel_loop3A_1532 : vector<1x16xi32> to vector<16xi32>
          %parallel_loop3A_1534 = arith.constant 10 : i32
          %parallel_loop3A_1535 = arith.addi %parallel_loop3A_177, %parallel_loop3A_1534 : i32
          %parallel_loop3A_1536 = arith.index_cast %parallel_loop3A_1535 : i32 to index
          %parallel_loop3A_1537 = arith.constant 96 : index
          %parallel_loop3A_1538 = tpu.vector_load %arg7[%parallel_loop3A_1536, %parallel_loop3A_1537] {strides = array<i32>} : memref<128x128xi32, #tpu.memory_space<vmem>>, vector<1x16xi32>,
          %parallel_loop3A_1539 = vector.shape_cast %parallel_loop3A_1538 : vector<1x16xi32> to vector<16xi32>
          %parallel_loop3A_1540 = arith.constant 11 : i32
          %parallel_loop3A_1541 = arith.addi %parallel_loop3A_177, %parallel_loop3A_1540 : i32
          %parallel_loop3A_1542 = arith.index_cast %parallel_loop3A_1541 : i32 to index
          %parallel_loop3A_1543 = arith.constant 96 : index
          %parallel_loop3A_1544 = tpu.vector_load %arg7[%parallel_loop3A_1542, %parallel_loop3A_1543] {strides = array<i32>} : memref<128x128xi32, #tpu.memory_space<vmem>>, vector<1x16xi32>,
          %parallel_loop3A_1545 = vector.shape_cast %parallel_loop3A_1544 : vector<1x16xi32> to vector<16xi32>
          %parallel_loop3A_1546 = arith.constant 12 : i32
          %parallel_loop3A_1547 = arith.addi %parallel_loop3A_177, %parallel_loop3A_1546 : i32
          %parallel_loop3A_1548 = arith.index_cast %parallel_loop3A_1547 : i32 to index
          %parallel_loop3A_1549 = arith.constant 96 : index
          %parallel_loop3A_1550 = tpu.vector_load %arg7[%parallel_loop3A_1548, %parallel_loop3A_1549] {strides = array<i32>} : memref<128x128xi32, #tpu.memory_space<vmem>>, vector<1x16xi32>,
          %parallel_loop3A_1551 = vector.shape_cast %parallel_loop3A_1550 : vector<1x16xi32> to vector<16xi32>
          %parallel_loop3A_1552 = arith.constant 13 : i32
          %parallel_loop3A_1553 = arith.addi %parallel_loop3A_177, %parallel_loop3A_1552 : i32
          %parallel_loop3A_1554 = arith.index_cast %parallel_loop3A_1553 : i32 to index
          %parallel_loop3A_1555 = arith.constant 96 : index
          %parallel_loop3A_1556 = tpu.vector_load %arg7[%parallel_loop3A_1554, %parallel_loop3A_1555] {strides = array<i32>} : memref<128x128xi32, #tpu.memory_space<vmem>>, vector<1x16xi32>,
          %parallel_loop3A_1557 = vector.shape_cast %parallel_loop3A_1556 : vector<1x16xi32> to vector<16xi32>
          %parallel_loop3A_1558 = arith.constant 14 : i32
          %parallel_loop3A_1559 = arith.addi %parallel_loop3A_177, %parallel_loop3A_1558 : i32
          %parallel_loop3A_1560 = arith.index_cast %parallel_loop3A_1559 : i32 to index
          %parallel_loop3A_1561 = arith.constant 96 : index
          %parallel_loop3A_1562 = tpu.vector_load %arg7[%parallel_loop3A_1560, %parallel_loop3A_1561] {strides = array<i32>} : memref<128x128xi32, #tpu.memory_space<vmem>>, vector<1x16xi32>,
          %parallel_loop3A_1563 = vector.shape_cast %parallel_loop3A_1562 : vector<1x16xi32> to vector<16xi32>
          %parallel_loop3A_1564 = arith.constant 15 : i32
          %parallel_loop3A_1565 = arith.addi %parallel_loop3A_177, %parallel_loop3A_1564 : i32
          %parallel_loop3A_1566 = arith.index_cast %parallel_loop3A_1565 : i32 to index
          %parallel_loop3A_1567 = arith.constant 96 : index
          %parallel_loop3A_1568 = tpu.vector_load %arg7[%parallel_loop3A_1566, %parallel_loop3A_1567] {strides = array<i32>} : memref<128x128xi32, #tpu.memory_space<vmem>>, vector<1x16xi32>,
          %parallel_loop3A_1569 = vector.shape_cast %parallel_loop3A_1568 : vector<1x16xi32> to vector<16xi32>
          %parallel_loop3A_1570 = arith.constant 16 : i32
          %parallel_loop3A_1571 = vector.broadcast %parallel_loop3A_1570 : i32 to vector<16xi32>
          %parallel_loop3A_1572 = arith.shli %parallel_loop3A_1479, %parallel_loop3A_1571 : vector<16xi32>
          %parallel_loop3A_1573 = tpu.bitcast %parallel_loop3A_1572 : vector<16xi32> -> vector<16xf32>
          %parallel_loop3A_1574 = arith.constant 16 : i32
          %parallel_loop3A_1575 = vector.broadcast %parallel_loop3A_1574 : i32 to vector<16xi32>
          %parallel_loop3A_1576 = arith.shli %parallel_loop3A_1485, %parallel_loop3A_1575 : vector<16xi32>
          %parallel_loop3A_1577 = tpu.bitcast %parallel_loop3A_1576 : vector<16xi32> -> vector<16xf32>
          %parallel_loop3A_1578 = arith.constant 16 : i32
          %parallel_loop3A_1579 = vector.broadcast %parallel_loop3A_1578 : i32 to vector<16xi32>
          %parallel_loop3A_1580 = arith.shli %parallel_loop3A_1491, %parallel_loop3A_1579 : vector<16xi32>
          %parallel_loop3A_1581 = tpu.bitcast %parallel_loop3A_1580 : vector<16xi32> -> vector<16xf32>
          %parallel_loop3A_1582 = arith.constant 16 : i32
          %parallel_loop3A_1583 = vector.broadcast %parallel_loop3A_1582 : i32 to vector<16xi32>
          %parallel_loop3A_1584 = arith.shli %parallel_loop3A_1497, %parallel_loop3A_1583 : vector<16xi32>
          %parallel_loop3A_1585 = tpu.bitcast %parallel_loop3A_1584 : vector<16xi32> -> vector<16xf32>
          %parallel_loop3A_1586 = arith.constant 16 : i32
          %parallel_loop3A_1587 = vector.broadcast %parallel_loop3A_1586 : i32 to vector<16xi32>
          %parallel_loop3A_1588 = arith.shli %parallel_loop3A_1503, %parallel_loop3A_1587 : vector<16xi32>
          %parallel_loop3A_1589 = tpu.bitcast %parallel_loop3A_1588 : vector<16xi32> -> vector<16xf32>
          %parallel_loop3A_1590 = arith.constant 16 : i32
          %parallel_loop3A_1591 = vector.broadcast %parallel_loop3A_1590 : i32 to vector<16xi32>
          %parallel_loop3A_1592 = arith.shli %parallel_loop3A_1509, %parallel_loop3A_1591 : vector<16xi32>
          %parallel_loop3A_1593 = tpu.bitcast %parallel_loop3A_1592 : vector<16xi32> -> vector<16xf32>
          %parallel_loop3A_1594 = arith.constant 16 : i32
          %parallel_loop3A_1595 = vector.broadcast %parallel_loop3A_1594 : i32 to vector<16xi32>
          %parallel_loop3A_1596 = arith.shli %parallel_loop3A_1515, %parallel_loop3A_1595 : vector<16xi32>
          %parallel_loop3A_1597 = tpu.bitcast %parallel_loop3A_1596 : vector<16xi32> -> vector<16xf32>
          %parallel_loop3A_1598 = arith.constant 16 : i32
          %parallel_loop3A_1599 = vector.broadcast %parallel_loop3A_1598 : i32 to vector<16xi32>
          %parallel_loop3A_1600 = arith.shli %parallel_loop3A_1521, %parallel_loop3A_1599 : vector<16xi32>
          %parallel_loop3A_1601 = tpu.bitcast %parallel_loop3A_1600 : vector<16xi32> -> vector<16xf32>
          %parallel_loop3A_1602 = arith.constant 16 : i32
          %parallel_loop3A_1603 = vector.broadcast %parallel_loop3A_1602 : i32 to vector<16xi32>
          %parallel_loop3A_1604 = arith.shli %parallel_loop3A_1527, %parallel_loop3A_1603 : vector<16xi32>
          %parallel_loop3A_1605 = tpu.bitcast %parallel_loop3A_1604 : vector<16xi32> -> vector<16xf32>
          %parallel_loop3A_1606 = arith.constant 16 : i32
          %parallel_loop3A_1607 = vector.broadcast %parallel_loop3A_1606 : i32 to vector<16xi32>
          %parallel_loop3A_1608 = arith.shli %parallel_loop3A_1533, %parallel_loop3A_1607 : vector<16xi32>
          %parallel_loop3A_1609 = tpu.bitcast %parallel_loop3A_1608 : vector<16xi32> -> vector<16xf32>
          %parallel_loop3A_1610 = arith.constant 16 : i32
          %parallel_loop3A_1611 = vector.broadcast %parallel_loop3A_1610 : i32 to vector<16xi32>
          %parallel_loop3A_1612 = arith.shli %parallel_loop3A_1539, %parallel_loop3A_1611 : vector<16xi32>
          %parallel_loop3A_1613 = tpu.bitcast %parallel_loop3A_1612 : vector<16xi32> -> vector<16xf32>
          %parallel_loop3A_1614 = arith.constant 16 : i32
          %parallel_loop3A_1615 = vector.broadcast %parallel_loop3A_1614 : i32 to vector<16xi32>
          %parallel_loop3A_1616 = arith.shli %parallel_loop3A_1545, %parallel_loop3A_1615 : vector<16xi32>
          %parallel_loop3A_1617 = tpu.bitcast %parallel_loop3A_1616 : vector<16xi32> -> vector<16xf32>
          %parallel_loop3A_1618 = arith.constant 16 : i32
          %parallel_loop3A_1619 = vector.broadcast %parallel_loop3A_1618 : i32 to vector<16xi32>
          %parallel_loop3A_1620 = arith.shli %parallel_loop3A_1551, %parallel_loop3A_1619 : vector<16xi32>
          %parallel_loop3A_1621 = tpu.bitcast %parallel_loop3A_1620 : vector<16xi32> -> vector<16xf32>
          %parallel_loop3A_1622 = arith.constant 16 : i32
          %parallel_loop3A_1623 = vector.broadcast %parallel_loop3A_1622 : i32 to vector<16xi32>
          %parallel_loop3A_1624 = arith.shli %parallel_loop3A_1557, %parallel_loop3A_1623 : vector<16xi32>
          %parallel_loop3A_1625 = tpu.bitcast %parallel_loop3A_1624 : vector<16xi32> -> vector<16xf32>
          %parallel_loop3A_1626 = arith.constant 16 : i32
          %parallel_loop3A_1627 = vector.broadcast %parallel_loop3A_1626 : i32 to vector<16xi32>
          %parallel_loop3A_1628 = arith.shli %parallel_loop3A_1563, %parallel_loop3A_1627 : vector<16xi32>
          %parallel_loop3A_1629 = tpu.bitcast %parallel_loop3A_1628 : vector<16xi32> -> vector<16xf32>
          %parallel_loop3A_1630 = arith.constant 16 : i32
          %parallel_loop3A_1631 = vector.broadcast %parallel_loop3A_1630 : i32 to vector<16xi32>
          %parallel_loop3A_1632 = arith.shli %parallel_loop3A_1569, %parallel_loop3A_1631 : vector<16xi32>
          %parallel_loop3A_1633 = tpu.bitcast %parallel_loop3A_1632 : vector<16xi32> -> vector<16xf32>
          %parallel_loop3A_1634 = tpu.bitcast %parallel_loop3A_1479 : vector<16xi32> -> vector<16xf32>
          %parallel_loop3A_1635 = tpu.bitcast %parallel_loop3A_1485 : vector<16xi32> -> vector<16xf32>
          %parallel_loop3A_1636 = tpu.bitcast %parallel_loop3A_1491 : vector<16xi32> -> vector<16xf32>
          %parallel_loop3A_1637 = tpu.bitcast %parallel_loop3A_1497 : vector<16xi32> -> vector<16xf32>
          %parallel_loop3A_1638 = tpu.bitcast %parallel_loop3A_1503 : vector<16xi32> -> vector<16xf32>
          %parallel_loop3A_1639 = tpu.bitcast %parallel_loop3A_1509 : vector<16xi32> -> vector<16xf32>
          %parallel_loop3A_1640 = tpu.bitcast %parallel_loop3A_1515 : vector<16xi32> -> vector<16xf32>
          %parallel_loop3A_1641 = tpu.bitcast %parallel_loop3A_1521 : vector<16xi32> -> vector<16xf32>
          %parallel_loop3A_1642 = tpu.bitcast %parallel_loop3A_1527 : vector<16xi32> -> vector<16xf32>
          %parallel_loop3A_1643 = tpu.bitcast %parallel_loop3A_1533 : vector<16xi32> -> vector<16xf32>
          %parallel_loop3A_1644 = tpu.bitcast %parallel_loop3A_1539 : vector<16xi32> -> vector<16xf32>
          %parallel_loop3A_1645 = tpu.bitcast %parallel_loop3A_1545 : vector<16xi32> -> vector<16xf32>
          %parallel_loop3A_1646 = tpu.bitcast %parallel_loop3A_1551 : vector<16xi32> -> vector<16xf32>
          %parallel_loop3A_1647 = tpu.bitcast %parallel_loop3A_1557 : vector<16xi32> -> vector<16xf32>
          %parallel_loop3A_1648 = tpu.bitcast %parallel_loop3A_1563 : vector<16xi32> -> vector<16xf32>
          %parallel_loop3A_1649 = tpu.bitcast %parallel_loop3A_1569 : vector<16xi32> -> vector<16xf32>
          %parallel_loop3A_1650 = arith.addf %parallel_loop3A_1573, %parallel_loop3A_1577 : vector<16xf32>
          %parallel_loop3A_1651 = arith.addf %parallel_loop3A_1581, %parallel_loop3A_1585 : vector<16xf32>
          %parallel_loop3A_1652 = arith.addf %parallel_loop3A_1589, %parallel_loop3A_1593 : vector<16xf32>
          %parallel_loop3A_1653 = arith.addf %parallel_loop3A_1597, %parallel_loop3A_1601 : vector<16xf32>
          %parallel_loop3A_1654 = arith.addf %parallel_loop3A_1605, %parallel_loop3A_1609 : vector<16xf32>
          %parallel_loop3A_1655 = arith.addf %parallel_loop3A_1613, %parallel_loop3A_1617 : vector<16xf32>
          %parallel_loop3A_1656 = arith.addf %parallel_loop3A_1621, %parallel_loop3A_1625 : vector<16xf32>
          %parallel_loop3A_1657 = arith.addf %parallel_loop3A_1629, %parallel_loop3A_1633 : vector<16xf32>
          %parallel_loop3A_1658 = arith.addf %parallel_loop3A_1634, %parallel_loop3A_1635 : vector<16xf32>
          %parallel_loop3A_1659 = arith.addf %parallel_loop3A_1636, %parallel_loop3A_1637 : vector<16xf32>
          %parallel_loop3A_1660 = arith.addf %parallel_loop3A_1638, %parallel_loop3A_1639 : vector<16xf32>
          %parallel_loop3A_1661 = arith.addf %parallel_loop3A_1640, %parallel_loop3A_1641 : vector<16xf32>
          %parallel_loop3A_1662 = arith.addf %parallel_loop3A_1642, %parallel_loop3A_1643 : vector<16xf32>
          %parallel_loop3A_1663 = arith.addf %parallel_loop3A_1644, %parallel_loop3A_1645 : vector<16xf32>
          %parallel_loop3A_1664 = arith.addf %parallel_loop3A_1646, %parallel_loop3A_1647 : vector<16xf32>
          %parallel_loop3A_1665 = arith.addf %parallel_loop3A_1648, %parallel_loop3A_1649 : vector<16xf32>
          %parallel_loop3A_1666 = arith.addf %parallel_loop3A_1650, %parallel_loop3A_1651 : vector<16xf32>
          %parallel_loop3A_1667 = arith.addf %parallel_loop3A_1652, %parallel_loop3A_1653 : vector<16xf32>
          %parallel_loop3A_1668 = arith.addf %parallel_loop3A_1654, %parallel_loop3A_1655 : vector<16xf32>
          %parallel_loop3A_1669 = arith.addf %parallel_loop3A_1656, %parallel_loop3A_1657 : vector<16xf32>
          %parallel_loop3A_1670 = arith.addf %parallel_loop3A_1658, %parallel_loop3A_1659 : vector<16xf32>
          %parallel_loop3A_1671 = arith.addf %parallel_loop3A_1660, %parallel_loop3A_1661 : vector<16xf32>
          %parallel_loop3A_1672 = arith.addf %parallel_loop3A_1662, %parallel_loop3A_1663 : vector<16xf32>
          %parallel_loop3A_1673 = arith.addf %parallel_loop3A_1664, %parallel_loop3A_1665 : vector<16xf32>
          %parallel_loop3A_1674 = arith.addf %parallel_loop3A_1666, %parallel_loop3A_1667 : vector<16xf32>
          %parallel_loop3A_1675 = arith.addf %parallel_loop3A_1668, %parallel_loop3A_1669 : vector<16xf32>
          %parallel_loop3A_1676 = arith.addf %parallel_loop3A_1670, %parallel_loop3A_1671 : vector<16xf32>
          %parallel_loop3A_1677 = arith.addf %parallel_loop3A_1672, %parallel_loop3A_1673 : vector<16xf32>
          %parallel_loop3A_1678 = arith.addf %parallel_loop3A_1674, %parallel_loop3A_1675 : vector<16xf32>
          %parallel_loop3A_1679 = arith.addf %parallel_loop3A_1676, %parallel_loop3A_1677 : vector<16xf32>
          %parallel_loop3A_1680 = arith.index_cast %parallel_loop3A_175 : i32 to index
          %parallel_loop3A_1681 = arith.constant 96 : index
          %parallel_loop3A_1682 = tpu.vector_load %arg9[%parallel_loop3A_1680, %parallel_loop3A_1681] {strides = array<i32>} : memref<8x256xf32, #tpu.memory_space<vmem>>, vector<1x16xf32>,
          %parallel_loop3A_1683 = vector.shape_cast %parallel_loop3A_1682 : vector<1x16xf32> to vector<16xf32>
          %parallel_loop3A_1684 = vector.shape_cast %parallel_loop3A_1678 : vector<16xf32> to vector<1x16xf32>
          tpu.vector_store %arg9[%parallel_loop3A_1680, %parallel_loop3A_1681], %parallel_loop3A_1684 {strides = array<i32>} : memref<8x256xf32, #tpu.memory_space<vmem>>, vector<1x16xf32>,
          %parallel_loop3A_1685 = arith.index_cast %parallel_loop3A_175 : i32 to index
          %parallel_loop3A_1686 = arith.constant 224 : index
          %parallel_loop3A_1687 = tpu.vector_load %arg9[%parallel_loop3A_1685, %parallel_loop3A_1686] {strides = array<i32>} : memref<8x256xf32, #tpu.memory_space<vmem>>, vector<1x16xf32>,
          %parallel_loop3A_1688 = vector.shape_cast %parallel_loop3A_1687 : vector<1x16xf32> to vector<16xf32>
          %parallel_loop3A_1689 = vector.shape_cast %parallel_loop3A_1679 : vector<16xf32> to vector<1x16xf32>
          tpu.vector_store %arg9[%parallel_loop3A_1685, %parallel_loop3A_1686], %parallel_loop3A_1689 {strides = array<i32>} : memref<8x256xf32, #tpu.memory_space<vmem>>, vector<1x16xf32>,
          %parallel_loop3A_1690 = arith.constant 0 : i32
          %parallel_loop3A_1691 = arith.addi %parallel_loop3A_177, %parallel_loop3A_1690 : i32
          %parallel_loop3A_1692 = arith.index_cast %parallel_loop3A_1691 : i32 to index
          %parallel_loop3A_1693 = arith.constant 112 : index
          %parallel_loop3A_1694 = tpu.vector_load %arg7[%parallel_loop3A_1692, %parallel_loop3A_1693] {strides = array<i32>} : memref<128x128xi32, #tpu.memory_space<vmem>>, vector<1x16xi32>,
          %parallel_loop3A_1695 = vector.shape_cast %parallel_loop3A_1694 : vector<1x16xi32> to vector<16xi32>
          %parallel_loop3A_1696 = arith.constant 1 : i32
          %parallel_loop3A_1697 = arith.addi %parallel_loop3A_177, %parallel_loop3A_1696 : i32
          %parallel_loop3A_1698 = arith.index_cast %parallel_loop3A_1697 : i32 to index
          %parallel_loop3A_1699 = arith.constant 112 : index
          %parallel_loop3A_1700 = tpu.vector_load %arg7[%parallel_loop3A_1698, %parallel_loop3A_1699] {strides = array<i32>} : memref<128x128xi32, #tpu.memory_space<vmem>>, vector<1x16xi32>,
          %parallel_loop3A_1701 = vector.shape_cast %parallel_loop3A_1700 : vector<1x16xi32> to vector<16xi32>
          %parallel_loop3A_1702 = arith.constant 2 : i32
          %parallel_loop3A_1703 = arith.addi %parallel_loop3A_177, %parallel_loop3A_1702 : i32
          %parallel_loop3A_1704 = arith.index_cast %parallel_loop3A_1703 : i32 to index
          %parallel_loop3A_1705 = arith.constant 112 : index
          %parallel_loop3A_1706 = tpu.vector_load %arg7[%parallel_loop3A_1704, %parallel_loop3A_1705] {strides = array<i32>} : memref<128x128xi32, #tpu.memory_space<vmem>>, vector<1x16xi32>,
          %parallel_loop3A_1707 = vector.shape_cast %parallel_loop3A_1706 : vector<1x16xi32> to vector<16xi32>
          %parallel_loop3A_1708 = arith.constant 3 : i32
          %parallel_loop3A_1709 = arith.addi %parallel_loop3A_177, %parallel_loop3A_1708 : i32
          %parallel_loop3A_1710 = arith.index_cast %parallel_loop3A_1709 : i32 to index
          %parallel_loop3A_1711 = arith.constant 112 : index
          %parallel_loop3A_1712 = tpu.vector_load %arg7[%parallel_loop3A_1710, %parallel_loop3A_1711] {strides = array<i32>} : memref<128x128xi32, #tpu.memory_space<vmem>>, vector<1x16xi32>,
          %parallel_loop3A_1713 = vector.shape_cast %parallel_loop3A_1712 : vector<1x16xi32> to vector<16xi32>
          %parallel_loop3A_1714 = arith.constant 4 : i32
          %parallel_loop3A_1715 = arith.addi %parallel_loop3A_177, %parallel_loop3A_1714 : i32
          %parallel_loop3A_1716 = arith.index_cast %parallel_loop3A_1715 : i32 to index
          %parallel_loop3A_1717 = arith.constant 112 : index
          %parallel_loop3A_1718 = tpu.vector_load %arg7[%parallel_loop3A_1716, %parallel_loop3A_1717] {strides = array<i32>} : memref<128x128xi32, #tpu.memory_space<vmem>>, vector<1x16xi32>,
          %parallel_loop3A_1719 = vector.shape_cast %parallel_loop3A_1718 : vector<1x16xi32> to vector<16xi32>
          %parallel_loop3A_1720 = arith.constant 5 : i32
          %parallel_loop3A_1721 = arith.addi %parallel_loop3A_177, %parallel_loop3A_1720 : i32
          %parallel_loop3A_1722 = arith.index_cast %parallel_loop3A_1721 : i32 to index
          %parallel_loop3A_1723 = arith.constant 112 : index
          %parallel_loop3A_1724 = tpu.vector_load %arg7[%parallel_loop3A_1722, %parallel_loop3A_1723] {strides = array<i32>} : memref<128x128xi32, #tpu.memory_space<vmem>>, vector<1x16xi32>,
          %parallel_loop3A_1725 = vector.shape_cast %parallel_loop3A_1724 : vector<1x16xi32> to vector<16xi32>
          %parallel_loop3A_1726 = arith.constant 6 : i32
          %parallel_loop3A_1727 = arith.addi %parallel_loop3A_177, %parallel_loop3A_1726 : i32
          %parallel_loop3A_1728 = arith.index_cast %parallel_loop3A_1727 : i32 to index
          %parallel_loop3A_1729 = arith.constant 112 : index
          %parallel_loop3A_1730 = tpu.vector_load %arg7[%parallel_loop3A_1728, %parallel_loop3A_1729] {strides = array<i32>} : memref<128x128xi32, #tpu.memory_space<vmem>>, vector<1x16xi32>,
          %parallel_loop3A_1731 = vector.shape_cast %parallel_loop3A_1730 : vector<1x16xi32> to vector<16xi32>
          %parallel_loop3A_1732 = arith.constant 7 : i32
          %parallel_loop3A_1733 = arith.addi %parallel_loop3A_177, %parallel_loop3A_1732 : i32
          %parallel_loop3A_1734 = arith.index_cast %parallel_loop3A_1733 : i32 to index
          %parallel_loop3A_1735 = arith.constant 112 : index
          %parallel_loop3A_1736 = tpu.vector_load %arg7[%parallel_loop3A_1734, %parallel_loop3A_1735] {strides = array<i32>} : memref<128x128xi32, #tpu.memory_space<vmem>>, vector<1x16xi32>,
          %parallel_loop3A_1737 = vector.shape_cast %parallel_loop3A_1736 : vector<1x16xi32> to vector<16xi32>
          %parallel_loop3A_1738 = arith.constant 8 : i32
          %parallel_loop3A_1739 = arith.addi %parallel_loop3A_177, %parallel_loop3A_1738 : i32
          %parallel_loop3A_1740 = arith.index_cast %parallel_loop3A_1739 : i32 to index
          %parallel_loop3A_1741 = arith.constant 112 : index
          %parallel_loop3A_1742 = tpu.vector_load %arg7[%parallel_loop3A_1740, %parallel_loop3A_1741] {strides = array<i32>} : memref<128x128xi32, #tpu.memory_space<vmem>>, vector<1x16xi32>,
          %parallel_loop3A_1743 = vector.shape_cast %parallel_loop3A_1742 : vector<1x16xi32> to vector<16xi32>
          %parallel_loop3A_1744 = arith.constant 9 : i32
          %parallel_loop3A_1745 = arith.addi %parallel_loop3A_177, %parallel_loop3A_1744 : i32
          %parallel_loop3A_1746 = arith.index_cast %parallel_loop3A_1745 : i32 to index
          %parallel_loop3A_1747 = arith.constant 112 : index
          %parallel_loop3A_1748 = tpu.vector_load %arg7[%parallel_loop3A_1746, %parallel_loop3A_1747] {strides = array<i32>} : memref<128x128xi32, #tpu.memory_space<vmem>>, vector<1x16xi32>,
          %parallel_loop3A_1749 = vector.shape_cast %parallel_loop3A_1748 : vector<1x16xi32> to vector<16xi32>
          %parallel_loop3A_1750 = arith.constant 10 : i32
          %parallel_loop3A_1751 = arith.addi %parallel_loop3A_177, %parallel_loop3A_1750 : i32
          %parallel_loop3A_1752 = arith.index_cast %parallel_loop3A_1751 : i32 to index
          %parallel_loop3A_1753 = arith.constant 112 : index
          %parallel_loop3A_1754 = tpu.vector_load %arg7[%parallel_loop3A_1752, %parallel_loop3A_1753] {strides = array<i32>} : memref<128x128xi32, #tpu.memory_space<vmem>>, vector<1x16xi32>,
          %parallel_loop3A_1755 = vector.shape_cast %parallel_loop3A_1754 : vector<1x16xi32> to vector<16xi32>
          %parallel_loop3A_1756 = arith.constant 11 : i32
          %parallel_loop3A_1757 = arith.addi %parallel_loop3A_177, %parallel_loop3A_1756 : i32
          %parallel_loop3A_1758 = arith.index_cast %parallel_loop3A_1757 : i32 to index
          %parallel_loop3A_1759 = arith.constant 112 : index
          %parallel_loop3A_1760 = tpu.vector_load %arg7[%parallel_loop3A_1758, %parallel_loop3A_1759] {strides = array<i32>} : memref<128x128xi32, #tpu.memory_space<vmem>>, vector<1x16xi32>,
          %parallel_loop3A_1761 = vector.shape_cast %parallel_loop3A_1760 : vector<1x16xi32> to vector<16xi32>
          %parallel_loop3A_1762 = arith.constant 12 : i32
          %parallel_loop3A_1763 = arith.addi %parallel_loop3A_177, %parallel_loop3A_1762 : i32
          %parallel_loop3A_1764 = arith.index_cast %parallel_loop3A_1763 : i32 to index
          %parallel_loop3A_1765 = arith.constant 112 : index
          %parallel_loop3A_1766 = tpu.vector_load %arg7[%parallel_loop3A_1764, %parallel_loop3A_1765] {strides = array<i32>} : memref<128x128xi32, #tpu.memory_space<vmem>>, vector<1x16xi32>,
          %parallel_loop3A_1767 = vector.shape_cast %parallel_loop3A_1766 : vector<1x16xi32> to vector<16xi32>
          %parallel_loop3A_1768 = arith.constant 13 : i32
          %parallel_loop3A_1769 = arith.addi %parallel_loop3A_177, %parallel_loop3A_1768 : i32
          %parallel_loop3A_1770 = arith.index_cast %parallel_loop3A_1769 : i32 to index
          %parallel_loop3A_1771 = arith.constant 112 : index
          %parallel_loop3A_1772 = tpu.vector_load %arg7[%parallel_loop3A_1770, %parallel_loop3A_1771] {strides = array<i32>} : memref<128x128xi32, #tpu.memory_space<vmem>>, vector<1x16xi32>,
          %parallel_loop3A_1773 = vector.shape_cast %parallel_loop3A_1772 : vector<1x16xi32> to vector<16xi32>
          %parallel_loop3A_1774 = arith.constant 14 : i32
          %parallel_loop3A_1775 = arith.addi %parallel_loop3A_177, %parallel_loop3A_1774 : i32
          %parallel_loop3A_1776 = arith.index_cast %parallel_loop3A_1775 : i32 to index
          %parallel_loop3A_1777 = arith.constant 112 : index
          %parallel_loop3A_1778 = tpu.vector_load %arg7[%parallel_loop3A_1776, %parallel_loop3A_1777] {strides = array<i32>} : memref<128x128xi32, #tpu.memory_space<vmem>>, vector<1x16xi32>,
          %parallel_loop3A_1779 = vector.shape_cast %parallel_loop3A_1778 : vector<1x16xi32> to vector<16xi32>
          %parallel_loop3A_1780 = arith.constant 15 : i32
          %parallel_loop3A_1781 = arith.addi %parallel_loop3A_177, %parallel_loop3A_1780 : i32
          %parallel_loop3A_1782 = arith.index_cast %parallel_loop3A_1781 : i32 to index
          %parallel_loop3A_1783 = arith.constant 112 : index
          %parallel_loop3A_1784 = tpu.vector_load %arg7[%parallel_loop3A_1782, %parallel_loop3A_1783] {strides = array<i32>} : memref<128x128xi32, #tpu.memory_space<vmem>>, vector<1x16xi32>,
          %parallel_loop3A_1785 = vector.shape_cast %parallel_loop3A_1784 : vector<1x16xi32> to vector<16xi32>
          %parallel_loop3A_1786 = arith.constant 16 : i32
          %parallel_loop3A_1787 = vector.broadcast %parallel_loop3A_1786 : i32 to vector<16xi32>
          %parallel_loop3A_1788 = arith.shli %parallel_loop3A_1695, %parallel_loop3A_1787 : vector<16xi32>
          %parallel_loop3A_1789 = tpu.bitcast %parallel_loop3A_1788 : vector<16xi32> -> vector<16xf32>
          %parallel_loop3A_1790 = arith.constant 16 : i32
          %parallel_loop3A_1791 = vector.broadcast %parallel_loop3A_1790 : i32 to vector<16xi32>
          %parallel_loop3A_1792 = arith.shli %parallel_loop3A_1701, %parallel_loop3A_1791 : vector<16xi32>
          %parallel_loop3A_1793 = tpu.bitcast %parallel_loop3A_1792 : vector<16xi32> -> vector<16xf32>
          %parallel_loop3A_1794 = arith.constant 16 : i32
          %parallel_loop3A_1795 = vector.broadcast %parallel_loop3A_1794 : i32 to vector<16xi32>
          %parallel_loop3A_1796 = arith.shli %parallel_loop3A_1707, %parallel_loop3A_1795 : vector<16xi32>
          %parallel_loop3A_1797 = tpu.bitcast %parallel_loop3A_1796 : vector<16xi32> -> vector<16xf32>
          %parallel_loop3A_1798 = arith.constant 16 : i32
          %parallel_loop3A_1799 = vector.broadcast %parallel_loop3A_1798 : i32 to vector<16xi32>
          %parallel_loop3A_1800 = arith.shli %parallel_loop3A_1713, %parallel_loop3A_1799 : vector<16xi32>
          %parallel_loop3A_1801 = tpu.bitcast %parallel_loop3A_1800 : vector<16xi32> -> vector<16xf32>
          %parallel_loop3A_1802 = arith.constant 16 : i32
          %parallel_loop3A_1803 = vector.broadcast %parallel_loop3A_1802 : i32 to vector<16xi32>
          %parallel_loop3A_1804 = arith.shli %parallel_loop3A_1719, %parallel_loop3A_1803 : vector<16xi32>
          %parallel_loop3A_1805 = tpu.bitcast %parallel_loop3A_1804 : vector<16xi32> -> vector<16xf32>
          %parallel_loop3A_1806 = arith.constant 16 : i32
          %parallel_loop3A_1807 = vector.broadcast %parallel_loop3A_1806 : i32 to vector<16xi32>
          %parallel_loop3A_1808 = arith.shli %parallel_loop3A_1725, %parallel_loop3A_1807 : vector<16xi32>
          %parallel_loop3A_1809 = tpu.bitcast %parallel_loop3A_1808 : vector<16xi32> -> vector<16xf32>
          %parallel_loop3A_1810 = arith.constant 16 : i32
          %parallel_loop3A_1811 = vector.broadcast %parallel_loop3A_1810 : i32 to vector<16xi32>
          %parallel_loop3A_1812 = arith.shli %parallel_loop3A_1731, %parallel_loop3A_1811 : vector<16xi32>
          %parallel_loop3A_1813 = tpu.bitcast %parallel_loop3A_1812 : vector<16xi32> -> vector<16xf32>
          %parallel_loop3A_1814 = arith.constant 16 : i32
          %parallel_loop3A_1815 = vector.broadcast %parallel_loop3A_1814 : i32 to vector<16xi32>
          %parallel_loop3A_1816 = arith.shli %parallel_loop3A_1737, %parallel_loop3A_1815 : vector<16xi32>
          %parallel_loop3A_1817 = tpu.bitcast %parallel_loop3A_1816 : vector<16xi32> -> vector<16xf32>
          %parallel_loop3A_1818 = arith.constant 16 : i32
          %parallel_loop3A_1819 = vector.broadcast %parallel_loop3A_1818 : i32 to vector<16xi32>
          %parallel_loop3A_1820 = arith.shli %parallel_loop3A_1743, %parallel_loop3A_1819 : vector<16xi32>
          %parallel_loop3A_1821 = tpu.bitcast %parallel_loop3A_1820 : vector<16xi32> -> vector<16xf32>
          %parallel_loop3A_1822 = arith.constant 16 : i32
          %parallel_loop3A_1823 = vector.broadcast %parallel_loop3A_1822 : i32 to vector<16xi32>
          %parallel_loop3A_1824 = arith.shli %parallel_loop3A_1749, %parallel_loop3A_1823 : vector<16xi32>
          %parallel_loop3A_1825 = tpu.bitcast %parallel_loop3A_1824 : vector<16xi32> -> vector<16xf32>
          %parallel_loop3A_1826 = arith.constant 16 : i32
          %parallel_loop3A_1827 = vector.broadcast %parallel_loop3A_1826 : i32 to vector<16xi32>
          %parallel_loop3A_1828 = arith.shli %parallel_loop3A_1755, %parallel_loop3A_1827 : vector<16xi32>
          %parallel_loop3A_1829 = tpu.bitcast %parallel_loop3A_1828 : vector<16xi32> -> vector<16xf32>
          %parallel_loop3A_1830 = arith.constant 16 : i32
          %parallel_loop3A_1831 = vector.broadcast %parallel_loop3A_1830 : i32 to vector<16xi32>
          %parallel_loop3A_1832 = arith.shli %parallel_loop3A_1761, %parallel_loop3A_1831 : vector<16xi32>
          %parallel_loop3A_1833 = tpu.bitcast %parallel_loop3A_1832 : vector<16xi32> -> vector<16xf32>
          %parallel_loop3A_1834 = arith.constant 16 : i32
          %parallel_loop3A_1835 = vector.broadcast %parallel_loop3A_1834 : i32 to vector<16xi32>
          %parallel_loop3A_1836 = arith.shli %parallel_loop3A_1767, %parallel_loop3A_1835 : vector<16xi32>
          %parallel_loop3A_1837 = tpu.bitcast %parallel_loop3A_1836 : vector<16xi32> -> vector<16xf32>
          %parallel_loop3A_1838 = arith.constant 16 : i32
          %parallel_loop3A_1839 = vector.broadcast %parallel_loop3A_1838 : i32 to vector<16xi32>
          %parallel_loop3A_1840 = arith.shli %parallel_loop3A_1773, %parallel_loop3A_1839 : vector<16xi32>
          %parallel_loop3A_1841 = tpu.bitcast %parallel_loop3A_1840 : vector<16xi32> -> vector<16xf32>
          %parallel_loop3A_1842 = arith.constant 16 : i32
          %parallel_loop3A_1843 = vector.broadcast %parallel_loop3A_1842 : i32 to vector<16xi32>
          %parallel_loop3A_1844 = arith.shli %parallel_loop3A_1779, %parallel_loop3A_1843 : vector<16xi32>
          %parallel_loop3A_1845 = tpu.bitcast %parallel_loop3A_1844 : vector<16xi32> -> vector<16xf32>
          %parallel_loop3A_1846 = arith.constant 16 : i32
          %parallel_loop3A_1847 = vector.broadcast %parallel_loop3A_1846 : i32 to vector<16xi32>
          %parallel_loop3A_1848 = arith.shli %parallel_loop3A_1785, %parallel_loop3A_1847 : vector<16xi32>
          %parallel_loop3A_1849 = tpu.bitcast %parallel_loop3A_1848 : vector<16xi32> -> vector<16xf32>
          %parallel_loop3A_1850 = tpu.bitcast %parallel_loop3A_1695 : vector<16xi32> -> vector<16xf32>
          %parallel_loop3A_1851 = tpu.bitcast %parallel_loop3A_1701 : vector<16xi32> -> vector<16xf32>
          %parallel_loop3A_1852 = tpu.bitcast %parallel_loop3A_1707 : vector<16xi32> -> vector<16xf32>
          %parallel_loop3A_1853 = tpu.bitcast %parallel_loop3A_1713 : vector<16xi32> -> vector<16xf32>
          %parallel_loop3A_1854 = tpu.bitcast %parallel_loop3A_1719 : vector<16xi32> -> vector<16xf32>
          %parallel_loop3A_1855 = tpu.bitcast %parallel_loop3A_1725 : vector<16xi32> -> vector<16xf32>
          %parallel_loop3A_1856 = tpu.bitcast %parallel_loop3A_1731 : vector<16xi32> -> vector<16xf32>
          %parallel_loop3A_1857 = tpu.bitcast %parallel_loop3A_1737 : vector<16xi32> -> vector<16xf32>
          %parallel_loop3A_1858 = tpu.bitcast %parallel_loop3A_1743 : vector<16xi32> -> vector<16xf32>
          %parallel_loop3A_1859 = tpu.bitcast %parallel_loop3A_1749 : vector<16xi32> -> vector<16xf32>
          %parallel_loop3A_1860 = tpu.bitcast %parallel_loop3A_1755 : vector<16xi32> -> vector<16xf32>
          %parallel_loop3A_1861 = tpu.bitcast %parallel_loop3A_1761 : vector<16xi32> -> vector<16xf32>
          %parallel_loop3A_1862 = tpu.bitcast %parallel_loop3A_1767 : vector<16xi32> -> vector<16xf32>
          %parallel_loop3A_1863 = tpu.bitcast %parallel_loop3A_1773 : vector<16xi32> -> vector<16xf32>
          %parallel_loop3A_1864 = tpu.bitcast %parallel_loop3A_1779 : vector<16xi32> -> vector<16xf32>
          %parallel_loop3A_1865 = tpu.bitcast %parallel_loop3A_1785 : vector<16xi32> -> vector<16xf32>
          %parallel_loop3A_1866 = arith.addf %parallel_loop3A_1789, %parallel_loop3A_1793 : vector<16xf32>
          %parallel_loop3A_1867 = arith.addf %parallel_loop3A_1797, %parallel_loop3A_1801 : vector<16xf32>
          %parallel_loop3A_1868 = arith.addf %parallel_loop3A_1805, %parallel_loop3A_1809 : vector<16xf32>
          %parallel_loop3A_1869 = arith.addf %parallel_loop3A_1813, %parallel_loop3A_1817 : vector<16xf32>
          %parallel_loop3A_1870 = arith.addf %parallel_loop3A_1821, %parallel_loop3A_1825 : vector<16xf32>
          %parallel_loop3A_1871 = arith.addf %parallel_loop3A_1829, %parallel_loop3A_1833 : vector<16xf32>
          %parallel_loop3A_1872 = arith.addf %parallel_loop3A_1837, %parallel_loop3A_1841 : vector<16xf32>
          %parallel_loop3A_1873 = arith.addf %parallel_loop3A_1845, %parallel_loop3A_1849 : vector<16xf32>
          %parallel_loop3A_1874 = arith.addf %parallel_loop3A_1850, %parallel_loop3A_1851 : vector<16xf32>
          %parallel_loop3A_1875 = arith.addf %parallel_loop3A_1852, %parallel_loop3A_1853 : vector<16xf32>
          %parallel_loop3A_1876 = arith.addf %parallel_loop3A_1854, %parallel_loop3A_1855 : vector<16xf32>
          %parallel_loop3A_1877 = arith.addf %parallel_loop3A_1856, %parallel_loop3A_1857 : vector<16xf32>
          %parallel_loop3A_1878 = arith.addf %parallel_loop3A_1858, %parallel_loop3A_1859 : vector<16xf32>
          %parallel_loop3A_1879 = arith.addf %parallel_loop3A_1860, %parallel_loop3A_1861 : vector<16xf32>
          %parallel_loop3A_1880 = arith.addf %parallel_loop3A_1862, %parallel_loop3A_1863 : vector<16xf32>
          %parallel_loop3A_1881 = arith.addf %parallel_loop3A_1864, %parallel_loop3A_1865 : vector<16xf32>
          %parallel_loop3A_1882 = arith.addf %parallel_loop3A_1866, %parallel_loop3A_1867 : vector<16xf32>
          %parallel_loop3A_1883 = arith.addf %parallel_loop3A_1868, %parallel_loop3A_1869 : vector<16xf32>
          %parallel_loop3A_1884 = arith.addf %parallel_loop3A_1870, %parallel_loop3A_1871 : vector<16xf32>
          %parallel_loop3A_1885 = arith.addf %parallel_loop3A_1872, %parallel_loop3A_1873 : vector<16xf32>
          %parallel_loop3A_1886 = arith.addf %parallel_loop3A_1874, %parallel_loop3A_1875 : vector<16xf32>
          %parallel_loop3A_1887 = arith.addf %parallel_loop3A_1876, %parallel_loop3A_1877 : vector<16xf32>
          %parallel_loop3A_1888 = arith.addf %parallel_loop3A_1878, %parallel_loop3A_1879 : vector<16xf32>
          %parallel_loop3A_1889 = arith.addf %parallel_loop3A_1880, %parallel_loop3A_1881 : vector<16xf32>
          %parallel_loop3A_1890 = arith.addf %parallel_loop3A_1882, %parallel_loop3A_1883 : vector<16xf32>
          %parallel_loop3A_1891 = arith.addf %parallel_loop3A_1884, %parallel_loop3A_1885 : vector<16xf32>
          %parallel_loop3A_1892 = arith.addf %parallel_loop3A_1886, %parallel_loop3A_1887 : vector<16xf32>
          %parallel_loop3A_1893 = arith.addf %parallel_loop3A_1888, %parallel_loop3A_1889 : vector<16xf32>
          %parallel_loop3A_1894 = arith.addf %parallel_loop3A_1890, %parallel_loop3A_1891 : vector<16xf32>
          %parallel_loop3A_1895 = arith.addf %parallel_loop3A_1892, %parallel_loop3A_1893 : vector<16xf32>
          %parallel_loop3A_1896 = arith.index_cast %parallel_loop3A_175 : i32 to index
          %parallel_loop3A_1897 = arith.constant 112 : index
          %parallel_loop3A_1898 = tpu.vector_load %arg9[%parallel_loop3A_1896, %parallel_loop3A_1897] {strides = array<i32>} : memref<8x256xf32, #tpu.memory_space<vmem>>, vector<1x16xf32>,
          %parallel_loop3A_1899 = vector.shape_cast %parallel_loop3A_1898 : vector<1x16xf32> to vector<16xf32>
          %parallel_loop3A_1900 = vector.shape_cast %parallel_loop3A_1894 : vector<16xf32> to vector<1x16xf32>
          tpu.vector_store %arg9[%parallel_loop3A_1896, %parallel_loop3A_1897], %parallel_loop3A_1900 {strides = array<i32>} : memref<8x256xf32, #tpu.memory_space<vmem>>, vector<1x16xf32>,
          %parallel_loop3A_1901 = arith.index_cast %parallel_loop3A_175 : i32 to index
          %parallel_loop3A_1902 = arith.constant 240 : index
          %parallel_loop3A_1903 = tpu.vector_load %arg9[%parallel_loop3A_1901, %parallel_loop3A_1902] {strides = array<i32>} : memref<8x256xf32, #tpu.memory_space<vmem>>, vector<1x16xf32>,
          %parallel_loop3A_1904 = vector.shape_cast %parallel_loop3A_1903 : vector<1x16xf32> to vector<16xf32>
          %parallel_loop3A_1905 = vector.shape_cast %parallel_loop3A_1895 : vector<16xf32> to vector<1x16xf32>
          tpu.vector_store %arg9[%parallel_loop3A_1901, %parallel_loop3A_1902], %parallel_loop3A_1905 {strides = array<i32>} : memref<8x256xf32, #tpu.memory_space<vmem>>, vector<1x16xf32>,
        } {sc.loop_unroll_factor = 2 : i64, sc.parallel_access}
        %dma_start3A_171 = arith.constant 0 : i32
        %dma_start3A_172 = tpu.memref_slice %arg4[%add3A_61, %dma_start3A_171] : memref<10000x256xf32, #tpu.memory_space<hbm>> -> memref<8x256xf32, #tpu.memory_space<hbm>>
        %dma_start3A_173 = arith.constant 0 : i32
        %dma_start3A_174 = tpu.memref_slice %arg4[%add3A_61, %dma_start3A_173] : memref<10000x256xf32, #tpu.memory_space<hbm>> -> memref<8x256xf32, #tpu.memory_space<hbm>>
        tpu.enqueue_dma source(%arg9 : memref<8x256xf32, #tpu.memory_space<vmem>>) target(%dma_start3A_174 : memref<8x256xf32, #tpu.memory_space<hbm>>) target_semaphore(%arg13 : memref<!tpu.dma_semaphore, #tpu.memory_space<semaphore_mem>>)
      } else {
      }
      %add3A_88 = arith.constant 2 : i32
      %add3A_89 = arith.addi %add3A_56, %add3A_88 : i32
      %lt3A_90 = arith.constant 40 : i32
      %lt3A_91 = arith.cmpi slt, %add3A_89, %lt3A_90 : i32
      %add3A_92 = arith.constant 2 : i32
      %add3A_93 = arith.addi %add3A_56, %add3A_92 : i32
      %mul3A_94 = arith.constant 320 : i32
      %mul3A_95 = arith.muli %add3A, %mul3A_94 : i32
      %mul3A_96 = arith.constant 8 : i32
      %mul3A_97 = arith.muli %add3A_93, %mul3A_96 : i32
      %add3A_98 = arith.addi %mul3A_95, %mul3A_97 : i32
      %add3A_99 = arith.constant 8 : i32
      %add3A_100 = arith.addi %add3A_98, %add3A_99 : i32
      %le3A_101 = arith.constant 10000 : i32
      %le3A_102 = arith.cmpi sle, %add3A_100, %le3A_101 : i32
      %and3A_103 = arith.andi %lt3A_91, %le3A_102 : i1
      %convert_element_type3A_104 = arith.extui %and3A_103 : i1 to i32
      %cond3A_105 = arith.constant 0 : i32
      %cond3A_106 = arith.cmpi ne, %convert_element_type3A_104, %cond3A_105 : i32
      scf.if %cond3A_106 {
        %add3A_164 = arith.constant 2 : i32
        %add3A_165 = arith.addi %add3A_56, %add3A_164 : i32
        %mul3A_166 = arith.constant 128 : i32
        %mul3A_167 = arith.muli %add3A_165, %mul3A_166 : i32
        %dma_start3A_168 = tpu.memref_slice %arg5[%mul3A_167] : memref<5120xi32, #tpu.memory_space<vmem>> -> memref<128xi32, #tpu.memory_space<vmem>>
        %dma_start3A_169 = arith.constant 0 : i32
        %dma_start3A_170 = arith.constant 0 : i32
        %dma_start3A_171 = tpu.memref_slice %arg6[%dma_start3A_169, %dma_start3A_170] : memref<10000x128xi32, #tpu.memory_space<vmem_shared>> -> memref<10000x128xi32, #tpu.memory_space<vmem_shared>>
        tpu.enqueue_indirect_dma source(%dma_start3A_171 : memref<10000x128xi32, #tpu.memory_space<vmem_shared>>) target(%arg7 : memref<128x128xi32, #tpu.memory_space<vmem>>) offsets(%dma_start3A_168 : memref<128xi32, #tpu.memory_space<vmem>>) semaphore(%arg11 : memref<!tpu.dma_semaphore, #tpu.memory_space<semaphore_mem>>)
      } else {
      }
      %mul3A_107 = arith.constant 2 : i32
      %mul3A_108 = arith.muli %scan3A_52, %mul3A_107 : i32
      %add3A_109 = arith.constant 1 : i32
      %add3A_110 = arith.addi %mul3A_108, %add3A_109 : i32
      %mul3A_111 = arith.constant 320 : i32
      %mul3A_112 = arith.muli %add3A, %mul3A_111 : i32
      %mul3A_113 = arith.constant 8 : i32
      %mul3A_114 = arith.muli %add3A_110, %mul3A_113 : i32
      %add3A_115 = arith.addi %mul3A_112, %mul3A_114 : i32
      %ge3A_116 = arith.constant 2 : i32
      %ge3A_117 = arith.cmpi sge, %add3A_110, %ge3A_116 : i32
      %sub3A_118 = arith.constant 2 : i32
      %sub3A_119 = arith.subi %add3A_110, %sub3A_118 : i32
      %mul3A_120 = arith.constant 320 : i32
      %mul3A_121 = arith.muli %add3A, %mul3A_120 : i32
      %mul3A_122 = arith.constant 8 : i32
      %mul3A_123 = arith.muli %sub3A_119, %mul3A_122 : i32
      %add3A_124 = arith.addi %mul3A_121, %mul3A_123 : i32
      %add3A_125 = arith.constant 8 : i32
      %add3A_126 = arith.addi %add3A_124, %add3A_125 : i32
      %le3A_127 = arith.constant 10000 : i32
      %le3A_128 = arith.cmpi sle, %add3A_126, %le3A_127 : i32
      %and3A_129 = arith.andi %ge3A_117, %le3A_128 : i1
      %convert_element_type3A_130 = arith.extui %and3A_129 : i1 to i32
      %cond3A_131 = arith.constant 0 : i32
      %cond3A_132 = arith.cmpi ne, %convert_element_type3A_130, %cond3A_131 : i32
      scf.if %cond3A_132 {
        %sub3A_164 = arith.constant 16 : i32
        %sub3A_165 = arith.subi %add3A_115, %sub3A_164 : i32
        %dma_wait3A = arith.constant 0 : i32
        %dma_wait3A_166 = tpu.memref_slice %arg4[%sub3A_165, %dma_wait3A] : memref<10000x256xf32, #tpu.memory_space<hbm>> -> memref<8x256xf32, #tpu.memory_space<hbm>>
        %dma_wait3A_167 = arith.constant 0 : i32
        %dma_wait3A_168 = tpu.memref_slice %arg4[%sub3A_165, %dma_wait3A_167] : memref<10000x256xf32, #tpu.memory_space<hbm>> -> memref<8x256xf32, #tpu.memory_space<hbm>>
        tpu.wait_dma2 semaphore(%arg14 : memref<!tpu.dma_semaphore, #tpu.memory_space<semaphore_mem>>) src(%arg10 : memref<8x256xf32, #tpu.memory_space<vmem>>) dst(%dma_wait3A_168 : memref<8x256xf32, #tpu.memory_space<hbm>>)
      } else {
      }
      %mul3A_133 = arith.constant 320 : i32
      %mul3A_134 = arith.muli %add3A, %mul3A_133 : i32
      %mul3A_135 = arith.constant 8 : i32
      %mul3A_136 = arith.muli %add3A_110, %mul3A_135 : i32
      %add3A_137 = arith.addi %mul3A_134, %mul3A_136 : i32
      %add3A_138 = arith.constant 8 : i32
      %add3A_139 = arith.addi %add3A_137, %add3A_138 : i32
      %le3A_140 = arith.constant 10000 : i32
      %le3A_141 = arith.cmpi sle, %add3A_139, %le3A_140 : i32
      %convert_element_type3A_142 = arith.extui %le3A_141 : i1 to i32
      %cond3A_143 = arith.constant 0 : i32
      %cond3A_144 = arith.cmpi ne, %convert_element_type3A_142, %cond3A_143 : i32
      scf.if %cond3A_144 {
        %mul3A_164 = arith.constant 128 : i32
        %mul3A_165 = arith.muli %add3A_110, %mul3A_164 : i32
        %dma_wait3A = tpu.memref_slice %arg5[%mul3A_165] : memref<5120xi32, #tpu.memory_space<vmem>> -> memref<128xi32, #tpu.memory_space<vmem>>
        %dma_wait3A_166 = arith.constant 0 : i32
        %dma_wait3A_167 = arith.constant 0 : i32
        %dma_wait3A_168 = tpu.memref_slice %arg6[%dma_wait3A_166, %dma_wait3A_167] : memref<10000x128xi32, #tpu.memory_space<vmem_shared>> -> memref<10000x128xi32, #tpu.memory_space<vmem_shared>>
        tpu.wait_indirect_dma semaphore(%arg12 : memref<!tpu.dma_semaphore, #tpu.memory_space<semaphore_mem>>) src(%dma_wait3A_168 : memref<10000x128xi32, #tpu.memory_space<vmem_shared>>) dst(%arg8 : memref<128x128xi32, #tpu.memory_space<vmem>>)
        %parallel_loop3A = arith.constant 0 : i32
        %parallel_loop3A_169 = arith.constant 8 : i32
        %parallel_loop3A_170 = arith.constant 1 : i32
        scf.for %parallel_loop3A_175 = %parallel_loop3A to %parallel_loop3A_169 step %parallel_loop3A_170  : i32 {
          %parallel_loop3A_176 = arith.constant 16 : i32
          %parallel_loop3A_177 = arith.muli %parallel_loop3A_175, %parallel_loop3A_176 : i32
          %parallel_loop3A_178 = arith.constant 0 : i32
          %parallel_loop3A_179 = arith.addi %parallel_loop3A_177, %parallel_loop3A_178 : i32
          %parallel_loop3A_180 = arith.index_cast %parallel_loop3A_179 : i32 to index
          %parallel_loop3A_181 = arith.constant 0 : index
          %parallel_loop3A_182 = tpu.vector_load %arg8[%parallel_loop3A_180, %parallel_loop3A_181] {strides = array<i32>} : memref<128x128xi32, #tpu.memory_space<vmem>>, vector<1x16xi32>,
          %parallel_loop3A_183 = vector.shape_cast %parallel_loop3A_182 : vector<1x16xi32> to vector<16xi32>
          %parallel_loop3A_184 = arith.constant 1 : i32
          %parallel_loop3A_185 = arith.addi %parallel_loop3A_177, %parallel_loop3A_184 : i32
          %parallel_loop3A_186 = arith.index_cast %parallel_loop3A_185 : i32 to index
          %parallel_loop3A_187 = arith.constant 0 : index
          %parallel_loop3A_188 = tpu.vector_load %arg8[%parallel_loop3A_186, %parallel_loop3A_187] {strides = array<i32>} : memref<128x128xi32, #tpu.memory_space<vmem>>, vector<1x16xi32>,
          %parallel_loop3A_189 = vector.shape_cast %parallel_loop3A_188 : vector<1x16xi32> to vector<16xi32>
          %parallel_loop3A_190 = arith.constant 2 : i32
          %parallel_loop3A_191 = arith.addi %parallel_loop3A_177, %parallel_loop3A_190 : i32
          %parallel_loop3A_192 = arith.index_cast %parallel_loop3A_191 : i32 to index
          %parallel_loop3A_193 = arith.constant 0 : index
          %parallel_loop3A_194 = tpu.vector_load %arg8[%parallel_loop3A_192, %parallel_loop3A_193] {strides = array<i32>} : memref<128x128xi32, #tpu.memory_space<vmem>>, vector<1x16xi32>,
          %parallel_loop3A_195 = vector.shape_cast %parallel_loop3A_194 : vector<1x16xi32> to vector<16xi32>
          %parallel_loop3A_196 = arith.constant 3 : i32
          %parallel_loop3A_197 = arith.addi %parallel_loop3A_177, %parallel_loop3A_196 : i32
          %parallel_loop3A_198 = arith.index_cast %parallel_loop3A_197 : i32 to index
          %parallel_loop3A_199 = arith.constant 0 : index
          %parallel_loop3A_200 = tpu.vector_load %arg8[%parallel_loop3A_198, %parallel_loop3A_199] {strides = array<i32>} : memref<128x128xi32, #tpu.memory_space<vmem>>, vector<1x16xi32>,
          %parallel_loop3A_201 = vector.shape_cast %parallel_loop3A_200 : vector<1x16xi32> to vector<16xi32>
          %parallel_loop3A_202 = arith.constant 4 : i32
          %parallel_loop3A_203 = arith.addi %parallel_loop3A_177, %parallel_loop3A_202 : i32
          %parallel_loop3A_204 = arith.index_cast %parallel_loop3A_203 : i32 to index
          %parallel_loop3A_205 = arith.constant 0 : index
          %parallel_loop3A_206 = tpu.vector_load %arg8[%parallel_loop3A_204, %parallel_loop3A_205] {strides = array<i32>} : memref<128x128xi32, #tpu.memory_space<vmem>>, vector<1x16xi32>,
          %parallel_loop3A_207 = vector.shape_cast %parallel_loop3A_206 : vector<1x16xi32> to vector<16xi32>
          %parallel_loop3A_208 = arith.constant 5 : i32
          %parallel_loop3A_209 = arith.addi %parallel_loop3A_177, %parallel_loop3A_208 : i32
          %parallel_loop3A_210 = arith.index_cast %parallel_loop3A_209 : i32 to index
          %parallel_loop3A_211 = arith.constant 0 : index
          %parallel_loop3A_212 = tpu.vector_load %arg8[%parallel_loop3A_210, %parallel_loop3A_211] {strides = array<i32>} : memref<128x128xi32, #tpu.memory_space<vmem>>, vector<1x16xi32>,
          %parallel_loop3A_213 = vector.shape_cast %parallel_loop3A_212 : vector<1x16xi32> to vector<16xi32>
          %parallel_loop3A_214 = arith.constant 6 : i32
          %parallel_loop3A_215 = arith.addi %parallel_loop3A_177, %parallel_loop3A_214 : i32
          %parallel_loop3A_216 = arith.index_cast %parallel_loop3A_215 : i32 to index
          %parallel_loop3A_217 = arith.constant 0 : index
          %parallel_loop3A_218 = tpu.vector_load %arg8[%parallel_loop3A_216, %parallel_loop3A_217] {strides = array<i32>} : memref<128x128xi32, #tpu.memory_space<vmem>>, vector<1x16xi32>,
          %parallel_loop3A_219 = vector.shape_cast %parallel_loop3A_218 : vector<1x16xi32> to vector<16xi32>
          %parallel_loop3A_220 = arith.constant 7 : i32
          %parallel_loop3A_221 = arith.addi %parallel_loop3A_177, %parallel_loop3A_220 : i32
          %parallel_loop3A_222 = arith.index_cast %parallel_loop3A_221 : i32 to index
          %parallel_loop3A_223 = arith.constant 0 : index
          %parallel_loop3A_224 = tpu.vector_load %arg8[%parallel_loop3A_222, %parallel_loop3A_223] {strides = array<i32>} : memref<128x128xi32, #tpu.memory_space<vmem>>, vector<1x16xi32>,
          %parallel_loop3A_225 = vector.shape_cast %parallel_loop3A_224 : vector<1x16xi32> to vector<16xi32>
          %parallel_loop3A_226 = arith.constant 8 : i32
          %parallel_loop3A_227 = arith.addi %parallel_loop3A_177, %parallel_loop3A_226 : i32
          %parallel_loop3A_228 = arith.index_cast %parallel_loop3A_227 : i32 to index
          %parallel_loop3A_229 = arith.constant 0 : index
          %parallel_loop3A_230 = tpu.vector_load %arg8[%parallel_loop3A_228, %parallel_loop3A_229] {strides = array<i32>} : memref<128x128xi32, #tpu.memory_space<vmem>>, vector<1x16xi32>,
          %parallel_loop3A_231 = vector.shape_cast %parallel_loop3A_230 : vector<1x16xi32> to vector<16xi32>
          %parallel_loop3A_232 = arith.constant 9 : i32
          %parallel_loop3A_233 = arith.addi %parallel_loop3A_177, %parallel_loop3A_232 : i32
          %parallel_loop3A_234 = arith.index_cast %parallel_loop3A_233 : i32 to index
          %parallel_loop3A_235 = arith.constant 0 : index
          %parallel_loop3A_236 = tpu.vector_load %arg8[%parallel_loop3A_234, %parallel_loop3A_235] {strides = array<i32>} : memref<128x128xi32, #tpu.memory_space<vmem>>, vector<1x16xi32>,
          %parallel_loop3A_237 = vector.shape_cast %parallel_loop3A_236 : vector<1x16xi32> to vector<16xi32>
          %parallel_loop3A_238 = arith.constant 10 : i32
          %parallel_loop3A_239 = arith.addi %parallel_loop3A_177, %parallel_loop3A_238 : i32
          %parallel_loop3A_240 = arith.index_cast %parallel_loop3A_239 : i32 to index
          %parallel_loop3A_241 = arith.constant 0 : index
          %parallel_loop3A_242 = tpu.vector_load %arg8[%parallel_loop3A_240, %parallel_loop3A_241] {strides = array<i32>} : memref<128x128xi32, #tpu.memory_space<vmem>>, vector<1x16xi32>,
          %parallel_loop3A_243 = vector.shape_cast %parallel_loop3A_242 : vector<1x16xi32> to vector<16xi32>
          %parallel_loop3A_244 = arith.constant 11 : i32
          %parallel_loop3A_245 = arith.addi %parallel_loop3A_177, %parallel_loop3A_244 : i32
          %parallel_loop3A_246 = arith.index_cast %parallel_loop3A_245 : i32 to index
          %parallel_loop3A_247 = arith.constant 0 : index
          %parallel_loop3A_248 = tpu.vector_load %arg8[%parallel_loop3A_246, %parallel_loop3A_247] {strides = array<i32>} : memref<128x128xi32, #tpu.memory_space<vmem>>, vector<1x16xi32>,
          %parallel_loop3A_249 = vector.shape_cast %parallel_loop3A_248 : vector<1x16xi32> to vector<16xi32>
          %parallel_loop3A_250 = arith.constant 12 : i32
          %parallel_loop3A_251 = arith.addi %parallel_loop3A_177, %parallel_loop3A_250 : i32
          %parallel_loop3A_252 = arith.index_cast %parallel_loop3A_251 : i32 to index
          %parallel_loop3A_253 = arith.constant 0 : index
          %parallel_loop3A_254 = tpu.vector_load %arg8[%parallel_loop3A_252, %parallel_loop3A_253] {strides = array<i32>} : memref<128x128xi32, #tpu.memory_space<vmem>>, vector<1x16xi32>,
          %parallel_loop3A_255 = vector.shape_cast %parallel_loop3A_254 : vector<1x16xi32> to vector<16xi32>
          %parallel_loop3A_256 = arith.constant 13 : i32
          %parallel_loop3A_257 = arith.addi %parallel_loop3A_177, %parallel_loop3A_256 : i32
          %parallel_loop3A_258 = arith.index_cast %parallel_loop3A_257 : i32 to index
          %parallel_loop3A_259 = arith.constant 0 : index
          %parallel_loop3A_260 = tpu.vector_load %arg8[%parallel_loop3A_258, %parallel_loop3A_259] {strides = array<i32>} : memref<128x128xi32, #tpu.memory_space<vmem>>, vector<1x16xi32>,
          %parallel_loop3A_261 = vector.shape_cast %parallel_loop3A_260 : vector<1x16xi32> to vector<16xi32>
          %parallel_loop3A_262 = arith.constant 14 : i32
          %parallel_loop3A_263 = arith.addi %parallel_loop3A_177, %parallel_loop3A_262 : i32
          %parallel_loop3A_264 = arith.index_cast %parallel_loop3A_263 : i32 to index
          %parallel_loop3A_265 = arith.constant 0 : index
          %parallel_loop3A_266 = tpu.vector_load %arg8[%parallel_loop3A_264, %parallel_loop3A_265] {strides = array<i32>} : memref<128x128xi32, #tpu.memory_space<vmem>>, vector<1x16xi32>,
          %parallel_loop3A_267 = vector.shape_cast %parallel_loop3A_266 : vector<1x16xi32> to vector<16xi32>
          %parallel_loop3A_268 = arith.constant 15 : i32
          %parallel_loop3A_269 = arith.addi %parallel_loop3A_177, %parallel_loop3A_268 : i32
          %parallel_loop3A_270 = arith.index_cast %parallel_loop3A_269 : i32 to index
          %parallel_loop3A_271 = arith.constant 0 : index
          %parallel_loop3A_272 = tpu.vector_load %arg8[%parallel_loop3A_270, %parallel_loop3A_271] {strides = array<i32>} : memref<128x128xi32, #tpu.memory_space<vmem>>, vector<1x16xi32>,
          %parallel_loop3A_273 = vector.shape_cast %parallel_loop3A_272 : vector<1x16xi32> to vector<16xi32>
          %parallel_loop3A_274 = arith.constant 16 : i32
          %parallel_loop3A_275 = vector.broadcast %parallel_loop3A_274 : i32 to vector<16xi32>
          %parallel_loop3A_276 = arith.shli %parallel_loop3A_183, %parallel_loop3A_275 : vector<16xi32>
          %parallel_loop3A_277 = tpu.bitcast %parallel_loop3A_276 : vector<16xi32> -> vector<16xf32>
          %parallel_loop3A_278 = arith.constant 16 : i32
          %parallel_loop3A_279 = vector.broadcast %parallel_loop3A_278 : i32 to vector<16xi32>
          %parallel_loop3A_280 = arith.shli %parallel_loop3A_189, %parallel_loop3A_279 : vector<16xi32>
          %parallel_loop3A_281 = tpu.bitcast %parallel_loop3A_280 : vector<16xi32> -> vector<16xf32>
          %parallel_loop3A_282 = arith.constant 16 : i32
          %parallel_loop3A_283 = vector.broadcast %parallel_loop3A_282 : i32 to vector<16xi32>
          %parallel_loop3A_284 = arith.shli %parallel_loop3A_195, %parallel_loop3A_283 : vector<16xi32>
          %parallel_loop3A_285 = tpu.bitcast %parallel_loop3A_284 : vector<16xi32> -> vector<16xf32>
          %parallel_loop3A_286 = arith.constant 16 : i32
          %parallel_loop3A_287 = vector.broadcast %parallel_loop3A_286 : i32 to vector<16xi32>
          %parallel_loop3A_288 = arith.shli %parallel_loop3A_201, %parallel_loop3A_287 : vector<16xi32>
          %parallel_loop3A_289 = tpu.bitcast %parallel_loop3A_288 : vector<16xi32> -> vector<16xf32>
          %parallel_loop3A_290 = arith.constant 16 : i32
          %parallel_loop3A_291 = vector.broadcast %parallel_loop3A_290 : i32 to vector<16xi32>
          %parallel_loop3A_292 = arith.shli %parallel_loop3A_207, %parallel_loop3A_291 : vector<16xi32>
          %parallel_loop3A_293 = tpu.bitcast %parallel_loop3A_292 : vector<16xi32> -> vector<16xf32>
          %parallel_loop3A_294 = arith.constant 16 : i32
          %parallel_loop3A_295 = vector.broadcast %parallel_loop3A_294 : i32 to vector<16xi32>
          %parallel_loop3A_296 = arith.shli %parallel_loop3A_213, %parallel_loop3A_295 : vector<16xi32>
          %parallel_loop3A_297 = tpu.bitcast %parallel_loop3A_296 : vector<16xi32> -> vector<16xf32>
          %parallel_loop3A_298 = arith.constant 16 : i32
          %parallel_loop3A_299 = vector.broadcast %parallel_loop3A_298 : i32 to vector<16xi32>
          %parallel_loop3A_300 = arith.shli %parallel_loop3A_219, %parallel_loop3A_299 : vector<16xi32>
          %parallel_loop3A_301 = tpu.bitcast %parallel_loop3A_300 : vector<16xi32> -> vector<16xf32>
          %parallel_loop3A_302 = arith.constant 16 : i32
          %parallel_loop3A_303 = vector.broadcast %parallel_loop3A_302 : i32 to vector<16xi32>
          %parallel_loop3A_304 = arith.shli %parallel_loop3A_225, %parallel_loop3A_303 : vector<16xi32>
          %parallel_loop3A_305 = tpu.bitcast %parallel_loop3A_304 : vector<16xi32> -> vector<16xf32>
          %parallel_loop3A_306 = arith.constant 16 : i32
          %parallel_loop3A_307 = vector.broadcast %parallel_loop3A_306 : i32 to vector<16xi32>
          %parallel_loop3A_308 = arith.shli %parallel_loop3A_231, %parallel_loop3A_307 : vector<16xi32>
          %parallel_loop3A_309 = tpu.bitcast %parallel_loop3A_308 : vector<16xi32> -> vector<16xf32>
          %parallel_loop3A_310 = arith.constant 16 : i32
          %parallel_loop3A_311 = vector.broadcast %parallel_loop3A_310 : i32 to vector<16xi32>
          %parallel_loop3A_312 = arith.shli %parallel_loop3A_237, %parallel_loop3A_311 : vector<16xi32>
          %parallel_loop3A_313 = tpu.bitcast %parallel_loop3A_312 : vector<16xi32> -> vector<16xf32>
          %parallel_loop3A_314 = arith.constant 16 : i32
          %parallel_loop3A_315 = vector.broadcast %parallel_loop3A_314 : i32 to vector<16xi32>
          %parallel_loop3A_316 = arith.shli %parallel_loop3A_243, %parallel_loop3A_315 : vector<16xi32>
          %parallel_loop3A_317 = tpu.bitcast %parallel_loop3A_316 : vector<16xi32> -> vector<16xf32>
          %parallel_loop3A_318 = arith.constant 16 : i32
          %parallel_loop3A_319 = vector.broadcast %parallel_loop3A_318 : i32 to vector<16xi32>
          %parallel_loop3A_320 = arith.shli %parallel_loop3A_249, %parallel_loop3A_319 : vector<16xi32>
          %parallel_loop3A_321 = tpu.bitcast %parallel_loop3A_320 : vector<16xi32> -> vector<16xf32>
          %parallel_loop3A_322 = arith.constant 16 : i32
          %parallel_loop3A_323 = vector.broadcast %parallel_loop3A_322 : i32 to vector<16xi32>
          %parallel_loop3A_324 = arith.shli %parallel_loop3A_255, %parallel_loop3A_323 : vector<16xi32>
          %parallel_loop3A_325 = tpu.bitcast %parallel_loop3A_324 : vector<16xi32> -> vector<16xf32>
          %parallel_loop3A_326 = arith.constant 16 : i32
          %parallel_loop3A_327 = vector.broadcast %parallel_loop3A_326 : i32 to vector<16xi32>
          %parallel_loop3A_328 = arith.shli %parallel_loop3A_261, %parallel_loop3A_327 : vector<16xi32>
          %parallel_loop3A_329 = tpu.bitcast %parallel_loop3A_328 : vector<16xi32> -> vector<16xf32>
          %parallel_loop3A_330 = arith.constant 16 : i32
          %parallel_loop3A_331 = vector.broadcast %parallel_loop3A_330 : i32 to vector<16xi32>
          %parallel_loop3A_332 = arith.shli %parallel_loop3A_267, %parallel_loop3A_331 : vector<16xi32>
          %parallel_loop3A_333 = tpu.bitcast %parallel_loop3A_332 : vector<16xi32> -> vector<16xf32>
          %parallel_loop3A_334 = arith.constant 16 : i32
          %parallel_loop3A_335 = vector.broadcast %parallel_loop3A_334 : i32 to vector<16xi32>
          %parallel_loop3A_336 = arith.shli %parallel_loop3A_273, %parallel_loop3A_335 : vector<16xi32>
          %parallel_loop3A_337 = tpu.bitcast %parallel_loop3A_336 : vector<16xi32> -> vector<16xf32>
          %parallel_loop3A_338 = tpu.bitcast %parallel_loop3A_183 : vector<16xi32> -> vector<16xf32>
          %parallel_loop3A_339 = tpu.bitcast %parallel_loop3A_189 : vector<16xi32> -> vector<16xf32>
          %parallel_loop3A_340 = tpu.bitcast %parallel_loop3A_195 : vector<16xi32> -> vector<16xf32>
          %parallel_loop3A_341 = tpu.bitcast %parallel_loop3A_201 : vector<16xi32> -> vector<16xf32>
          %parallel_loop3A_342 = tpu.bitcast %parallel_loop3A_207 : vector<16xi32> -> vector<16xf32>
          %parallel_loop3A_343 = tpu.bitcast %parallel_loop3A_213 : vector<16xi32> -> vector<16xf32>
          %parallel_loop3A_344 = tpu.bitcast %parallel_loop3A_219 : vector<16xi32> -> vector<16xf32>
          %parallel_loop3A_345 = tpu.bitcast %parallel_loop3A_225 : vector<16xi32> -> vector<16xf32>
          %parallel_loop3A_346 = tpu.bitcast %parallel_loop3A_231 : vector<16xi32> -> vector<16xf32>
          %parallel_loop3A_347 = tpu.bitcast %parallel_loop3A_237 : vector<16xi32> -> vector<16xf32>
          %parallel_loop3A_348 = tpu.bitcast %parallel_loop3A_243 : vector<16xi32> -> vector<16xf32>
          %parallel_loop3A_349 = tpu.bitcast %parallel_loop3A_249 : vector<16xi32> -> vector<16xf32>
          %parallel_loop3A_350 = tpu.bitcast %parallel_loop3A_255 : vector<16xi32> -> vector<16xf32>
          %parallel_loop3A_351 = tpu.bitcast %parallel_loop3A_261 : vector<16xi32> -> vector<16xf32>
          %parallel_loop3A_352 = tpu.bitcast %parallel_loop3A_267 : vector<16xi32> -> vector<16xf32>
          %parallel_loop3A_353 = tpu.bitcast %parallel_loop3A_273 : vector<16xi32> -> vector<16xf32>
          %parallel_loop3A_354 = arith.addf %parallel_loop3A_277, %parallel_loop3A_281 : vector<16xf32>
          %parallel_loop3A_355 = arith.addf %parallel_loop3A_285, %parallel_loop3A_289 : vector<16xf32>
          %parallel_loop3A_356 = arith.addf %parallel_loop3A_293, %parallel_loop3A_297 : vector<16xf32>
          %parallel_loop3A_357 = arith.addf %parallel_loop3A_301, %parallel_loop3A_305 : vector<16xf32>
          %parallel_loop3A_358 = arith.addf %parallel_loop3A_309, %parallel_loop3A_313 : vector<16xf32>
          %parallel_loop3A_359 = arith.addf %parallel_loop3A_317, %parallel_loop3A_321 : vector<16xf32>
          %parallel_loop3A_360 = arith.addf %parallel_loop3A_325, %parallel_loop3A_329 : vector<16xf32>
          %parallel_loop3A_361 = arith.addf %parallel_loop3A_333, %parallel_loop3A_337 : vector<16xf32>
          %parallel_loop3A_362 = arith.addf %parallel_loop3A_338, %parallel_loop3A_339 : vector<16xf32>
          %parallel_loop3A_363 = arith.addf %parallel_loop3A_340, %parallel_loop3A_341 : vector<16xf32>
          %parallel_loop3A_364 = arith.addf %parallel_loop3A_342, %parallel_loop3A_343 : vector<16xf32>
          %parallel_loop3A_365 = arith.addf %parallel_loop3A_344, %parallel_loop3A_345 : vector<16xf32>
          %parallel_loop3A_366 = arith.addf %parallel_loop3A_346, %parallel_loop3A_347 : vector<16xf32>
          %parallel_loop3A_367 = arith.addf %parallel_loop3A_348, %parallel_loop3A_349 : vector<16xf32>
          %parallel_loop3A_368 = arith.addf %parallel_loop3A_350, %parallel_loop3A_351 : vector<16xf32>
          %parallel_loop3A_369 = arith.addf %parallel_loop3A_352, %parallel_loop3A_353 : vector<16xf32>
          %parallel_loop3A_370 = arith.addf %parallel_loop3A_354, %parallel_loop3A_355 : vector<16xf32>
          %parallel_loop3A_371 = arith.addf %parallel_loop3A_356, %parallel_loop3A_357 : vector<16xf32>
          %parallel_loop3A_372 = arith.addf %parallel_loop3A_358, %parallel_loop3A_359 : vector<16xf32>
          %parallel_loop3A_373 = arith.addf %parallel_loop3A_360, %parallel_loop3A_361 : vector<16xf32>
          %parallel_loop3A_374 = arith.addf %parallel_loop3A_362, %parallel_loop3A_363 : vector<16xf32>
          %parallel_loop3A_375 = arith.addf %parallel_loop3A_364, %parallel_loop3A_365 : vector<16xf32>
          %parallel_loop3A_376 = arith.addf %parallel_loop3A_366, %parallel_loop3A_367 : vector<16xf32>
          %parallel_loop3A_377 = arith.addf %parallel_loop3A_368, %parallel_loop3A_369 : vector<16xf32>
          %parallel_loop3A_378 = arith.addf %parallel_loop3A_370, %parallel_loop3A_371 : vector<16xf32>
          %parallel_loop3A_379 = arith.addf %parallel_loop3A_372, %parallel_loop3A_373 : vector<16xf32>
          %parallel_loop3A_380 = arith.addf %parallel_loop3A_374, %parallel_loop3A_375 : vector<16xf32>
          %parallel_loop3A_381 = arith.addf %parallel_loop3A_376, %parallel_loop3A_377 : vector<16xf32>
          %parallel_loop3A_382 = arith.addf %parallel_loop3A_378, %parallel_loop3A_379 : vector<16xf32>
          %parallel_loop3A_383 = arith.addf %parallel_loop3A_380, %parallel_loop3A_381 : vector<16xf32>
          %parallel_loop3A_384 = arith.index_cast %parallel_loop3A_175 : i32 to index
          %parallel_loop3A_385 = arith.constant 0 : index
          %parallel_loop3A_386 = tpu.vector_load %arg10[%parallel_loop3A_384, %parallel_loop3A_385] {strides = array<i32>} : memref<8x256xf32, #tpu.memory_space<vmem>>, vector<1x16xf32>,
          %parallel_loop3A_387 = vector.shape_cast %parallel_loop3A_386 : vector<1x16xf32> to vector<16xf32>
          %parallel_loop3A_388 = vector.shape_cast %parallel_loop3A_382 : vector<16xf32> to vector<1x16xf32>
          tpu.vector_store %arg10[%parallel_loop3A_384, %parallel_loop3A_385], %parallel_loop3A_388 {strides = array<i32>} : memref<8x256xf32, #tpu.memory_space<vmem>>, vector<1x16xf32>,
          %parallel_loop3A_389 = arith.index_cast %parallel_loop3A_175 : i32 to index
          %parallel_loop3A_390 = arith.constant 128 : index
          %parallel_loop3A_391 = tpu.vector_load %arg10[%parallel_loop3A_389, %parallel_loop3A_390] {strides = array<i32>} : memref<8x256xf32, #tpu.memory_space<vmem>>, vector<1x16xf32>,
          %parallel_loop3A_392 = vector.shape_cast %parallel_loop3A_391 : vector<1x16xf32> to vector<16xf32>
          %parallel_loop3A_393 = vector.shape_cast %parallel_loop3A_383 : vector<16xf32> to vector<1x16xf32>
          tpu.vector_store %arg10[%parallel_loop3A_389, %parallel_loop3A_390], %parallel_loop3A_393 {strides = array<i32>} : memref<8x256xf32, #tpu.memory_space<vmem>>, vector<1x16xf32>,
          %parallel_loop3A_394 = arith.constant 0 : i32
          %parallel_loop3A_395 = arith.addi %parallel_loop3A_177, %parallel_loop3A_394 : i32
          %parallel_loop3A_396 = arith.index_cast %parallel_loop3A_395 : i32 to index
          %parallel_loop3A_397 = arith.constant 16 : index
          %parallel_loop3A_398 = tpu.vector_load %arg8[%parallel_loop3A_396, %parallel_loop3A_397] {strides = array<i32>} : memref<128x128xi32, #tpu.memory_space<vmem>>, vector<1x16xi32>,
          %parallel_loop3A_399 = vector.shape_cast %parallel_loop3A_398 : vector<1x16xi32> to vector<16xi32>
          %parallel_loop3A_400 = arith.constant 1 : i32
          %parallel_loop3A_401 = arith.addi %parallel_loop3A_177, %parallel_loop3A_400 : i32
          %parallel_loop3A_402 = arith.index_cast %parallel_loop3A_401 : i32 to index
          %parallel_loop3A_403 = arith.constant 16 : index
          %parallel_loop3A_404 = tpu.vector_load %arg8[%parallel_loop3A_402, %parallel_loop3A_403] {strides = array<i32>} : memref<128x128xi32, #tpu.memory_space<vmem>>, vector<1x16xi32>,
          %parallel_loop3A_405 = vector.shape_cast %parallel_loop3A_404 : vector<1x16xi32> to vector<16xi32>
          %parallel_loop3A_406 = arith.constant 2 : i32
          %parallel_loop3A_407 = arith.addi %parallel_loop3A_177, %parallel_loop3A_406 : i32
          %parallel_loop3A_408 = arith.index_cast %parallel_loop3A_407 : i32 to index
          %parallel_loop3A_409 = arith.constant 16 : index
          %parallel_loop3A_410 = tpu.vector_load %arg8[%parallel_loop3A_408, %parallel_loop3A_409] {strides = array<i32>} : memref<128x128xi32, #tpu.memory_space<vmem>>, vector<1x16xi32>,
          %parallel_loop3A_411 = vector.shape_cast %parallel_loop3A_410 : vector<1x16xi32> to vector<16xi32>
          %parallel_loop3A_412 = arith.constant 3 : i32
          %parallel_loop3A_413 = arith.addi %parallel_loop3A_177, %parallel_loop3A_412 : i32
          %parallel_loop3A_414 = arith.index_cast %parallel_loop3A_413 : i32 to index
          %parallel_loop3A_415 = arith.constant 16 : index
          %parallel_loop3A_416 = tpu.vector_load %arg8[%parallel_loop3A_414, %parallel_loop3A_415] {strides = array<i32>} : memref<128x128xi32, #tpu.memory_space<vmem>>, vector<1x16xi32>,
          %parallel_loop3A_417 = vector.shape_cast %parallel_loop3A_416 : vector<1x16xi32> to vector<16xi32>
          %parallel_loop3A_418 = arith.constant 4 : i32
          %parallel_loop3A_419 = arith.addi %parallel_loop3A_177, %parallel_loop3A_418 : i32
          %parallel_loop3A_420 = arith.index_cast %parallel_loop3A_419 : i32 to index
          %parallel_loop3A_421 = arith.constant 16 : index
          %parallel_loop3A_422 = tpu.vector_load %arg8[%parallel_loop3A_420, %parallel_loop3A_421] {strides = array<i32>} : memref<128x128xi32, #tpu.memory_space<vmem>>, vector<1x16xi32>,
          %parallel_loop3A_423 = vector.shape_cast %parallel_loop3A_422 : vector<1x16xi32> to vector<16xi32>
          %parallel_loop3A_424 = arith.constant 5 : i32
          %parallel_loop3A_425 = arith.addi %parallel_loop3A_177, %parallel_loop3A_424 : i32
          %parallel_loop3A_426 = arith.index_cast %parallel_loop3A_425 : i32 to index
          %parallel_loop3A_427 = arith.constant 16 : index
          %parallel_loop3A_428 = tpu.vector_load %arg8[%parallel_loop3A_426, %parallel_loop3A_427] {strides = array<i32>} : memref<128x128xi32, #tpu.memory_space<vmem>>, vector<1x16xi32>,
          %parallel_loop3A_429 = vector.shape_cast %parallel_loop3A_428 : vector<1x16xi32> to vector<16xi32>
          %parallel_loop3A_430 = arith.constant 6 : i32
          %parallel_loop3A_431 = arith.addi %parallel_loop3A_177, %parallel_loop3A_430 : i32
          %parallel_loop3A_432 = arith.index_cast %parallel_loop3A_431 : i32 to index
          %parallel_loop3A_433 = arith.constant 16 : index
          %parallel_loop3A_434 = tpu.vector_load %arg8[%parallel_loop3A_432, %parallel_loop3A_433] {strides = array<i32>} : memref<128x128xi32, #tpu.memory_space<vmem>>, vector<1x16xi32>,
          %parallel_loop3A_435 = vector.shape_cast %parallel_loop3A_434 : vector<1x16xi32> to vector<16xi32>
          %parallel_loop3A_436 = arith.constant 7 : i32
          %parallel_loop3A_437 = arith.addi %parallel_loop3A_177, %parallel_loop3A_436 : i32
          %parallel_loop3A_438 = arith.index_cast %parallel_loop3A_437 : i32 to index
          %parallel_loop3A_439 = arith.constant 16 : index
          %parallel_loop3A_440 = tpu.vector_load %arg8[%parallel_loop3A_438, %parallel_loop3A_439] {strides = array<i32>} : memref<128x128xi32, #tpu.memory_space<vmem>>, vector<1x16xi32>,
          %parallel_loop3A_441 = vector.shape_cast %parallel_loop3A_440 : vector<1x16xi32> to vector<16xi32>
          %parallel_loop3A_442 = arith.constant 8 : i32
          %parallel_loop3A_443 = arith.addi %parallel_loop3A_177, %parallel_loop3A_442 : i32
          %parallel_loop3A_444 = arith.index_cast %parallel_loop3A_443 : i32 to index
          %parallel_loop3A_445 = arith.constant 16 : index
          %parallel_loop3A_446 = tpu.vector_load %arg8[%parallel_loop3A_444, %parallel_loop3A_445] {strides = array<i32>} : memref<128x128xi32, #tpu.memory_space<vmem>>, vector<1x16xi32>,
          %parallel_loop3A_447 = vector.shape_cast %parallel_loop3A_446 : vector<1x16xi32> to vector<16xi32>
          %parallel_loop3A_448 = arith.constant 9 : i32
          %parallel_loop3A_449 = arith.addi %parallel_loop3A_177, %parallel_loop3A_448 : i32
          %parallel_loop3A_450 = arith.index_cast %parallel_loop3A_449 : i32 to index
          %parallel_loop3A_451 = arith.constant 16 : index
          %parallel_loop3A_452 = tpu.vector_load %arg8[%parallel_loop3A_450, %parallel_loop3A_451] {strides = array<i32>} : memref<128x128xi32, #tpu.memory_space<vmem>>, vector<1x16xi32>,
          %parallel_loop3A_453 = vector.shape_cast %parallel_loop3A_452 : vector<1x16xi32> to vector<16xi32>
          %parallel_loop3A_454 = arith.constant 10 : i32
          %parallel_loop3A_455 = arith.addi %parallel_loop3A_177, %parallel_loop3A_454 : i32
          %parallel_loop3A_456 = arith.index_cast %parallel_loop3A_455 : i32 to index
          %parallel_loop3A_457 = arith.constant 16 : index
          %parallel_loop3A_458 = tpu.vector_load %arg8[%parallel_loop3A_456, %parallel_loop3A_457] {strides = array<i32>} : memref<128x128xi32, #tpu.memory_space<vmem>>, vector<1x16xi32>,
          %parallel_loop3A_459 = vector.shape_cast %parallel_loop3A_458 : vector<1x16xi32> to vector<16xi32>
          %parallel_loop3A_460 = arith.constant 11 : i32
          %parallel_loop3A_461 = arith.addi %parallel_loop3A_177, %parallel_loop3A_460 : i32
          %parallel_loop3A_462 = arith.index_cast %parallel_loop3A_461 : i32 to index
          %parallel_loop3A_463 = arith.constant 16 : index
          %parallel_loop3A_464 = tpu.vector_load %arg8[%parallel_loop3A_462, %parallel_loop3A_463] {strides = array<i32>} : memref<128x128xi32, #tpu.memory_space<vmem>>, vector<1x16xi32>,
          %parallel_loop3A_465 = vector.shape_cast %parallel_loop3A_464 : vector<1x16xi32> to vector<16xi32>
          %parallel_loop3A_466 = arith.constant 12 : i32
          %parallel_loop3A_467 = arith.addi %parallel_loop3A_177, %parallel_loop3A_466 : i32
          %parallel_loop3A_468 = arith.index_cast %parallel_loop3A_467 : i32 to index
          %parallel_loop3A_469 = arith.constant 16 : index
          %parallel_loop3A_470 = tpu.vector_load %arg8[%parallel_loop3A_468, %parallel_loop3A_469] {strides = array<i32>} : memref<128x128xi32, #tpu.memory_space<vmem>>, vector<1x16xi32>,
          %parallel_loop3A_471 = vector.shape_cast %parallel_loop3A_470 : vector<1x16xi32> to vector<16xi32>
          %parallel_loop3A_472 = arith.constant 13 : i32
          %parallel_loop3A_473 = arith.addi %parallel_loop3A_177, %parallel_loop3A_472 : i32
          %parallel_loop3A_474 = arith.index_cast %parallel_loop3A_473 : i32 to index
          %parallel_loop3A_475 = arith.constant 16 : index
          %parallel_loop3A_476 = tpu.vector_load %arg8[%parallel_loop3A_474, %parallel_loop3A_475] {strides = array<i32>} : memref<128x128xi32, #tpu.memory_space<vmem>>, vector<1x16xi32>,
          %parallel_loop3A_477 = vector.shape_cast %parallel_loop3A_476 : vector<1x16xi32> to vector<16xi32>
          %parallel_loop3A_478 = arith.constant 14 : i32
          %parallel_loop3A_479 = arith.addi %parallel_loop3A_177, %parallel_loop3A_478 : i32
          %parallel_loop3A_480 = arith.index_cast %parallel_loop3A_479 : i32 to index
          %parallel_loop3A_481 = arith.constant 16 : index
          %parallel_loop3A_482 = tpu.vector_load %arg8[%parallel_loop3A_480, %parallel_loop3A_481] {strides = array<i32>} : memref<128x128xi32, #tpu.memory_space<vmem>>, vector<1x16xi32>,
          %parallel_loop3A_483 = vector.shape_cast %parallel_loop3A_482 : vector<1x16xi32> to vector<16xi32>
          %parallel_loop3A_484 = arith.constant 15 : i32
          %parallel_loop3A_485 = arith.addi %parallel_loop3A_177, %parallel_loop3A_484 : i32
          %parallel_loop3A_486 = arith.index_cast %parallel_loop3A_485 : i32 to index
          %parallel_loop3A_487 = arith.constant 16 : index
          %parallel_loop3A_488 = tpu.vector_load %arg8[%parallel_loop3A_486, %parallel_loop3A_487] {strides = array<i32>} : memref<128x128xi32, #tpu.memory_space<vmem>>, vector<1x16xi32>,
          %parallel_loop3A_489 = vector.shape_cast %parallel_loop3A_488 : vector<1x16xi32> to vector<16xi32>
          %parallel_loop3A_490 = arith.constant 16 : i32
          %parallel_loop3A_491 = vector.broadcast %parallel_loop3A_490 : i32 to vector<16xi32>
          %parallel_loop3A_492 = arith.shli %parallel_loop3A_399, %parallel_loop3A_491 : vector<16xi32>
          %parallel_loop3A_493 = tpu.bitcast %parallel_loop3A_492 : vector<16xi32> -> vector<16xf32>
          %parallel_loop3A_494 = arith.constant 16 : i32
          %parallel_loop3A_495 = vector.broadcast %parallel_loop3A_494 : i32 to vector<16xi32>
          %parallel_loop3A_496 = arith.shli %parallel_loop3A_405, %parallel_loop3A_495 : vector<16xi32>
          %parallel_loop3A_497 = tpu.bitcast %parallel_loop3A_496 : vector<16xi32> -> vector<16xf32>
          %parallel_loop3A_498 = arith.constant 16 : i32
          %parallel_loop3A_499 = vector.broadcast %parallel_loop3A_498 : i32 to vector<16xi32>
          %parallel_loop3A_500 = arith.shli %parallel_loop3A_411, %parallel_loop3A_499 : vector<16xi32>
          %parallel_loop3A_501 = tpu.bitcast %parallel_loop3A_500 : vector<16xi32> -> vector<16xf32>
          %parallel_loop3A_502 = arith.constant 16 : i32
          %parallel_loop3A_503 = vector.broadcast %parallel_loop3A_502 : i32 to vector<16xi32>
          %parallel_loop3A_504 = arith.shli %parallel_loop3A_417, %parallel_loop3A_503 : vector<16xi32>
          %parallel_loop3A_505 = tpu.bitcast %parallel_loop3A_504 : vector<16xi32> -> vector<16xf32>
          %parallel_loop3A_506 = arith.constant 16 : i32
          %parallel_loop3A_507 = vector.broadcast %parallel_loop3A_506 : i32 to vector<16xi32>
          %parallel_loop3A_508 = arith.shli %parallel_loop3A_423, %parallel_loop3A_507 : vector<16xi32>
          %parallel_loop3A_509 = tpu.bitcast %parallel_loop3A_508 : vector<16xi32> -> vector<16xf32>
          %parallel_loop3A_510 = arith.constant 16 : i32
          %parallel_loop3A_511 = vector.broadcast %parallel_loop3A_510 : i32 to vector<16xi32>
          %parallel_loop3A_512 = arith.shli %parallel_loop3A_429, %parallel_loop3A_511 : vector<16xi32>
          %parallel_loop3A_513 = tpu.bitcast %parallel_loop3A_512 : vector<16xi32> -> vector<16xf32>
          %parallel_loop3A_514 = arith.constant 16 : i32
          %parallel_loop3A_515 = vector.broadcast %parallel_loop3A_514 : i32 to vector<16xi32>
          %parallel_loop3A_516 = arith.shli %parallel_loop3A_435, %parallel_loop3A_515 : vector<16xi32>
          %parallel_loop3A_517 = tpu.bitcast %parallel_loop3A_516 : vector<16xi32> -> vector<16xf32>
          %parallel_loop3A_518 = arith.constant 16 : i32
          %parallel_loop3A_519 = vector.broadcast %parallel_loop3A_518 : i32 to vector<16xi32>
          %parallel_loop3A_520 = arith.shli %parallel_loop3A_441, %parallel_loop3A_519 : vector<16xi32>
          %parallel_loop3A_521 = tpu.bitcast %parallel_loop3A_520 : vector<16xi32> -> vector<16xf32>
          %parallel_loop3A_522 = arith.constant 16 : i32
          %parallel_loop3A_523 = vector.broadcast %parallel_loop3A_522 : i32 to vector<16xi32>
          %parallel_loop3A_524 = arith.shli %parallel_loop3A_447, %parallel_loop3A_523 : vector<16xi32>
          %parallel_loop3A_525 = tpu.bitcast %parallel_loop3A_524 : vector<16xi32> -> vector<16xf32>
          %parallel_loop3A_526 = arith.constant 16 : i32
          %parallel_loop3A_527 = vector.broadcast %parallel_loop3A_526 : i32 to vector<16xi32>
          %parallel_loop3A_528 = arith.shli %parallel_loop3A_453, %parallel_loop3A_527 : vector<16xi32>
          %parallel_loop3A_529 = tpu.bitcast %parallel_loop3A_528 : vector<16xi32> -> vector<16xf32>
          %parallel_loop3A_530 = arith.constant 16 : i32
          %parallel_loop3A_531 = vector.broadcast %parallel_loop3A_530 : i32 to vector<16xi32>
          %parallel_loop3A_532 = arith.shli %parallel_loop3A_459, %parallel_loop3A_531 : vector<16xi32>
          %parallel_loop3A_533 = tpu.bitcast %parallel_loop3A_532 : vector<16xi32> -> vector<16xf32>
          %parallel_loop3A_534 = arith.constant 16 : i32
          %parallel_loop3A_535 = vector.broadcast %parallel_loop3A_534 : i32 to vector<16xi32>
          %parallel_loop3A_536 = arith.shli %parallel_loop3A_465, %parallel_loop3A_535 : vector<16xi32>
          %parallel_loop3A_537 = tpu.bitcast %parallel_loop3A_536 : vector<16xi32> -> vector<16xf32>
          %parallel_loop3A_538 = arith.constant 16 : i32
          %parallel_loop3A_539 = vector.broadcast %parallel_loop3A_538 : i32 to vector<16xi32>
          %parallel_loop3A_540 = arith.shli %parallel_loop3A_471, %parallel_loop3A_539 : vector<16xi32>
          %parallel_loop3A_541 = tpu.bitcast %parallel_loop3A_540 : vector<16xi32> -> vector<16xf32>
          %parallel_loop3A_542 = arith.constant 16 : i32
          %parallel_loop3A_543 = vector.broadcast %parallel_loop3A_542 : i32 to vector<16xi32>
          %parallel_loop3A_544 = arith.shli %parallel_loop3A_477, %parallel_loop3A_543 : vector<16xi32>
          %parallel_loop3A_545 = tpu.bitcast %parallel_loop3A_544 : vector<16xi32> -> vector<16xf32>
          %parallel_loop3A_546 = arith.constant 16 : i32
          %parallel_loop3A_547 = vector.broadcast %parallel_loop3A_546 : i32 to vector<16xi32>
          %parallel_loop3A_548 = arith.shli %parallel_loop3A_483, %parallel_loop3A_547 : vector<16xi32>
          %parallel_loop3A_549 = tpu.bitcast %parallel_loop3A_548 : vector<16xi32> -> vector<16xf32>
          %parallel_loop3A_550 = arith.constant 16 : i32
          %parallel_loop3A_551 = vector.broadcast %parallel_loop3A_550 : i32 to vector<16xi32>
          %parallel_loop3A_552 = arith.shli %parallel_loop3A_489, %parallel_loop3A_551 : vector<16xi32>
          %parallel_loop3A_553 = tpu.bitcast %parallel_loop3A_552 : vector<16xi32> -> vector<16xf32>
          %parallel_loop3A_554 = tpu.bitcast %parallel_loop3A_399 : vector<16xi32> -> vector<16xf32>
          %parallel_loop3A_555 = tpu.bitcast %parallel_loop3A_405 : vector<16xi32> -> vector<16xf32>
          %parallel_loop3A_556 = tpu.bitcast %parallel_loop3A_411 : vector<16xi32> -> vector<16xf32>
          %parallel_loop3A_557 = tpu.bitcast %parallel_loop3A_417 : vector<16xi32> -> vector<16xf32>
          %parallel_loop3A_558 = tpu.bitcast %parallel_loop3A_423 : vector<16xi32> -> vector<16xf32>
          %parallel_loop3A_559 = tpu.bitcast %parallel_loop3A_429 : vector<16xi32> -> vector<16xf32>
          %parallel_loop3A_560 = tpu.bitcast %parallel_loop3A_435 : vector<16xi32> -> vector<16xf32>
          %parallel_loop3A_561 = tpu.bitcast %parallel_loop3A_441 : vector<16xi32> -> vector<16xf32>
          %parallel_loop3A_562 = tpu.bitcast %parallel_loop3A_447 : vector<16xi32> -> vector<16xf32>
          %parallel_loop3A_563 = tpu.bitcast %parallel_loop3A_453 : vector<16xi32> -> vector<16xf32>
          %parallel_loop3A_564 = tpu.bitcast %parallel_loop3A_459 : vector<16xi32> -> vector<16xf32>
          %parallel_loop3A_565 = tpu.bitcast %parallel_loop3A_465 : vector<16xi32> -> vector<16xf32>
          %parallel_loop3A_566 = tpu.bitcast %parallel_loop3A_471 : vector<16xi32> -> vector<16xf32>
          %parallel_loop3A_567 = tpu.bitcast %parallel_loop3A_477 : vector<16xi32> -> vector<16xf32>
          %parallel_loop3A_568 = tpu.bitcast %parallel_loop3A_483 : vector<16xi32> -> vector<16xf32>
          %parallel_loop3A_569 = tpu.bitcast %parallel_loop3A_489 : vector<16xi32> -> vector<16xf32>
          %parallel_loop3A_570 = arith.addf %parallel_loop3A_493, %parallel_loop3A_497 : vector<16xf32>
          %parallel_loop3A_571 = arith.addf %parallel_loop3A_501, %parallel_loop3A_505 : vector<16xf32>
          %parallel_loop3A_572 = arith.addf %parallel_loop3A_509, %parallel_loop3A_513 : vector<16xf32>
          %parallel_loop3A_573 = arith.addf %parallel_loop3A_517, %parallel_loop3A_521 : vector<16xf32>
          %parallel_loop3A_574 = arith.addf %parallel_loop3A_525, %parallel_loop3A_529 : vector<16xf32>
          %parallel_loop3A_575 = arith.addf %parallel_loop3A_533, %parallel_loop3A_537 : vector<16xf32>
          %parallel_loop3A_576 = arith.addf %parallel_loop3A_541, %parallel_loop3A_545 : vector<16xf32>
          %parallel_loop3A_577 = arith.addf %parallel_loop3A_549, %parallel_loop3A_553 : vector<16xf32>
          %parallel_loop3A_578 = arith.addf %parallel_loop3A_554, %parallel_loop3A_555 : vector<16xf32>
          %parallel_loop3A_579 = arith.addf %parallel_loop3A_556, %parallel_loop3A_557 : vector<16xf32>
          %parallel_loop3A_580 = arith.addf %parallel_loop3A_558, %parallel_loop3A_559 : vector<16xf32>
          %parallel_loop3A_581 = arith.addf %parallel_loop3A_560, %parallel_loop3A_561 : vector<16xf32>
          %parallel_loop3A_582 = arith.addf %parallel_loop3A_562, %parallel_loop3A_563 : vector<16xf32>
          %parallel_loop3A_583 = arith.addf %parallel_loop3A_564, %parallel_loop3A_565 : vector<16xf32>
          %parallel_loop3A_584 = arith.addf %parallel_loop3A_566, %parallel_loop3A_567 : vector<16xf32>
          %parallel_loop3A_585 = arith.addf %parallel_loop3A_568, %parallel_loop3A_569 : vector<16xf32>
          %parallel_loop3A_586 = arith.addf %parallel_loop3A_570, %parallel_loop3A_571 : vector<16xf32>
          %parallel_loop3A_587 = arith.addf %parallel_loop3A_572, %parallel_loop3A_573 : vector<16xf32>
          %parallel_loop3A_588 = arith.addf %parallel_loop3A_574, %parallel_loop3A_575 : vector<16xf32>
          %parallel_loop3A_589 = arith.addf %parallel_loop3A_576, %parallel_loop3A_577 : vector<16xf32>
          %parallel_loop3A_590 = arith.addf %parallel_loop3A_578, %parallel_loop3A_579 : vector<16xf32>
          %parallel_loop3A_591 = arith.addf %parallel_loop3A_580, %parallel_loop3A_581 : vector<16xf32>
          %parallel_loop3A_592 = arith.addf %parallel_loop3A_582, %parallel_loop3A_583 : vector<16xf32>
          %parallel_loop3A_593 = arith.addf %parallel_loop3A_584, %parallel_loop3A_585 : vector<16xf32>
          %parallel_loop3A_594 = arith.addf %parallel_loop3A_586, %parallel_loop3A_587 : vector<16xf32>
          %parallel_loop3A_595 = arith.addf %parallel_loop3A_588, %parallel_loop3A_589 : vector<16xf32>
          %parallel_loop3A_596 = arith.addf %parallel_loop3A_590, %parallel_loop3A_591 : vector<16xf32>
          %parallel_loop3A_597 = arith.addf %parallel_loop3A_592, %parallel_loop3A_593 : vector<16xf32>
          %parallel_loop3A_598 = arith.addf %parallel_loop3A_594, %parallel_loop3A_595 : vector<16xf32>
          %parallel_loop3A_599 = arith.addf %parallel_loop3A_596, %parallel_loop3A_597 : vector<16xf32>
          %parallel_loop3A_600 = arith.index_cast %parallel_loop3A_175 : i32 to index
          %parallel_loop3A_601 = arith.constant 16 : index
          %parallel_loop3A_602 = tpu.vector_load %arg10[%parallel_loop3A_600, %parallel_loop3A_601] {strides = array<i32>} : memref<8x256xf32, #tpu.memory_space<vmem>>, vector<1x16xf32>,
          %parallel_loop3A_603 = vector.shape_cast %parallel_loop3A_602 : vector<1x16xf32> to vector<16xf32>
          %parallel_loop3A_604 = vector.shape_cast %parallel_loop3A_598 : vector<16xf32> to vector<1x16xf32>
          tpu.vector_store %arg10[%parallel_loop3A_600, %parallel_loop3A_601], %parallel_loop3A_604 {strides = array<i32>} : memref<8x256xf32, #tpu.memory_space<vmem>>, vector<1x16xf32>,
          %parallel_loop3A_605 = arith.index_cast %parallel_loop3A_175 : i32 to index
          %parallel_loop3A_606 = arith.constant 144 : index
          %parallel_loop3A_607 = tpu.vector_load %arg10[%parallel_loop3A_605, %parallel_loop3A_606] {strides = array<i32>} : memref<8x256xf32, #tpu.memory_space<vmem>>, vector<1x16xf32>,
          %parallel_loop3A_608 = vector.shape_cast %parallel_loop3A_607 : vector<1x16xf32> to vector<16xf32>
          %parallel_loop3A_609 = vector.shape_cast %parallel_loop3A_599 : vector<16xf32> to vector<1x16xf32>
          tpu.vector_store %arg10[%parallel_loop3A_605, %parallel_loop3A_606], %parallel_loop3A_609 {strides = array<i32>} : memref<8x256xf32, #tpu.memory_space<vmem>>, vector<1x16xf32>,
          %parallel_loop3A_610 = arith.constant 0 : i32
          %parallel_loop3A_611 = arith.addi %parallel_loop3A_177, %parallel_loop3A_610 : i32
          %parallel_loop3A_612 = arith.index_cast %parallel_loop3A_611 : i32 to index
          %parallel_loop3A_613 = arith.constant 32 : index
          %parallel_loop3A_614 = tpu.vector_load %arg8[%parallel_loop3A_612, %parallel_loop3A_613] {strides = array<i32>} : memref<128x128xi32, #tpu.memory_space<vmem>>, vector<1x16xi32>,
          %parallel_loop3A_615 = vector.shape_cast %parallel_loop3A_614 : vector<1x16xi32> to vector<16xi32>
          %parallel_loop3A_616 = arith.constant 1 : i32
          %parallel_loop3A_617 = arith.addi %parallel_loop3A_177, %parallel_loop3A_616 : i32
          %parallel_loop3A_618 = arith.index_cast %parallel_loop3A_617 : i32 to index
          %parallel_loop3A_619 = arith.constant 32 : index
          %parallel_loop3A_620 = tpu.vector_load %arg8[%parallel_loop3A_618, %parallel_loop3A_619] {strides = array<i32>} : memref<128x128xi32, #tpu.memory_space<vmem>>, vector<1x16xi32>,
          %parallel_loop3A_621 = vector.shape_cast %parallel_loop3A_620 : vector<1x16xi32> to vector<16xi32>
          %parallel_loop3A_622 = arith.constant 2 : i32
          %parallel_loop3A_623 = arith.addi %parallel_loop3A_177, %parallel_loop3A_622 : i32
          %parallel_loop3A_624 = arith.index_cast %parallel_loop3A_623 : i32 to index
          %parallel_loop3A_625 = arith.constant 32 : index
          %parallel_loop3A_626 = tpu.vector_load %arg8[%parallel_loop3A_624, %parallel_loop3A_625] {strides = array<i32>} : memref<128x128xi32, #tpu.memory_space<vmem>>, vector<1x16xi32>,
          %parallel_loop3A_627 = vector.shape_cast %parallel_loop3A_626 : vector<1x16xi32> to vector<16xi32>
          %parallel_loop3A_628 = arith.constant 3 : i32
          %parallel_loop3A_629 = arith.addi %parallel_loop3A_177, %parallel_loop3A_628 : i32
          %parallel_loop3A_630 = arith.index_cast %parallel_loop3A_629 : i32 to index
          %parallel_loop3A_631 = arith.constant 32 : index
          %parallel_loop3A_632 = tpu.vector_load %arg8[%parallel_loop3A_630, %parallel_loop3A_631] {strides = array<i32>} : memref<128x128xi32, #tpu.memory_space<vmem>>, vector<1x16xi32>,
          %parallel_loop3A_633 = vector.shape_cast %parallel_loop3A_632 : vector<1x16xi32> to vector<16xi32>
          %parallel_loop3A_634 = arith.constant 4 : i32
          %parallel_loop3A_635 = arith.addi %parallel_loop3A_177, %parallel_loop3A_634 : i32
          %parallel_loop3A_636 = arith.index_cast %parallel_loop3A_635 : i32 to index
          %parallel_loop3A_637 = arith.constant 32 : index
          %parallel_loop3A_638 = tpu.vector_load %arg8[%parallel_loop3A_636, %parallel_loop3A_637] {strides = array<i32>} : memref<128x128xi32, #tpu.memory_space<vmem>>, vector<1x16xi32>,
          %parallel_loop3A_639 = vector.shape_cast %parallel_loop3A_638 : vector<1x16xi32> to vector<16xi32>
          %parallel_loop3A_640 = arith.constant 5 : i32
          %parallel_loop3A_641 = arith.addi %parallel_loop3A_177, %parallel_loop3A_640 : i32
          %parallel_loop3A_642 = arith.index_cast %parallel_loop3A_641 : i32 to index
          %parallel_loop3A_643 = arith.constant 32 : index
          %parallel_loop3A_644 = tpu.vector_load %arg8[%parallel_loop3A_642, %parallel_loop3A_643] {strides = array<i32>} : memref<128x128xi32, #tpu.memory_space<vmem>>, vector<1x16xi32>,
          %parallel_loop3A_645 = vector.shape_cast %parallel_loop3A_644 : vector<1x16xi32> to vector<16xi32>
          %parallel_loop3A_646 = arith.constant 6 : i32
          %parallel_loop3A_647 = arith.addi %parallel_loop3A_177, %parallel_loop3A_646 : i32
          %parallel_loop3A_648 = arith.index_cast %parallel_loop3A_647 : i32 to index
          %parallel_loop3A_649 = arith.constant 32 : index
          %parallel_loop3A_650 = tpu.vector_load %arg8[%parallel_loop3A_648, %parallel_loop3A_649] {strides = array<i32>} : memref<128x128xi32, #tpu.memory_space<vmem>>, vector<1x16xi32>,
          %parallel_loop3A_651 = vector.shape_cast %parallel_loop3A_650 : vector<1x16xi32> to vector<16xi32>
          %parallel_loop3A_652 = arith.constant 7 : i32
          %parallel_loop3A_653 = arith.addi %parallel_loop3A_177, %parallel_loop3A_652 : i32
          %parallel_loop3A_654 = arith.index_cast %parallel_loop3A_653 : i32 to index
          %parallel_loop3A_655 = arith.constant 32 : index
          %parallel_loop3A_656 = tpu.vector_load %arg8[%parallel_loop3A_654, %parallel_loop3A_655] {strides = array<i32>} : memref<128x128xi32, #tpu.memory_space<vmem>>, vector<1x16xi32>,
          %parallel_loop3A_657 = vector.shape_cast %parallel_loop3A_656 : vector<1x16xi32> to vector<16xi32>
          %parallel_loop3A_658 = arith.constant 8 : i32
          %parallel_loop3A_659 = arith.addi %parallel_loop3A_177, %parallel_loop3A_658 : i32
          %parallel_loop3A_660 = arith.index_cast %parallel_loop3A_659 : i32 to index
          %parallel_loop3A_661 = arith.constant 32 : index
          %parallel_loop3A_662 = tpu.vector_load %arg8[%parallel_loop3A_660, %parallel_loop3A_661] {strides = array<i32>} : memref<128x128xi32, #tpu.memory_space<vmem>>, vector<1x16xi32>,
          %parallel_loop3A_663 = vector.shape_cast %parallel_loop3A_662 : vector<1x16xi32> to vector<16xi32>
          %parallel_loop3A_664 = arith.constant 9 : i32
          %parallel_loop3A_665 = arith.addi %parallel_loop3A_177, %parallel_loop3A_664 : i32
          %parallel_loop3A_666 = arith.index_cast %parallel_loop3A_665 : i32 to index
          %parallel_loop3A_667 = arith.constant 32 : index
          %parallel_loop3A_668 = tpu.vector_load %arg8[%parallel_loop3A_666, %parallel_loop3A_667] {strides = array<i32>} : memref<128x128xi32, #tpu.memory_space<vmem>>, vector<1x16xi32>,
          %parallel_loop3A_669 = vector.shape_cast %parallel_loop3A_668 : vector<1x16xi32> to vector<16xi32>
          %parallel_loop3A_670 = arith.constant 10 : i32
          %parallel_loop3A_671 = arith.addi %parallel_loop3A_177, %parallel_loop3A_670 : i32
          %parallel_loop3A_672 = arith.index_cast %parallel_loop3A_671 : i32 to index
          %parallel_loop3A_673 = arith.constant 32 : index
          %parallel_loop3A_674 = tpu.vector_load %arg8[%parallel_loop3A_672, %parallel_loop3A_673] {strides = array<i32>} : memref<128x128xi32, #tpu.memory_space<vmem>>, vector<1x16xi32>,
          %parallel_loop3A_675 = vector.shape_cast %parallel_loop3A_674 : vector<1x16xi32> to vector<16xi32>
          %parallel_loop3A_676 = arith.constant 11 : i32
          %parallel_loop3A_677 = arith.addi %parallel_loop3A_177, %parallel_loop3A_676 : i32
          %parallel_loop3A_678 = arith.index_cast %parallel_loop3A_677 : i32 to index
          %parallel_loop3A_679 = arith.constant 32 : index
          %parallel_loop3A_680 = tpu.vector_load %arg8[%parallel_loop3A_678, %parallel_loop3A_679] {strides = array<i32>} : memref<128x128xi32, #tpu.memory_space<vmem>>, vector<1x16xi32>,
          %parallel_loop3A_681 = vector.shape_cast %parallel_loop3A_680 : vector<1x16xi32> to vector<16xi32>
          %parallel_loop3A_682 = arith.constant 12 : i32
          %parallel_loop3A_683 = arith.addi %parallel_loop3A_177, %parallel_loop3A_682 : i32
          %parallel_loop3A_684 = arith.index_cast %parallel_loop3A_683 : i32 to index
          %parallel_loop3A_685 = arith.constant 32 : index
          %parallel_loop3A_686 = tpu.vector_load %arg8[%parallel_loop3A_684, %parallel_loop3A_685] {strides = array<i32>} : memref<128x128xi32, #tpu.memory_space<vmem>>, vector<1x16xi32>,
          %parallel_loop3A_687 = vector.shape_cast %parallel_loop3A_686 : vector<1x16xi32> to vector<16xi32>
          %parallel_loop3A_688 = arith.constant 13 : i32
          %parallel_loop3A_689 = arith.addi %parallel_loop3A_177, %parallel_loop3A_688 : i32
          %parallel_loop3A_690 = arith.index_cast %parallel_loop3A_689 : i32 to index
          %parallel_loop3A_691 = arith.constant 32 : index
          %parallel_loop3A_692 = tpu.vector_load %arg8[%parallel_loop3A_690, %parallel_loop3A_691] {strides = array<i32>} : memref<128x128xi32, #tpu.memory_space<vmem>>, vector<1x16xi32>,
          %parallel_loop3A_693 = vector.shape_cast %parallel_loop3A_692 : vector<1x16xi32> to vector<16xi32>
          %parallel_loop3A_694 = arith.constant 14 : i32
          %parallel_loop3A_695 = arith.addi %parallel_loop3A_177, %parallel_loop3A_694 : i32
          %parallel_loop3A_696 = arith.index_cast %parallel_loop3A_695 : i32 to index
          %parallel_loop3A_697 = arith.constant 32 : index
          %parallel_loop3A_698 = tpu.vector_load %arg8[%parallel_loop3A_696, %parallel_loop3A_697] {strides = array<i32>} : memref<128x128xi32, #tpu.memory_space<vmem>>, vector<1x16xi32>,
          %parallel_loop3A_699 = vector.shape_cast %parallel_loop3A_698 : vector<1x16xi32> to vector<16xi32>
          %parallel_loop3A_700 = arith.constant 15 : i32
          %parallel_loop3A_701 = arith.addi %parallel_loop3A_177, %parallel_loop3A_700 : i32
          %parallel_loop3A_702 = arith.index_cast %parallel_loop3A_701 : i32 to index
          %parallel_loop3A_703 = arith.constant 32 : index
          %parallel_loop3A_704 = tpu.vector_load %arg8[%parallel_loop3A_702, %parallel_loop3A_703] {strides = array<i32>} : memref<128x128xi32, #tpu.memory_space<vmem>>, vector<1x16xi32>,
          %parallel_loop3A_705 = vector.shape_cast %parallel_loop3A_704 : vector<1x16xi32> to vector<16xi32>
          %parallel_loop3A_706 = arith.constant 16 : i32
          %parallel_loop3A_707 = vector.broadcast %parallel_loop3A_706 : i32 to vector<16xi32>
          %parallel_loop3A_708 = arith.shli %parallel_loop3A_615, %parallel_loop3A_707 : vector<16xi32>
          %parallel_loop3A_709 = tpu.bitcast %parallel_loop3A_708 : vector<16xi32> -> vector<16xf32>
          %parallel_loop3A_710 = arith.constant 16 : i32
          %parallel_loop3A_711 = vector.broadcast %parallel_loop3A_710 : i32 to vector<16xi32>
          %parallel_loop3A_712 = arith.shli %parallel_loop3A_621, %parallel_loop3A_711 : vector<16xi32>
          %parallel_loop3A_713 = tpu.bitcast %parallel_loop3A_712 : vector<16xi32> -> vector<16xf32>
          %parallel_loop3A_714 = arith.constant 16 : i32
          %parallel_loop3A_715 = vector.broadcast %parallel_loop3A_714 : i32 to vector<16xi32>
          %parallel_loop3A_716 = arith.shli %parallel_loop3A_627, %parallel_loop3A_715 : vector<16xi32>
          %parallel_loop3A_717 = tpu.bitcast %parallel_loop3A_716 : vector<16xi32> -> vector<16xf32>
          %parallel_loop3A_718 = arith.constant 16 : i32
          %parallel_loop3A_719 = vector.broadcast %parallel_loop3A_718 : i32 to vector<16xi32>
          %parallel_loop3A_720 = arith.shli %parallel_loop3A_633, %parallel_loop3A_719 : vector<16xi32>
          %parallel_loop3A_721 = tpu.bitcast %parallel_loop3A_720 : vector<16xi32> -> vector<16xf32>
          %parallel_loop3A_722 = arith.constant 16 : i32
          %parallel_loop3A_723 = vector.broadcast %parallel_loop3A_722 : i32 to vector<16xi32>
          %parallel_loop3A_724 = arith.shli %parallel_loop3A_639, %parallel_loop3A_723 : vector<16xi32>
          %parallel_loop3A_725 = tpu.bitcast %parallel_loop3A_724 : vector<16xi32> -> vector<16xf32>
          %parallel_loop3A_726 = arith.constant 16 : i32
          %parallel_loop3A_727 = vector.broadcast %parallel_loop3A_726 : i32 to vector<16xi32>
          %parallel_loop3A_728 = arith.shli %parallel_loop3A_645, %parallel_loop3A_727 : vector<16xi32>
          %parallel_loop3A_729 = tpu.bitcast %parallel_loop3A_728 : vector<16xi32> -> vector<16xf32>
          %parallel_loop3A_730 = arith.constant 16 : i32
          %parallel_loop3A_731 = vector.broadcast %parallel_loop3A_730 : i32 to vector<16xi32>
          %parallel_loop3A_732 = arith.shli %parallel_loop3A_651, %parallel_loop3A_731 : vector<16xi32>
          %parallel_loop3A_733 = tpu.bitcast %parallel_loop3A_732 : vector<16xi32> -> vector<16xf32>
          %parallel_loop3A_734 = arith.constant 16 : i32
          %parallel_loop3A_735 = vector.broadcast %parallel_loop3A_734 : i32 to vector<16xi32>
          %parallel_loop3A_736 = arith.shli %parallel_loop3A_657, %parallel_loop3A_735 : vector<16xi32>
          %parallel_loop3A_737 = tpu.bitcast %parallel_loop3A_736 : vector<16xi32> -> vector<16xf32>
          %parallel_loop3A_738 = arith.constant 16 : i32
          %parallel_loop3A_739 = vector.broadcast %parallel_loop3A_738 : i32 to vector<16xi32>
          %parallel_loop3A_740 = arith.shli %parallel_loop3A_663, %parallel_loop3A_739 : vector<16xi32>
          %parallel_loop3A_741 = tpu.bitcast %parallel_loop3A_740 : vector<16xi32> -> vector<16xf32>
          %parallel_loop3A_742 = arith.constant 16 : i32
          %parallel_loop3A_743 = vector.broadcast %parallel_loop3A_742 : i32 to vector<16xi32>
          %parallel_loop3A_744 = arith.shli %parallel_loop3A_669, %parallel_loop3A_743 : vector<16xi32>
          %parallel_loop3A_745 = tpu.bitcast %parallel_loop3A_744 : vector<16xi32> -> vector<16xf32>
          %parallel_loop3A_746 = arith.constant 16 : i32
          %parallel_loop3A_747 = vector.broadcast %parallel_loop3A_746 : i32 to vector<16xi32>
          %parallel_loop3A_748 = arith.shli %parallel_loop3A_675, %parallel_loop3A_747 : vector<16xi32>
          %parallel_loop3A_749 = tpu.bitcast %parallel_loop3A_748 : vector<16xi32> -> vector<16xf32>
          %parallel_loop3A_750 = arith.constant 16 : i32
          %parallel_loop3A_751 = vector.broadcast %parallel_loop3A_750 : i32 to vector<16xi32>
          %parallel_loop3A_752 = arith.shli %parallel_loop3A_681, %parallel_loop3A_751 : vector<16xi32>
          %parallel_loop3A_753 = tpu.bitcast %parallel_loop3A_752 : vector<16xi32> -> vector<16xf32>
          %parallel_loop3A_754 = arith.constant 16 : i32
          %parallel_loop3A_755 = vector.broadcast %parallel_loop3A_754 : i32 to vector<16xi32>
          %parallel_loop3A_756 = arith.shli %parallel_loop3A_687, %parallel_loop3A_755 : vector<16xi32>
          %parallel_loop3A_757 = tpu.bitcast %parallel_loop3A_756 : vector<16xi32> -> vector<16xf32>
          %parallel_loop3A_758 = arith.constant 16 : i32
          %parallel_loop3A_759 = vector.broadcast %parallel_loop3A_758 : i32 to vector<16xi32>
          %parallel_loop3A_760 = arith.shli %parallel_loop3A_693, %parallel_loop3A_759 : vector<16xi32>
          %parallel_loop3A_761 = tpu.bitcast %parallel_loop3A_760 : vector<16xi32> -> vector<16xf32>
          %parallel_loop3A_762 = arith.constant 16 : i32
          %parallel_loop3A_763 = vector.broadcast %parallel_loop3A_762 : i32 to vector<16xi32>
          %parallel_loop3A_764 = arith.shli %parallel_loop3A_699, %parallel_loop3A_763 : vector<16xi32>
          %parallel_loop3A_765 = tpu.bitcast %parallel_loop3A_764 : vector<16xi32> -> vector<16xf32>
          %parallel_loop3A_766 = arith.constant 16 : i32
          %parallel_loop3A_767 = vector.broadcast %parallel_loop3A_766 : i32 to vector<16xi32>
          %parallel_loop3A_768 = arith.shli %parallel_loop3A_705, %parallel_loop3A_767 : vector<16xi32>
          %parallel_loop3A_769 = tpu.bitcast %parallel_loop3A_768 : vector<16xi32> -> vector<16xf32>
          %parallel_loop3A_770 = tpu.bitcast %parallel_loop3A_615 : vector<16xi32> -> vector<16xf32>
          %parallel_loop3A_771 = tpu.bitcast %parallel_loop3A_621 : vector<16xi32> -> vector<16xf32>
          %parallel_loop3A_772 = tpu.bitcast %parallel_loop3A_627 : vector<16xi32> -> vector<16xf32>
          %parallel_loop3A_773 = tpu.bitcast %parallel_loop3A_633 : vector<16xi32> -> vector<16xf32>
          %parallel_loop3A_774 = tpu.bitcast %parallel_loop3A_639 : vector<16xi32> -> vector<16xf32>
          %parallel_loop3A_775 = tpu.bitcast %parallel_loop3A_645 : vector<16xi32> -> vector<16xf32>
          %parallel_loop3A_776 = tpu.bitcast %parallel_loop3A_651 : vector<16xi32> -> vector<16xf32>
          %parallel_loop3A_777 = tpu.bitcast %parallel_loop3A_657 : vector<16xi32> -> vector<16xf32>
          %parallel_loop3A_778 = tpu.bitcast %parallel_loop3A_663 : vector<16xi32> -> vector<16xf32>
          %parallel_loop3A_779 = tpu.bitcast %parallel_loop3A_669 : vector<16xi32> -> vector<16xf32>
          %parallel_loop3A_780 = tpu.bitcast %parallel_loop3A_675 : vector<16xi32> -> vector<16xf32>
          %parallel_loop3A_781 = tpu.bitcast %parallel_loop3A_681 : vector<16xi32> -> vector<16xf32>
          %parallel_loop3A_782 = tpu.bitcast %parallel_loop3A_687 : vector<16xi32> -> vector<16xf32>
          %parallel_loop3A_783 = tpu.bitcast %parallel_loop3A_693 : vector<16xi32> -> vector<16xf32>
          %parallel_loop3A_784 = tpu.bitcast %parallel_loop3A_699 : vector<16xi32> -> vector<16xf32>
          %parallel_loop3A_785 = tpu.bitcast %parallel_loop3A_705 : vector<16xi32> -> vector<16xf32>
          %parallel_loop3A_786 = arith.addf %parallel_loop3A_709, %parallel_loop3A_713 : vector<16xf32>
          %parallel_loop3A_787 = arith.addf %parallel_loop3A_717, %parallel_loop3A_721 : vector<16xf32>
          %parallel_loop3A_788 = arith.addf %parallel_loop3A_725, %parallel_loop3A_729 : vector<16xf32>
          %parallel_loop3A_789 = arith.addf %parallel_loop3A_733, %parallel_loop3A_737 : vector<16xf32>
          %parallel_loop3A_790 = arith.addf %parallel_loop3A_741, %parallel_loop3A_745 : vector<16xf32>
          %parallel_loop3A_791 = arith.addf %parallel_loop3A_749, %parallel_loop3A_753 : vector<16xf32>
          %parallel_loop3A_792 = arith.addf %parallel_loop3A_757, %parallel_loop3A_761 : vector<16xf32>
          %parallel_loop3A_793 = arith.addf %parallel_loop3A_765, %parallel_loop3A_769 : vector<16xf32>
          %parallel_loop3A_794 = arith.addf %parallel_loop3A_770, %parallel_loop3A_771 : vector<16xf32>
          %parallel_loop3A_795 = arith.addf %parallel_loop3A_772, %parallel_loop3A_773 : vector<16xf32>
          %parallel_loop3A_796 = arith.addf %parallel_loop3A_774, %parallel_loop3A_775 : vector<16xf32>
          %parallel_loop3A_797 = arith.addf %parallel_loop3A_776, %parallel_loop3A_777 : vector<16xf32>
          %parallel_loop3A_798 = arith.addf %parallel_loop3A_778, %parallel_loop3A_779 : vector<16xf32>
          %parallel_loop3A_799 = arith.addf %parallel_loop3A_780, %parallel_loop3A_781 : vector<16xf32>
          %parallel_loop3A_800 = arith.addf %parallel_loop3A_782, %parallel_loop3A_783 : vector<16xf32>
          %parallel_loop3A_801 = arith.addf %parallel_loop3A_784, %parallel_loop3A_785 : vector<16xf32>
          %parallel_loop3A_802 = arith.addf %parallel_loop3A_786, %parallel_loop3A_787 : vector<16xf32>
          %parallel_loop3A_803 = arith.addf %parallel_loop3A_788, %parallel_loop3A_789 : vector<16xf32>
          %parallel_loop3A_804 = arith.addf %parallel_loop3A_790, %parallel_loop3A_791 : vector<16xf32>
          %parallel_loop3A_805 = arith.addf %parallel_loop3A_792, %parallel_loop3A_793 : vector<16xf32>
          %parallel_loop3A_806 = arith.addf %parallel_loop3A_794, %parallel_loop3A_795 : vector<16xf32>
          %parallel_loop3A_807 = arith.addf %parallel_loop3A_796, %parallel_loop3A_797 : vector<16xf32>
          %parallel_loop3A_808 = arith.addf %parallel_loop3A_798, %parallel_loop3A_799 : vector<16xf32>
          %parallel_loop3A_809 = arith.addf %parallel_loop3A_800, %parallel_loop3A_801 : vector<16xf32>
          %parallel_loop3A_810 = arith.addf %parallel_loop3A_802, %parallel_loop3A_803 : vector<16xf32>
          %parallel_loop3A_811 = arith.addf %parallel_loop3A_804, %parallel_loop3A_805 : vector<16xf32>
          %parallel_loop3A_812 = arith.addf %parallel_loop3A_806, %parallel_loop3A_807 : vector<16xf32>
          %parallel_loop3A_813 = arith.addf %parallel_loop3A_808, %parallel_loop3A_809 : vector<16xf32>
          %parallel_loop3A_814 = arith.addf %parallel_loop3A_810, %parallel_loop3A_811 : vector<16xf32>
          %parallel_loop3A_815 = arith.addf %parallel_loop3A_812, %parallel_loop3A_813 : vector<16xf32>
          %parallel_loop3A_816 = arith.index_cast %parallel_loop3A_175 : i32 to index
          %parallel_loop3A_817 = arith.constant 32 : index
          %parallel_loop3A_818 = tpu.vector_load %arg10[%parallel_loop3A_816, %parallel_loop3A_817] {strides = array<i32>} : memref<8x256xf32, #tpu.memory_space<vmem>>, vector<1x16xf32>,
          %parallel_loop3A_819 = vector.shape_cast %parallel_loop3A_818 : vector<1x16xf32> to vector<16xf32>
          %parallel_loop3A_820 = vector.shape_cast %parallel_loop3A_814 : vector<16xf32> to vector<1x16xf32>
          tpu.vector_store %arg10[%parallel_loop3A_816, %parallel_loop3A_817], %parallel_loop3A_820 {strides = array<i32>} : memref<8x256xf32, #tpu.memory_space<vmem>>, vector<1x16xf32>,
          %parallel_loop3A_821 = arith.index_cast %parallel_loop3A_175 : i32 to index
          %parallel_loop3A_822 = arith.constant 160 : index
          %parallel_loop3A_823 = tpu.vector_load %arg10[%parallel_loop3A_821, %parallel_loop3A_822] {strides = array<i32>} : memref<8x256xf32, #tpu.memory_space<vmem>>, vector<1x16xf32>,
          %parallel_loop3A_824 = vector.shape_cast %parallel_loop3A_823 : vector<1x16xf32> to vector<16xf32>
          %parallel_loop3A_825 = vector.shape_cast %parallel_loop3A_815 : vector<16xf32> to vector<1x16xf32>
          tpu.vector_store %arg10[%parallel_loop3A_821, %parallel_loop3A_822], %parallel_loop3A_825 {strides = array<i32>} : memref<8x256xf32, #tpu.memory_space<vmem>>, vector<1x16xf32>,
          %parallel_loop3A_826 = arith.constant 0 : i32
          %parallel_loop3A_827 = arith.addi %parallel_loop3A_177, %parallel_loop3A_826 : i32
          %parallel_loop3A_828 = arith.index_cast %parallel_loop3A_827 : i32 to index
          %parallel_loop3A_829 = arith.constant 48 : index
          %parallel_loop3A_830 = tpu.vector_load %arg8[%parallel_loop3A_828, %parallel_loop3A_829] {strides = array<i32>} : memref<128x128xi32, #tpu.memory_space<vmem>>, vector<1x16xi32>,
          %parallel_loop3A_831 = vector.shape_cast %parallel_loop3A_830 : vector<1x16xi32> to vector<16xi32>
          %parallel_loop3A_832 = arith.constant 1 : i32
          %parallel_loop3A_833 = arith.addi %parallel_loop3A_177, %parallel_loop3A_832 : i32
          %parallel_loop3A_834 = arith.index_cast %parallel_loop3A_833 : i32 to index
          %parallel_loop3A_835 = arith.constant 48 : index
          %parallel_loop3A_836 = tpu.vector_load %arg8[%parallel_loop3A_834, %parallel_loop3A_835] {strides = array<i32>} : memref<128x128xi32, #tpu.memory_space<vmem>>, vector<1x16xi32>,
          %parallel_loop3A_837 = vector.shape_cast %parallel_loop3A_836 : vector<1x16xi32> to vector<16xi32>
          %parallel_loop3A_838 = arith.constant 2 : i32
          %parallel_loop3A_839 = arith.addi %parallel_loop3A_177, %parallel_loop3A_838 : i32
          %parallel_loop3A_840 = arith.index_cast %parallel_loop3A_839 : i32 to index
          %parallel_loop3A_841 = arith.constant 48 : index
          %parallel_loop3A_842 = tpu.vector_load %arg8[%parallel_loop3A_840, %parallel_loop3A_841] {strides = array<i32>} : memref<128x128xi32, #tpu.memory_space<vmem>>, vector<1x16xi32>,
          %parallel_loop3A_843 = vector.shape_cast %parallel_loop3A_842 : vector<1x16xi32> to vector<16xi32>
          %parallel_loop3A_844 = arith.constant 3 : i32
          %parallel_loop3A_845 = arith.addi %parallel_loop3A_177, %parallel_loop3A_844 : i32
          %parallel_loop3A_846 = arith.index_cast %parallel_loop3A_845 : i32 to index
          %parallel_loop3A_847 = arith.constant 48 : index
          %parallel_loop3A_848 = tpu.vector_load %arg8[%parallel_loop3A_846, %parallel_loop3A_847] {strides = array<i32>} : memref<128x128xi32, #tpu.memory_space<vmem>>, vector<1x16xi32>,
          %parallel_loop3A_849 = vector.shape_cast %parallel_loop3A_848 : vector<1x16xi32> to vector<16xi32>
          %parallel_loop3A_850 = arith.constant 4 : i32
          %parallel_loop3A_851 = arith.addi %parallel_loop3A_177, %parallel_loop3A_850 : i32
          %parallel_loop3A_852 = arith.index_cast %parallel_loop3A_851 : i32 to index
          %parallel_loop3A_853 = arith.constant 48 : index
          %parallel_loop3A_854 = tpu.vector_load %arg8[%parallel_loop3A_852, %parallel_loop3A_853] {strides = array<i32>} : memref<128x128xi32, #tpu.memory_space<vmem>>, vector<1x16xi32>,
          %parallel_loop3A_855 = vector.shape_cast %parallel_loop3A_854 : vector<1x16xi32> to vector<16xi32>
          %parallel_loop3A_856 = arith.constant 5 : i32
          %parallel_loop3A_857 = arith.addi %parallel_loop3A_177, %parallel_loop3A_856 : i32
          %parallel_loop3A_858 = arith.index_cast %parallel_loop3A_857 : i32 to index
          %parallel_loop3A_859 = arith.constant 48 : index
          %parallel_loop3A_860 = tpu.vector_load %arg8[%parallel_loop3A_858, %parallel_loop3A_859] {strides = array<i32>} : memref<128x128xi32, #tpu.memory_space<vmem>>, vector<1x16xi32>,
          %parallel_loop3A_861 = vector.shape_cast %parallel_loop3A_860 : vector<1x16xi32> to vector<16xi32>
          %parallel_loop3A_862 = arith.constant 6 : i32
          %parallel_loop3A_863 = arith.addi %parallel_loop3A_177, %parallel_loop3A_862 : i32
          %parallel_loop3A_864 = arith.index_cast %parallel_loop3A_863 : i32 to index
          %parallel_loop3A_865 = arith.constant 48 : index
          %parallel_loop3A_866 = tpu.vector_load %arg8[%parallel_loop3A_864, %parallel_loop3A_865] {strides = array<i32>} : memref<128x128xi32, #tpu.memory_space<vmem>>, vector<1x16xi32>,
          %parallel_loop3A_867 = vector.shape_cast %parallel_loop3A_866 : vector<1x16xi32> to vector<16xi32>
          %parallel_loop3A_868 = arith.constant 7 : i32
          %parallel_loop3A_869 = arith.addi %parallel_loop3A_177, %parallel_loop3A_868 : i32
          %parallel_loop3A_870 = arith.index_cast %parallel_loop3A_869 : i32 to index
          %parallel_loop3A_871 = arith.constant 48 : index
          %parallel_loop3A_872 = tpu.vector_load %arg8[%parallel_loop3A_870, %parallel_loop3A_871] {strides = array<i32>} : memref<128x128xi32, #tpu.memory_space<vmem>>, vector<1x16xi32>,
          %parallel_loop3A_873 = vector.shape_cast %parallel_loop3A_872 : vector<1x16xi32> to vector<16xi32>
          %parallel_loop3A_874 = arith.constant 8 : i32
          %parallel_loop3A_875 = arith.addi %parallel_loop3A_177, %parallel_loop3A_874 : i32
          %parallel_loop3A_876 = arith.index_cast %parallel_loop3A_875 : i32 to index
          %parallel_loop3A_877 = arith.constant 48 : index
          %parallel_loop3A_878 = tpu.vector_load %arg8[%parallel_loop3A_876, %parallel_loop3A_877] {strides = array<i32>} : memref<128x128xi32, #tpu.memory_space<vmem>>, vector<1x16xi32>,
          %parallel_loop3A_879 = vector.shape_cast %parallel_loop3A_878 : vector<1x16xi32> to vector<16xi32>
          %parallel_loop3A_880 = arith.constant 9 : i32
          %parallel_loop3A_881 = arith.addi %parallel_loop3A_177, %parallel_loop3A_880 : i32
          %parallel_loop3A_882 = arith.index_cast %parallel_loop3A_881 : i32 to index
          %parallel_loop3A_883 = arith.constant 48 : index
          %parallel_loop3A_884 = tpu.vector_load %arg8[%parallel_loop3A_882, %parallel_loop3A_883] {strides = array<i32>} : memref<128x128xi32, #tpu.memory_space<vmem>>, vector<1x16xi32>,
          %parallel_loop3A_885 = vector.shape_cast %parallel_loop3A_884 : vector<1x16xi32> to vector<16xi32>
          %parallel_loop3A_886 = arith.constant 10 : i32
          %parallel_loop3A_887 = arith.addi %parallel_loop3A_177, %parallel_loop3A_886 : i32
          %parallel_loop3A_888 = arith.index_cast %parallel_loop3A_887 : i32 to index
          %parallel_loop3A_889 = arith.constant 48 : index
          %parallel_loop3A_890 = tpu.vector_load %arg8[%parallel_loop3A_888, %parallel_loop3A_889] {strides = array<i32>} : memref<128x128xi32, #tpu.memory_space<vmem>>, vector<1x16xi32>,
          %parallel_loop3A_891 = vector.shape_cast %parallel_loop3A_890 : vector<1x16xi32> to vector<16xi32>
          %parallel_loop3A_892 = arith.constant 11 : i32
          %parallel_loop3A_893 = arith.addi %parallel_loop3A_177, %parallel_loop3A_892 : i32
          %parallel_loop3A_894 = arith.index_cast %parallel_loop3A_893 : i32 to index
          %parallel_loop3A_895 = arith.constant 48 : index
          %parallel_loop3A_896 = tpu.vector_load %arg8[%parallel_loop3A_894, %parallel_loop3A_895] {strides = array<i32>} : memref<128x128xi32, #tpu.memory_space<vmem>>, vector<1x16xi32>,
          %parallel_loop3A_897 = vector.shape_cast %parallel_loop3A_896 : vector<1x16xi32> to vector<16xi32>
          %parallel_loop3A_898 = arith.constant 12 : i32
          %parallel_loop3A_899 = arith.addi %parallel_loop3A_177, %parallel_loop3A_898 : i32
          %parallel_loop3A_900 = arith.index_cast %parallel_loop3A_899 : i32 to index
          %parallel_loop3A_901 = arith.constant 48 : index
          %parallel_loop3A_902 = tpu.vector_load %arg8[%parallel_loop3A_900, %parallel_loop3A_901] {strides = array<i32>} : memref<128x128xi32, #tpu.memory_space<vmem>>, vector<1x16xi32>,
          %parallel_loop3A_903 = vector.shape_cast %parallel_loop3A_902 : vector<1x16xi32> to vector<16xi32>
          %parallel_loop3A_904 = arith.constant 13 : i32
          %parallel_loop3A_905 = arith.addi %parallel_loop3A_177, %parallel_loop3A_904 : i32
          %parallel_loop3A_906 = arith.index_cast %parallel_loop3A_905 : i32 to index
          %parallel_loop3A_907 = arith.constant 48 : index
          %parallel_loop3A_908 = tpu.vector_load %arg8[%parallel_loop3A_906, %parallel_loop3A_907] {strides = array<i32>} : memref<128x128xi32, #tpu.memory_space<vmem>>, vector<1x16xi32>,
          %parallel_loop3A_909 = vector.shape_cast %parallel_loop3A_908 : vector<1x16xi32> to vector<16xi32>
          %parallel_loop3A_910 = arith.constant 14 : i32
          %parallel_loop3A_911 = arith.addi %parallel_loop3A_177, %parallel_loop3A_910 : i32
          %parallel_loop3A_912 = arith.index_cast %parallel_loop3A_911 : i32 to index
          %parallel_loop3A_913 = arith.constant 48 : index
          %parallel_loop3A_914 = tpu.vector_load %arg8[%parallel_loop3A_912, %parallel_loop3A_913] {strides = array<i32>} : memref<128x128xi32, #tpu.memory_space<vmem>>, vector<1x16xi32>,
          %parallel_loop3A_915 = vector.shape_cast %parallel_loop3A_914 : vector<1x16xi32> to vector<16xi32>
          %parallel_loop3A_916 = arith.constant 15 : i32
          %parallel_loop3A_917 = arith.addi %parallel_loop3A_177, %parallel_loop3A_916 : i32
          %parallel_loop3A_918 = arith.index_cast %parallel_loop3A_917 : i32 to index
          %parallel_loop3A_919 = arith.constant 48 : index
          %parallel_loop3A_920 = tpu.vector_load %arg8[%parallel_loop3A_918, %parallel_loop3A_919] {strides = array<i32>} : memref<128x128xi32, #tpu.memory_space<vmem>>, vector<1x16xi32>,
          %parallel_loop3A_921 = vector.shape_cast %parallel_loop3A_920 : vector<1x16xi32> to vector<16xi32>
          %parallel_loop3A_922 = arith.constant 16 : i32
          %parallel_loop3A_923 = vector.broadcast %parallel_loop3A_922 : i32 to vector<16xi32>
          %parallel_loop3A_924 = arith.shli %parallel_loop3A_831, %parallel_loop3A_923 : vector<16xi32>
          %parallel_loop3A_925 = tpu.bitcast %parallel_loop3A_924 : vector<16xi32> -> vector<16xf32>
          %parallel_loop3A_926 = arith.constant 16 : i32
          %parallel_loop3A_927 = vector.broadcast %parallel_loop3A_926 : i32 to vector<16xi32>
          %parallel_loop3A_928 = arith.shli %parallel_loop3A_837, %parallel_loop3A_927 : vector<16xi32>
          %parallel_loop3A_929 = tpu.bitcast %parallel_loop3A_928 : vector<16xi32> -> vector<16xf32>
          %parallel_loop3A_930 = arith.constant 16 : i32
          %parallel_loop3A_931 = vector.broadcast %parallel_loop3A_930 : i32 to vector<16xi32>
          %parallel_loop3A_932 = arith.shli %parallel_loop3A_843, %parallel_loop3A_931 : vector<16xi32>
          %parallel_loop3A_933 = tpu.bitcast %parallel_loop3A_932 : vector<16xi32> -> vector<16xf32>
          %parallel_loop3A_934 = arith.constant 16 : i32
          %parallel_loop3A_935 = vector.broadcast %parallel_loop3A_934 : i32 to vector<16xi32>
          %parallel_loop3A_936 = arith.shli %parallel_loop3A_849, %parallel_loop3A_935 : vector<16xi32>
          %parallel_loop3A_937 = tpu.bitcast %parallel_loop3A_936 : vector<16xi32> -> vector<16xf32>
          %parallel_loop3A_938 = arith.constant 16 : i32
          %parallel_loop3A_939 = vector.broadcast %parallel_loop3A_938 : i32 to vector<16xi32>
          %parallel_loop3A_940 = arith.shli %parallel_loop3A_855, %parallel_loop3A_939 : vector<16xi32>
          %parallel_loop3A_941 = tpu.bitcast %parallel_loop3A_940 : vector<16xi32> -> vector<16xf32>
          %parallel_loop3A_942 = arith.constant 16 : i32
          %parallel_loop3A_943 = vector.broadcast %parallel_loop3A_942 : i32 to vector<16xi32>
          %parallel_loop3A_944 = arith.shli %parallel_loop3A_861, %parallel_loop3A_943 : vector<16xi32>
          %parallel_loop3A_945 = tpu.bitcast %parallel_loop3A_944 : vector<16xi32> -> vector<16xf32>
          %parallel_loop3A_946 = arith.constant 16 : i32
          %parallel_loop3A_947 = vector.broadcast %parallel_loop3A_946 : i32 to vector<16xi32>
          %parallel_loop3A_948 = arith.shli %parallel_loop3A_867, %parallel_loop3A_947 : vector<16xi32>
          %parallel_loop3A_949 = tpu.bitcast %parallel_loop3A_948 : vector<16xi32> -> vector<16xf32>
          %parallel_loop3A_950 = arith.constant 16 : i32
          %parallel_loop3A_951 = vector.broadcast %parallel_loop3A_950 : i32 to vector<16xi32>
          %parallel_loop3A_952 = arith.shli %parallel_loop3A_873, %parallel_loop3A_951 : vector<16xi32>
          %parallel_loop3A_953 = tpu.bitcast %parallel_loop3A_952 : vector<16xi32> -> vector<16xf32>
          %parallel_loop3A_954 = arith.constant 16 : i32
          %parallel_loop3A_955 = vector.broadcast %parallel_loop3A_954 : i32 to vector<16xi32>
          %parallel_loop3A_956 = arith.shli %parallel_loop3A_879, %parallel_loop3A_955 : vector<16xi32>
          %parallel_loop3A_957 = tpu.bitcast %parallel_loop3A_956 : vector<16xi32> -> vector<16xf32>
          %parallel_loop3A_958 = arith.constant 16 : i32
          %parallel_loop3A_959 = vector.broadcast %parallel_loop3A_958 : i32 to vector<16xi32>
          %parallel_loop3A_960 = arith.shli %parallel_loop3A_885, %parallel_loop3A_959 : vector<16xi32>
          %parallel_loop3A_961 = tpu.bitcast %parallel_loop3A_960 : vector<16xi32> -> vector<16xf32>
          %parallel_loop3A_962 = arith.constant 16 : i32
          %parallel_loop3A_963 = vector.broadcast %parallel_loop3A_962 : i32 to vector<16xi32>
          %parallel_loop3A_964 = arith.shli %parallel_loop3A_891, %parallel_loop3A_963 : vector<16xi32>
          %parallel_loop3A_965 = tpu.bitcast %parallel_loop3A_964 : vector<16xi32> -> vector<16xf32>
          %parallel_loop3A_966 = arith.constant 16 : i32
          %parallel_loop3A_967 = vector.broadcast %parallel_loop3A_966 : i32 to vector<16xi32>
          %parallel_loop3A_968 = arith.shli %parallel_loop3A_897, %parallel_loop3A_967 : vector<16xi32>
          %parallel_loop3A_969 = tpu.bitcast %parallel_loop3A_968 : vector<16xi32> -> vector<16xf32>
          %parallel_loop3A_970 = arith.constant 16 : i32
          %parallel_loop3A_971 = vector.broadcast %parallel_loop3A_970 : i32 to vector<16xi32>
          %parallel_loop3A_972 = arith.shli %parallel_loop3A_903, %parallel_loop3A_971 : vector<16xi32>
          %parallel_loop3A_973 = tpu.bitcast %parallel_loop3A_972 : vector<16xi32> -> vector<16xf32>
          %parallel_loop3A_974 = arith.constant 16 : i32
          %parallel_loop3A_975 = vector.broadcast %parallel_loop3A_974 : i32 to vector<16xi32>
          %parallel_loop3A_976 = arith.shli %parallel_loop3A_909, %parallel_loop3A_975 : vector<16xi32>
          %parallel_loop3A_977 = tpu.bitcast %parallel_loop3A_976 : vector<16xi32> -> vector<16xf32>
          %parallel_loop3A_978 = arith.constant 16 : i32
          %parallel_loop3A_979 = vector.broadcast %parallel_loop3A_978 : i32 to vector<16xi32>
          %parallel_loop3A_980 = arith.shli %parallel_loop3A_915, %parallel_loop3A_979 : vector<16xi32>
          %parallel_loop3A_981 = tpu.bitcast %parallel_loop3A_980 : vector<16xi32> -> vector<16xf32>
          %parallel_loop3A_982 = arith.constant 16 : i32
          %parallel_loop3A_983 = vector.broadcast %parallel_loop3A_982 : i32 to vector<16xi32>
          %parallel_loop3A_984 = arith.shli %parallel_loop3A_921, %parallel_loop3A_983 : vector<16xi32>
          %parallel_loop3A_985 = tpu.bitcast %parallel_loop3A_984 : vector<16xi32> -> vector<16xf32>
          %parallel_loop3A_986 = tpu.bitcast %parallel_loop3A_831 : vector<16xi32> -> vector<16xf32>
          %parallel_loop3A_987 = tpu.bitcast %parallel_loop3A_837 : vector<16xi32> -> vector<16xf32>
          %parallel_loop3A_988 = tpu.bitcast %parallel_loop3A_843 : vector<16xi32> -> vector<16xf32>
          %parallel_loop3A_989 = tpu.bitcast %parallel_loop3A_849 : vector<16xi32> -> vector<16xf32>
          %parallel_loop3A_990 = tpu.bitcast %parallel_loop3A_855 : vector<16xi32> -> vector<16xf32>
          %parallel_loop3A_991 = tpu.bitcast %parallel_loop3A_861 : vector<16xi32> -> vector<16xf32>
          %parallel_loop3A_992 = tpu.bitcast %parallel_loop3A_867 : vector<16xi32> -> vector<16xf32>
          %parallel_loop3A_993 = tpu.bitcast %parallel_loop3A_873 : vector<16xi32> -> vector<16xf32>
          %parallel_loop3A_994 = tpu.bitcast %parallel_loop3A_879 : vector<16xi32> -> vector<16xf32>
          %parallel_loop3A_995 = tpu.bitcast %parallel_loop3A_885 : vector<16xi32> -> vector<16xf32>
          %parallel_loop3A_996 = tpu.bitcast %parallel_loop3A_891 : vector<16xi32> -> vector<16xf32>
          %parallel_loop3A_997 = tpu.bitcast %parallel_loop3A_897 : vector<16xi32> -> vector<16xf32>
          %parallel_loop3A_998 = tpu.bitcast %parallel_loop3A_903 : vector<16xi32> -> vector<16xf32>
          %parallel_loop3A_999 = tpu.bitcast %parallel_loop3A_909 : vector<16xi32> -> vector<16xf32>
          %parallel_loop3A_1000 = tpu.bitcast %parallel_loop3A_915 : vector<16xi32> -> vector<16xf32>
          %parallel_loop3A_1001 = tpu.bitcast %parallel_loop3A_921 : vector<16xi32> -> vector<16xf32>
          %parallel_loop3A_1002 = arith.addf %parallel_loop3A_925, %parallel_loop3A_929 : vector<16xf32>
          %parallel_loop3A_1003 = arith.addf %parallel_loop3A_933, %parallel_loop3A_937 : vector<16xf32>
          %parallel_loop3A_1004 = arith.addf %parallel_loop3A_941, %parallel_loop3A_945 : vector<16xf32>
          %parallel_loop3A_1005 = arith.addf %parallel_loop3A_949, %parallel_loop3A_953 : vector<16xf32>
          %parallel_loop3A_1006 = arith.addf %parallel_loop3A_957, %parallel_loop3A_961 : vector<16xf32>
          %parallel_loop3A_1007 = arith.addf %parallel_loop3A_965, %parallel_loop3A_969 : vector<16xf32>
          %parallel_loop3A_1008 = arith.addf %parallel_loop3A_973, %parallel_loop3A_977 : vector<16xf32>
          %parallel_loop3A_1009 = arith.addf %parallel_loop3A_981, %parallel_loop3A_985 : vector<16xf32>
          %parallel_loop3A_1010 = arith.addf %parallel_loop3A_986, %parallel_loop3A_987 : vector<16xf32>
          %parallel_loop3A_1011 = arith.addf %parallel_loop3A_988, %parallel_loop3A_989 : vector<16xf32>
          %parallel_loop3A_1012 = arith.addf %parallel_loop3A_990, %parallel_loop3A_991 : vector<16xf32>
          %parallel_loop3A_1013 = arith.addf %parallel_loop3A_992, %parallel_loop3A_993 : vector<16xf32>
          %parallel_loop3A_1014 = arith.addf %parallel_loop3A_994, %parallel_loop3A_995 : vector<16xf32>
          %parallel_loop3A_1015 = arith.addf %parallel_loop3A_996, %parallel_loop3A_997 : vector<16xf32>
          %parallel_loop3A_1016 = arith.addf %parallel_loop3A_998, %parallel_loop3A_999 : vector<16xf32>
          %parallel_loop3A_1017 = arith.addf %parallel_loop3A_1000, %parallel_loop3A_1001 : vector<16xf32>
          %parallel_loop3A_1018 = arith.addf %parallel_loop3A_1002, %parallel_loop3A_1003 : vector<16xf32>
          %parallel_loop3A_1019 = arith.addf %parallel_loop3A_1004, %parallel_loop3A_1005 : vector<16xf32>
          %parallel_loop3A_1020 = arith.addf %parallel_loop3A_1006, %parallel_loop3A_1007 : vector<16xf32>
          %parallel_loop3A_1021 = arith.addf %parallel_loop3A_1008, %parallel_loop3A_1009 : vector<16xf32>
          %parallel_loop3A_1022 = arith.addf %parallel_loop3A_1010, %parallel_loop3A_1011 : vector<16xf32>
          %parallel_loop3A_1023 = arith.addf %parallel_loop3A_1012, %parallel_loop3A_1013 : vector<16xf32>
          %parallel_loop3A_1024 = arith.addf %parallel_loop3A_1014, %parallel_loop3A_1015 : vector<16xf32>
          %parallel_loop3A_1025 = arith.addf %parallel_loop3A_1016, %parallel_loop3A_1017 : vector<16xf32>
          %parallel_loop3A_1026 = arith.addf %parallel_loop3A_1018, %parallel_loop3A_1019 : vector<16xf32>
          %parallel_loop3A_1027 = arith.addf %parallel_loop3A_1020, %parallel_loop3A_1021 : vector<16xf32>
          %parallel_loop3A_1028 = arith.addf %parallel_loop3A_1022, %parallel_loop3A_1023 : vector<16xf32>
          %parallel_loop3A_1029 = arith.addf %parallel_loop3A_1024, %parallel_loop3A_1025 : vector<16xf32>
          %parallel_loop3A_1030 = arith.addf %parallel_loop3A_1026, %parallel_loop3A_1027 : vector<16xf32>
          %parallel_loop3A_1031 = arith.addf %parallel_loop3A_1028, %parallel_loop3A_1029 : vector<16xf32>
          %parallel_loop3A_1032 = arith.index_cast %parallel_loop3A_175 : i32 to index
          %parallel_loop3A_1033 = arith.constant 48 : index
          %parallel_loop3A_1034 = tpu.vector_load %arg10[%parallel_loop3A_1032, %parallel_loop3A_1033] {strides = array<i32>} : memref<8x256xf32, #tpu.memory_space<vmem>>, vector<1x16xf32>,
          %parallel_loop3A_1035 = vector.shape_cast %parallel_loop3A_1034 : vector<1x16xf32> to vector<16xf32>
          %parallel_loop3A_1036 = vector.shape_cast %parallel_loop3A_1030 : vector<16xf32> to vector<1x16xf32>
          tpu.vector_store %arg10[%parallel_loop3A_1032, %parallel_loop3A_1033], %parallel_loop3A_1036 {strides = array<i32>} : memref<8x256xf32, #tpu.memory_space<vmem>>, vector<1x16xf32>,
          %parallel_loop3A_1037 = arith.index_cast %parallel_loop3A_175 : i32 to index
          %parallel_loop3A_1038 = arith.constant 176 : index
          %parallel_loop3A_1039 = tpu.vector_load %arg10[%parallel_loop3A_1037, %parallel_loop3A_1038] {strides = array<i32>} : memref<8x256xf32, #tpu.memory_space<vmem>>, vector<1x16xf32>,
          %parallel_loop3A_1040 = vector.shape_cast %parallel_loop3A_1039 : vector<1x16xf32> to vector<16xf32>
          %parallel_loop3A_1041 = vector.shape_cast %parallel_loop3A_1031 : vector<16xf32> to vector<1x16xf32>
          tpu.vector_store %arg10[%parallel_loop3A_1037, %parallel_loop3A_1038], %parallel_loop3A_1041 {strides = array<i32>} : memref<8x256xf32, #tpu.memory_space<vmem>>, vector<1x16xf32>,
          %parallel_loop3A_1042 = arith.constant 0 : i32
          %parallel_loop3A_1043 = arith.addi %parallel_loop3A_177, %parallel_loop3A_1042 : i32
          %parallel_loop3A_1044 = arith.index_cast %parallel_loop3A_1043 : i32 to index
          %parallel_loop3A_1045 = arith.constant 64 : index
          %parallel_loop3A_1046 = tpu.vector_load %arg8[%parallel_loop3A_1044, %parallel_loop3A_1045] {strides = array<i32>} : memref<128x128xi32, #tpu.memory_space<vmem>>, vector<1x16xi32>,
          %parallel_loop3A_1047 = vector.shape_cast %parallel_loop3A_1046 : vector<1x16xi32> to vector<16xi32>
          %parallel_loop3A_1048 = arith.constant 1 : i32
          %parallel_loop3A_1049 = arith.addi %parallel_loop3A_177, %parallel_loop3A_1048 : i32
          %parallel_loop3A_1050 = arith.index_cast %parallel_loop3A_1049 : i32 to index
          %parallel_loop3A_1051 = arith.constant 64 : index
          %parallel_loop3A_1052 = tpu.vector_load %arg8[%parallel_loop3A_1050, %parallel_loop3A_1051] {strides = array<i32>} : memref<128x128xi32, #tpu.memory_space<vmem>>, vector<1x16xi32>,
          %parallel_loop3A_1053 = vector.shape_cast %parallel_loop3A_1052 : vector<1x16xi32> to vector<16xi32>
          %parallel_loop3A_1054 = arith.constant 2 : i32
          %parallel_loop3A_1055 = arith.addi %parallel_loop3A_177, %parallel_loop3A_1054 : i32
          %parallel_loop3A_1056 = arith.index_cast %parallel_loop3A_1055 : i32 to index
          %parallel_loop3A_1057 = arith.constant 64 : index
          %parallel_loop3A_1058 = tpu.vector_load %arg8[%parallel_loop3A_1056, %parallel_loop3A_1057] {strides = array<i32>} : memref<128x128xi32, #tpu.memory_space<vmem>>, vector<1x16xi32>,
          %parallel_loop3A_1059 = vector.shape_cast %parallel_loop3A_1058 : vector<1x16xi32> to vector<16xi32>
          %parallel_loop3A_1060 = arith.constant 3 : i32
          %parallel_loop3A_1061 = arith.addi %parallel_loop3A_177, %parallel_loop3A_1060 : i32
          %parallel_loop3A_1062 = arith.index_cast %parallel_loop3A_1061 : i32 to index
          %parallel_loop3A_1063 = arith.constant 64 : index
          %parallel_loop3A_1064 = tpu.vector_load %arg8[%parallel_loop3A_1062, %parallel_loop3A_1063] {strides = array<i32>} : memref<128x128xi32, #tpu.memory_space<vmem>>, vector<1x16xi32>,
          %parallel_loop3A_1065 = vector.shape_cast %parallel_loop3A_1064 : vector<1x16xi32> to vector<16xi32>
          %parallel_loop3A_1066 = arith.constant 4 : i32
          %parallel_loop3A_1067 = arith.addi %parallel_loop3A_177, %parallel_loop3A_1066 : i32
          %parallel_loop3A_1068 = arith.index_cast %parallel_loop3A_1067 : i32 to index
          %parallel_loop3A_1069 = arith.constant 64 : index
          %parallel_loop3A_1070 = tpu.vector_load %arg8[%parallel_loop3A_1068, %parallel_loop3A_1069] {strides = array<i32>} : memref<128x128xi32, #tpu.memory_space<vmem>>, vector<1x16xi32>,
          %parallel_loop3A_1071 = vector.shape_cast %parallel_loop3A_1070 : vector<1x16xi32> to vector<16xi32>
          %parallel_loop3A_1072 = arith.constant 5 : i32
          %parallel_loop3A_1073 = arith.addi %parallel_loop3A_177, %parallel_loop3A_1072 : i32
          %parallel_loop3A_1074 = arith.index_cast %parallel_loop3A_1073 : i32 to index
          %parallel_loop3A_1075 = arith.constant 64 : index
          %parallel_loop3A_1076 = tpu.vector_load %arg8[%parallel_loop3A_1074, %parallel_loop3A_1075] {strides = array<i32>} : memref<128x128xi32, #tpu.memory_space<vmem>>, vector<1x16xi32>,
          %parallel_loop3A_1077 = vector.shape_cast %parallel_loop3A_1076 : vector<1x16xi32> to vector<16xi32>
          %parallel_loop3A_1078 = arith.constant 6 : i32
          %parallel_loop3A_1079 = arith.addi %parallel_loop3A_177, %parallel_loop3A_1078 : i32
          %parallel_loop3A_1080 = arith.index_cast %parallel_loop3A_1079 : i32 to index
          %parallel_loop3A_1081 = arith.constant 64 : index
          %parallel_loop3A_1082 = tpu.vector_load %arg8[%parallel_loop3A_1080, %parallel_loop3A_1081] {strides = array<i32>} : memref<128x128xi32, #tpu.memory_space<vmem>>, vector<1x16xi32>,
          %parallel_loop3A_1083 = vector.shape_cast %parallel_loop3A_1082 : vector<1x16xi32> to vector<16xi32>
          %parallel_loop3A_1084 = arith.constant 7 : i32
          %parallel_loop3A_1085 = arith.addi %parallel_loop3A_177, %parallel_loop3A_1084 : i32
          %parallel_loop3A_1086 = arith.index_cast %parallel_loop3A_1085 : i32 to index
          %parallel_loop3A_1087 = arith.constant 64 : index
          %parallel_loop3A_1088 = tpu.vector_load %arg8[%parallel_loop3A_1086, %parallel_loop3A_1087] {strides = array<i32>} : memref<128x128xi32, #tpu.memory_space<vmem>>, vector<1x16xi32>,
          %parallel_loop3A_1089 = vector.shape_cast %parallel_loop3A_1088 : vector<1x16xi32> to vector<16xi32>
          %parallel_loop3A_1090 = arith.constant 8 : i32
          %parallel_loop3A_1091 = arith.addi %parallel_loop3A_177, %parallel_loop3A_1090 : i32
          %parallel_loop3A_1092 = arith.index_cast %parallel_loop3A_1091 : i32 to index
          %parallel_loop3A_1093 = arith.constant 64 : index
          %parallel_loop3A_1094 = tpu.vector_load %arg8[%parallel_loop3A_1092, %parallel_loop3A_1093] {strides = array<i32>} : memref<128x128xi32, #tpu.memory_space<vmem>>, vector<1x16xi32>,
          %parallel_loop3A_1095 = vector.shape_cast %parallel_loop3A_1094 : vector<1x16xi32> to vector<16xi32>
          %parallel_loop3A_1096 = arith.constant 9 : i32
          %parallel_loop3A_1097 = arith.addi %parallel_loop3A_177, %parallel_loop3A_1096 : i32
          %parallel_loop3A_1098 = arith.index_cast %parallel_loop3A_1097 : i32 to index
          %parallel_loop3A_1099 = arith.constant 64 : index
          %parallel_loop3A_1100 = tpu.vector_load %arg8[%parallel_loop3A_1098, %parallel_loop3A_1099] {strides = array<i32>} : memref<128x128xi32, #tpu.memory_space<vmem>>, vector<1x16xi32>,
          %parallel_loop3A_1101 = vector.shape_cast %parallel_loop3A_1100 : vector<1x16xi32> to vector<16xi32>
          %parallel_loop3A_1102 = arith.constant 10 : i32
          %parallel_loop3A_1103 = arith.addi %parallel_loop3A_177, %parallel_loop3A_1102 : i32
          %parallel_loop3A_1104 = arith.index_cast %parallel_loop3A_1103 : i32 to index
          %parallel_loop3A_1105 = arith.constant 64 : index
          %parallel_loop3A_1106 = tpu.vector_load %arg8[%parallel_loop3A_1104, %parallel_loop3A_1105] {strides = array<i32>} : memref<128x128xi32, #tpu.memory_space<vmem>>, vector<1x16xi32>,
          %parallel_loop3A_1107 = vector.shape_cast %parallel_loop3A_1106 : vector<1x16xi32> to vector<16xi32>
          %parallel_loop3A_1108 = arith.constant 11 : i32
          %parallel_loop3A_1109 = arith.addi %parallel_loop3A_177, %parallel_loop3A_1108 : i32
          %parallel_loop3A_1110 = arith.index_cast %parallel_loop3A_1109 : i32 to index
          %parallel_loop3A_1111 = arith.constant 64 : index
          %parallel_loop3A_1112 = tpu.vector_load %arg8[%parallel_loop3A_1110, %parallel_loop3A_1111] {strides = array<i32>} : memref<128x128xi32, #tpu.memory_space<vmem>>, vector<1x16xi32>,
          %parallel_loop3A_1113 = vector.shape_cast %parallel_loop3A_1112 : vector<1x16xi32> to vector<16xi32>
          %parallel_loop3A_1114 = arith.constant 12 : i32
          %parallel_loop3A_1115 = arith.addi %parallel_loop3A_177, %parallel_loop3A_1114 : i32
          %parallel_loop3A_1116 = arith.index_cast %parallel_loop3A_1115 : i32 to index
          %parallel_loop3A_1117 = arith.constant 64 : index
          %parallel_loop3A_1118 = tpu.vector_load %arg8[%parallel_loop3A_1116, %parallel_loop3A_1117] {strides = array<i32>} : memref<128x128xi32, #tpu.memory_space<vmem>>, vector<1x16xi32>,
          %parallel_loop3A_1119 = vector.shape_cast %parallel_loop3A_1118 : vector<1x16xi32> to vector<16xi32>
          %parallel_loop3A_1120 = arith.constant 13 : i32
          %parallel_loop3A_1121 = arith.addi %parallel_loop3A_177, %parallel_loop3A_1120 : i32
          %parallel_loop3A_1122 = arith.index_cast %parallel_loop3A_1121 : i32 to index
          %parallel_loop3A_1123 = arith.constant 64 : index
          %parallel_loop3A_1124 = tpu.vector_load %arg8[%parallel_loop3A_1122, %parallel_loop3A_1123] {strides = array<i32>} : memref<128x128xi32, #tpu.memory_space<vmem>>, vector<1x16xi32>,
          %parallel_loop3A_1125 = vector.shape_cast %parallel_loop3A_1124 : vector<1x16xi32> to vector<16xi32>
          %parallel_loop3A_1126 = arith.constant 14 : i32
          %parallel_loop3A_1127 = arith.addi %parallel_loop3A_177, %parallel_loop3A_1126 : i32
          %parallel_loop3A_1128 = arith.index_cast %parallel_loop3A_1127 : i32 to index
          %parallel_loop3A_1129 = arith.constant 64 : index
          %parallel_loop3A_1130 = tpu.vector_load %arg8[%parallel_loop3A_1128, %parallel_loop3A_1129] {strides = array<i32>} : memref<128x128xi32, #tpu.memory_space<vmem>>, vector<1x16xi32>,
          %parallel_loop3A_1131 = vector.shape_cast %parallel_loop3A_1130 : vector<1x16xi32> to vector<16xi32>
          %parallel_loop3A_1132 = arith.constant 15 : i32
          %parallel_loop3A_1133 = arith.addi %parallel_loop3A_177, %parallel_loop3A_1132 : i32
          %parallel_loop3A_1134 = arith.index_cast %parallel_loop3A_1133 : i32 to index
          %parallel_loop3A_1135 = arith.constant 64 : index
          %parallel_loop3A_1136 = tpu.vector_load %arg8[%parallel_loop3A_1134, %parallel_loop3A_1135] {strides = array<i32>} : memref<128x128xi32, #tpu.memory_space<vmem>>, vector<1x16xi32>,
          %parallel_loop3A_1137 = vector.shape_cast %parallel_loop3A_1136 : vector<1x16xi32> to vector<16xi32>
          %parallel_loop3A_1138 = arith.constant 16 : i32
          %parallel_loop3A_1139 = vector.broadcast %parallel_loop3A_1138 : i32 to vector<16xi32>
          %parallel_loop3A_1140 = arith.shli %parallel_loop3A_1047, %parallel_loop3A_1139 : vector<16xi32>
          %parallel_loop3A_1141 = tpu.bitcast %parallel_loop3A_1140 : vector<16xi32> -> vector<16xf32>
          %parallel_loop3A_1142 = arith.constant 16 : i32
          %parallel_loop3A_1143 = vector.broadcast %parallel_loop3A_1142 : i32 to vector<16xi32>
          %parallel_loop3A_1144 = arith.shli %parallel_loop3A_1053, %parallel_loop3A_1143 : vector<16xi32>
          %parallel_loop3A_1145 = tpu.bitcast %parallel_loop3A_1144 : vector<16xi32> -> vector<16xf32>
          %parallel_loop3A_1146 = arith.constant 16 : i32
          %parallel_loop3A_1147 = vector.broadcast %parallel_loop3A_1146 : i32 to vector<16xi32>
          %parallel_loop3A_1148 = arith.shli %parallel_loop3A_1059, %parallel_loop3A_1147 : vector<16xi32>
          %parallel_loop3A_1149 = tpu.bitcast %parallel_loop3A_1148 : vector<16xi32> -> vector<16xf32>
          %parallel_loop3A_1150 = arith.constant 16 : i32
          %parallel_loop3A_1151 = vector.broadcast %parallel_loop3A_1150 : i32 to vector<16xi32>
          %parallel_loop3A_1152 = arith.shli %parallel_loop3A_1065, %parallel_loop3A_1151 : vector<16xi32>
          %parallel_loop3A_1153 = tpu.bitcast %parallel_loop3A_1152 : vector<16xi32> -> vector<16xf32>
          %parallel_loop3A_1154 = arith.constant 16 : i32
          %parallel_loop3A_1155 = vector.broadcast %parallel_loop3A_1154 : i32 to vector<16xi32>
          %parallel_loop3A_1156 = arith.shli %parallel_loop3A_1071, %parallel_loop3A_1155 : vector<16xi32>
          %parallel_loop3A_1157 = tpu.bitcast %parallel_loop3A_1156 : vector<16xi32> -> vector<16xf32>
          %parallel_loop3A_1158 = arith.constant 16 : i32
          %parallel_loop3A_1159 = vector.broadcast %parallel_loop3A_1158 : i32 to vector<16xi32>
          %parallel_loop3A_1160 = arith.shli %parallel_loop3A_1077, %parallel_loop3A_1159 : vector<16xi32>
          %parallel_loop3A_1161 = tpu.bitcast %parallel_loop3A_1160 : vector<16xi32> -> vector<16xf32>
          %parallel_loop3A_1162 = arith.constant 16 : i32
          %parallel_loop3A_1163 = vector.broadcast %parallel_loop3A_1162 : i32 to vector<16xi32>
          %parallel_loop3A_1164 = arith.shli %parallel_loop3A_1083, %parallel_loop3A_1163 : vector<16xi32>
          %parallel_loop3A_1165 = tpu.bitcast %parallel_loop3A_1164 : vector<16xi32> -> vector<16xf32>
          %parallel_loop3A_1166 = arith.constant 16 : i32
          %parallel_loop3A_1167 = vector.broadcast %parallel_loop3A_1166 : i32 to vector<16xi32>
          %parallel_loop3A_1168 = arith.shli %parallel_loop3A_1089, %parallel_loop3A_1167 : vector<16xi32>
          %parallel_loop3A_1169 = tpu.bitcast %parallel_loop3A_1168 : vector<16xi32> -> vector<16xf32>
          %parallel_loop3A_1170 = arith.constant 16 : i32
          %parallel_loop3A_1171 = vector.broadcast %parallel_loop3A_1170 : i32 to vector<16xi32>
          %parallel_loop3A_1172 = arith.shli %parallel_loop3A_1095, %parallel_loop3A_1171 : vector<16xi32>
          %parallel_loop3A_1173 = tpu.bitcast %parallel_loop3A_1172 : vector<16xi32> -> vector<16xf32>
          %parallel_loop3A_1174 = arith.constant 16 : i32
          %parallel_loop3A_1175 = vector.broadcast %parallel_loop3A_1174 : i32 to vector<16xi32>
          %parallel_loop3A_1176 = arith.shli %parallel_loop3A_1101, %parallel_loop3A_1175 : vector<16xi32>
          %parallel_loop3A_1177 = tpu.bitcast %parallel_loop3A_1176 : vector<16xi32> -> vector<16xf32>
          %parallel_loop3A_1178 = arith.constant 16 : i32
          %parallel_loop3A_1179 = vector.broadcast %parallel_loop3A_1178 : i32 to vector<16xi32>
          %parallel_loop3A_1180 = arith.shli %parallel_loop3A_1107, %parallel_loop3A_1179 : vector<16xi32>
          %parallel_loop3A_1181 = tpu.bitcast %parallel_loop3A_1180 : vector<16xi32> -> vector<16xf32>
          %parallel_loop3A_1182 = arith.constant 16 : i32
          %parallel_loop3A_1183 = vector.broadcast %parallel_loop3A_1182 : i32 to vector<16xi32>
          %parallel_loop3A_1184 = arith.shli %parallel_loop3A_1113, %parallel_loop3A_1183 : vector<16xi32>
          %parallel_loop3A_1185 = tpu.bitcast %parallel_loop3A_1184 : vector<16xi32> -> vector<16xf32>
          %parallel_loop3A_1186 = arith.constant 16 : i32
          %parallel_loop3A_1187 = vector.broadcast %parallel_loop3A_1186 : i32 to vector<16xi32>
          %parallel_loop3A_1188 = arith.shli %parallel_loop3A_1119, %parallel_loop3A_1187 : vector<16xi32>
          %parallel_loop3A_1189 = tpu.bitcast %parallel_loop3A_1188 : vector<16xi32> -> vector<16xf32>
          %parallel_loop3A_1190 = arith.constant 16 : i32
          %parallel_loop3A_1191 = vector.broadcast %parallel_loop3A_1190 : i32 to vector<16xi32>
          %parallel_loop3A_1192 = arith.shli %parallel_loop3A_1125, %parallel_loop3A_1191 : vector<16xi32>
          %parallel_loop3A_1193 = tpu.bitcast %parallel_loop3A_1192 : vector<16xi32> -> vector<16xf32>
          %parallel_loop3A_1194 = arith.constant 16 : i32
          %parallel_loop3A_1195 = vector.broadcast %parallel_loop3A_1194 : i32 to vector<16xi32>
          %parallel_loop3A_1196 = arith.shli %parallel_loop3A_1131, %parallel_loop3A_1195 : vector<16xi32>
          %parallel_loop3A_1197 = tpu.bitcast %parallel_loop3A_1196 : vector<16xi32> -> vector<16xf32>
          %parallel_loop3A_1198 = arith.constant 16 : i32
          %parallel_loop3A_1199 = vector.broadcast %parallel_loop3A_1198 : i32 to vector<16xi32>
          %parallel_loop3A_1200 = arith.shli %parallel_loop3A_1137, %parallel_loop3A_1199 : vector<16xi32>
          %parallel_loop3A_1201 = tpu.bitcast %parallel_loop3A_1200 : vector<16xi32> -> vector<16xf32>
          %parallel_loop3A_1202 = tpu.bitcast %parallel_loop3A_1047 : vector<16xi32> -> vector<16xf32>
          %parallel_loop3A_1203 = tpu.bitcast %parallel_loop3A_1053 : vector<16xi32> -> vector<16xf32>
          %parallel_loop3A_1204 = tpu.bitcast %parallel_loop3A_1059 : vector<16xi32> -> vector<16xf32>
          %parallel_loop3A_1205 = tpu.bitcast %parallel_loop3A_1065 : vector<16xi32> -> vector<16xf32>
          %parallel_loop3A_1206 = tpu.bitcast %parallel_loop3A_1071 : vector<16xi32> -> vector<16xf32>
          %parallel_loop3A_1207 = tpu.bitcast %parallel_loop3A_1077 : vector<16xi32> -> vector<16xf32>
          %parallel_loop3A_1208 = tpu.bitcast %parallel_loop3A_1083 : vector<16xi32> -> vector<16xf32>
          %parallel_loop3A_1209 = tpu.bitcast %parallel_loop3A_1089 : vector<16xi32> -> vector<16xf32>
          %parallel_loop3A_1210 = tpu.bitcast %parallel_loop3A_1095 : vector<16xi32> -> vector<16xf32>
          %parallel_loop3A_1211 = tpu.bitcast %parallel_loop3A_1101 : vector<16xi32> -> vector<16xf32>
          %parallel_loop3A_1212 = tpu.bitcast %parallel_loop3A_1107 : vector<16xi32> -> vector<16xf32>
          %parallel_loop3A_1213 = tpu.bitcast %parallel_loop3A_1113 : vector<16xi32> -> vector<16xf32>
          %parallel_loop3A_1214 = tpu.bitcast %parallel_loop3A_1119 : vector<16xi32> -> vector<16xf32>
          %parallel_loop3A_1215 = tpu.bitcast %parallel_loop3A_1125 : vector<16xi32> -> vector<16xf32>
          %parallel_loop3A_1216 = tpu.bitcast %parallel_loop3A_1131 : vector<16xi32> -> vector<16xf32>
          %parallel_loop3A_1217 = tpu.bitcast %parallel_loop3A_1137 : vector<16xi32> -> vector<16xf32>
          %parallel_loop3A_1218 = arith.addf %parallel_loop3A_1141, %parallel_loop3A_1145 : vector<16xf32>
          %parallel_loop3A_1219 = arith.addf %parallel_loop3A_1149, %parallel_loop3A_1153 : vector<16xf32>
          %parallel_loop3A_1220 = arith.addf %parallel_loop3A_1157, %parallel_loop3A_1161 : vector<16xf32>
          %parallel_loop3A_1221 = arith.addf %parallel_loop3A_1165, %parallel_loop3A_1169 : vector<16xf32>
          %parallel_loop3A_1222 = arith.addf %parallel_loop3A_1173, %parallel_loop3A_1177 : vector<16xf32>
          %parallel_loop3A_1223 = arith.addf %parallel_loop3A_1181, %parallel_loop3A_1185 : vector<16xf32>
          %parallel_loop3A_1224 = arith.addf %parallel_loop3A_1189, %parallel_loop3A_1193 : vector<16xf32>
          %parallel_loop3A_1225 = arith.addf %parallel_loop3A_1197, %parallel_loop3A_1201 : vector<16xf32>
          %parallel_loop3A_1226 = arith.addf %parallel_loop3A_1202, %parallel_loop3A_1203 : vector<16xf32>
          %parallel_loop3A_1227 = arith.addf %parallel_loop3A_1204, %parallel_loop3A_1205 : vector<16xf32>
          %parallel_loop3A_1228 = arith.addf %parallel_loop3A_1206, %parallel_loop3A_1207 : vector<16xf32>
          %parallel_loop3A_1229 = arith.addf %parallel_loop3A_1208, %parallel_loop3A_1209 : vector<16xf32>
          %parallel_loop3A_1230 = arith.addf %parallel_loop3A_1210, %parallel_loop3A_1211 : vector<16xf32>
          %parallel_loop3A_1231 = arith.addf %parallel_loop3A_1212, %parallel_loop3A_1213 : vector<16xf32>
          %parallel_loop3A_1232 = arith.addf %parallel_loop3A_1214, %parallel_loop3A_1215 : vector<16xf32>
          %parallel_loop3A_1233 = arith.addf %parallel_loop3A_1216, %parallel_loop3A_1217 : vector<16xf32>
          %parallel_loop3A_1234 = arith.addf %parallel_loop3A_1218, %parallel_loop3A_1219 : vector<16xf32>
          %parallel_loop3A_1235 = arith.addf %parallel_loop3A_1220, %parallel_loop3A_1221 : vector<16xf32>
          %parallel_loop3A_1236 = arith.addf %parallel_loop3A_1222, %parallel_loop3A_1223 : vector<16xf32>
          %parallel_loop3A_1237 = arith.addf %parallel_loop3A_1224, %parallel_loop3A_1225 : vector<16xf32>
          %parallel_loop3A_1238 = arith.addf %parallel_loop3A_1226, %parallel_loop3A_1227 : vector<16xf32>
          %parallel_loop3A_1239 = arith.addf %parallel_loop3A_1228, %parallel_loop3A_1229 : vector<16xf32>
          %parallel_loop3A_1240 = arith.addf %parallel_loop3A_1230, %parallel_loop3A_1231 : vector<16xf32>
          %parallel_loop3A_1241 = arith.addf %parallel_loop3A_1232, %parallel_loop3A_1233 : vector<16xf32>
          %parallel_loop3A_1242 = arith.addf %parallel_loop3A_1234, %parallel_loop3A_1235 : vector<16xf32>
          %parallel_loop3A_1243 = arith.addf %parallel_loop3A_1236, %parallel_loop3A_1237 : vector<16xf32>
          %parallel_loop3A_1244 = arith.addf %parallel_loop3A_1238, %parallel_loop3A_1239 : vector<16xf32>
          %parallel_loop3A_1245 = arith.addf %parallel_loop3A_1240, %parallel_loop3A_1241 : vector<16xf32>
          %parallel_loop3A_1246 = arith.addf %parallel_loop3A_1242, %parallel_loop3A_1243 : vector<16xf32>
          %parallel_loop3A_1247 = arith.addf %parallel_loop3A_1244, %parallel_loop3A_1245 : vector<16xf32>
          %parallel_loop3A_1248 = arith.index_cast %parallel_loop3A_175 : i32 to index
          %parallel_loop3A_1249 = arith.constant 64 : index
          %parallel_loop3A_1250 = tpu.vector_load %arg10[%parallel_loop3A_1248, %parallel_loop3A_1249] {strides = array<i32>} : memref<8x256xf32, #tpu.memory_space<vmem>>, vector<1x16xf32>,
          %parallel_loop3A_1251 = vector.shape_cast %parallel_loop3A_1250 : vector<1x16xf32> to vector<16xf32>
          %parallel_loop3A_1252 = vector.shape_cast %parallel_loop3A_1246 : vector<16xf32> to vector<1x16xf32>
          tpu.vector_store %arg10[%parallel_loop3A_1248, %parallel_loop3A_1249], %parallel_loop3A_1252 {strides = array<i32>} : memref<8x256xf32, #tpu.memory_space<vmem>>, vector<1x16xf32>,
          %parallel_loop3A_1253 = arith.index_cast %parallel_loop3A_175 : i32 to index
          %parallel_loop3A_1254 = arith.constant 192 : index
          %parallel_loop3A_1255 = tpu.vector_load %arg10[%parallel_loop3A_1253, %parallel_loop3A_1254] {strides = array<i32>} : memref<8x256xf32, #tpu.memory_space<vmem>>, vector<1x16xf32>,
          %parallel_loop3A_1256 = vector.shape_cast %parallel_loop3A_1255 : vector<1x16xf32> to vector<16xf32>
          %parallel_loop3A_1257 = vector.shape_cast %parallel_loop3A_1247 : vector<16xf32> to vector<1x16xf32>
          tpu.vector_store %arg10[%parallel_loop3A_1253, %parallel_loop3A_1254], %parallel_loop3A_1257 {strides = array<i32>} : memref<8x256xf32, #tpu.memory_space<vmem>>, vector<1x16xf32>,
          %parallel_loop3A_1258 = arith.constant 0 : i32
          %parallel_loop3A_1259 = arith.addi %parallel_loop3A_177, %parallel_loop3A_1258 : i32
          %parallel_loop3A_1260 = arith.index_cast %parallel_loop3A_1259 : i32 to index
          %parallel_loop3A_1261 = arith.constant 80 : index
          %parallel_loop3A_1262 = tpu.vector_load %arg8[%parallel_loop3A_1260, %parallel_loop3A_1261] {strides = array<i32>} : memref<128x128xi32, #tpu.memory_space<vmem>>, vector<1x16xi32>,
          %parallel_loop3A_1263 = vector.shape_cast %parallel_loop3A_1262 : vector<1x16xi32> to vector<16xi32>
          %parallel_loop3A_1264 = arith.constant 1 : i32
          %parallel_loop3A_1265 = arith.addi %parallel_loop3A_177, %parallel_loop3A_1264 : i32
          %parallel_loop3A_1266 = arith.index_cast %parallel_loop3A_1265 : i32 to index
          %parallel_loop3A_1267 = arith.constant 80 : index
          %parallel_loop3A_1268 = tpu.vector_load %arg8[%parallel_loop3A_1266, %parallel_loop3A_1267] {strides = array<i32>} : memref<128x128xi32, #tpu.memory_space<vmem>>, vector<1x16xi32>,
          %parallel_loop3A_1269 = vector.shape_cast %parallel_loop3A_1268 : vector<1x16xi32> to vector<16xi32>
          %parallel_loop3A_1270 = arith.constant 2 : i32
          %parallel_loop3A_1271 = arith.addi %parallel_loop3A_177, %parallel_loop3A_1270 : i32
          %parallel_loop3A_1272 = arith.index_cast %parallel_loop3A_1271 : i32 to index
          %parallel_loop3A_1273 = arith.constant 80 : index
          %parallel_loop3A_1274 = tpu.vector_load %arg8[%parallel_loop3A_1272, %parallel_loop3A_1273] {strides = array<i32>} : memref<128x128xi32, #tpu.memory_space<vmem>>, vector<1x16xi32>,
          %parallel_loop3A_1275 = vector.shape_cast %parallel_loop3A_1274 : vector<1x16xi32> to vector<16xi32>
          %parallel_loop3A_1276 = arith.constant 3 : i32
          %parallel_loop3A_1277 = arith.addi %parallel_loop3A_177, %parallel_loop3A_1276 : i32
          %parallel_loop3A_1278 = arith.index_cast %parallel_loop3A_1277 : i32 to index
          %parallel_loop3A_1279 = arith.constant 80 : index
          %parallel_loop3A_1280 = tpu.vector_load %arg8[%parallel_loop3A_1278, %parallel_loop3A_1279] {strides = array<i32>} : memref<128x128xi32, #tpu.memory_space<vmem>>, vector<1x16xi32>,
          %parallel_loop3A_1281 = vector.shape_cast %parallel_loop3A_1280 : vector<1x16xi32> to vector<16xi32>
          %parallel_loop3A_1282 = arith.constant 4 : i32
          %parallel_loop3A_1283 = arith.addi %parallel_loop3A_177, %parallel_loop3A_1282 : i32
          %parallel_loop3A_1284 = arith.index_cast %parallel_loop3A_1283 : i32 to index
          %parallel_loop3A_1285 = arith.constant 80 : index
          %parallel_loop3A_1286 = tpu.vector_load %arg8[%parallel_loop3A_1284, %parallel_loop3A_1285] {strides = array<i32>} : memref<128x128xi32, #tpu.memory_space<vmem>>, vector<1x16xi32>,
          %parallel_loop3A_1287 = vector.shape_cast %parallel_loop3A_1286 : vector<1x16xi32> to vector<16xi32>
          %parallel_loop3A_1288 = arith.constant 5 : i32
          %parallel_loop3A_1289 = arith.addi %parallel_loop3A_177, %parallel_loop3A_1288 : i32
          %parallel_loop3A_1290 = arith.index_cast %parallel_loop3A_1289 : i32 to index
          %parallel_loop3A_1291 = arith.constant 80 : index
          %parallel_loop3A_1292 = tpu.vector_load %arg8[%parallel_loop3A_1290, %parallel_loop3A_1291] {strides = array<i32>} : memref<128x128xi32, #tpu.memory_space<vmem>>, vector<1x16xi32>,
          %parallel_loop3A_1293 = vector.shape_cast %parallel_loop3A_1292 : vector<1x16xi32> to vector<16xi32>
          %parallel_loop3A_1294 = arith.constant 6 : i32
          %parallel_loop3A_1295 = arith.addi %parallel_loop3A_177, %parallel_loop3A_1294 : i32
          %parallel_loop3A_1296 = arith.index_cast %parallel_loop3A_1295 : i32 to index
          %parallel_loop3A_1297 = arith.constant 80 : index
          %parallel_loop3A_1298 = tpu.vector_load %arg8[%parallel_loop3A_1296, %parallel_loop3A_1297] {strides = array<i32>} : memref<128x128xi32, #tpu.memory_space<vmem>>, vector<1x16xi32>,
          %parallel_loop3A_1299 = vector.shape_cast %parallel_loop3A_1298 : vector<1x16xi32> to vector<16xi32>
          %parallel_loop3A_1300 = arith.constant 7 : i32
          %parallel_loop3A_1301 = arith.addi %parallel_loop3A_177, %parallel_loop3A_1300 : i32
          %parallel_loop3A_1302 = arith.index_cast %parallel_loop3A_1301 : i32 to index
          %parallel_loop3A_1303 = arith.constant 80 : index
          %parallel_loop3A_1304 = tpu.vector_load %arg8[%parallel_loop3A_1302, %parallel_loop3A_1303] {strides = array<i32>} : memref<128x128xi32, #tpu.memory_space<vmem>>, vector<1x16xi32>,
          %parallel_loop3A_1305 = vector.shape_cast %parallel_loop3A_1304 : vector<1x16xi32> to vector<16xi32>
          %parallel_loop3A_1306 = arith.constant 8 : i32
          %parallel_loop3A_1307 = arith.addi %parallel_loop3A_177, %parallel_loop3A_1306 : i32
          %parallel_loop3A_1308 = arith.index_cast %parallel_loop3A_1307 : i32 to index
          %parallel_loop3A_1309 = arith.constant 80 : index
          %parallel_loop3A_1310 = tpu.vector_load %arg8[%parallel_loop3A_1308, %parallel_loop3A_1309] {strides = array<i32>} : memref<128x128xi32, #tpu.memory_space<vmem>>, vector<1x16xi32>,
          %parallel_loop3A_1311 = vector.shape_cast %parallel_loop3A_1310 : vector<1x16xi32> to vector<16xi32>
          %parallel_loop3A_1312 = arith.constant 9 : i32
          %parallel_loop3A_1313 = arith.addi %parallel_loop3A_177, %parallel_loop3A_1312 : i32
          %parallel_loop3A_1314 = arith.index_cast %parallel_loop3A_1313 : i32 to index
          %parallel_loop3A_1315 = arith.constant 80 : index
          %parallel_loop3A_1316 = tpu.vector_load %arg8[%parallel_loop3A_1314, %parallel_loop3A_1315] {strides = array<i32>} : memref<128x128xi32, #tpu.memory_space<vmem>>, vector<1x16xi32>,
          %parallel_loop3A_1317 = vector.shape_cast %parallel_loop3A_1316 : vector<1x16xi32> to vector<16xi32>
          %parallel_loop3A_1318 = arith.constant 10 : i32
          %parallel_loop3A_1319 = arith.addi %parallel_loop3A_177, %parallel_loop3A_1318 : i32
          %parallel_loop3A_1320 = arith.index_cast %parallel_loop3A_1319 : i32 to index
          %parallel_loop3A_1321 = arith.constant 80 : index
          %parallel_loop3A_1322 = tpu.vector_load %arg8[%parallel_loop3A_1320, %parallel_loop3A_1321] {strides = array<i32>} : memref<128x128xi32, #tpu.memory_space<vmem>>, vector<1x16xi32>,
          %parallel_loop3A_1323 = vector.shape_cast %parallel_loop3A_1322 : vector<1x16xi32> to vector<16xi32>
          %parallel_loop3A_1324 = arith.constant 11 : i32
          %parallel_loop3A_1325 = arith.addi %parallel_loop3A_177, %parallel_loop3A_1324 : i32
          %parallel_loop3A_1326 = arith.index_cast %parallel_loop3A_1325 : i32 to index
          %parallel_loop3A_1327 = arith.constant 80 : index
          %parallel_loop3A_1328 = tpu.vector_load %arg8[%parallel_loop3A_1326, %parallel_loop3A_1327] {strides = array<i32>} : memref<128x128xi32, #tpu.memory_space<vmem>>, vector<1x16xi32>,
          %parallel_loop3A_1329 = vector.shape_cast %parallel_loop3A_1328 : vector<1x16xi32> to vector<16xi32>
          %parallel_loop3A_1330 = arith.constant 12 : i32
          %parallel_loop3A_1331 = arith.addi %parallel_loop3A_177, %parallel_loop3A_1330 : i32
          %parallel_loop3A_1332 = arith.index_cast %parallel_loop3A_1331 : i32 to index
          %parallel_loop3A_1333 = arith.constant 80 : index
          %parallel_loop3A_1334 = tpu.vector_load %arg8[%parallel_loop3A_1332, %parallel_loop3A_1333] {strides = array<i32>} : memref<128x128xi32, #tpu.memory_space<vmem>>, vector<1x16xi32>,
          %parallel_loop3A_1335 = vector.shape_cast %parallel_loop3A_1334 : vector<1x16xi32> to vector<16xi32>
          %parallel_loop3A_1336 = arith.constant 13 : i32
          %parallel_loop3A_1337 = arith.addi %parallel_loop3A_177, %parallel_loop3A_1336 : i32
          %parallel_loop3A_1338 = arith.index_cast %parallel_loop3A_1337 : i32 to index
          %parallel_loop3A_1339 = arith.constant 80 : index
          %parallel_loop3A_1340 = tpu.vector_load %arg8[%parallel_loop3A_1338, %parallel_loop3A_1339] {strides = array<i32>} : memref<128x128xi32, #tpu.memory_space<vmem>>, vector<1x16xi32>,
          %parallel_loop3A_1341 = vector.shape_cast %parallel_loop3A_1340 : vector<1x16xi32> to vector<16xi32>
          %parallel_loop3A_1342 = arith.constant 14 : i32
          %parallel_loop3A_1343 = arith.addi %parallel_loop3A_177, %parallel_loop3A_1342 : i32
          %parallel_loop3A_1344 = arith.index_cast %parallel_loop3A_1343 : i32 to index
          %parallel_loop3A_1345 = arith.constant 80 : index
          %parallel_loop3A_1346 = tpu.vector_load %arg8[%parallel_loop3A_1344, %parallel_loop3A_1345] {strides = array<i32>} : memref<128x128xi32, #tpu.memory_space<vmem>>, vector<1x16xi32>,
          %parallel_loop3A_1347 = vector.shape_cast %parallel_loop3A_1346 : vector<1x16xi32> to vector<16xi32>
          %parallel_loop3A_1348 = arith.constant 15 : i32
          %parallel_loop3A_1349 = arith.addi %parallel_loop3A_177, %parallel_loop3A_1348 : i32
          %parallel_loop3A_1350 = arith.index_cast %parallel_loop3A_1349 : i32 to index
          %parallel_loop3A_1351 = arith.constant 80 : index
          %parallel_loop3A_1352 = tpu.vector_load %arg8[%parallel_loop3A_1350, %parallel_loop3A_1351] {strides = array<i32>} : memref<128x128xi32, #tpu.memory_space<vmem>>, vector<1x16xi32>,
          %parallel_loop3A_1353 = vector.shape_cast %parallel_loop3A_1352 : vector<1x16xi32> to vector<16xi32>
          %parallel_loop3A_1354 = arith.constant 16 : i32
          %parallel_loop3A_1355 = vector.broadcast %parallel_loop3A_1354 : i32 to vector<16xi32>
          %parallel_loop3A_1356 = arith.shli %parallel_loop3A_1263, %parallel_loop3A_1355 : vector<16xi32>
          %parallel_loop3A_1357 = tpu.bitcast %parallel_loop3A_1356 : vector<16xi32> -> vector<16xf32>
          %parallel_loop3A_1358 = arith.constant 16 : i32
          %parallel_loop3A_1359 = vector.broadcast %parallel_loop3A_1358 : i32 to vector<16xi32>
          %parallel_loop3A_1360 = arith.shli %parallel_loop3A_1269, %parallel_loop3A_1359 : vector<16xi32>
          %parallel_loop3A_1361 = tpu.bitcast %parallel_loop3A_1360 : vector<16xi32> -> vector<16xf32>
          %parallel_loop3A_1362 = arith.constant 16 : i32
          %parallel_loop3A_1363 = vector.broadcast %parallel_loop3A_1362 : i32 to vector<16xi32>
          %parallel_loop3A_1364 = arith.shli %parallel_loop3A_1275, %parallel_loop3A_1363 : vector<16xi32>
          %parallel_loop3A_1365 = tpu.bitcast %parallel_loop3A_1364 : vector<16xi32> -> vector<16xf32>
          %parallel_loop3A_1366 = arith.constant 16 : i32
          %parallel_loop3A_1367 = vector.broadcast %parallel_loop3A_1366 : i32 to vector<16xi32>
          %parallel_loop3A_1368 = arith.shli %parallel_loop3A_1281, %parallel_loop3A_1367 : vector<16xi32>
          %parallel_loop3A_1369 = tpu.bitcast %parallel_loop3A_1368 : vector<16xi32> -> vector<16xf32>
          %parallel_loop3A_1370 = arith.constant 16 : i32
          %parallel_loop3A_1371 = vector.broadcast %parallel_loop3A_1370 : i32 to vector<16xi32>
          %parallel_loop3A_1372 = arith.shli %parallel_loop3A_1287, %parallel_loop3A_1371 : vector<16xi32>
          %parallel_loop3A_1373 = tpu.bitcast %parallel_loop3A_1372 : vector<16xi32> -> vector<16xf32>
          %parallel_loop3A_1374 = arith.constant 16 : i32
          %parallel_loop3A_1375 = vector.broadcast %parallel_loop3A_1374 : i32 to vector<16xi32>
          %parallel_loop3A_1376 = arith.shli %parallel_loop3A_1293, %parallel_loop3A_1375 : vector<16xi32>
          %parallel_loop3A_1377 = tpu.bitcast %parallel_loop3A_1376 : vector<16xi32> -> vector<16xf32>
          %parallel_loop3A_1378 = arith.constant 16 : i32
          %parallel_loop3A_1379 = vector.broadcast %parallel_loop3A_1378 : i32 to vector<16xi32>
          %parallel_loop3A_1380 = arith.shli %parallel_loop3A_1299, %parallel_loop3A_1379 : vector<16xi32>
          %parallel_loop3A_1381 = tpu.bitcast %parallel_loop3A_1380 : vector<16xi32> -> vector<16xf32>
          %parallel_loop3A_1382 = arith.constant 16 : i32
          %parallel_loop3A_1383 = vector.broadcast %parallel_loop3A_1382 : i32 to vector<16xi32>
          %parallel_loop3A_1384 = arith.shli %parallel_loop3A_1305, %parallel_loop3A_1383 : vector<16xi32>
          %parallel_loop3A_1385 = tpu.bitcast %parallel_loop3A_1384 : vector<16xi32> -> vector<16xf32>
          %parallel_loop3A_1386 = arith.constant 16 : i32
          %parallel_loop3A_1387 = vector.broadcast %parallel_loop3A_1386 : i32 to vector<16xi32>
          %parallel_loop3A_1388 = arith.shli %parallel_loop3A_1311, %parallel_loop3A_1387 : vector<16xi32>
          %parallel_loop3A_1389 = tpu.bitcast %parallel_loop3A_1388 : vector<16xi32> -> vector<16xf32>
          %parallel_loop3A_1390 = arith.constant 16 : i32
          %parallel_loop3A_1391 = vector.broadcast %parallel_loop3A_1390 : i32 to vector<16xi32>
          %parallel_loop3A_1392 = arith.shli %parallel_loop3A_1317, %parallel_loop3A_1391 : vector<16xi32>
          %parallel_loop3A_1393 = tpu.bitcast %parallel_loop3A_1392 : vector<16xi32> -> vector<16xf32>
          %parallel_loop3A_1394 = arith.constant 16 : i32
          %parallel_loop3A_1395 = vector.broadcast %parallel_loop3A_1394 : i32 to vector<16xi32>
          %parallel_loop3A_1396 = arith.shli %parallel_loop3A_1323, %parallel_loop3A_1395 : vector<16xi32>
          %parallel_loop3A_1397 = tpu.bitcast %parallel_loop3A_1396 : vector<16xi32> -> vector<16xf32>
          %parallel_loop3A_1398 = arith.constant 16 : i32
          %parallel_loop3A_1399 = vector.broadcast %parallel_loop3A_1398 : i32 to vector<16xi32>
          %parallel_loop3A_1400 = arith.shli %parallel_loop3A_1329, %parallel_loop3A_1399 : vector<16xi32>
          %parallel_loop3A_1401 = tpu.bitcast %parallel_loop3A_1400 : vector<16xi32> -> vector<16xf32>
          %parallel_loop3A_1402 = arith.constant 16 : i32
          %parallel_loop3A_1403 = vector.broadcast %parallel_loop3A_1402 : i32 to vector<16xi32>
          %parallel_loop3A_1404 = arith.shli %parallel_loop3A_1335, %parallel_loop3A_1403 : vector<16xi32>
          %parallel_loop3A_1405 = tpu.bitcast %parallel_loop3A_1404 : vector<16xi32> -> vector<16xf32>
          %parallel_loop3A_1406 = arith.constant 16 : i32
          %parallel_loop3A_1407 = vector.broadcast %parallel_loop3A_1406 : i32 to vector<16xi32>
          %parallel_loop3A_1408 = arith.shli %parallel_loop3A_1341, %parallel_loop3A_1407 : vector<16xi32>
          %parallel_loop3A_1409 = tpu.bitcast %parallel_loop3A_1408 : vector<16xi32> -> vector<16xf32>
          %parallel_loop3A_1410 = arith.constant 16 : i32
          %parallel_loop3A_1411 = vector.broadcast %parallel_loop3A_1410 : i32 to vector<16xi32>
          %parallel_loop3A_1412 = arith.shli %parallel_loop3A_1347, %parallel_loop3A_1411 : vector<16xi32>
          %parallel_loop3A_1413 = tpu.bitcast %parallel_loop3A_1412 : vector<16xi32> -> vector<16xf32>
          %parallel_loop3A_1414 = arith.constant 16 : i32
          %parallel_loop3A_1415 = vector.broadcast %parallel_loop3A_1414 : i32 to vector<16xi32>
          %parallel_loop3A_1416 = arith.shli %parallel_loop3A_1353, %parallel_loop3A_1415 : vector<16xi32>
          %parallel_loop3A_1417 = tpu.bitcast %parallel_loop3A_1416 : vector<16xi32> -> vector<16xf32>
          %parallel_loop3A_1418 = tpu.bitcast %parallel_loop3A_1263 : vector<16xi32> -> vector<16xf32>
          %parallel_loop3A_1419 = tpu.bitcast %parallel_loop3A_1269 : vector<16xi32> -> vector<16xf32>
          %parallel_loop3A_1420 = tpu.bitcast %parallel_loop3A_1275 : vector<16xi32> -> vector<16xf32>
          %parallel_loop3A_1421 = tpu.bitcast %parallel_loop3A_1281 : vector<16xi32> -> vector<16xf32>
          %parallel_loop3A_1422 = tpu.bitcast %parallel_loop3A_1287 : vector<16xi32> -> vector<16xf32>
          %parallel_loop3A_1423 = tpu.bitcast %parallel_loop3A_1293 : vector<16xi32> -> vector<16xf32>
          %parallel_loop3A_1424 = tpu.bitcast %parallel_loop3A_1299 : vector<16xi32> -> vector<16xf32>
          %parallel_loop3A_1425 = tpu.bitcast %parallel_loop3A_1305 : vector<16xi32> -> vector<16xf32>
          %parallel_loop3A_1426 = tpu.bitcast %parallel_loop3A_1311 : vector<16xi32> -> vector<16xf32>
          %parallel_loop3A_1427 = tpu.bitcast %parallel_loop3A_1317 : vector<16xi32> -> vector<16xf32>
          %parallel_loop3A_1428 = tpu.bitcast %parallel_loop3A_1323 : vector<16xi32> -> vector<16xf32>
          %parallel_loop3A_1429 = tpu.bitcast %parallel_loop3A_1329 : vector<16xi32> -> vector<16xf32>
          %parallel_loop3A_1430 = tpu.bitcast %parallel_loop3A_1335 : vector<16xi32> -> vector<16xf32>
          %parallel_loop3A_1431 = tpu.bitcast %parallel_loop3A_1341 : vector<16xi32> -> vector<16xf32>
          %parallel_loop3A_1432 = tpu.bitcast %parallel_loop3A_1347 : vector<16xi32> -> vector<16xf32>
          %parallel_loop3A_1433 = tpu.bitcast %parallel_loop3A_1353 : vector<16xi32> -> vector<16xf32>
          %parallel_loop3A_1434 = arith.addf %parallel_loop3A_1357, %parallel_loop3A_1361 : vector<16xf32>
          %parallel_loop3A_1435 = arith.addf %parallel_loop3A_1365, %parallel_loop3A_1369 : vector<16xf32>
          %parallel_loop3A_1436 = arith.addf %parallel_loop3A_1373, %parallel_loop3A_1377 : vector<16xf32>
          %parallel_loop3A_1437 = arith.addf %parallel_loop3A_1381, %parallel_loop3A_1385 : vector<16xf32>
          %parallel_loop3A_1438 = arith.addf %parallel_loop3A_1389, %parallel_loop3A_1393 : vector<16xf32>
          %parallel_loop3A_1439 = arith.addf %parallel_loop3A_1397, %parallel_loop3A_1401 : vector<16xf32>
          %parallel_loop3A_1440 = arith.addf %parallel_loop3A_1405, %parallel_loop3A_1409 : vector<16xf32>
          %parallel_loop3A_1441 = arith.addf %parallel_loop3A_1413, %parallel_loop3A_1417 : vector<16xf32>
          %parallel_loop3A_1442 = arith.addf %parallel_loop3A_1418, %parallel_loop3A_1419 : vector<16xf32>
          %parallel_loop3A_1443 = arith.addf %parallel_loop3A_1420, %parallel_loop3A_1421 : vector<16xf32>
          %parallel_loop3A_1444 = arith.addf %parallel_loop3A_1422, %parallel_loop3A_1423 : vector<16xf32>
          %parallel_loop3A_1445 = arith.addf %parallel_loop3A_1424, %parallel_loop3A_1425 : vector<16xf32>
          %parallel_loop3A_1446 = arith.addf %parallel_loop3A_1426, %parallel_loop3A_1427 : vector<16xf32>
          %parallel_loop3A_1447 = arith.addf %parallel_loop3A_1428, %parallel_loop3A_1429 : vector<16xf32>
          %parallel_loop3A_1448 = arith.addf %parallel_loop3A_1430, %parallel_loop3A_1431 : vector<16xf32>
          %parallel_loop3A_1449 = arith.addf %parallel_loop3A_1432, %parallel_loop3A_1433 : vector<16xf32>
          %parallel_loop3A_1450 = arith.addf %parallel_loop3A_1434, %parallel_loop3A_1435 : vector<16xf32>
          %parallel_loop3A_1451 = arith.addf %parallel_loop3A_1436, %parallel_loop3A_1437 : vector<16xf32>
          %parallel_loop3A_1452 = arith.addf %parallel_loop3A_1438, %parallel_loop3A_1439 : vector<16xf32>
          %parallel_loop3A_1453 = arith.addf %parallel_loop3A_1440, %parallel_loop3A_1441 : vector<16xf32>
          %parallel_loop3A_1454 = arith.addf %parallel_loop3A_1442, %parallel_loop3A_1443 : vector<16xf32>
          %parallel_loop3A_1455 = arith.addf %parallel_loop3A_1444, %parallel_loop3A_1445 : vector<16xf32>
          %parallel_loop3A_1456 = arith.addf %parallel_loop3A_1446, %parallel_loop3A_1447 : vector<16xf32>
          %parallel_loop3A_1457 = arith.addf %parallel_loop3A_1448, %parallel_loop3A_1449 : vector<16xf32>
          %parallel_loop3A_1458 = arith.addf %parallel_loop3A_1450, %parallel_loop3A_1451 : vector<16xf32>
          %parallel_loop3A_1459 = arith.addf %parallel_loop3A_1452, %parallel_loop3A_1453 : vector<16xf32>
          %parallel_loop3A_1460 = arith.addf %parallel_loop3A_1454, %parallel_loop3A_1455 : vector<16xf32>
          %parallel_loop3A_1461 = arith.addf %parallel_loop3A_1456, %parallel_loop3A_1457 : vector<16xf32>
          %parallel_loop3A_1462 = arith.addf %parallel_loop3A_1458, %parallel_loop3A_1459 : vector<16xf32>
          %parallel_loop3A_1463 = arith.addf %parallel_loop3A_1460, %parallel_loop3A_1461 : vector<16xf32>
          %parallel_loop3A_1464 = arith.index_cast %parallel_loop3A_175 : i32 to index
          %parallel_loop3A_1465 = arith.constant 80 : index
          %parallel_loop3A_1466 = tpu.vector_load %arg10[%parallel_loop3A_1464, %parallel_loop3A_1465] {strides = array<i32>} : memref<8x256xf32, #tpu.memory_space<vmem>>, vector<1x16xf32>,
          %parallel_loop3A_1467 = vector.shape_cast %parallel_loop3A_1466 : vector<1x16xf32> to vector<16xf32>
          %parallel_loop3A_1468 = vector.shape_cast %parallel_loop3A_1462 : vector<16xf32> to vector<1x16xf32>
          tpu.vector_store %arg10[%parallel_loop3A_1464, %parallel_loop3A_1465], %parallel_loop3A_1468 {strides = array<i32>} : memref<8x256xf32, #tpu.memory_space<vmem>>, vector<1x16xf32>,
          %parallel_loop3A_1469 = arith.index_cast %parallel_loop3A_175 : i32 to index
          %parallel_loop3A_1470 = arith.constant 208 : index
          %parallel_loop3A_1471 = tpu.vector_load %arg10[%parallel_loop3A_1469, %parallel_loop3A_1470] {strides = array<i32>} : memref<8x256xf32, #tpu.memory_space<vmem>>, vector<1x16xf32>,
          %parallel_loop3A_1472 = vector.shape_cast %parallel_loop3A_1471 : vector<1x16xf32> to vector<16xf32>
          %parallel_loop3A_1473 = vector.shape_cast %parallel_loop3A_1463 : vector<16xf32> to vector<1x16xf32>
          tpu.vector_store %arg10[%parallel_loop3A_1469, %parallel_loop3A_1470], %parallel_loop3A_1473 {strides = array<i32>} : memref<8x256xf32, #tpu.memory_space<vmem>>, vector<1x16xf32>,
          %parallel_loop3A_1474 = arith.constant 0 : i32
          %parallel_loop3A_1475 = arith.addi %parallel_loop3A_177, %parallel_loop3A_1474 : i32
          %parallel_loop3A_1476 = arith.index_cast %parallel_loop3A_1475 : i32 to index
          %parallel_loop3A_1477 = arith.constant 96 : index
          %parallel_loop3A_1478 = tpu.vector_load %arg8[%parallel_loop3A_1476, %parallel_loop3A_1477] {strides = array<i32>} : memref<128x128xi32, #tpu.memory_space<vmem>>, vector<1x16xi32>,
          %parallel_loop3A_1479 = vector.shape_cast %parallel_loop3A_1478 : vector<1x16xi32> to vector<16xi32>
          %parallel_loop3A_1480 = arith.constant 1 : i32
          %parallel_loop3A_1481 = arith.addi %parallel_loop3A_177, %parallel_loop3A_1480 : i32
          %parallel_loop3A_1482 = arith.index_cast %parallel_loop3A_1481 : i32 to index
          %parallel_loop3A_1483 = arith.constant 96 : index
          %parallel_loop3A_1484 = tpu.vector_load %arg8[%parallel_loop3A_1482, %parallel_loop3A_1483] {strides = array<i32>} : memref<128x128xi32, #tpu.memory_space<vmem>>, vector<1x16xi32>,
          %parallel_loop3A_1485 = vector.shape_cast %parallel_loop3A_1484 : vector<1x16xi32> to vector<16xi32>
          %parallel_loop3A_1486 = arith.constant 2 : i32
          %parallel_loop3A_1487 = arith.addi %parallel_loop3A_177, %parallel_loop3A_1486 : i32
          %parallel_loop3A_1488 = arith.index_cast %parallel_loop3A_1487 : i32 to index
          %parallel_loop3A_1489 = arith.constant 96 : index
          %parallel_loop3A_1490 = tpu.vector_load %arg8[%parallel_loop3A_1488, %parallel_loop3A_1489] {strides = array<i32>} : memref<128x128xi32, #tpu.memory_space<vmem>>, vector<1x16xi32>,
          %parallel_loop3A_1491 = vector.shape_cast %parallel_loop3A_1490 : vector<1x16xi32> to vector<16xi32>
          %parallel_loop3A_1492 = arith.constant 3 : i32
          %parallel_loop3A_1493 = arith.addi %parallel_loop3A_177, %parallel_loop3A_1492 : i32
          %parallel_loop3A_1494 = arith.index_cast %parallel_loop3A_1493 : i32 to index
          %parallel_loop3A_1495 = arith.constant 96 : index
          %parallel_loop3A_1496 = tpu.vector_load %arg8[%parallel_loop3A_1494, %parallel_loop3A_1495] {strides = array<i32>} : memref<128x128xi32, #tpu.memory_space<vmem>>, vector<1x16xi32>,
          %parallel_loop3A_1497 = vector.shape_cast %parallel_loop3A_1496 : vector<1x16xi32> to vector<16xi32>
          %parallel_loop3A_1498 = arith.constant 4 : i32
          %parallel_loop3A_1499 = arith.addi %parallel_loop3A_177, %parallel_loop3A_1498 : i32
          %parallel_loop3A_1500 = arith.index_cast %parallel_loop3A_1499 : i32 to index
          %parallel_loop3A_1501 = arith.constant 96 : index
          %parallel_loop3A_1502 = tpu.vector_load %arg8[%parallel_loop3A_1500, %parallel_loop3A_1501] {strides = array<i32>} : memref<128x128xi32, #tpu.memory_space<vmem>>, vector<1x16xi32>,
          %parallel_loop3A_1503 = vector.shape_cast %parallel_loop3A_1502 : vector<1x16xi32> to vector<16xi32>
          %parallel_loop3A_1504 = arith.constant 5 : i32
          %parallel_loop3A_1505 = arith.addi %parallel_loop3A_177, %parallel_loop3A_1504 : i32
          %parallel_loop3A_1506 = arith.index_cast %parallel_loop3A_1505 : i32 to index
          %parallel_loop3A_1507 = arith.constant 96 : index
          %parallel_loop3A_1508 = tpu.vector_load %arg8[%parallel_loop3A_1506, %parallel_loop3A_1507] {strides = array<i32>} : memref<128x128xi32, #tpu.memory_space<vmem>>, vector<1x16xi32>,
          %parallel_loop3A_1509 = vector.shape_cast %parallel_loop3A_1508 : vector<1x16xi32> to vector<16xi32>
          %parallel_loop3A_1510 = arith.constant 6 : i32
          %parallel_loop3A_1511 = arith.addi %parallel_loop3A_177, %parallel_loop3A_1510 : i32
          %parallel_loop3A_1512 = arith.index_cast %parallel_loop3A_1511 : i32 to index
          %parallel_loop3A_1513 = arith.constant 96 : index
          %parallel_loop3A_1514 = tpu.vector_load %arg8[%parallel_loop3A_1512, %parallel_loop3A_1513] {strides = array<i32>} : memref<128x128xi32, #tpu.memory_space<vmem>>, vector<1x16xi32>,
          %parallel_loop3A_1515 = vector.shape_cast %parallel_loop3A_1514 : vector<1x16xi32> to vector<16xi32>
          %parallel_loop3A_1516 = arith.constant 7 : i32
          %parallel_loop3A_1517 = arith.addi %parallel_loop3A_177, %parallel_loop3A_1516 : i32
          %parallel_loop3A_1518 = arith.index_cast %parallel_loop3A_1517 : i32 to index
          %parallel_loop3A_1519 = arith.constant 96 : index
          %parallel_loop3A_1520 = tpu.vector_load %arg8[%parallel_loop3A_1518, %parallel_loop3A_1519] {strides = array<i32>} : memref<128x128xi32, #tpu.memory_space<vmem>>, vector<1x16xi32>,
          %parallel_loop3A_1521 = vector.shape_cast %parallel_loop3A_1520 : vector<1x16xi32> to vector<16xi32>
          %parallel_loop3A_1522 = arith.constant 8 : i32
          %parallel_loop3A_1523 = arith.addi %parallel_loop3A_177, %parallel_loop3A_1522 : i32
          %parallel_loop3A_1524 = arith.index_cast %parallel_loop3A_1523 : i32 to index
          %parallel_loop3A_1525 = arith.constant 96 : index
          %parallel_loop3A_1526 = tpu.vector_load %arg8[%parallel_loop3A_1524, %parallel_loop3A_1525] {strides = array<i32>} : memref<128x128xi32, #tpu.memory_space<vmem>>, vector<1x16xi32>,
          %parallel_loop3A_1527 = vector.shape_cast %parallel_loop3A_1526 : vector<1x16xi32> to vector<16xi32>
          %parallel_loop3A_1528 = arith.constant 9 : i32
          %parallel_loop3A_1529 = arith.addi %parallel_loop3A_177, %parallel_loop3A_1528 : i32
          %parallel_loop3A_1530 = arith.index_cast %parallel_loop3A_1529 : i32 to index
          %parallel_loop3A_1531 = arith.constant 96 : index
          %parallel_loop3A_1532 = tpu.vector_load %arg8[%parallel_loop3A_1530, %parallel_loop3A_1531] {strides = array<i32>} : memref<128x128xi32, #tpu.memory_space<vmem>>, vector<1x16xi32>,
          %parallel_loop3A_1533 = vector.shape_cast %parallel_loop3A_1532 : vector<1x16xi32> to vector<16xi32>
          %parallel_loop3A_1534 = arith.constant 10 : i32
          %parallel_loop3A_1535 = arith.addi %parallel_loop3A_177, %parallel_loop3A_1534 : i32
          %parallel_loop3A_1536 = arith.index_cast %parallel_loop3A_1535 : i32 to index
          %parallel_loop3A_1537 = arith.constant 96 : index
          %parallel_loop3A_1538 = tpu.vector_load %arg8[%parallel_loop3A_1536, %parallel_loop3A_1537] {strides = array<i32>} : memref<128x128xi32, #tpu.memory_space<vmem>>, vector<1x16xi32>,
          %parallel_loop3A_1539 = vector.shape_cast %parallel_loop3A_1538 : vector<1x16xi32> to vector<16xi32>
          %parallel_loop3A_1540 = arith.constant 11 : i32
          %parallel_loop3A_1541 = arith.addi %parallel_loop3A_177, %parallel_loop3A_1540 : i32
          %parallel_loop3A_1542 = arith.index_cast %parallel_loop3A_1541 : i32 to index
          %parallel_loop3A_1543 = arith.constant 96 : index
          %parallel_loop3A_1544 = tpu.vector_load %arg8[%parallel_loop3A_1542, %parallel_loop3A_1543] {strides = array<i32>} : memref<128x128xi32, #tpu.memory_space<vmem>>, vector<1x16xi32>,
          %parallel_loop3A_1545 = vector.shape_cast %parallel_loop3A_1544 : vector<1x16xi32> to vector<16xi32>
          %parallel_loop3A_1546 = arith.constant 12 : i32
          %parallel_loop3A_1547 = arith.addi %parallel_loop3A_177, %parallel_loop3A_1546 : i32
          %parallel_loop3A_1548 = arith.index_cast %parallel_loop3A_1547 : i32 to index
          %parallel_loop3A_1549 = arith.constant 96 : index
          %parallel_loop3A_1550 = tpu.vector_load %arg8[%parallel_loop3A_1548, %parallel_loop3A_1549] {strides = array<i32>} : memref<128x128xi32, #tpu.memory_space<vmem>>, vector<1x16xi32>,
          %parallel_loop3A_1551 = vector.shape_cast %parallel_loop3A_1550 : vector<1x16xi32> to vector<16xi32>
          %parallel_loop3A_1552 = arith.constant 13 : i32
          %parallel_loop3A_1553 = arith.addi %parallel_loop3A_177, %parallel_loop3A_1552 : i32
          %parallel_loop3A_1554 = arith.index_cast %parallel_loop3A_1553 : i32 to index
          %parallel_loop3A_1555 = arith.constant 96 : index
          %parallel_loop3A_1556 = tpu.vector_load %arg8[%parallel_loop3A_1554, %parallel_loop3A_1555] {strides = array<i32>} : memref<128x128xi32, #tpu.memory_space<vmem>>, vector<1x16xi32>,
          %parallel_loop3A_1557 = vector.shape_cast %parallel_loop3A_1556 : vector<1x16xi32> to vector<16xi32>
          %parallel_loop3A_1558 = arith.constant 14 : i32
          %parallel_loop3A_1559 = arith.addi %parallel_loop3A_177, %parallel_loop3A_1558 : i32
          %parallel_loop3A_1560 = arith.index_cast %parallel_loop3A_1559 : i32 to index
          %parallel_loop3A_1561 = arith.constant 96 : index
          %parallel_loop3A_1562 = tpu.vector_load %arg8[%parallel_loop3A_1560, %parallel_loop3A_1561] {strides = array<i32>} : memref<128x128xi32, #tpu.memory_space<vmem>>, vector<1x16xi32>,
          %parallel_loop3A_1563 = vector.shape_cast %parallel_loop3A_1562 : vector<1x16xi32> to vector<16xi32>
          %parallel_loop3A_1564 = arith.constant 15 : i32
          %parallel_loop3A_1565 = arith.addi %parallel_loop3A_177, %parallel_loop3A_1564 : i32
          %parallel_loop3A_1566 = arith.index_cast %parallel_loop3A_1565 : i32 to index
          %parallel_loop3A_1567 = arith.constant 96 : index
          %parallel_loop3A_1568 = tpu.vector_load %arg8[%parallel_loop3A_1566, %parallel_loop3A_1567] {strides = array<i32>} : memref<128x128xi32, #tpu.memory_space<vmem>>, vector<1x16xi32>,
          %parallel_loop3A_1569 = vector.shape_cast %parallel_loop3A_1568 : vector<1x16xi32> to vector<16xi32>
          %parallel_loop3A_1570 = arith.constant 16 : i32
          %parallel_loop3A_1571 = vector.broadcast %parallel_loop3A_1570 : i32 to vector<16xi32>
          %parallel_loop3A_1572 = arith.shli %parallel_loop3A_1479, %parallel_loop3A_1571 : vector<16xi32>
          %parallel_loop3A_1573 = tpu.bitcast %parallel_loop3A_1572 : vector<16xi32> -> vector<16xf32>
          %parallel_loop3A_1574 = arith.constant 16 : i32
          %parallel_loop3A_1575 = vector.broadcast %parallel_loop3A_1574 : i32 to vector<16xi32>
          %parallel_loop3A_1576 = arith.shli %parallel_loop3A_1485, %parallel_loop3A_1575 : vector<16xi32>
          %parallel_loop3A_1577 = tpu.bitcast %parallel_loop3A_1576 : vector<16xi32> -> vector<16xf32>
          %parallel_loop3A_1578 = arith.constant 16 : i32
          %parallel_loop3A_1579 = vector.broadcast %parallel_loop3A_1578 : i32 to vector<16xi32>
          %parallel_loop3A_1580 = arith.shli %parallel_loop3A_1491, %parallel_loop3A_1579 : vector<16xi32>
          %parallel_loop3A_1581 = tpu.bitcast %parallel_loop3A_1580 : vector<16xi32> -> vector<16xf32>
          %parallel_loop3A_1582 = arith.constant 16 : i32
          %parallel_loop3A_1583 = vector.broadcast %parallel_loop3A_1582 : i32 to vector<16xi32>
          %parallel_loop3A_1584 = arith.shli %parallel_loop3A_1497, %parallel_loop3A_1583 : vector<16xi32>
          %parallel_loop3A_1585 = tpu.bitcast %parallel_loop3A_1584 : vector<16xi32> -> vector<16xf32>
          %parallel_loop3A_1586 = arith.constant 16 : i32
          %parallel_loop3A_1587 = vector.broadcast %parallel_loop3A_1586 : i32 to vector<16xi32>
          %parallel_loop3A_1588 = arith.shli %parallel_loop3A_1503, %parallel_loop3A_1587 : vector<16xi32>
          %parallel_loop3A_1589 = tpu.bitcast %parallel_loop3A_1588 : vector<16xi32> -> vector<16xf32>
          %parallel_loop3A_1590 = arith.constant 16 : i32
          %parallel_loop3A_1591 = vector.broadcast %parallel_loop3A_1590 : i32 to vector<16xi32>
          %parallel_loop3A_1592 = arith.shli %parallel_loop3A_1509, %parallel_loop3A_1591 : vector<16xi32>
          %parallel_loop3A_1593 = tpu.bitcast %parallel_loop3A_1592 : vector<16xi32> -> vector<16xf32>
          %parallel_loop3A_1594 = arith.constant 16 : i32
          %parallel_loop3A_1595 = vector.broadcast %parallel_loop3A_1594 : i32 to vector<16xi32>
          %parallel_loop3A_1596 = arith.shli %parallel_loop3A_1515, %parallel_loop3A_1595 : vector<16xi32>
          %parallel_loop3A_1597 = tpu.bitcast %parallel_loop3A_1596 : vector<16xi32> -> vector<16xf32>
          %parallel_loop3A_1598 = arith.constant 16 : i32
          %parallel_loop3A_1599 = vector.broadcast %parallel_loop3A_1598 : i32 to vector<16xi32>
          %parallel_loop3A_1600 = arith.shli %parallel_loop3A_1521, %parallel_loop3A_1599 : vector<16xi32>
          %parallel_loop3A_1601 = tpu.bitcast %parallel_loop3A_1600 : vector<16xi32> -> vector<16xf32>
          %parallel_loop3A_1602 = arith.constant 16 : i32
          %parallel_loop3A_1603 = vector.broadcast %parallel_loop3A_1602 : i32 to vector<16xi32>
          %parallel_loop3A_1604 = arith.shli %parallel_loop3A_1527, %parallel_loop3A_1603 : vector<16xi32>
          %parallel_loop3A_1605 = tpu.bitcast %parallel_loop3A_1604 : vector<16xi32> -> vector<16xf32>
          %parallel_loop3A_1606 = arith.constant 16 : i32
          %parallel_loop3A_1607 = vector.broadcast %parallel_loop3A_1606 : i32 to vector<16xi32>
          %parallel_loop3A_1608 = arith.shli %parallel_loop3A_1533, %parallel_loop3A_1607 : vector<16xi32>
          %parallel_loop3A_1609 = tpu.bitcast %parallel_loop3A_1608 : vector<16xi32> -> vector<16xf32>
          %parallel_loop3A_1610 = arith.constant 16 : i32
          %parallel_loop3A_1611 = vector.broadcast %parallel_loop3A_1610 : i32 to vector<16xi32>
          %parallel_loop3A_1612 = arith.shli %parallel_loop3A_1539, %parallel_loop3A_1611 : vector<16xi32>
          %parallel_loop3A_1613 = tpu.bitcast %parallel_loop3A_1612 : vector<16xi32> -> vector<16xf32>
          %parallel_loop3A_1614 = arith.constant 16 : i32
          %parallel_loop3A_1615 = vector.broadcast %parallel_loop3A_1614 : i32 to vector<16xi32>
          %parallel_loop3A_1616 = arith.shli %parallel_loop3A_1545, %parallel_loop3A_1615 : vector<16xi32>
          %parallel_loop3A_1617 = tpu.bitcast %parallel_loop3A_1616 : vector<16xi32> -> vector<16xf32>
          %parallel_loop3A_1618 = arith.constant 16 : i32
          %parallel_loop3A_1619 = vector.broadcast %parallel_loop3A_1618 : i32 to vector<16xi32>
          %parallel_loop3A_1620 = arith.shli %parallel_loop3A_1551, %parallel_loop3A_1619 : vector<16xi32>
          %parallel_loop3A_1621 = tpu.bitcast %parallel_loop3A_1620 : vector<16xi32> -> vector<16xf32>
          %parallel_loop3A_1622 = arith.constant 16 : i32
          %parallel_loop3A_1623 = vector.broadcast %parallel_loop3A_1622 : i32 to vector<16xi32>
          %parallel_loop3A_1624 = arith.shli %parallel_loop3A_1557, %parallel_loop3A_1623 : vector<16xi32>
          %parallel_loop3A_1625 = tpu.bitcast %parallel_loop3A_1624 : vector<16xi32> -> vector<16xf32>
          %parallel_loop3A_1626 = arith.constant 16 : i32
          %parallel_loop3A_1627 = vector.broadcast %parallel_loop3A_1626 : i32 to vector<16xi32>
          %parallel_loop3A_1628 = arith.shli %parallel_loop3A_1563, %parallel_loop3A_1627 : vector<16xi32>
          %parallel_loop3A_1629 = tpu.bitcast %parallel_loop3A_1628 : vector<16xi32> -> vector<16xf32>
          %parallel_loop3A_1630 = arith.constant 16 : i32
          %parallel_loop3A_1631 = vector.broadcast %parallel_loop3A_1630 : i32 to vector<16xi32>
          %parallel_loop3A_1632 = arith.shli %parallel_loop3A_1569, %parallel_loop3A_1631 : vector<16xi32>
          %parallel_loop3A_1633 = tpu.bitcast %parallel_loop3A_1632 : vector<16xi32> -> vector<16xf32>
          %parallel_loop3A_1634 = tpu.bitcast %parallel_loop3A_1479 : vector<16xi32> -> vector<16xf32>
          %parallel_loop3A_1635 = tpu.bitcast %parallel_loop3A_1485 : vector<16xi32> -> vector<16xf32>
          %parallel_loop3A_1636 = tpu.bitcast %parallel_loop3A_1491 : vector<16xi32> -> vector<16xf32>
          %parallel_loop3A_1637 = tpu.bitcast %parallel_loop3A_1497 : vector<16xi32> -> vector<16xf32>
          %parallel_loop3A_1638 = tpu.bitcast %parallel_loop3A_1503 : vector<16xi32> -> vector<16xf32>
          %parallel_loop3A_1639 = tpu.bitcast %parallel_loop3A_1509 : vector<16xi32> -> vector<16xf32>
          %parallel_loop3A_1640 = tpu.bitcast %parallel_loop3A_1515 : vector<16xi32> -> vector<16xf32>
          %parallel_loop3A_1641 = tpu.bitcast %parallel_loop3A_1521 : vector<16xi32> -> vector<16xf32>
          %parallel_loop3A_1642 = tpu.bitcast %parallel_loop3A_1527 : vector<16xi32> -> vector<16xf32>
          %parallel_loop3A_1643 = tpu.bitcast %parallel_loop3A_1533 : vector<16xi32> -> vector<16xf32>
          %parallel_loop3A_1644 = tpu.bitcast %parallel_loop3A_1539 : vector<16xi32> -> vector<16xf32>
          %parallel_loop3A_1645 = tpu.bitcast %parallel_loop3A_1545 : vector<16xi32> -> vector<16xf32>
          %parallel_loop3A_1646 = tpu.bitcast %parallel_loop3A_1551 : vector<16xi32> -> vector<16xf32>
          %parallel_loop3A_1647 = tpu.bitcast %parallel_loop3A_1557 : vector<16xi32> -> vector<16xf32>
          %parallel_loop3A_1648 = tpu.bitcast %parallel_loop3A_1563 : vector<16xi32> -> vector<16xf32>
          %parallel_loop3A_1649 = tpu.bitcast %parallel_loop3A_1569 : vector<16xi32> -> vector<16xf32>
          %parallel_loop3A_1650 = arith.addf %parallel_loop3A_1573, %parallel_loop3A_1577 : vector<16xf32>
          %parallel_loop3A_1651 = arith.addf %parallel_loop3A_1581, %parallel_loop3A_1585 : vector<16xf32>
          %parallel_loop3A_1652 = arith.addf %parallel_loop3A_1589, %parallel_loop3A_1593 : vector<16xf32>
          %parallel_loop3A_1653 = arith.addf %parallel_loop3A_1597, %parallel_loop3A_1601 : vector<16xf32>
          %parallel_loop3A_1654 = arith.addf %parallel_loop3A_1605, %parallel_loop3A_1609 : vector<16xf32>
          %parallel_loop3A_1655 = arith.addf %parallel_loop3A_1613, %parallel_loop3A_1617 : vector<16xf32>
          %parallel_loop3A_1656 = arith.addf %parallel_loop3A_1621, %parallel_loop3A_1625 : vector<16xf32>
          %parallel_loop3A_1657 = arith.addf %parallel_loop3A_1629, %parallel_loop3A_1633 : vector<16xf32>
          %parallel_loop3A_1658 = arith.addf %parallel_loop3A_1634, %parallel_loop3A_1635 : vector<16xf32>
          %parallel_loop3A_1659 = arith.addf %parallel_loop3A_1636, %parallel_loop3A_1637 : vector<16xf32>
          %parallel_loop3A_1660 = arith.addf %parallel_loop3A_1638, %parallel_loop3A_1639 : vector<16xf32>
          %parallel_loop3A_1661 = arith.addf %parallel_loop3A_1640, %parallel_loop3A_1641 : vector<16xf32>
          %parallel_loop3A_1662 = arith.addf %parallel_loop3A_1642, %parallel_loop3A_1643 : vector<16xf32>
          %parallel_loop3A_1663 = arith.addf %parallel_loop3A_1644, %parallel_loop3A_1645 : vector<16xf32>
          %parallel_loop3A_1664 = arith.addf %parallel_loop3A_1646, %parallel_loop3A_1647 : vector<16xf32>
          %parallel_loop3A_1665 = arith.addf %parallel_loop3A_1648, %parallel_loop3A_1649 : vector<16xf32>
          %parallel_loop3A_1666 = arith.addf %parallel_loop3A_1650, %parallel_loop3A_1651 : vector<16xf32>
          %parallel_loop3A_1667 = arith.addf %parallel_loop3A_1652, %parallel_loop3A_1653 : vector<16xf32>
          %parallel_loop3A_1668 = arith.addf %parallel_loop3A_1654, %parallel_loop3A_1655 : vector<16xf32>
          %parallel_loop3A_1669 = arith.addf %parallel_loop3A_1656, %parallel_loop3A_1657 : vector<16xf32>
          %parallel_loop3A_1670 = arith.addf %parallel_loop3A_1658, %parallel_loop3A_1659 : vector<16xf32>
          %parallel_loop3A_1671 = arith.addf %parallel_loop3A_1660, %parallel_loop3A_1661 : vector<16xf32>
          %parallel_loop3A_1672 = arith.addf %parallel_loop3A_1662, %parallel_loop3A_1663 : vector<16xf32>
          %parallel_loop3A_1673 = arith.addf %parallel_loop3A_1664, %parallel_loop3A_1665 : vector<16xf32>
          %parallel_loop3A_1674 = arith.addf %parallel_loop3A_1666, %parallel_loop3A_1667 : vector<16xf32>
          %parallel_loop3A_1675 = arith.addf %parallel_loop3A_1668, %parallel_loop3A_1669 : vector<16xf32>
          %parallel_loop3A_1676 = arith.addf %parallel_loop3A_1670, %parallel_loop3A_1671 : vector<16xf32>
          %parallel_loop3A_1677 = arith.addf %parallel_loop3A_1672, %parallel_loop3A_1673 : vector<16xf32>
          %parallel_loop3A_1678 = arith.addf %parallel_loop3A_1674, %parallel_loop3A_1675 : vector<16xf32>
          %parallel_loop3A_1679 = arith.addf %parallel_loop3A_1676, %parallel_loop3A_1677 : vector<16xf32>
          %parallel_loop3A_1680 = arith.index_cast %parallel_loop3A_175 : i32 to index
          %parallel_loop3A_1681 = arith.constant 96 : index
          %parallel_loop3A_1682 = tpu.vector_load %arg10[%parallel_loop3A_1680, %parallel_loop3A_1681] {strides = array<i32>} : memref<8x256xf32, #tpu.memory_space<vmem>>, vector<1x16xf32>,
          %parallel_loop3A_1683 = vector.shape_cast %parallel_loop3A_1682 : vector<1x16xf32> to vector<16xf32>
          %parallel_loop3A_1684 = vector.shape_cast %parallel_loop3A_1678 : vector<16xf32> to vector<1x16xf32>
          tpu.vector_store %arg10[%parallel_loop3A_1680, %parallel_loop3A_1681], %parallel_loop3A_1684 {strides = array<i32>} : memref<8x256xf32, #tpu.memory_space<vmem>>, vector<1x16xf32>,
          %parallel_loop3A_1685 = arith.index_cast %parallel_loop3A_175 : i32 to index
          %parallel_loop3A_1686 = arith.constant 224 : index
          %parallel_loop3A_1687 = tpu.vector_load %arg10[%parallel_loop3A_1685, %parallel_loop3A_1686] {strides = array<i32>} : memref<8x256xf32, #tpu.memory_space<vmem>>, vector<1x16xf32>,
          %parallel_loop3A_1688 = vector.shape_cast %parallel_loop3A_1687 : vector<1x16xf32> to vector<16xf32>
          %parallel_loop3A_1689 = vector.shape_cast %parallel_loop3A_1679 : vector<16xf32> to vector<1x16xf32>
          tpu.vector_store %arg10[%parallel_loop3A_1685, %parallel_loop3A_1686], %parallel_loop3A_1689 {strides = array<i32>} : memref<8x256xf32, #tpu.memory_space<vmem>>, vector<1x16xf32>,
          %parallel_loop3A_1690 = arith.constant 0 : i32
          %parallel_loop3A_1691 = arith.addi %parallel_loop3A_177, %parallel_loop3A_1690 : i32
          %parallel_loop3A_1692 = arith.index_cast %parallel_loop3A_1691 : i32 to index
          %parallel_loop3A_1693 = arith.constant 112 : index
          %parallel_loop3A_1694 = tpu.vector_load %arg8[%parallel_loop3A_1692, %parallel_loop3A_1693] {strides = array<i32>} : memref<128x128xi32, #tpu.memory_space<vmem>>, vector<1x16xi32>,
          %parallel_loop3A_1695 = vector.shape_cast %parallel_loop3A_1694 : vector<1x16xi32> to vector<16xi32>
          %parallel_loop3A_1696 = arith.constant 1 : i32
          %parallel_loop3A_1697 = arith.addi %parallel_loop3A_177, %parallel_loop3A_1696 : i32
          %parallel_loop3A_1698 = arith.index_cast %parallel_loop3A_1697 : i32 to index
          %parallel_loop3A_1699 = arith.constant 112 : index
          %parallel_loop3A_1700 = tpu.vector_load %arg8[%parallel_loop3A_1698, %parallel_loop3A_1699] {strides = array<i32>} : memref<128x128xi32, #tpu.memory_space<vmem>>, vector<1x16xi32>,
          %parallel_loop3A_1701 = vector.shape_cast %parallel_loop3A_1700 : vector<1x16xi32> to vector<16xi32>
          %parallel_loop3A_1702 = arith.constant 2 : i32
          %parallel_loop3A_1703 = arith.addi %parallel_loop3A_177, %parallel_loop3A_1702 : i32
          %parallel_loop3A_1704 = arith.index_cast %parallel_loop3A_1703 : i32 to index
          %parallel_loop3A_1705 = arith.constant 112 : index
          %parallel_loop3A_1706 = tpu.vector_load %arg8[%parallel_loop3A_1704, %parallel_loop3A_1705] {strides = array<i32>} : memref<128x128xi32, #tpu.memory_space<vmem>>, vector<1x16xi32>,
          %parallel_loop3A_1707 = vector.shape_cast %parallel_loop3A_1706 : vector<1x16xi32> to vector<16xi32>
          %parallel_loop3A_1708 = arith.constant 3 : i32
          %parallel_loop3A_1709 = arith.addi %parallel_loop3A_177, %parallel_loop3A_1708 : i32
          %parallel_loop3A_1710 = arith.index_cast %parallel_loop3A_1709 : i32 to index
          %parallel_loop3A_1711 = arith.constant 112 : index
          %parallel_loop3A_1712 = tpu.vector_load %arg8[%parallel_loop3A_1710, %parallel_loop3A_1711] {strides = array<i32>} : memref<128x128xi32, #tpu.memory_space<vmem>>, vector<1x16xi32>,
          %parallel_loop3A_1713 = vector.shape_cast %parallel_loop3A_1712 : vector<1x16xi32> to vector<16xi32>
          %parallel_loop3A_1714 = arith.constant 4 : i32
          %parallel_loop3A_1715 = arith.addi %parallel_loop3A_177, %parallel_loop3A_1714 : i32
          %parallel_loop3A_1716 = arith.index_cast %parallel_loop3A_1715 : i32 to index
          %parallel_loop3A_1717 = arith.constant 112 : index
          %parallel_loop3A_1718 = tpu.vector_load %arg8[%parallel_loop3A_1716, %parallel_loop3A_1717] {strides = array<i32>} : memref<128x128xi32, #tpu.memory_space<vmem>>, vector<1x16xi32>,
          %parallel_loop3A_1719 = vector.shape_cast %parallel_loop3A_1718 : vector<1x16xi32> to vector<16xi32>
          %parallel_loop3A_1720 = arith.constant 5 : i32
          %parallel_loop3A_1721 = arith.addi %parallel_loop3A_177, %parallel_loop3A_1720 : i32
          %parallel_loop3A_1722 = arith.index_cast %parallel_loop3A_1721 : i32 to index
          %parallel_loop3A_1723 = arith.constant 112 : index
          %parallel_loop3A_1724 = tpu.vector_load %arg8[%parallel_loop3A_1722, %parallel_loop3A_1723] {strides = array<i32>} : memref<128x128xi32, #tpu.memory_space<vmem>>, vector<1x16xi32>,
          %parallel_loop3A_1725 = vector.shape_cast %parallel_loop3A_1724 : vector<1x16xi32> to vector<16xi32>
          %parallel_loop3A_1726 = arith.constant 6 : i32
          %parallel_loop3A_1727 = arith.addi %parallel_loop3A_177, %parallel_loop3A_1726 : i32
          %parallel_loop3A_1728 = arith.index_cast %parallel_loop3A_1727 : i32 to index
          %parallel_loop3A_1729 = arith.constant 112 : index
          %parallel_loop3A_1730 = tpu.vector_load %arg8[%parallel_loop3A_1728, %parallel_loop3A_1729] {strides = array<i32>} : memref<128x128xi32, #tpu.memory_space<vmem>>, vector<1x16xi32>,
          %parallel_loop3A_1731 = vector.shape_cast %parallel_loop3A_1730 : vector<1x16xi32> to vector<16xi32>
          %parallel_loop3A_1732 = arith.constant 7 : i32
          %parallel_loop3A_1733 = arith.addi %parallel_loop3A_177, %parallel_loop3A_1732 : i32
          %parallel_loop3A_1734 = arith.index_cast %parallel_loop3A_1733 : i32 to index
          %parallel_loop3A_1735 = arith.constant 112 : index
          %parallel_loop3A_1736 = tpu.vector_load %arg8[%parallel_loop3A_1734, %parallel_loop3A_1735] {strides = array<i32>} : memref<128x128xi32, #tpu.memory_space<vmem>>, vector<1x16xi32>,
          %parallel_loop3A_1737 = vector.shape_cast %parallel_loop3A_1736 : vector<1x16xi32> to vector<16xi32>
          %parallel_loop3A_1738 = arith.constant 8 : i32
          %parallel_loop3A_1739 = arith.addi %parallel_loop3A_177, %parallel_loop3A_1738 : i32
          %parallel_loop3A_1740 = arith.index_cast %parallel_loop3A_1739 : i32 to index
          %parallel_loop3A_1741 = arith.constant 112 : index
          %parallel_loop3A_1742 = tpu.vector_load %arg8[%parallel_loop3A_1740, %parallel_loop3A_1741] {strides = array<i32>} : memref<128x128xi32, #tpu.memory_space<vmem>>, vector<1x16xi32>,
          %parallel_loop3A_1743 = vector.shape_cast %parallel_loop3A_1742 : vector<1x16xi32> to vector<16xi32>
          %parallel_loop3A_1744 = arith.constant 9 : i32
          %parallel_loop3A_1745 = arith.addi %parallel_loop3A_177, %parallel_loop3A_1744 : i32
          %parallel_loop3A_1746 = arith.index_cast %parallel_loop3A_1745 : i32 to index
          %parallel_loop3A_1747 = arith.constant 112 : index
          %parallel_loop3A_1748 = tpu.vector_load %arg8[%parallel_loop3A_1746, %parallel_loop3A_1747] {strides = array<i32>} : memref<128x128xi32, #tpu.memory_space<vmem>>, vector<1x16xi32>,
          %parallel_loop3A_1749 = vector.shape_cast %parallel_loop3A_1748 : vector<1x16xi32> to vector<16xi32>
          %parallel_loop3A_1750 = arith.constant 10 : i32
          %parallel_loop3A_1751 = arith.addi %parallel_loop3A_177, %parallel_loop3A_1750 : i32
          %parallel_loop3A_1752 = arith.index_cast %parallel_loop3A_1751 : i32 to index
          %parallel_loop3A_1753 = arith.constant 112 : index
          %parallel_loop3A_1754 = tpu.vector_load %arg8[%parallel_loop3A_1752, %parallel_loop3A_1753] {strides = array<i32>} : memref<128x128xi32, #tpu.memory_space<vmem>>, vector<1x16xi32>,
          %parallel_loop3A_1755 = vector.shape_cast %parallel_loop3A_1754 : vector<1x16xi32> to vector<16xi32>
          %parallel_loop3A_1756 = arith.constant 11 : i32
          %parallel_loop3A_1757 = arith.addi %parallel_loop3A_177, %parallel_loop3A_1756 : i32
          %parallel_loop3A_1758 = arith.index_cast %parallel_loop3A_1757 : i32 to index
          %parallel_loop3A_1759 = arith.constant 112 : index
          %parallel_loop3A_1760 = tpu.vector_load %arg8[%parallel_loop3A_1758, %parallel_loop3A_1759] {strides = array<i32>} : memref<128x128xi32, #tpu.memory_space<vmem>>, vector<1x16xi32>,
          %parallel_loop3A_1761 = vector.shape_cast %parallel_loop3A_1760 : vector<1x16xi32> to vector<16xi32>
          %parallel_loop3A_1762 = arith.constant 12 : i32
          %parallel_loop3A_1763 = arith.addi %parallel_loop3A_177, %parallel_loop3A_1762 : i32
          %parallel_loop3A_1764 = arith.index_cast %parallel_loop3A_1763 : i32 to index
          %parallel_loop3A_1765 = arith.constant 112 : index
          %parallel_loop3A_1766 = tpu.vector_load %arg8[%parallel_loop3A_1764, %parallel_loop3A_1765] {strides = array<i32>} : memref<128x128xi32, #tpu.memory_space<vmem>>, vector<1x16xi32>,
          %parallel_loop3A_1767 = vector.shape_cast %parallel_loop3A_1766 : vector<1x16xi32> to vector<16xi32>
          %parallel_loop3A_1768 = arith.constant 13 : i32
          %parallel_loop3A_1769 = arith.addi %parallel_loop3A_177, %parallel_loop3A_1768 : i32
          %parallel_loop3A_1770 = arith.index_cast %parallel_loop3A_1769 : i32 to index
          %parallel_loop3A_1771 = arith.constant 112 : index
          %parallel_loop3A_1772 = tpu.vector_load %arg8[%parallel_loop3A_1770, %parallel_loop3A_1771] {strides = array<i32>} : memref<128x128xi32, #tpu.memory_space<vmem>>, vector<1x16xi32>,
          %parallel_loop3A_1773 = vector.shape_cast %parallel_loop3A_1772 : vector<1x16xi32> to vector<16xi32>
          %parallel_loop3A_1774 = arith.constant 14 : i32
          %parallel_loop3A_1775 = arith.addi %parallel_loop3A_177, %parallel_loop3A_1774 : i32
          %parallel_loop3A_1776 = arith.index_cast %parallel_loop3A_1775 : i32 to index
          %parallel_loop3A_1777 = arith.constant 112 : index
          %parallel_loop3A_1778 = tpu.vector_load %arg8[%parallel_loop3A_1776, %parallel_loop3A_1777] {strides = array<i32>} : memref<128x128xi32, #tpu.memory_space<vmem>>, vector<1x16xi32>,
          %parallel_loop3A_1779 = vector.shape_cast %parallel_loop3A_1778 : vector<1x16xi32> to vector<16xi32>
          %parallel_loop3A_1780 = arith.constant 15 : i32
          %parallel_loop3A_1781 = arith.addi %parallel_loop3A_177, %parallel_loop3A_1780 : i32
          %parallel_loop3A_1782 = arith.index_cast %parallel_loop3A_1781 : i32 to index
          %parallel_loop3A_1783 = arith.constant 112 : index
          %parallel_loop3A_1784 = tpu.vector_load %arg8[%parallel_loop3A_1782, %parallel_loop3A_1783] {strides = array<i32>} : memref<128x128xi32, #tpu.memory_space<vmem>>, vector<1x16xi32>,
          %parallel_loop3A_1785 = vector.shape_cast %parallel_loop3A_1784 : vector<1x16xi32> to vector<16xi32>
          %parallel_loop3A_1786 = arith.constant 16 : i32
          %parallel_loop3A_1787 = vector.broadcast %parallel_loop3A_1786 : i32 to vector<16xi32>
          %parallel_loop3A_1788 = arith.shli %parallel_loop3A_1695, %parallel_loop3A_1787 : vector<16xi32>
          %parallel_loop3A_1789 = tpu.bitcast %parallel_loop3A_1788 : vector<16xi32> -> vector<16xf32>
          %parallel_loop3A_1790 = arith.constant 16 : i32
          %parallel_loop3A_1791 = vector.broadcast %parallel_loop3A_1790 : i32 to vector<16xi32>
          %parallel_loop3A_1792 = arith.shli %parallel_loop3A_1701, %parallel_loop3A_1791 : vector<16xi32>
          %parallel_loop3A_1793 = tpu.bitcast %parallel_loop3A_1792 : vector<16xi32> -> vector<16xf32>
          %parallel_loop3A_1794 = arith.constant 16 : i32
          %parallel_loop3A_1795 = vector.broadcast %parallel_loop3A_1794 : i32 to vector<16xi32>
          %parallel_loop3A_1796 = arith.shli %parallel_loop3A_1707, %parallel_loop3A_1795 : vector<16xi32>
          %parallel_loop3A_1797 = tpu.bitcast %parallel_loop3A_1796 : vector<16xi32> -> vector<16xf32>
          %parallel_loop3A_1798 = arith.constant 16 : i32
          %parallel_loop3A_1799 = vector.broadcast %parallel_loop3A_1798 : i32 to vector<16xi32>
          %parallel_loop3A_1800 = arith.shli %parallel_loop3A_1713, %parallel_loop3A_1799 : vector<16xi32>
          %parallel_loop3A_1801 = tpu.bitcast %parallel_loop3A_1800 : vector<16xi32> -> vector<16xf32>
          %parallel_loop3A_1802 = arith.constant 16 : i32
          %parallel_loop3A_1803 = vector.broadcast %parallel_loop3A_1802 : i32 to vector<16xi32>
          %parallel_loop3A_1804 = arith.shli %parallel_loop3A_1719, %parallel_loop3A_1803 : vector<16xi32>
          %parallel_loop3A_1805 = tpu.bitcast %parallel_loop3A_1804 : vector<16xi32> -> vector<16xf32>
          %parallel_loop3A_1806 = arith.constant 16 : i32
          %parallel_loop3A_1807 = vector.broadcast %parallel_loop3A_1806 : i32 to vector<16xi32>
          %parallel_loop3A_1808 = arith.shli %parallel_loop3A_1725, %parallel_loop3A_1807 : vector<16xi32>
          %parallel_loop3A_1809 = tpu.bitcast %parallel_loop3A_1808 : vector<16xi32> -> vector<16xf32>
          %parallel_loop3A_1810 = arith.constant 16 : i32
          %parallel_loop3A_1811 = vector.broadcast %parallel_loop3A_1810 : i32 to vector<16xi32>
          %parallel_loop3A_1812 = arith.shli %parallel_loop3A_1731, %parallel_loop3A_1811 : vector<16xi32>
          %parallel_loop3A_1813 = tpu.bitcast %parallel_loop3A_1812 : vector<16xi32> -> vector<16xf32>
          %parallel_loop3A_1814 = arith.constant 16 : i32
          %parallel_loop3A_1815 = vector.broadcast %parallel_loop3A_1814 : i32 to vector<16xi32>
          %parallel_loop3A_1816 = arith.shli %parallel_loop3A_1737, %parallel_loop3A_1815 : vector<16xi32>
          %parallel_loop3A_1817 = tpu.bitcast %parallel_loop3A_1816 : vector<16xi32> -> vector<16xf32>
          %parallel_loop3A_1818 = arith.constant 16 : i32
          %parallel_loop3A_1819 = vector.broadcast %parallel_loop3A_1818 : i32 to vector<16xi32>
          %parallel_loop3A_1820 = arith.shli %parallel_loop3A_1743, %parallel_loop3A_1819 : vector<16xi32>
          %parallel_loop3A_1821 = tpu.bitcast %parallel_loop3A_1820 : vector<16xi32> -> vector<16xf32>
          %parallel_loop3A_1822 = arith.constant 16 : i32
          %parallel_loop3A_1823 = vector.broadcast %parallel_loop3A_1822 : i32 to vector<16xi32>
          %parallel_loop3A_1824 = arith.shli %parallel_loop3A_1749, %parallel_loop3A_1823 : vector<16xi32>
          %parallel_loop3A_1825 = tpu.bitcast %parallel_loop3A_1824 : vector<16xi32> -> vector<16xf32>
          %parallel_loop3A_1826 = arith.constant 16 : i32
          %parallel_loop3A_1827 = vector.broadcast %parallel_loop3A_1826 : i32 to vector<16xi32>
          %parallel_loop3A_1828 = arith.shli %parallel_loop3A_1755, %parallel_loop3A_1827 : vector<16xi32>
          %parallel_loop3A_1829 = tpu.bitcast %parallel_loop3A_1828 : vector<16xi32> -> vector<16xf32>
          %parallel_loop3A_1830 = arith.constant 16 : i32
          %parallel_loop3A_1831 = vector.broadcast %parallel_loop3A_1830 : i32 to vector<16xi32>
          %parallel_loop3A_1832 = arith.shli %parallel_loop3A_1761, %parallel_loop3A_1831 : vector<16xi32>
          %parallel_loop3A_1833 = tpu.bitcast %parallel_loop3A_1832 : vector<16xi32> -> vector<16xf32>
          %parallel_loop3A_1834 = arith.constant 16 : i32
          %parallel_loop3A_1835 = vector.broadcast %parallel_loop3A_1834 : i32 to vector<16xi32>
          %parallel_loop3A_1836 = arith.shli %parallel_loop3A_1767, %parallel_loop3A_1835 : vector<16xi32>
          %parallel_loop3A_1837 = tpu.bitcast %parallel_loop3A_1836 : vector<16xi32> -> vector<16xf32>
          %parallel_loop3A_1838 = arith.constant 16 : i32
          %parallel_loop3A_1839 = vector.broadcast %parallel_loop3A_1838 : i32 to vector<16xi32>
          %parallel_loop3A_1840 = arith.shli %parallel_loop3A_1773, %parallel_loop3A_1839 : vector<16xi32>
          %parallel_loop3A_1841 = tpu.bitcast %parallel_loop3A_1840 : vector<16xi32> -> vector<16xf32>
          %parallel_loop3A_1842 = arith.constant 16 : i32
          %parallel_loop3A_1843 = vector.broadcast %parallel_loop3A_1842 : i32 to vector<16xi32>
          %parallel_loop3A_1844 = arith.shli %parallel_loop3A_1779, %parallel_loop3A_1843 : vector<16xi32>
          %parallel_loop3A_1845 = tpu.bitcast %parallel_loop3A_1844 : vector<16xi32> -> vector<16xf32>
          %parallel_loop3A_1846 = arith.constant 16 : i32
          %parallel_loop3A_1847 = vector.broadcast %parallel_loop3A_1846 : i32 to vector<16xi32>
          %parallel_loop3A_1848 = arith.shli %parallel_loop3A_1785, %parallel_loop3A_1847 : vector<16xi32>
          %parallel_loop3A_1849 = tpu.bitcast %parallel_loop3A_1848 : vector<16xi32> -> vector<16xf32>
          %parallel_loop3A_1850 = tpu.bitcast %parallel_loop3A_1695 : vector<16xi32> -> vector<16xf32>
          %parallel_loop3A_1851 = tpu.bitcast %parallel_loop3A_1701 : vector<16xi32> -> vector<16xf32>
          %parallel_loop3A_1852 = tpu.bitcast %parallel_loop3A_1707 : vector<16xi32> -> vector<16xf32>
          %parallel_loop3A_1853 = tpu.bitcast %parallel_loop3A_1713 : vector<16xi32> -> vector<16xf32>
          %parallel_loop3A_1854 = tpu.bitcast %parallel_loop3A_1719 : vector<16xi32> -> vector<16xf32>
          %parallel_loop3A_1855 = tpu.bitcast %parallel_loop3A_1725 : vector<16xi32> -> vector<16xf32>
          %parallel_loop3A_1856 = tpu.bitcast %parallel_loop3A_1731 : vector<16xi32> -> vector<16xf32>
          %parallel_loop3A_1857 = tpu.bitcast %parallel_loop3A_1737 : vector<16xi32> -> vector<16xf32>
          %parallel_loop3A_1858 = tpu.bitcast %parallel_loop3A_1743 : vector<16xi32> -> vector<16xf32>
          %parallel_loop3A_1859 = tpu.bitcast %parallel_loop3A_1749 : vector<16xi32> -> vector<16xf32>
          %parallel_loop3A_1860 = tpu.bitcast %parallel_loop3A_1755 : vector<16xi32> -> vector<16xf32>
          %parallel_loop3A_1861 = tpu.bitcast %parallel_loop3A_1761 : vector<16xi32> -> vector<16xf32>
          %parallel_loop3A_1862 = tpu.bitcast %parallel_loop3A_1767 : vector<16xi32> -> vector<16xf32>
          %parallel_loop3A_1863 = tpu.bitcast %parallel_loop3A_1773 : vector<16xi32> -> vector<16xf32>
          %parallel_loop3A_1864 = tpu.bitcast %parallel_loop3A_1779 : vector<16xi32> -> vector<16xf32>
          %parallel_loop3A_1865 = tpu.bitcast %parallel_loop3A_1785 : vector<16xi32> -> vector<16xf32>
          %parallel_loop3A_1866 = arith.addf %parallel_loop3A_1789, %parallel_loop3A_1793 : vector<16xf32>
          %parallel_loop3A_1867 = arith.addf %parallel_loop3A_1797, %parallel_loop3A_1801 : vector<16xf32>
          %parallel_loop3A_1868 = arith.addf %parallel_loop3A_1805, %parallel_loop3A_1809 : vector<16xf32>
          %parallel_loop3A_1869 = arith.addf %parallel_loop3A_1813, %parallel_loop3A_1817 : vector<16xf32>
          %parallel_loop3A_1870 = arith.addf %parallel_loop3A_1821, %parallel_loop3A_1825 : vector<16xf32>
          %parallel_loop3A_1871 = arith.addf %parallel_loop3A_1829, %parallel_loop3A_1833 : vector<16xf32>
          %parallel_loop3A_1872 = arith.addf %parallel_loop3A_1837, %parallel_loop3A_1841 : vector<16xf32>
          %parallel_loop3A_1873 = arith.addf %parallel_loop3A_1845, %parallel_loop3A_1849 : vector<16xf32>
          %parallel_loop3A_1874 = arith.addf %parallel_loop3A_1850, %parallel_loop3A_1851 : vector<16xf32>
          %parallel_loop3A_1875 = arith.addf %parallel_loop3A_1852, %parallel_loop3A_1853 : vector<16xf32>
          %parallel_loop3A_1876 = arith.addf %parallel_loop3A_1854, %parallel_loop3A_1855 : vector<16xf32>
          %parallel_loop3A_1877 = arith.addf %parallel_loop3A_1856, %parallel_loop3A_1857 : vector<16xf32>
          %parallel_loop3A_1878 = arith.addf %parallel_loop3A_1858, %parallel_loop3A_1859 : vector<16xf32>
          %parallel_loop3A_1879 = arith.addf %parallel_loop3A_1860, %parallel_loop3A_1861 : vector<16xf32>
          %parallel_loop3A_1880 = arith.addf %parallel_loop3A_1862, %parallel_loop3A_1863 : vector<16xf32>
          %parallel_loop3A_1881 = arith.addf %parallel_loop3A_1864, %parallel_loop3A_1865 : vector<16xf32>
          %parallel_loop3A_1882 = arith.addf %parallel_loop3A_1866, %parallel_loop3A_1867 : vector<16xf32>
          %parallel_loop3A_1883 = arith.addf %parallel_loop3A_1868, %parallel_loop3A_1869 : vector<16xf32>
          %parallel_loop3A_1884 = arith.addf %parallel_loop3A_1870, %parallel_loop3A_1871 : vector<16xf32>
          %parallel_loop3A_1885 = arith.addf %parallel_loop3A_1872, %parallel_loop3A_1873 : vector<16xf32>
          %parallel_loop3A_1886 = arith.addf %parallel_loop3A_1874, %parallel_loop3A_1875 : vector<16xf32>
          %parallel_loop3A_1887 = arith.addf %parallel_loop3A_1876, %parallel_loop3A_1877 : vector<16xf32>
          %parallel_loop3A_1888 = arith.addf %parallel_loop3A_1878, %parallel_loop3A_1879 : vector<16xf32>
          %parallel_loop3A_1889 = arith.addf %parallel_loop3A_1880, %parallel_loop3A_1881 : vector<16xf32>
          %parallel_loop3A_1890 = arith.addf %parallel_loop3A_1882, %parallel_loop3A_1883 : vector<16xf32>
          %parallel_loop3A_1891 = arith.addf %parallel_loop3A_1884, %parallel_loop3A_1885 : vector<16xf32>
          %parallel_loop3A_1892 = arith.addf %parallel_loop3A_1886, %parallel_loop3A_1887 : vector<16xf32>
          %parallel_loop3A_1893 = arith.addf %parallel_loop3A_1888, %parallel_loop3A_1889 : vector<16xf32>
          %parallel_loop3A_1894 = arith.addf %parallel_loop3A_1890, %parallel_loop3A_1891 : vector<16xf32>
          %parallel_loop3A_1895 = arith.addf %parallel_loop3A_1892, %parallel_loop3A_1893 : vector<16xf32>
          %parallel_loop3A_1896 = arith.index_cast %parallel_loop3A_175 : i32 to index
          %parallel_loop3A_1897 = arith.constant 112 : index
          %parallel_loop3A_1898 = tpu.vector_load %arg10[%parallel_loop3A_1896, %parallel_loop3A_1897] {strides = array<i32>} : memref<8x256xf32, #tpu.memory_space<vmem>>, vector<1x16xf32>,
          %parallel_loop3A_1899 = vector.shape_cast %parallel_loop3A_1898 : vector<1x16xf32> to vector<16xf32>
          %parallel_loop3A_1900 = vector.shape_cast %parallel_loop3A_1894 : vector<16xf32> to vector<1x16xf32>
          tpu.vector_store %arg10[%parallel_loop3A_1896, %parallel_loop3A_1897], %parallel_loop3A_1900 {strides = array<i32>} : memref<8x256xf32, #tpu.memory_space<vmem>>, vector<1x16xf32>,
          %parallel_loop3A_1901 = arith.index_cast %parallel_loop3A_175 : i32 to index
          %parallel_loop3A_1902 = arith.constant 240 : index
          %parallel_loop3A_1903 = tpu.vector_load %arg10[%parallel_loop3A_1901, %parallel_loop3A_1902] {strides = array<i32>} : memref<8x256xf32, #tpu.memory_space<vmem>>, vector<1x16xf32>,
          %parallel_loop3A_1904 = vector.shape_cast %parallel_loop3A_1903 : vector<1x16xf32> to vector<16xf32>
          %parallel_loop3A_1905 = vector.shape_cast %parallel_loop3A_1895 : vector<16xf32> to vector<1x16xf32>
          tpu.vector_store %arg10[%parallel_loop3A_1901, %parallel_loop3A_1902], %parallel_loop3A_1905 {strides = array<i32>} : memref<8x256xf32, #tpu.memory_space<vmem>>, vector<1x16xf32>,
        } {sc.loop_unroll_factor = 2 : i64, sc.parallel_access}
        %dma_start3A_171 = arith.constant 0 : i32
        %dma_start3A_172 = tpu.memref_slice %arg4[%add3A_115, %dma_start3A_171] : memref<10000x256xf32, #tpu.memory_space<hbm>> -> memref<8x256xf32, #tpu.memory_space<hbm>>
        %dma_start3A_173 = arith.constant 0 : i32
        %dma_start3A_174 = tpu.memref_slice %arg4[%add3A_115, %dma_start3A_173] : memref<10000x256xf32, #tpu.memory_space<hbm>> -> memref<8x256xf32, #tpu.memory_space<hbm>>
        tpu.enqueue_dma source(%arg10 : memref<8x256xf32, #tpu.memory_space<vmem>>) target(%dma_start3A_174 : memref<8x256xf32, #tpu.memory_space<hbm>>) target_semaphore(%arg14 : memref<!tpu.dma_semaphore, #tpu.memory_space<semaphore_mem>>)
      } else {
      }
      %add3A_145 = arith.constant 2 : i32
      %add3A_146 = arith.addi %add3A_110, %add3A_145 : i32
      %lt3A_147 = arith.constant 40 : i32
      %lt3A_148 = arith.cmpi slt, %add3A_146, %lt3A_147 : i32
      %add3A_149 = arith.constant 2 : i32
      %add3A_150 = arith.addi %add3A_110, %add3A_149 : i32
      %mul3A_151 = arith.constant 320 : i32
      %mul3A_152 = arith.muli %add3A, %mul3A_151 : i32
      %mul3A_153 = arith.constant 8 : i32
      %mul3A_154 = arith.muli %add3A_150, %mul3A_153 : i32
      %add3A_155 = arith.addi %mul3A_152, %mul3A_154 : i32
      %add3A_156 = arith.constant 8 : i32
      %add3A_157 = arith.addi %add3A_155, %add3A_156 : i32
      %le3A_158 = arith.constant 10000 : i32
      %le3A_159 = arith.cmpi sle, %add3A_157, %le3A_158 : i32
      %and3A_160 = arith.andi %lt3A_148, %le3A_159 : i1
      %convert_element_type3A_161 = arith.extui %and3A_160 : i1 to i32
      %cond3A_162 = arith.constant 0 : i32
      %cond3A_163 = arith.cmpi ne, %convert_element_type3A_161, %cond3A_162 : i32
      scf.if %cond3A_163 {
        %add3A_164 = arith.constant 2 : i32
        %add3A_165 = arith.addi %add3A_110, %add3A_164 : i32
        %mul3A_166 = arith.constant 128 : i32
        %mul3A_167 = arith.muli %add3A_165, %mul3A_166 : i32
        %dma_start3A_168 = tpu.memref_slice %arg5[%mul3A_167] : memref<5120xi32, #tpu.memory_space<vmem>> -> memref<128xi32, #tpu.memory_space<vmem>>
        %dma_start3A_169 = arith.constant 0 : i32
        %dma_start3A_170 = arith.constant 0 : i32
        %dma_start3A_171 = tpu.memref_slice %arg6[%dma_start3A_169, %dma_start3A_170] : memref<10000x128xi32, #tpu.memory_space<vmem_shared>> -> memref<10000x128xi32, #tpu.memory_space<vmem_shared>>
        tpu.enqueue_indirect_dma source(%dma_start3A_171 : memref<10000x128xi32, #tpu.memory_space<vmem_shared>>) target(%arg8 : memref<128x128xi32, #tpu.memory_space<vmem>>) offsets(%dma_start3A_168 : memref<128xi32, #tpu.memory_space<vmem>>) semaphore(%arg12 : memref<!tpu.dma_semaphore, #tpu.memory_space<semaphore_mem>>)
      } else {
      }
    }
    %scan3A_30 = arith.constant 20 : i32
    %mul3A_31 = arith.constant 320 : i32
    %mul3A_32 = arith.muli %add3A, %mul3A_31 : i32
    %add3A_33 = arith.constant 304 : i32
    %add3A_34 = arith.addi %mul3A_32, %add3A_33 : i32
    %add3A_35 = arith.constant 8 : i32
    %add3A_36 = arith.addi %add3A_34, %add3A_35 : i32
    %le3A = arith.constant 10000 : i32
    %le3A_37 = arith.cmpi sle, %add3A_36, %le3A : i32
    %convert_element_type3A_38 = arith.extui %le3A_37 : i1 to i32
    %cond3A_39 = arith.constant 0 : i32
    %cond3A_40 = arith.cmpi ne, %convert_element_type3A_38, %cond3A_39 : i32
    scf.if %cond3A_40 {
      %mul3A_52 = arith.constant 320 : i32
      %mul3A_53 = arith.muli %add3A, %mul3A_52 : i32
      %add3A_54 = arith.constant 304 : i32
      %add3A_55 = arith.addi %mul3A_53, %add3A_54 : i32
      %dma_wait3A = arith.constant 0 : i32
      %dma_wait3A_56 = tpu.memref_slice %arg4[%add3A_55, %dma_wait3A] : memref<10000x256xf32, #tpu.memory_space<hbm>> -> memref<8x256xf32, #tpu.memory_space<hbm>>
      %dma_wait3A_57 = arith.constant 0 : i32
      %dma_wait3A_58 = tpu.memref_slice %arg4[%add3A_55, %dma_wait3A_57] : memref<10000x256xf32, #tpu.memory_space<hbm>> -> memref<8x256xf32, #tpu.memory_space<hbm>>
      tpu.wait_dma2 semaphore(%arg13 : memref<!tpu.dma_semaphore, #tpu.memory_space<semaphore_mem>>) src(%arg9 : memref<8x256xf32, #tpu.memory_space<vmem>>) dst(%dma_wait3A_58 : memref<8x256xf32, #tpu.memory_space<hbm>>)
    } else {
    }
    %mul3A_41 = arith.constant 320 : i32
    %mul3A_42 = arith.muli %add3A, %mul3A_41 : i32
    %add3A_43 = arith.constant 312 : i32
    %add3A_44 = arith.addi %mul3A_42, %add3A_43 : i32
    %add3A_45 = arith.constant 8 : i32
    %add3A_46 = arith.addi %add3A_44, %add3A_45 : i32
    %le3A_47 = arith.constant 10000 : i32
    %le3A_48 = arith.cmpi sle, %add3A_46, %le3A_47 : i32
    %convert_element_type3A_49 = arith.extui %le3A_48 : i1 to i32
    %cond3A_50 = arith.constant 0 : i32
    %cond3A_51 = arith.cmpi ne, %convert_element_type3A_49, %cond3A_50 : i32
    scf.if %cond3A_51 {
      %mul3A_52 = arith.constant 320 : i32
      %mul3A_53 = arith.muli %add3A, %mul3A_52 : i32
      %add3A_54 = arith.constant 312 : i32
      %add3A_55 = arith.addi %mul3A_53, %add3A_54 : i32
      %dma_wait3A = arith.constant 0 : i32
      %dma_wait3A_56 = tpu.memref_slice %arg4[%add3A_55, %dma_wait3A] : memref<10000x256xf32, #tpu.memory_space<hbm>> -> memref<8x256xf32, #tpu.memory_space<hbm>>
      %dma_wait3A_57 = arith.constant 0 : i32
      %dma_wait3A_58 = tpu.memref_slice %arg4[%add3A_55, %dma_wait3A_57] : memref<10000x256xf32, #tpu.memory_space<hbm>> -> memref<8x256xf32, #tpu.memory_space<hbm>>
      tpu.wait_dma2 semaphore(%arg14 : memref<!tpu.dma_semaphore, #tpu.memory_space<semaphore_mem>>) src(%arg10 : memref<8x256xf32, #tpu.memory_space<vmem>>) dst(%dma_wait3A_58 : memref<8x256xf32, #tpu.memory_space<hbm>>)
    } else {
    }
    return
  }
}

module attributes {stable_mosaic.version = 14 : i64} {
  func.func @_mm_body(%arg0: i32, %arg1: memref<1000x256xf32, #tpu.memory_space<vmem>>, %arg2: memref<256x256xf32, #tpu.memory_space<vmem>>, %arg3: memref<1x256xf32, #tpu.memory_space<vmem>>, %arg4: memref<1000x128xi32, #tpu.memory_space<vmem>>) attributes {dimension_semantics = [#tpu.dimension_semantics<arbitrary>], iteration_bounds = array<i64: 10>, scalar_prefetch = 0 : i64, scratch_operands = 0 : i64, tpu.core_type = #tpu.core_type<tc>, window_params = [{transform_indices = @transform_0, window_bounds = array<i64: 1000, 256>}, {pipeline_mode = #tpu.pipeline_mode<synchronous>, transform_indices = @transform_1, window_bounds = array<i64: 256, 256>}, {pipeline_mode = #tpu.pipeline_mode<synchronous>, transform_indices = @transform_2, window_bounds = array<i64: 1, 256>}, {transform_indices = @transform_3, window_bounds = array<i64: 1000, 128>}]} {
    %get3A = arith.constant 0 : index
    %get3A_0 = arith.constant 0 : index
    %get3A_1 = vector.load %arg1[%get3A, %get3A_0] : memref<1000x256xf32, #tpu.memory_space<vmem>>, vector<1000x256xf32>
    %get3A_2 = arith.constant 0 : index
    %get3A_3 = arith.constant 0 : index
    %get3A_4 = vector.load %arg2[%get3A_2, %get3A_3] : memref<256x256xf32, #tpu.memory_space<vmem>>, vector<256x256xf32>
    %dot_general3A = arith.constant dense<0.000000e+00> : vector<1000x256xf32>
    %dot_general3A_5 = tpu.matmul %get3A_1, %get3A_4, %dot_general3A {dimension_numbers = #tpu.dot_dimension_numbers<[1], [1], [0], [0], [0, 0, 1, 0], [], []>, transpose_lhs_hint = false} : vector<1000x256xf32>, vector<256x256xf32>, vector<1000x256xf32> -> vector<1000x256xf32>
    %get3A_6 = arith.constant 0 : index
    %get3A_7 = arith.constant 0 : index
    %get3A_8 = vector.load %arg3[%get3A_6, %get3A_7] : memref<1x256xf32, #tpu.memory_space<vmem>>, vector<1x256xf32>
    %add3A = vector.broadcast %get3A_8 : vector<1x256xf32> to vector<1000x256xf32>
    %add3A_9 = arith.addf %dot_general3A_5, %add3A : vector<1000x256xf32>
    %max3A = arith.constant 0.000000e+00 : f32
    %max3A_10 = vector.broadcast %max3A : f32 to vector<1000x256xf32>
    %max3A_11 = arith.maximumf %add3A_9, %max3A_10 : vector<1000x256xf32>
    %mul3A = arith.constant 6.250000e-02 : f32
    %mul3A_12 = vector.broadcast %mul3A : f32 to vector<1000x256xf32>
    %mul3A_13 = arith.mulf %max3A_11, %mul3A_12 : vector<1000x256xf32>
    %slice3A = vector.extract_strided_slice %mul3A_13 {offsets = [0, 0], sizes = [1000, 128], strides = [1, 1]} : vector<1000x256xf32> to vector<1000x128xf32>
    %bitcast_convert_type3A = tpu.bitcast %slice3A : vector<1000x128xf32> -> vector<1000x128xi32>
    %slice3A_14 = vector.extract_strided_slice %mul3A_13 {offsets = [0, 128], sizes = [1000, 128], strides = [1, 1]} : vector<1000x256xf32> to vector<1000x128xf32>
    %bitcast_convert_type3A_15 = tpu.bitcast %slice3A_14 : vector<1000x128xf32> -> vector<1000x128xi32>
    %add3A_16 = arith.constant 32768 : i32
    %add3A_17 = vector.broadcast %add3A_16 : i32 to vector<1000x128xi32>
    %add3A_18 = arith.addi %bitcast_convert_type3A, %add3A_17 : vector<1000x128xi32>
    %shift_right_logical3A = arith.constant 16 : i32
    %shift_right_logical3A_19 = vector.broadcast %shift_right_logical3A : i32 to vector<1000x128xi32>
    %shift_right_logical3A_20 = arith.shrui %add3A_18, %shift_right_logical3A_19 : vector<1000x128xi32>
    %add3A_21 = arith.constant 32768 : i32
    %add3A_22 = vector.broadcast %add3A_21 : i32 to vector<1000x128xi32>
    %add3A_23 = arith.addi %bitcast_convert_type3A_15, %add3A_22 : vector<1000x128xi32>
    %and3A = arith.constant -65536 : i32
    %and3A_24 = vector.broadcast %and3A : i32 to vector<1000x128xi32>
    %and3A_25 = arith.andi %add3A_23, %and3A_24 : vector<1000x128xi32>
    %or3A = arith.ori %shift_right_logical3A_20, %and3A_25 : vector<1000x128xi32>
    %swap3A = arith.constant 0 : index
    %swap3A_26 = arith.constant 0 : index
    %swap3A_27 = vector.load %arg4[%swap3A, %swap3A_26] : memref<1000x128xi32, #tpu.memory_space<vmem>>, vector<1000x128xi32>
    tpu.vector_store %arg4[%swap3A, %swap3A_26], %or3A {strides = array<i32>} : memref<1000x128xi32, #tpu.memory_space<vmem>>, vector<1000x128xi32>,
    return
  }
  func.func @transform_0(%arg0: i32) -> (i32, i32) {
    %c0_i32 = arith.constant 0 : i32
    %c0_i32_0 = arith.constant 0 : i32
    return %arg0, %c0_i32 : i32, i32
  }
  func.func @transform_1(%arg0: i32) -> (i32, i32) {
    %c0_i32 = arith.constant 0 : i32
    %c0_i32_0 = arith.constant 0 : i32
    %c0_i32_1 = arith.constant 0 : i32
    return %c0_i32, %c0_i32_0 : i32, i32
  }
  func.func @transform_2(%arg0: i32) -> (i32, i32) {
    %c0_i32 = arith.constant 0 : i32
    %c0_i32_0 = arith.constant 0 : i32
    %c0_i32_1 = arith.constant 0 : i32
    return %c0_i32, %c0_i32_0 : i32, i32
  }
  func.func @transform_3(%arg0: i32) -> (i32, i32) {
    %c0_i32 = arith.constant 0 : i32
    %c0_i32_0 = arith.constant 0 : i32
    return %arg0, %c0_i32 : i32, i32
  }
}

</mosaic_0001>

<sc_bundles>
// kernel: kernel.4.cloned.1.call-start
scs
__scs_entry_jumppad:
0x0: {  	(pc) =	sbr.rel $0x88, $3  }
0x1: {  	(tag) =	ssettag $0x0;
	lr =	simm.s32 $0x1  }
0x2: {  	[smem:$0x3F9D] =	sst lr;
	_ =	strace $0xD0000000  }
0x3: {  	_ = 	snop  }
0x4: {  	_ = 	snop  }
0x5: {  	_ = 	snop  }
0x6: {  	_ = 	snop  }
0x7: {  	_ = 	snop  }
__scs_overlays_trampoline_lowered:
0x8: {  	[smem:$0x3FAC] =	sst s0  }
0x9: {  	[smem:$0x3FAD] =	sst s1  }
0xa: {  	[smem:$0x3FAE] =	sst s2  }
0xb: {  	[smem:$0x3FAF] =	sst s3  }
0xc: {  	[smem:$0x3FB0] =	sst s4  }
0xd: {  	[smem:$0x3FB1] =	sst s5  }
0xe: {  	[smem:$0x3FB2] =	sst s6  }
0xf: {  	[smem:$0x3FB3] =	sst s7  }
0x10: {  	[smem:$0x3FB4] =	sst s8  }
0x11: {  	[smem:$0x3FB5] =	sst s9;
	s0 =	simm.s32 @!p0 $0x0  }
0x12: {  	s1 =	sld [smem:$0x3F9B];
	s0 =	simm.s32 @p0 $0x1  }
0x13: {  	[smem:$0x3FB6] =	sst s0;
	s0 =	simm.s32 @!p1 $0x0  }
0x14: {  	s2 =	sld [smem:$0x3F9A];
	s0 =	simm.s32 @p1 $0x1  }
0x15: {  	[smem:$0x3FB7] =	sst s0;
	s0 =	simm.s32 @!p2 $0x0  }
0x16: {  	s3 =	sld [smem:$0x3FDB];
	s0 =	simm.s32 @p2 $0x1  }
0x17: {  	s4 =	simm.s32 $0x1BF5;
	[smem:$0x3FB9] =	sst s0  }
0x18: {  	s0 =	sld [smem:$0x3F9C];
	_ =	swait.ge [sflag:s4], $0x0  }
0x19: {  	s7 =	sld [smem:$0x3F9D]  }
0x1a: {  	s8 =	sadd.s32 $0xFFFFE003, lr  }
0x1b: {  	s9 =	sadd.s32 $0xFFFFFEF7, lr;
	s5 =	simm.s32 $0xFFFFFFFF;
	p2 =	slt.u32 s8, $0xFFFFF086  }
0x1c: {  	p1 =	slt.u32 s9, $0xF7A;
	s5 =	simm.s32 @!p2 $0x0  }
0x1d: {  	s5 =	simm.s32 @p1 $0x1;
	p0 =	seq.s32 s7, s2  }
0x1e: {  	s7 =	smul.u32 @!p0 $0xF7A, s2;
	p2 =	seq.s32 @!p0 s5, $0x0  }
0x1f: {  	s9 =	smul.u32 $0xF7A, s1;
	s8 =	simm.s32 @!p0 $0x1BF5;
	p2 =	por !p2, p0  }
0x20: {  	[sflag:s8] =	ssyncset.s32 @!p0 $0xFFFFF086;
	s6 =	sadd.s32 @!p0 s3, s7;
	s7 =	simm.s32 @!p0 $0x108  }
0x21: {  	s3 =	sadd.s32 s3, s9;
	s6 =	sadd.s32 @!p0 $0x88, s6;
	s7 =	simm.s32 @p2 $0x1082  }
0x22: {  	[simem:s7], [sflag:s8] =	dma.local @!p0 [hbm:s6], $0xF7A  }
0x23: {  	s9 =	sor.u32 $0xD0000000, s2;
	s6 =	simm.s32 $0x108;
	_ =	swait.ge @!p0 [sflag:s8], $0x0  }
0x24: {  	s3 =	sadd.s32 $0x88, s3;
	s6 =	simm.s32 @!p1 $0x1082;
	[sflag:s4] =	ssyncset.s32 $0xFFFFF086  }
0x25: {  	[simem:s6], [sflag:s4] =	dma.local [hbm:s3], $0xF7A  }
0x26: {  	[smem:$0x3F9D] =	sst s1;
	(tag) =	ssettag s2;
	_ =	strace s9  }
0x27: {  	s1 =	sld [smem:$0x3FAD]  }
0x28: {  	s2 =	sld [smem:$0x3FAE]  }
0x29: {  	s4 =	sld [smem:$0x3FB0]  }
0x2a: {  	p0 =	seq.s32 s5, $0x0;
	s5 =	sld [smem:$0x3FB1]  }
0x2b: {  	s6 =	sld [smem:$0x3FB2]  }
0x2c: {  	s7 =	sld [smem:$0x3FB3]  }
0x2d: {  	s3 =	simm.s32 $0x108;
	s8 =	sld [smem:$0x3FB4]  }
0x2e: {  	s3 =	simm.s32 @!p0 $0x1082;
	s9 =	sld [smem:$0x3FB5]  }
0x2f: {  	lr =	sadd.s32 s0, s3;
	s0 =	sld [smem:$0x3FAC]  }
0x30: {  	s3 =	sld [smem:$0x3FAF]  }
0x31: {  	[smem:$0x3FB8] =	sst s10  }
0x32: {  	s10 =	sld [smem:$0x3FB6];
	_ =	sdelay $0x3  }
0x33: {  	p0 =	seq.s32 s10, $0x1;
	s10 =	sld [smem:$0x3FB8];
	_ =	sdelay $0x3  }
0x34: {  	[smem:$0x3FB8] =	sst s10  }
0x35: {  	s10 =	sld [smem:$0x3FB7];
	_ =	sdelay $0x3  }
0x36: {  	p1 =	seq.s32 s10, $0x1;
	s10 =	sld [smem:$0x3FB8];
	_ =	sdelay $0x3  }
0x37: {  	[smem:$0x3FB8] =	sst s10  }
0x38: {  	s10 =	sld [smem:$0x3FB9]  }
0x39: {  	_ = 	snop;
	(pc) =	sbr.ind lr, $3  }
0x3a: {  	_ = 	snop  }
0x3b: {  	_ = 	snop  }
0x3c: {  	p2 =	seq.s32 s10, $0x1;
	s10 =	sld [smem:$0x3FB8]  }
0x3d: {  	_ =	shalt  }
0x3e: {  	_ =	shalt  }
0x3f: {  	_ =	shalt  }
0x40: {  	_ =	shalt  }
0x41: {  	_ =	shalt  }
0x42: {  	_ =	shalt  }
0x43: {  	_ =	shalt  }
0x44: {  	_ =	shalt  }
0x45: {  	_ =	shalt  }
0x46: {  	_ =	shalt  }
0x47: {  	_ =	shalt  }
0x48: {  	_ =	shalt  }
0x49: {  	_ =	shalt  }
0x4a: {  	_ =	shalt  }
0x4b: {  	_ =	shalt  }
0x4c: {  	_ =	shalt  }
0x4d: {  	_ =	shalt  }
0x4e: {  	_ =	shalt  }
0x4f: {  	_ =	shalt  }
0x50: {  	_ =	shalt  }
0x51: {  	_ =	shalt  }
0x52: {  	_ =	shalt  }
0x53: {  	_ =	shalt  }
0x54: {  	_ =	shalt  }
0x55: {  	_ =	shalt  }
0x56: {  	_ =	shalt  }
0x57: {  	_ =	shalt  }
0x58: {  	_ =	shalt  }
0x59: {  	_ =	shalt  }
0x5a: {  	_ =	shalt  }
0x5b: {  	_ =	shalt  }
0x5c: {  	_ =	shalt  }
0x5d: {  	_ =	shalt  }
0x5e: {  	_ =	shalt  }
0x5f: {  	_ =	shalt  }
0x60: {  	_ =	shalt  }
0x61: {  	_ =	shalt  }
0x62: {  	_ =	shalt  }
0x63: {  	_ =	shalt  }
0x64: {  	_ =	shalt  }
0x65: {  	_ =	shalt  }
0x66: {  	_ =	shalt  }
0x67: {  	_ =	shalt  }
0x68: {  	_ =	shalt  }
0x69: {  	_ =	shalt  }
0x6a: {  	_ =	shalt  }
0x6b: {  	_ =	shalt  }
0x6c: {  	_ =	shalt  }
0x6d: {  	_ =	shalt  }
0x6e: {  	_ =	shalt  }
0x6f: {  	_ =	shalt  }
0x70: {  	_ =	shalt  }
0x71: {  	_ =	shalt  }
0x72: {  	_ =	shalt  }
0x73: {  	_ =	shalt  }
0x74: {  	_ =	shalt  }
0x75: {  	_ =	shalt  }
0x76: {  	_ =	shalt  }
0x77: {  	_ =	shalt  }
0x78: {  	_ =	shalt  }
0x79: {  	_ =	shalt  }
0x7a: {  	_ =	shalt  }
0x7b: {  	_ =	shalt  }
0x7c: {  	_ =	shalt  }
0x7d: {  	_ =	shalt  }
0x7e: {  	_ =	shalt  }
0x7f: {  	_ =	shalt  }
0x80: {  	_ =	shalt  }
0x81: {  	_ =	shalt  }
0x82: {  	_ =	shalt  }
0x83: {  	_ =	shalt  }
0x84: {  	_ =	shalt  }
0x85: {  	_ =	shalt  }
0x86: {  	_ =	shalt  }
0x87: {  	_ =	shalt  }
.Lfunc_end0:
.L_simem_size_0:
called_computation_lowered:
.L_overlay_start_0:
0x88: {  	s2 =	sld [smem:$0x3FD9]  }
0x89: {  	s3 =	sld [smem:$0x3FFE];
	_ =	sdelay $0x1  }
0x8a: {  	s1 =	srdreg.scid  }
0x8b: {  	s0 =	sand.u32 $0x1, s1  }
0x8c: {  	s17 =	sshll.u32 s0, $0xA;
	s2 =	sadd.s32 s3, s2  }
0x8d: {  	s2 =	sadd.s32 s2, s17  }
0x8e: {  	[smem:$0x3FC4] =	sst s2  }
0x8f: {  	_ = 	snop  }
0x90: {  	s2 =	sld [smem:$0x3FD0];
	(tm) =	ssettm $0x1  }
0x91: {  	s18 =	sld [smem:$0x3FFB];
	_ =	sdelay $0x3  }
0x92: {  	_ =	strace s18  }
0x93: {  	s3 =	sld [smem:$0x3FFC];
	_ =	sdelay $0x3  }
0x94: {  	_ =	strace s3  }
0x95: {  	s3 =	sld [smem:$0x3FFD];
	_ =	sdelay $0x3  }
0x96: {  	_ =	strace s3  }
0x97: {  	_ =	strace $0x8FFFFFFF  }
0x98: {  	s19 =	sld [smem:$0x3FDB];
	_ =	sdelay $0x1  }
0x99: {  	s4 =	simm.s32 $_scs_section_size  }
0x9a: {  	s5 =	simm.s32 $_size__tile_overlayer_lowered;
	s6 =	simm.s32 $_tile_overlayer_lowered  }
0x9b: {  	s22 =	simm.s32 $0x1BFF;
	s21 =	sshll.u32 s6, $0x1;
	s3 =	sadd.s32 s4, s19  }
0x9c: {  	s7 =	simm.s32 $0x0;
	s20 =	sshll.u32 s5, $0x1;
	s5 =	sadd.s32 s21, s3  }
0x9d: {  	[timem:s7], [sflag:s22] =	dma.local [hbm:s5], s20  }
0x9e: {  	_ =	swait.ge [sflag:s22], s20  }
0x9f: {  	s4 =	ssub.s32 $0x0, s20;
	[sflag:s22] =	ssyncset.done $0x0  }
0xa0: {  	[sflag:s22] =	ssyncadd.s32 s4;
	_ =	sdelay $0x1  }
0xa1: {  	s23 =	simm.s32 $0x1B8B  }
0xa2: {  	_ =	swait.ge [sflag:s23], $0x1  }
0xa3: {  	[sflag:s23] =	ssyncset.done $0x0  }
0xa4: {  	s25 =	simm.s32 $0x1B8E;
	s24 =	sld [smem:$0x3FFE];
	[sflag:s23] =	ssyncadd.s32 $0xFFFFFFFF  }
0xa5: {  	s26 =	simm.s32 $execute0_lowered;
	[smem:$0x3FD2] =	sst s25  }
0xa6: {  	s5 =	sshll.u32 s26, $0x1;
	_ =	strace $0x80000046;
	[dreg:$0x1] =	wrdreg $0xFFFFFFFF  }
0xa7: {  	s28 =	simm.s32 $_size_execute0_lowered;
	s3 =	sadd.s32 s3, s5;
	[dreg:$0x0] =	wrdreg $0x0  }
0xa8: {  	s5 =	sshll.u32 s28, $0x1;
	[dreg:$0x2] =	wrdreg s3  }
0xa9: {  	[dreg:$0x3] =	wrdreg s5  }
0xaa: {  	[dreg:$0x4] =	wrdreg $0xC0  }
0xab: {  	_ =	task [dreg:s7], $0x5FFFF  }
0xac: {  	[dreg:$0x1] =	wrdreg $0xFFFFFFFF  }
0xad: {  	[dreg:$0x0] =	wrdreg $0x60  }
0xae: {  	[dreg:$0x2] =	wrdreg s24  }
0xaf: {  	[dreg:$0x3] =	wrdreg s2  }
0xb0: {  	[dreg:$0x4] =	wrdreg $0x14000  }
0xb1: {  	[dreg:$0x5] =	wrdreg $0x9  }
0xb2: {  	_ =	task.clear_ibuf [dreg:s7], $0x6FFFF;
	_ =	strace $0x90000046  }
0xb3: {  	s29 =	simm.s32 $0x9;
	_ =	strace $0x80000048  }
0xb4: {  	_ =	swait.ge [sflag:s29], $0x1  }
0xb5: {  	[sflag:s29] =	ssyncadd.s32 $0xFFFFFFFF  }
0xb6: {  	_ =	strace $0x90000048  }
0xb7: {  	_ =	sfence  }
0xb8: {  	s30 =	sld [smem:$0x0];
	_ =	sdelay $0x2  }
0xb9: {  	s31 =	sshll.u32 s1, $0xD;
	s1 =	sshrl.u32 s1, $0x2  }
0xba: {  	s3 =	sand.u32 $0x4000, s31;
	s1 =	sadd.s32 s1, s30  }
0xbb: {  	s0 =	sor.u32 s3, s0;
	s1 =	sshll.u32 s1, $0x11  }
0xbc: {  	s0 =	sor.u32 s1, s0  }
0xbd: {  	s0 =	sadd.s32 $0x8F2B, s0  }
0xbe: {  	[sflag:s0] =	ssyncadd.remote.s32 $0x1  }
0xbf: {  	_ =	sfence.sel $0xFFFF  }
0xc0: {  	[dreg:$0x0] =	wrdreg $0xFFFFFFFF;
	(pc) =	sbr.abs _section_cstart, $3  }
0xc1: {  	[dreg:$0x1] =	wrdreg $0xFFFFFFFF  }
0xc2: {  	_ =	task.clear_ibuf [dreg:s7], $0x2FFFF;
	_ =	strace $0x9FFFFFFF  }
0xc3: {  	(tm) =	ssettm $0x7FFFFFFF  }
tec
execute0_lowered:
.L_overlay_start_1:
0x0: {  	(tag) =	ssettag $0x1  }
0x1: {  	s0 =	rddreg [dreg:$0x0]  }
0x2: {  	s1 =	rddreg [dreg:$0x1]  }
0x3: {  	s2 =	rddreg [dreg:$0x2];
	s12 =	stileid.u32  }
0x4: {  	s3 =	srdreg.scid;
	s16 =	simm.s32 $0x80;
	s17 =	simm.s32 $0x14C80  }
0x5: {  	s18 =	simm.s32 $0x18C80;
	s19 =	simm.s32 $0x1;
	s20 =	simm.s32 $0x1CC80  }
0x6: {  	s21 =	simm.s32 $0x2;
	s22 =	simm.s32 $0x1D480;
	s23 =	simm.s32 $0x0  }
0x7: {  	s4 =	sand.u32 $0x1, s3;
	s5 =	sshll.u32 s12, $0x1;
	s6 =	smul.u32 $0x2700, s12  }
0x8: {  	s3 =	simm.s32 $0x0;
	s7 =	smul.u32 $0x4E000, s12;
	s15 =	sadd.s32 $0x138000, s2  }
0x9: {  	p0 =	sne.s32 s12, $0x0;
	s31 =	sshll.u32 s12, $0x6;
	s13 =	sor.u32 s4, s5  }
0xa: {  	[smem:$0x7FF] =	sst s3;
	s4 =	ssub.s32 $0x2, s4;
	s12 =	sor.u32 $0x1C05, s31  }
0xb: {  	s15 =	sshrl.u32 @!p0 s15, $0x3;
	s5 =	smul.u32 $0x280, s13;
	_ =	strace $0x80000047  }
0xc: {  	s8 =	sadd.s32 s6, s0;
	s29 =	sshrl.u32 s4, $0x1;
	s6 =	smul.u32 $0x140, s13  }
.Ltmp0:
0xd: {  	s30 =	sshrl.u32 s7, $0x2;
	p1 =	seq.s32 s13, $0x1F;
	(pc) =	sbr.rel .LBB2_1-.Ltmp0, $4  }
0xe: {  	s10 =	ssub.s32 s4, s29;
	s14 =	sadd.s32 s30, s2;
	s7 =	sadd.s32 $0x5C00, s8  }
0xf: {  	s8 =	sadd.s32 $0x2CC00, s0;
	s5 =	sadd.s32 s5, s0;
	s9 =	sor.u32 $0x8, s6  }
0x10: {  	s10 =	smax.u32 s10, $0x1;
	s11 =	ssub.s32 $0x2719, s6;
	s13 =	sshrl.u32 s14, $0x3  }
0x11: {  	s14 =	simm.s32 $0x5;
	s4 =	sadd.s32 $0xC00, s5;
	s5 =	sadd.s32 $0x5980, s0  }
.LBB2_11:
0x12: {  	s0 =	simm.s32 @!p1 $0x3;
	s23 =	sadd.s32 $0x1, s23  }
0x13: {  	_ =	swait.ge @!p1 [sflag:s0], $0x800;
	p2 =	sne.s32 s23, s10  }
.Ltmp1:
0x14: {  	[sflag:s0] =	ssyncset.done @!p1 $0x0;
	(pc) =	sbr.rel @!p2 .LBB2_12-.Ltmp1, $4  }
0x15: {  	[sflag:s0] =	ssyncadd.s32 @!p1 $0xFFFFF800;
	s0 =	simm.s32 @!p1 $0x4  }
0x16: {  	_ =	swait.ge @!p1 [sflag:s0], $0x800  }
0x17: {  	[sflag:s0] =	ssyncset.done @!p1 $0x0  }
0x18: {  	[sflag:s0] =	ssyncadd.s32 @!p1 $0xFFFFF800  }
.LBB2_1:
0x19: {  	s0 =	simm.s32 @p1 $0x0  }
0x1a: {  	[tilespmem:s0], [sflag:$0x5] =	stream.linear.gather @p1 [hbm4b:s5+s0], $0x500, $0x38;
	[tilespmem:$0x1DC80] =	vst v63  }
0x1b: {  	s0 =	simm.s32 @p1 $0x5  }
0x1c: {  	_ =	swait.ge @p1 [sflag:s0], $0x500  }
0x1d: {  	[sflag:s0] =	ssyncset.done @p1 $0x0  }
0x1e: {  	[sflag:s0] =	ssyncadd.s32 @p1 $0xFFFFFB00;
	s0 =	simm.s32 @!p1 $0x0  }
0x1f: {  	[tilespmem:s0], [sflag:$0x5] =	stream.linear.gather @!p1 [hbm4b:s4+s0], $0x1400, $0x38;
	[tilespmem:$0x1DC80] =	vst v63  }
0x20: {  	s0 =	simm.s32 @!p1 $0x5  }
0x21: {  	_ =	swait.ge @!p1 [sflag:s0], $0x1400  }
0x22: {  	[sflag:s0] =	ssyncset.done @!p1 $0x0  }
0x23: {  	[sflag:s0] =	ssyncadd.s32 @!p1 $0xFFFFEC00  }
0x24: {  	[spmem:s13], [sflag:s12] =	dma.local [hbm:s7], $0x2700  }
0x25: {  	_ =	swait.ge [sflag:s14], $0x2700  }
0x26: {  	[sflag:s14] =	ssyncset.done $0x0  }
0x27: {  	s0 =	simm.s32 @!p0 $0x5;
	[sflag:s14] =	ssyncadd.s32 $0xFFFFD900  }
0x28: {  	[spmem:s15], [sflag:s12] =	dma.local @!p0 [hbm:s8], $0x100  }
0x29: {  	_ =	swait.ge @!p0 [sflag:s0], $0x100  }
0x2a: {  	[sflag:s0] =	ssyncset.done @!p0 $0x0  }
.Ltmp2:
0x2b: {  	[sflag:s0] =	ssyncadd.s32 @!p0 $0xFFFFFF00;
	(pc) =	sbr.rel .LBB2_2-.Ltmp2, $4  }
0x2c: {  	[bflag:$0x0] =	sbarrier.arrive $0xFFFF  }
0x2d: {  	[tilespmem:s17], [sflag:$0x1] =	stream.indirect.gather [spmem:s2], $0x80, s3, s16, $0xb8;
	[tilespmem:$0x1DC80] =	vst v63  }
0x2e: {  	s24 =	simm.s32 $0x0  }
0x2f: {  	[tilespmem:s18], [sflag:$0x2] =	stream.indirect.gather [spmem:s2], $0x80, s16, s16, $0xb8;
	[tilespmem:$0x1DC80] =	vst v63  }
.LBB2_10:
0x30: {  	s0 =	sadd.s32 $0x3, s26  }
0x31: {  	s25 =	sshll.u32 s0, $0x3  }
0x32: {  	s25 =	sadd.s32 s6, s25  }
0x33: {  	p2 =	sgt.u32 @!p3 s25, $0x2708  }
0x34: {  	p2 =	por p2, p3  }
0x35: {  	s24 =	sadd.s32 $0x1, s24;
	s0 =	sshll.u32 @!p2 s0, $0x7  }
0x36: {  	s25 =	simm.s32 @!p2 $0x80;
	s26 =	simm.s32 @!p2 $0x18C80;
	s0 =	sand.u32 @!p2 $0x3FFFFF80, s0  }
0x37: {  	[tilespmem:s26], [sflag:$0x2] =	stream.indirect.gather @!p2 [spmem:s2], $0x80, s0, s25, $0xb8;
	[tilespmem:$0x1DC80] =	vst v63  }
0x38: {  	p2 =	sne.s32 s24, $0x14  }
.Ltmp3:
0x39: {  	_ = 	snop;
	(pc) =	sbr.rel @!p2 .LBB2_11-.Ltmp3, $1  }
0x3a: {  	_ =	sdelay $0x3  }
.LBB2_2:
0x3b: {  	s25 =	sshll.u32 s24, $0x4  }
0x3c: {  	p2 =	seq.s32 s24, $0x0;
	s28 =	sadd.s32 s6, s25  }
0x3d: {  	p3 =	sge.s32 @!p2 s25, s11;
	p4 =	sgt.u32 s28, $0x2708  }
.Ltmp4:
0x3e: {  	p3 =	por p3, p2;
	(pc) =	sbr.rel @p4 .LBB2_6-.Ltmp4, $4  }
0x3f: {  	s0 =	simm.s32 @!p3 $0x3  }
0x40: {  	_ =	swait.ge @!p3 [sflag:s0], $0x800  }
0x41: {  	[sflag:s0] =	ssyncset.done @!p3 $0x0  }
0x42: {  	[sflag:s0] =	ssyncadd.s32 @!p3 $0xFFFFF800  }
0x43: {  	_ =	swait.ge [sflag:s19], $0x4000  }
0x44: {  	[sflag:s19] =	ssyncset.done $0x0  }
0x45: {  	s26 =	simm.s32 $0x0;
	[sflag:s19] =	ssyncadd.s32 $0xFFFFC000  }
.LBB2_4:
0x46: {  	s0 =	sshll.u32 s26, $0xB  }
0x47: {  	s31 =	sand.u32 $0x3FFFF800, s0  }
0x48: {  	v0 =	vld [tilespmem:s31+$0x14C80]  }
0x49: {  	v1 =	vld [tilespmem:s31+$0x14D00]  }
0x4a: {  	v2 =	vld [tilespmem:s31+$0x14D80]  }
0x4b: {  	v3 =	vld [tilespmem:s31+$0x14E00]  }
0x4c: {  	v4 =	vld [tilespmem:s31+$0x14E80]  }
0x4d: {  	v5 =	vld [tilespmem:s31+$0x14F00]  }
0x4e: {  	v6 =	vld [tilespmem:s31+$0x14F80]  }
0x4f: {  	v7 =	vld [tilespmem:s31+$0x15000]  }
0x50: {  	v8 =	vld [tilespmem:s31+$0x15080]  }
0x51: {  	v9 =	vld [tilespmem:s31+$0x15100]  }
0x52: {  	v10 =	vld [tilespmem:s31+$0x15180]  }
0x53: {  	v11 =	vld [tilespmem:s31+$0x15200]  }
0x54: {  	v12 =	vld [tilespmem:s31+$0x15280]  }
0x55: {  	v13 =	vld [tilespmem:s31+$0x15300]  }
0x56: {  	v15 =	vld [tilespmem:s31+$0x15380];
	v14 =	vshll.u32 v0, $0x10  }
0x57: {  	v19 =	vld [tilespmem:s31+$0x15400];
	v16 =	vshll.u32 v1, $0x10;
	v17 =	vshll.u32 v2, $0x10;
	v18 =	vshll.u32 v3, $0x10  }
0x58: {  	v20 =	vshll.u32 v4, $0x10;
	v21 =	vshll.u32 v5, $0x10;
	v22 =	vshll.u32 v6, $0x10  }
0x59: {  	s0 =	sor.u32 $0x1, s26;
	v23 =	vshll.u32 v7, $0x10;
	v24 =	vshll.u32 v8, $0x10;
	v25 =	vshll.u32 v9, $0x10  }
0x5a: {  	s29 =	sshll.u32 s0, $0xB;
	v26 =	vshll.u32 v10, $0x10;
	v0 =	vadd.f32 v1, v0;
	v30 =	vadd.f32 v7, v6  }
0x5b: {  	s30 =	sand.u32 $0x3FFFF800, s29;
	v27 =	vshll.u32 v11, $0x10;
	v31 =	vadd.f32 v9, v8;
	v32 =	vadd.f32 v11, v10  }
0x5c: {  	v44 =	vld [tilespmem:s30+$0x15180];
	v28 =	vshll.u32 v12, $0x10;
	v33 =	vadd.f32 v13, v12;
	v34 =	vadd.f32 v19, v15  }
0x5d: {  	v46 =	vld [tilespmem:s30+$0x15200];
	v29 =	vshll.u32 v13, $0x10;
	v14 =	vadd.f32 v16, v14;
	v56 =	vadd.f32 v18, v17  }
0x5e: {  	v48 =	vld [tilespmem:s30+$0x15280];
	v57 =	vshll.u32 v15, $0x10;
	v58 =	vadd.f32 v21, v20;
	v59 =	vadd.f32 v23, v22  }
0x5f: {  	v49 =	vld [tilespmem:s30+$0x15300];
	v60 =	vshll.u32 v19, $0x10;
	v61 =	vadd.f32 v25, v24;
	v62 =	vadd.f32 v27, v26  }
0x60: {  	v51 =	vld [tilespmem:s30+$0x15380];
	v63 =	vadd.f32 v29, v28;
	v17 =	vadd.f32 v60, v57  }
0x61: {  	v55 =	vld [tilespmem:s30+$0x15400];
	v28 =	vadd.f32 v3, v2;
	v29 =	vadd.f32 v5, v4  }
0x62: {  	v8 =	vld [tilespmem:s30+$0x14E80];
	v40 =	vadd.f32 v32, v31;
	v41 =	vadd.f32 v34, v33  }
0x63: {  	v11 =	vld [tilespmem:s30+$0x14F00];
	v35 =	vadd.f32 v56, v14;
	v36 =	vadd.f32 v59, v58  }
0x64: {  	v7 =	vld [tilespmem:s30+$0x15100];
	v37 =	vadd.f32 v62, v61;
	v38 =	vadd.f32 v17, v63  }
0x65: {  	v24 =	vld [tilespmem:s30+$0x14C80];
	v0 =	vadd.f32 v28, v0;
	v39 =	vadd.f32 v30, v29  }
0x66: {  	v21 =	vld [tilespmem:s30+$0x14D00];
	v42 =	vadd.f32 v36, v35;
	v43 =	vadd.f32 v38, v37  }
0x67: {  	v2 =	vld [tilespmem:s30+$0x14D80];
	v45 =	vadd.f32 v41, v40;
	v0 =	vadd.f32 v39, v0  }
0x68: {  	s29 =	sshll.u32 s26, $0x7;
	v5 =	vld [tilespmem:s30+$0x14E00];
	v32 =	vshll.u32 v49, $0x10;
	v4 =	vadd.f32 v46, v44;
	v47 =	vadd.f32 v43, v42  }
0x69: {  	s29 =	sand.u32 $0x3FFFFF80, s29;
	v3 =	vld [tilespmem:s30+$0x15080];
	v33 =	vshll.u32 v51, $0x10;
	v1 =	vadd.f32 v49, v48;
	v0 =	vadd.f32 v45, v0  }
0x6a: {  	v14 =	vld [tilespmem:s30+$0x14F80];
	v62 =	vshll.u32 v44, $0x10;
	v63 =	vshll.u32 v46, $0x10;
	v30 =	vshll.u32 v48, $0x10;
	[tilespmem:s29+$0x1CC80] =	vst v47  }
0x6b: {  	v17 =	vld [tilespmem:s30+$0x15000];
	v28 =	vadd.f32 v63, v62;
	v13 =	vadd.f32 v32, v30;
	v56 =	vshll.u32 v8, $0x10;
	[tilespmem:s29+$0x1D080] =	vst v0  }
0x6c: {  	v57 =	vshll.u32 v11, $0x10;
	v61 =	vshll.u32 v7, $0x10;
	v35 =	vshll.u32 v55, $0x10;
	v22 =	vld [tilespmem:s31+$0x14C90]  }
0x6d: {  	v8 =	vadd.f32 v11, v8;
	v50 =	vshll.u32 v24, $0x10;
	v52 =	vshll.u32 v21, $0x10;
	v27 =	vld [tilespmem:s31+$0x14D10]  }
0x6e: {  	v53 =	vshll.u32 v2, $0x10;
	v18 =	vadd.f32 v57, v56;
	v19 =	vadd.f32 v35, v33;
	v31 =	vld [tilespmem:s31+$0x14D90]  }
0x6f: {  	v54 =	vshll.u32 v5, $0x10;
	v21 =	vadd.f32 v21, v24;
	v2 =	vadd.f32 v5, v2;
	v16 =	vld [tilespmem:s31+$0x14E10]  }
0x70: {  	v60 =	vshll.u32 v3, $0x10;
	v3 =	vadd.f32 v7, v3;
	v10 =	vadd.f32 v52, v50;
	v34 =	vld [tilespmem:s31+$0x14E90]  }
0x71: {  	v15 =	vadd.f32 v54, v53;
	v25 =	vadd.f32 v61, v60;
	v36 =	vld [tilespmem:s31+$0x14F10]  }
0x72: {  	v58 =	vshll.u32 v14, $0x10;
	v40 =	vadd.f32 v17, v14;
	v13 =	vadd.f32 v19, v13;
	v37 =	vld [tilespmem:s31+$0x14F90]  }
0x73: {  	v59 =	vshll.u32 v17, $0x10;
	v2 =	vadd.f32 v2, v21;
	v3 =	vadd.f32 v4, v3;
	v38 =	vld [tilespmem:s31+$0x15010]  }
0x74: {  	v20 =	vadd.f32 v59, v58;
	v0 =	vadd.f32 v55, v51;
	v41 =	vld [tilespmem:s31+$0x15090]  }
0x75: {  	v10 =	vadd.f32 v15, v10;
	v25 =	vadd.f32 v28, v25;
	v43 =	vld [tilespmem:s31+$0x15110]  }
0x76: {  	v45 =	vld [tilespmem:s31+$0x15190];
	v8 =	vadd.f32 v40, v8;
	v47 =	vadd.f32 v20, v18  }
0x77: {  	v48 =	vld [tilespmem:s31+$0x15210];
	v0 =	vadd.f32 v0, v1;
	v13 =	vadd.f32 v13, v25  }
0x78: {  	v50 =	vld [tilespmem:s31+$0x15290];
	v2 =	vadd.f32 v8, v2;
	v10 =	vadd.f32 v47, v10  }
0x79: {  	v52 =	vld [tilespmem:s31+$0x15310];
	v0 =	vadd.f32 v0, v3;
	v39 =	vshll.u32 v22, $0x10;
	v42 =	vshll.u32 v27, $0x10  }
0x7a: {  	v54 =	vld [tilespmem:s31+$0x15390];
	v44 =	vshll.u32 v31, $0x10;
	v46 =	vshll.u32 v16, $0x10;
	v49 =	vshll.u32 v34, $0x10  }
0x7b: {  	v56 =	vld [tilespmem:s31+$0x15410];
	v51 =	vshll.u32 v36, $0x10;
	v53 =	vshll.u32 v37, $0x10;
	v55 =	vshll.u32 v38, $0x10  }
0x7c: {  	v57 =	vshll.u32 v41, $0x10;
	v10 =	vadd.f32 v13, v10;
	v0 =	vadd.f32 v0, v2  }
0x7d: {  	s0 =	sshll.u32 s0, $0x7;
	v58 =	vshll.u32 v43, $0x10;
	v32 =	vadd.f32 v27, v22;
	v16 =	vadd.f32 v16, v31  }
0x7e: {  	s0 =	sand.u32 $0x3FFFFF80, s0;
	v59 =	vshll.u32 v45, $0x10;
	v33 =	vadd.f32 v36, v34;
	v5 =	vadd.f32 v38, v37  }
0x7f: {  	v60 =	vshll.u32 v48, $0x10;
	v7 =	vadd.f32 v43, v41;
	v6 =	vadd.f32 v48, v45;
	[tilespmem:s0+$0x1CC80] =	vst v10  }
0x80: {  	v61 =	vshll.u32 v50, $0x10;
	v11 =	vadd.f32 v52, v50;
	v1 =	vadd.f32 v56, v54;
	[tilespmem:s0+$0x1D080] =	vst v0  }
0x81: {  	v62 =	vshll.u32 v52, $0x10;
	v17 =	vadd.f32 v42, v39;
	v9 =	vadd.f32 v46, v44;
	v13 =	vld [tilespmem:s30+$0x14C90]  }
0x82: {  	v63 =	vshll.u32 v54, $0x10;
	v24 =	vadd.f32 v51, v49;
	v4 =	vadd.f32 v55, v53;
	v10 =	vld [tilespmem:s30+$0x14D10]  }
0x83: {  	v28 =	vshll.u32 v56, $0x10;
	v3 =	vadd.f32 v58, v57;
	v8 =	vadd.f32 v60, v59;
	v21 =	vld [tilespmem:s30+$0x14D90]  }
0x84: {  	v2 =	vadd.f32 v62, v61;
	v0 =	vadd.f32 v28, v63;
	v34 =	vld [tilespmem:s30+$0x14E10]  }
0x85: {  	v37 =	vadd.f32 v16, v32;
	v5 =	vadd.f32 v5, v33;
	v14 =	vld [tilespmem:s30+$0x14E90]  }
0x86: {  	v6 =	vadd.f32 v6, v7;
	v1 =	vadd.f32 v1, v11;
	v15 =	vld [tilespmem:s30+$0x14F10]  }
0x87: {  	v9 =	vadd.f32 v9, v17;
	v4 =	vadd.f32 v4, v24;
	v35 =	vld [tilespmem:s30+$0x14F90]  }
0x88: {  	v3 =	vadd.f32 v8, v3;
	v36 =	vld [tilespmem:s30+$0x15010];
	v0 =	vadd.f32 v0, v2  }
0x89: {  	v38 =	vld [tilespmem:s30+$0x15090];
	v5 =	vadd.f32 v5, v37;
	v1 =	vadd.f32 v1, v6  }
0x8a: {  	v39 =	vld [tilespmem:s30+$0x15110];
	v4 =	vadd.f32 v4, v9;
	v0 =	vadd.f32 v0, v3  }
0x8b: {  	v40 =	vld [tilespmem:s30+$0x15190]  }
0x8c: {  	v41 =	vld [tilespmem:s30+$0x15210];
	v1 =	vadd.f32 v1, v5;
	v0 =	vadd.f32 v0, v4  }
0x8d: {  	v42 =	vld [tilespmem:s30+$0x15290];
	v44 =	vshll.u32 v13, $0x10;
	v46 =	vshll.u32 v10, $0x10;
	v47 =	vshll.u32 v21, $0x10  }
0x8e: {  	v43 =	vld [tilespmem:s30+$0x15310];
	v48 =	vshll.u32 v34, $0x10;
	v50 =	vshll.u32 v14, $0x10;
	v51 =	vshll.u32 v15, $0x10  }
0x8f: {  	v45 =	vld [tilespmem:s30+$0x15390];
	[tilespmem:s29+$0x1D090] =	vst v1;
	v52 =	vshll.u32 v35, $0x10;
	v53 =	vshll.u32 v36, $0x10;
	v54 =	vshll.u32 v38, $0x10  }
0x90: {  	v49 =	vld [tilespmem:s30+$0x15410];
	v55 =	vshll.u32 v39, $0x10;
	v10 =	vadd.f32 v10, v13;
	v32 =	vadd.f32 v34, v21;
	[tilespmem:s29+$0x1CC90] =	vst v0  }
0x91: {  	v56 =	vshll.u32 v40, $0x10;
	v14 =	vadd.f32 v15, v14;
	v2 =	vadd.f32 v36, v35;
	v22 =	vld [tilespmem:s31+$0x14CA0]  }
0x92: {  	v57 =	vshll.u32 v41, $0x10;
	v7 =	vadd.f32 v39, v38;
	v3 =	vadd.f32 v41, v40;
	v27 =	vld [tilespmem:s31+$0x14D20]  }
0x93: {  	v58 =	vshll.u32 v42, $0x10;
	v4 =	vadd.f32 v43, v42;
	v8 =	vadd.f32 v46, v44;
	v31 =	vld [tilespmem:s31+$0x14DA0]  }
0x94: {  	v59 =	vshll.u32 v43, $0x10;
	v11 =	vadd.f32 v48, v47;
	v18 =	vadd.f32 v51, v50;
	v17 =	vld [tilespmem:s31+$0x14E20]  }
0x95: {  	v60 =	vshll.u32 v45, $0x10;
	v20 =	vadd.f32 v53, v52;
	v25 =	vadd.f32 v55, v54;
	v24 =	vld [tilespmem:s31+$0x14EA0]  }
0x96: {  	v61 =	vshll.u32 v49, $0x10;
	v28 =	vadd.f32 v57, v56;
	v9 =	vadd.f32 v59, v58;
	v62 =	vld [tilespmem:s31+$0x14F20]  }
0x97: {  	v19 =	vadd.f32 v61, v60;
	v0 =	vadd.f32 v49, v45;
	v63 =	vld [tilespmem:s31+$0x14FA0]  }
0x98: {  	v10 =	vadd.f32 v32, v10;
	v2 =	vadd.f32 v2, v14;
	v33 =	vld [tilespmem:s31+$0x15020]  }
0x99: {  	v35 =	vld [tilespmem:s31+$0x150A0];
	v8 =	vadd.f32 v11, v8;
	v41 =	vadd.f32 v20, v18  }
0x9a: {  	v37 =	vld [tilespmem:s31+$0x15120];
	v25 =	vadd.f32 v28, v25;
	v9 =	vadd.f32 v19, v9  }
0x9b: {  	v3 =	vadd.f32 v3, v7;
	v39 =	vld [tilespmem:s31+$0x151A0];
	v0 =	vadd.f32 v0, v4  }
0x9c: {  	v42 =	vld [tilespmem:s31+$0x15220];
	v8 =	vadd.f32 v41, v8;
	v9 =	vadd.f32 v9, v25  }
0x9d: {  	v44 =	vld [tilespmem:s31+$0x152A0];
	v2 =	vadd.f32 v2, v10  }
0x9e: {  	v46 =	vld [tilespmem:s31+$0x15320];
	v0 =	vadd.f32 v0, v3;
	v8 =	vadd.f32 v9, v8;
	v34 =	vshll.u32 v22, $0x10  }
0x9f: {  	v48 =	vld [tilespmem:s31+$0x153A0];
	v36 =	vshll.u32 v27, $0x10;
	v38 =	vshll.u32 v31, $0x10;
	v40 =	vshll.u32 v17, $0x10  }
0xa0: {  	v50 =	vld [tilespmem:s31+$0x15420];
	v43 =	vshll.u32 v24, $0x10;
	v45 =	vshll.u32 v62, $0x10;
	v47 =	vshll.u32 v63, $0x10  }
0xa1: {  	v49 =	vshll.u32 v33, $0x10;
	v51 =	vshll.u32 v35, $0x10;
	v0 =	vadd.f32 v0, v2  }
0xa2: {  	v52 =	vshll.u32 v37, $0x10;
	v60 =	vadd.f32 v27, v22;
	v17 =	vadd.f32 v17, v31  }
0xa3: {  	v53 =	vshll.u32 v39, $0x10;
	v62 =	vadd.f32 v62, v24;
	v21 =	vadd.f32 v33, v63;
	[tilespmem:s0+$0x1CC90] =	vst v8  }
0xa4: {  	v54 =	vshll.u32 v42, $0x10;
	v6 =	vadd.f32 v37, v35;
	v1 =	vadd.f32 v42, v39;
	[tilespmem:s0+$0x1D090] =	vst v0  }
0xa5: {  	v55 =	vshll.u32 v44, $0x10;
	v13 =	vadd.f32 v46, v44;
	v4 =	vadd.f32 v50, v48;
	v10 =	vld [tilespmem:s30+$0x14CA0]  }
0xa6: {  	v56 =	vshll.u32 v46, $0x10;
	v15 =	vadd.f32 v36, v34;
	v5 =	vadd.f32 v40, v38;
	v8 =	vld [tilespmem:s30+$0x14D20]  }
0xa7: {  	v57 =	vshll.u32 v48, $0x10;
	v58 =	vadd.f32 v45, v43;
	v7 =	vadd.f32 v49, v47;
	v61 =	vld [tilespmem:s30+$0x14DA0]  }
0xa8: {  	v59 =	vshll.u32 v50, $0x10;
	v3 =	vadd.f32 v52, v51;
	v9 =	vadd.f32 v54, v53;
	v63 =	vld [tilespmem:s30+$0x14E20]  }
0xa9: {  	v2 =	vadd.f32 v56, v55;
	v0 =	vadd.f32 v59, v57;
	v12 =	vld [tilespmem:s30+$0x14EA0]  }
0xaa: {  	v33 =	vadd.f32 v17, v60;
	v34 =	vadd.f32 v21, v62;
	v11 =	vld [tilespmem:s30+$0x14F20]  }
0xab: {  	v1 =	vadd.f32 v1, v6;
	v5 =	vadd.f32 v5, v15;
	v15 =	vld [tilespmem:s30+$0x14FA0]  }
0xac: {  	v4 =	vadd.f32 v4, v13;
	v7 =	vadd.f32 v7, v58;
	v35 =	vld [tilespmem:s30+$0x150A0]  }
0xad: {  	v3 =	vadd.f32 v9, v3;
	v36 =	vld [tilespmem:s30+$0x15120];
	v0 =	vadd.f32 v0, v2  }
0xae: {  	v37 =	vld [tilespmem:s30+$0x151A0];
	v38 =	vadd.f32 v34, v33;
	v1 =	vadd.f32 v4, v1  }
0xaf: {  	v39 =	vld [tilespmem:s30+$0x15220];
	v5 =	vadd.f32 v7, v5;
	v0 =	vadd.f32 v0, v3  }
0xb0: {  	v40 =	vld [tilespmem:s30+$0x152A0];
	v1 =	vadd.f32 v1, v38  }
0xb1: {  	v41 =	vld [tilespmem:s30+$0x15320];
	v0 =	vadd.f32 v0, v5;
	v42 =	vshll.u32 v10, $0x10;
	v44 =	vshll.u32 v8, $0x10  }
0xb2: {  	v43 =	vld [tilespmem:s30+$0x153A0];
	v45 =	vshll.u32 v61, $0x10;
	v46 =	vshll.u32 v63, $0x10;
	v48 =	vshll.u32 v12, $0x10  }
0xb3: {  	v47 =	vld [tilespmem:s30+$0x15420];
	[tilespmem:s29+$0x1D0A0] =	vst v1;
	v49 =	vshll.u32 v11, $0x10;
	v50 =	vshll.u32 v15, $0x10;
	v52 =	vshll.u32 v35, $0x10  }
0xb4: {  	v2 =	vld [tilespmem:s30+$0x15020];
	v53 =	vshll.u32 v36, $0x10;
	v54 =	vshll.u32 v37, $0x10;
	v8 =	vadd.f32 v8, v10;
	[tilespmem:s29+$0x1CCA0] =	vst v0  }
0xb5: {  	v55 =	vshll.u32 v39, $0x10;
	v61 =	vadd.f32 v63, v61;
	v11 =	vadd.f32 v11, v12;
	v22 =	vld [tilespmem:s31+$0x14CB0]  }
0xb6: {  	v56 =	vshll.u32 v40, $0x10;
	v6 =	vadd.f32 v36, v35;
	v3 =	vadd.f32 v39, v37;
	v27 =	vld [tilespmem:s31+$0x14D30]  }
0xb7: {  	v57 =	vshll.u32 v41, $0x10;
	v5 =	vadd.f32 v41, v40;
	v9 =	vadd.f32 v44, v42;
	v31 =	vld [tilespmem:s31+$0x14DB0]  }
0xb8: {  	v58 =	vshll.u32 v43, $0x10;
	v14 =	vadd.f32 v46, v45;
	v18 =	vadd.f32 v49, v48;
	v17 =	vld [tilespmem:s31+$0x14E30]  }
0xb9: {  	v59 =	vshll.u32 v47, $0x10;
	v25 =	vadd.f32 v53, v52;
	v28 =	vadd.f32 v55, v54;
	v24 =	vld [tilespmem:s31+$0x14EB0]  }
0xba: {  	v51 =	vshll.u32 v2, $0x10;
	v13 =	vadd.f32 v57, v56;
	v19 =	vadd.f32 v59, v58;
	v60 =	vld [tilespmem:s31+$0x14F30]  }
0xbb: {  	v2 =	vadd.f32 v2, v15;
	v21 =	vadd.f32 v51, v50;
	v26 =	vld [tilespmem:s31+$0x14FB0]  }
0xbc: {  	v0 =	vadd.f32 v47, v43;
	v8 =	vadd.f32 v61, v8;
	v62 =	vld [tilespmem:s31+$0x15030]  }
0xbd: {  	v3 =	vadd.f32 v3, v6;
	v33 =	vld [tilespmem:s31+$0x150B0];
	v9 =	vadd.f32 v14, v9  }
0xbe: {  	v35 =	vld [tilespmem:s31+$0x15130];
	v25 =	vadd.f32 v28, v25;
	v13 =	vadd.f32 v19, v13  }
0xbf: {  	v37 =	vld [tilespmem:s31+$0x151B0];
	v2 =	vadd.f32 v2, v11;
	v39 =	vadd.f32 v21, v18  }
0xc0: {  	v40 =	vld [tilespmem:s31+$0x15230];
	v0 =	vadd.f32 v0, v5;
	v13 =	vadd.f32 v13, v25  }
0xc1: {  	v42 =	vld [tilespmem:s31+$0x152B0];
	v2 =	vadd.f32 v2, v8;
	v9 =	vadd.f32 v39, v9  }
0xc2: {  	v44 =	vld [tilespmem:s31+$0x15330];
	v0 =	vadd.f32 v0, v3;
	v63 =	vshll.u32 v22, $0x10;
	v34 =	vshll.u32 v27, $0x10  }
0xc3: {  	v46 =	vld [tilespmem:s31+$0x153B0];
	v36 =	vshll.u32 v31, $0x10;
	v38 =	vshll.u32 v17, $0x10;
	v41 =	vshll.u32 v24, $0x10  }
0xc4: {  	v48 =	vld [tilespmem:s31+$0x15430];
	v43 =	vshll.u32 v60, $0x10;
	v45 =	vshll.u32 v26, $0x10;
	v47 =	vshll.u32 v62, $0x10  }
0xc5: {  	v49 =	vshll.u32 v33, $0x10;
	v9 =	vadd.f32 v13, v9;
	v0 =	vadd.f32 v0, v2  }
0xc6: {  	v50 =	vshll.u32 v35, $0x10;
	v58 =	vadd.f32 v27, v22;
	v17 =	vadd.f32 v17, v31  }
0xc7: {  	v51 =	vshll.u32 v37, $0x10;
	v60 =	vadd.f32 v60, v24;
	v20 =	vadd.f32 v62, v26  }
0xc8: {  	v52 =	vshll.u32 v40, $0x10;
	v4 =	vadd.f32 v35, v33;
	v1 =	vadd.f32 v40, v37;
	[tilespmem:s0+$0x1CCA0] =	vst v9  }
0xc9: {  	v53 =	vshll.u32 v42, $0x10;
	v10 =	vadd.f32 v44, v42;
	v5 =	vadd.f32 v48, v46;
	[tilespmem:s0+$0x1D0A0] =	vst v0  }
0xca: {  	v54 =	vshll.u32 v44, $0x10;
	v15 =	vadd.f32 v34, v63;
	v7 =	vadd.f32 v38, v36;
	v11 =	vld [tilespmem:s30+$0x14CB0]  }
0xcb: {  	v55 =	vshll.u32 v46, $0x10;
	v56 =	vadd.f32 v43, v41;
	v6 =	vadd.f32 v47, v45;
	v9 =	vld [tilespmem:s30+$0x14D30]  }
0xcc: {  	v57 =	vshll.u32 v48, $0x10;
	v3 =	vadd.f32 v50, v49;
	v8 =	vadd.f32 v52, v51;
	v59 =	vld [tilespmem:s30+$0x14DB0]  }
0xcd: {  	v2 =	vadd.f32 v54, v53;
	v0 =	vadd.f32 v57, v55;
	v61 =	vld [tilespmem:s30+$0x14E30]  }
0xce: {  	v30 =	vadd.f32 v17, v58;
	v31 =	vadd.f32 v20, v60;
	v12 =	vld [tilespmem:s30+$0x14EB0]  }
0xcf: {  	v1 =	vadd.f32 v1, v4;
	v32 =	vadd.f32 v5, v10;
	v14 =	vld [tilespmem:s30+$0x14F30]  }
0xd0: {  	v7 =	vadd.f32 v7, v15;
	v6 =	vadd.f32 v6, v56;
	v62 =	vld [tilespmem:s30+$0x14FB0]  }
0xd1: {  	v3 =	vadd.f32 v8, v3;
	v63 =	vld [tilespmem:s30+$0x15030];
	v0 =	vadd.f32 v0, v2  }
0xd2: {  	v16 =	vld [tilespmem:s30+$0x150B0];
	v35 =	vadd.f32 v31, v30;
	v1 =	vadd.f32 v32, v1  }
0xd3: {  	v33 =	vld [tilespmem:s30+$0x15130];
	v6 =	vadd.f32 v6, v7;
	v0 =	vadd.f32 v0, v3  }
0xd4: {  	v34 =	vld [tilespmem:s30+$0x151B0]  }
0xd5: {  	v36 =	vld [tilespmem:s30+$0x15230];
	v1 =	vadd.f32 v1, v35;
	v0 =	vadd.f32 v0, v6  }
0xd6: {  	v37 =	vld [tilespmem:s30+$0x152B0];
	v39 =	vshll.u32 v11, $0x10;
	v41 =	vshll.u32 v9, $0x10;
	v42 =	vshll.u32 v59, $0x10  }
0xd7: {  	v38 =	vld [tilespmem:s30+$0x15330];
	v43 =	vshll.u32 v61, $0x10;
	v45 =	vshll.u32 v12, $0x10;
	v46 =	vshll.u32 v14, $0x10  }
0xd8: {  	v40 =	vld [tilespmem:s30+$0x153B0];
	[tilespmem:s29+$0x1D0B0] =	vst v1;
	v47 =	vshll.u32 v62, $0x10;
	v48 =	vshll.u32 v63, $0x10;
	v49 =	vshll.u32 v16, $0x10  }
0xd9: {  	v44 =	vld [tilespmem:s30+$0x15430];
	v50 =	vshll.u32 v33, $0x10;
	v9 =	vadd.f32 v9, v11;
	v59 =	vadd.f32 v61, v59;
	[tilespmem:s29+$0x1CCB0] =	vst v0  }
0xda: {  	v51 =	vshll.u32 v34, $0x10;
	v12 =	vadd.f32 v14, v12;
	v2 =	vadd.f32 v63, v62;
	v22 =	vld [tilespmem:s31+$0x14CC0]  }
0xdb: {  	v52 =	vshll.u32 v36, $0x10;
	v5 =	vadd.f32 v33, v16;
	v3 =	vadd.f32 v36, v34;
	v27 =	vld [tilespmem:s31+$0x14D40]  }
0xdc: {  	v53 =	vshll.u32 v37, $0x10;
	v6 =	vadd.f32 v38, v37;
	v8 =	vadd.f32 v41, v39;
	v31 =	vld [tilespmem:s31+$0x14DC0]  }
0xdd: {  	v54 =	vshll.u32 v38, $0x10;
	v13 =	vadd.f32 v43, v42;
	v18 =	vadd.f32 v46, v45;
	v17 =	vld [tilespmem:s31+$0x14E40]  }
0xde: {  	v55 =	vshll.u32 v40, $0x10;
	v20 =	vadd.f32 v48, v47;
	v25 =	vadd.f32 v50, v49;
	v24 =	vld [tilespmem:s31+$0x14EC0]  }
0xdf: {  	v56 =	vshll.u32 v44, $0x10;
	v28 =	vadd.f32 v52, v51;
	v10 =	vadd.f32 v54, v53;
	v57 =	vld [tilespmem:s31+$0x14F40]  }
0xe0: {  	v19 =	vadd.f32 v56, v55;
	v0 =	vadd.f32 v44, v40;
	v58 =	vld [tilespmem:s31+$0x14FC0]  }
0xe1: {  	v9 =	vadd.f32 v59, v9;
	v2 =	vadd.f32 v2, v12;
	v60 =	vld [tilespmem:s31+$0x15040]  }
0xe2: {  	v62 =	vld [tilespmem:s31+$0x150C0];
	v8 =	vadd.f32 v13, v8;
	v37 =	vadd.f32 v20, v18  }
0xe3: {  	v33 =	vld [tilespmem:s31+$0x15140];
	v25 =	vadd.f32 v28, v25;
	v10 =	vadd.f32 v19, v10  }
0xe4: {  	v3 =	vadd.f32 v3, v5;
	v35 =	vld [tilespmem:s31+$0x151C0];
	v0 =	vadd.f32 v0, v6  }
0xe5: {  	v38 =	vld [tilespmem:s31+$0x15240];
	v8 =	vadd.f32 v37, v8;
	v10 =	vadd.f32 v10, v25  }
0xe6: {  	v40 =	vld [tilespmem:s31+$0x152C0];
	v2 =	vadd.f32 v2, v9  }
0xe7: {  	v42 =	vld [tilespmem:s31+$0x15340];
	v0 =	vadd.f32 v0, v3;
	v8 =	vadd.f32 v10, v8;
	v61 =	vshll.u32 v22, $0x10  }
0xe8: {  	v44 =	vld [tilespmem:s31+$0x153C0];
	v63 =	vshll.u32 v27, $0x10;
	v34 =	vshll.u32 v31, $0x10;
	v36 =	vshll.u32 v17, $0x10  }
0xe9: {  	v46 =	vld [tilespmem:s31+$0x15440];
	v39 =	vshll.u32 v24, $0x10;
	v41 =	vshll.u32 v57, $0x10;
	v43 =	vshll.u32 v58, $0x10  }
0xea: {  	v45 =	vshll.u32 v60, $0x10;
	v47 =	vshll.u32 v62, $0x10;
	v0 =	vadd.f32 v0, v2  }
0xeb: {  	v48 =	vshll.u32 v33, $0x10;
	v56 =	vadd.f32 v27, v22;
	v17 =	vadd.f32 v17, v31  }
0xec: {  	v49 =	vshll.u32 v35, $0x10;
	v57 =	vadd.f32 v57, v24;
	v21 =	vadd.f32 v60, v58;
	[tilespmem:s0+$0x1CCB0] =	vst v8  }
0xed: {  	v50 =	vshll.u32 v38, $0x10;
	v4 =	vadd.f32 v33, v62;
	v1 =	vadd.f32 v38, v35;
	[tilespmem:s0+$0x1D0B0] =	vst v0  }
0xee: {  	v51 =	vshll.u32 v40, $0x10;
	v11 =	vadd.f32 v42, v40;
	v5 =	vadd.f32 v46, v44;
	v10 =	vld [tilespmem:s30+$0x14CC0]  }
0xef: {  	v52 =	vshll.u32 v42, $0x10;
	v15 =	vadd.f32 v63, v61;
	v7 =	vadd.f32 v36, v34;
	v8 =	vld [tilespmem:s30+$0x14D40]  }
0xf0: {  	v53 =	vshll.u32 v44, $0x10;
	v54 =	vadd.f32 v41, v39;
	v6 =	vadd.f32 v45, v43;
	v20 =	vld [tilespmem:s30+$0x14DC0]  }
0xf1: {  	v55 =	vshll.u32 v46, $0x10;
	v3 =	vadd.f32 v48, v47;
	v9 =	vadd.f32 v50, v49;
	v58 =	vld [tilespmem:s30+$0x14E40]  }
0xf2: {  	v2 =	vadd.f32 v52, v51;
	v0 =	vadd.f32 v55, v53;
	v14 =	vld [tilespmem:s30+$0x14EC0]  }
0xf3: {  	v59 =	vadd.f32 v17, v56;
	v60 =	vadd.f32 v21, v57;
	v13 =	vld [tilespmem:s30+$0x14F40]  }
0xf4: {  	v1 =	vadd.f32 v1, v4;
	v7 =	vadd.f32 v7, v15;
	v15 =	vld [tilespmem:s30+$0x14FC0]  }
0xf5: {  	v61 =	vadd.f32 v5, v11;
	v6 =	vadd.f32 v6, v54;
	v16 =	vld [tilespmem:s30+$0x150C0]  }
0xf6: {  	v3 =	vadd.f32 v9, v3;
	v62 =	vld [tilespmem:s30+$0x15140];
	v0 =	vadd.f32 v0, v2  }
0xf7: {  	v63 =	vld [tilespmem:s30+$0x151C0];
	v33 =	vadd.f32 v60, v59;
	v1 =	vadd.f32 v61, v1  }
0xf8: {  	v34 =	vld [tilespmem:s30+$0x15240];
	v6 =	vadd.f32 v6, v7;
	v0 =	vadd.f32 v0, v3  }
0xf9: {  	v35 =	vld [tilespmem:s30+$0x152C0];
	v1 =	vadd.f32 v1, v33  }
0xfa: {  	v36 =	vld [tilespmem:s30+$0x15340];
	v0 =	vadd.f32 v0, v6;
	v37 =	vshll.u32 v10, $0x10;
	v39 =	vshll.u32 v8, $0x10  }
0xfb: {  	v38 =	vld [tilespmem:s30+$0x153C0];
	v40 =	vshll.u32 v20, $0x10;
	v41 =	vshll.u32 v58, $0x10;
	v43 =	vshll.u32 v14, $0x10  }
0xfc: {  	v42 =	vld [tilespmem:s30+$0x15440];
	[tilespmem:s29+$0x1D0C0] =	vst v1;
	v44 =	vshll.u32 v13, $0x10;
	v45 =	vshll.u32 v15, $0x10;
	v47 =	vshll.u32 v16, $0x10  }
0xfd: {  	v2 =	vld [tilespmem:s30+$0x15040];
	v48 =	vshll.u32 v62, $0x10;
	v49 =	vshll.u32 v63, $0x10;
	v8 =	vadd.f32 v8, v10;
	[tilespmem:s29+$0x1CCC0] =	vst v0  }
0xfe: {  	v50 =	vshll.u32 v34, $0x10;
	v57 =	vadd.f32 v58, v20;
	v13 =	vadd.f32 v13, v14;
	v22 =	vld [tilespmem:s31+$0x14CD0]  }
0xff: {  	v51 =	vshll.u32 v35, $0x10;
	v5 =	vadd.f32 v62, v16;
	v3 =	vadd.f32 v34, v63;
	v27 =	vld [tilespmem:s31+$0x14D50]  }
0x100: {  	v52 =	vshll.u32 v36, $0x10;
	v6 =	vadd.f32 v36, v35;
	v9 =	vadd.f32 v39, v37;
	v31 =	vld [tilespmem:s31+$0x14DD0]  }
0x101: {  	v53 =	vshll.u32 v38, $0x10;
	v12 =	vadd.f32 v41, v40;
	v18 =	vadd.f32 v44, v43;
	v17 =	vld [tilespmem:s31+$0x14E50]  }
0x102: {  	v54 =	vshll.u32 v42, $0x10;
	v25 =	vadd.f32 v48, v47;
	v28 =	vadd.f32 v50, v49;
	v24 =	vld [tilespmem:s31+$0x14ED0]  }
0x103: {  	v46 =	vshll.u32 v2, $0x10;
	v11 =	vadd.f32 v52, v51;
	v19 =	vadd.f32 v54, v53;
	v55 =	vld [tilespmem:s31+$0x14F50]  }
0x104: {  	v2 =	vadd.f32 v2, v15;
	v21 =	vadd.f32 v46, v45;
	v56 =	vld [tilespmem:s31+$0x14FD0]  }
0x105: {  	v0 =	vadd.f32 v42, v38;
	v8 =	vadd.f32 v57, v8;
	v58 =	vld [tilespmem:s31+$0x15050]  }
0x106: {  	v3 =	vadd.f32 v3, v5;
	v60 =	vld [tilespmem:s31+$0x150D0];
	v9 =	vadd.f32 v12, v9  }
0x107: {  	v62 =	vld [tilespmem:s31+$0x15150];
	v25 =	vadd.f32 v28, v25;
	v11 =	vadd.f32 v19, v11  }
0x108: {  	v33 =	vld [tilespmem:s31+$0x151D0];
	v2 =	vadd.f32 v2, v13;
	v35 =	vadd.f32 v21, v18  }
0x109: {  	v36 =	vld [tilespmem:s31+$0x15250];
	v0 =	vadd.f32 v0, v6;
	v11 =	vadd.f32 v11, v25  }
0x10a: {  	v38 =	vld [tilespmem:s31+$0x152D0];
	v2 =	vadd.f32 v2, v8;
	v9 =	vadd.f32 v35, v9  }
0x10b: {  	v40 =	vld [tilespmem:s31+$0x15350];
	v0 =	vadd.f32 v0, v3;
	v59 =	vshll.u32 v22, $0x10;
	v61 =	vshll.u32 v27, $0x10  }
0x10c: {  	v42 =	vld [tilespmem:s31+$0x153D0];
	v63 =	vshll.u32 v31, $0x10;
	v34 =	vshll.u32 v17, $0x10;
	v37 =	vshll.u32 v24, $0x10  }
0x10d: {  	v44 =	vld [tilespmem:s31+$0x15450];
	v39 =	vshll.u32 v55, $0x10;
	v41 =	vshll.u32 v56, $0x10;
	v43 =	vshll.u32 v58, $0x10  }
0x10e: {  	v45 =	vshll.u32 v60, $0x10;
	v9 =	vadd.f32 v11, v9;
	v0 =	vadd.f32 v0, v2  }
0x10f: {  	v46 =	vshll.u32 v62, $0x10;
	v54 =	vadd.f32 v27, v22;
	v17 =	vadd.f32 v17, v31  }
0x110: {  	v47 =	vshll.u32 v33, $0x10;
	v55 =	vadd.f32 v55, v24;
	v20 =	vadd.f32 v58, v56;
	[tilespmem:s0+$0x1CCC0] =	vst v9  }
0x111: {  	v48 =	vshll.u32 v36, $0x10;
	v4 =	vadd.f32 v62, v60;
	v1 =	vadd.f32 v36, v33;
	[tilespmem:s0+$0x1D0C0] =	vst v0  }
0x112: {  	v49 =	vshll.u32 v38, $0x10;
	v10 =	vadd.f32 v40, v38;
	v5 =	vadd.f32 v44, v42;
	v11 =	vld [tilespmem:s30+$0x14CD0]  }
0x113: {  	v50 =	vshll.u32 v40, $0x10;
	v15 =	vadd.f32 v61, v59;
	v7 =	vadd.f32 v34, v63;
	v9 =	vld [tilespmem:s30+$0x14D50]  }
0x114: {  	v51 =	vshll.u32 v42, $0x10;
	v52 =	vadd.f32 v39, v37;
	v6 =	vadd.f32 v43, v41;
	v21 =	vld [tilespmem:s30+$0x14DD0]  }
0x115: {  	v53 =	vshll.u32 v44, $0x10;
	v3 =	vadd.f32 v46, v45;
	v8 =	vadd.f32 v48, v47;
	v56 =	vld [tilespmem:s30+$0x14E50]  }
0x116: {  	v2 =	vadd.f32 v50, v49;
	v0 =	vadd.f32 v53, v51;
	v14 =	vld [tilespmem:s30+$0x14ED0]  }
0x117: {  	v57 =	vadd.f32 v17, v54;
	v58 =	vadd.f32 v20, v55;
	v12 =	vld [tilespmem:s30+$0x14F50]  }
0x118: {  	v1 =	vadd.f32 v1, v4;
	v7 =	vadd.f32 v7, v15;
	v15 =	vld [tilespmem:s30+$0x14FD0]  }
0x119: {  	v59 =	vadd.f32 v5, v10;
	v6 =	vadd.f32 v6, v52;
	v16 =	vld [tilespmem:s30+$0x150D0]  }
0x11a: {  	v3 =	vadd.f32 v8, v3;
	v60 =	vld [tilespmem:s30+$0x15150];
	v0 =	vadd.f32 v0, v2  }
0x11b: {  	v61 =	vld [tilespmem:s30+$0x151D0];
	v62 =	vadd.f32 v58, v57;
	v1 =	vadd.f32 v59, v1  }
0x11c: {  	v63 =	vld [tilespmem:s30+$0x15250];
	v6 =	vadd.f32 v6, v7;
	v0 =	vadd.f32 v0, v3  }
0x11d: {  	v33 =	vld [tilespmem:s30+$0x152D0];
	v1 =	vadd.f32 v1, v62  }
0x11e: {  	v34 =	vld [tilespmem:s30+$0x15350];
	v0 =	vadd.f32 v0, v6;
	v35 =	vshll.u32 v11, $0x10;
	v37 =	vshll.u32 v9, $0x10  }
0x11f: {  	v36 =	vld [tilespmem:s30+$0x153D0];
	v38 =	vshll.u32 v21, $0x10;
	v39 =	vshll.u32 v56, $0x10;
	v41 =	vshll.u32 v14, $0x10  }
0x120: {  	v40 =	vld [tilespmem:s30+$0x15450];
	[tilespmem:s29+$0x1D0D0] =	vst v1;
	v42 =	vshll.u32 v12, $0x10;
	v43 =	vshll.u32 v15, $0x10;
	v45 =	vshll.u32 v16, $0x10  }
0x121: {  	v2 =	vld [tilespmem:s30+$0x15050];
	v46 =	vshll.u32 v60, $0x10;
	v47 =	vshll.u32 v61, $0x10;
	v9 =	vadd.f32 v9, v11;
	[tilespmem:s29+$0x1CCD0] =	vst v0  }
0x122: {  	v48 =	vshll.u32 v63, $0x10;
	v55 =	vadd.f32 v56, v21;
	v12 =	vadd.f32 v12, v14;
	v22 =	vld [tilespmem:s31+$0x14CE0]  }
0x123: {  	v49 =	vshll.u32 v33, $0x10;
	v5 =	vadd.f32 v60, v16;
	v3 =	vadd.f32 v63, v61;
	v27 =	vld [tilespmem:s31+$0x14D60]  }
0x124: {  	v50 =	vshll.u32 v34, $0x10;
	v6 =	vadd.f32 v34, v33;
	v8 =	vadd.f32 v37, v35;
	v31 =	vld [tilespmem:s31+$0x14DE0]  }
0x125: {  	v51 =	vshll.u32 v36, $0x10;
	v13 =	vadd.f32 v39, v38;
	v18 =	vadd.f32 v42, v41;
	v17 =	vld [tilespmem:s31+$0x14E60]  }
0x126: {  	v52 =	vshll.u32 v40, $0x10;
	v25 =	vadd.f32 v46, v45;
	v28 =	vadd.f32 v48, v47;
	v24 =	vld [tilespmem:s31+$0x14EE0]  }
0x127: {  	v44 =	vshll.u32 v2, $0x10;
	v10 =	vadd.f32 v50, v49;
	v19 =	vadd.f32 v52, v51;
	v53 =	vld [tilespmem:s31+$0x14F60]  }
0x128: {  	v2 =	vadd.f32 v2, v15;
	v20 =	vadd.f32 v44, v43;
	v54 =	vld [tilespmem:s31+$0x14FE0]  }
0x129: {  	v0 =	vadd.f32 v40, v36;
	v9 =	vadd.f32 v55, v9;
	v56 =	vld [tilespmem:s31+$0x15060]  }
0x12a: {  	v3 =	vadd.f32 v3, v5;
	v58 =	vld [tilespmem:s31+$0x150E0];
	v8 =	vadd.f32 v13, v8  }
0x12b: {  	v60 =	vld [tilespmem:s31+$0x15160];
	v25 =	vadd.f32 v28, v25;
	v10 =	vadd.f32 v19, v10  }
0x12c: {  	v62 =	vld [tilespmem:s31+$0x151E0];
	v2 =	vadd.f32 v2, v12;
	v33 =	vadd.f32 v20, v18  }
0x12d: {  	v34 =	vld [tilespmem:s31+$0x15260];
	v0 =	vadd.f32 v0, v6;
	v10 =	vadd.f32 v10, v25  }
0x12e: {  	v36 =	vld [tilespmem:s31+$0x152E0];
	v2 =	vadd.f32 v2, v9;
	v8 =	vadd.f32 v33, v8  }
0x12f: {  	v38 =	vld [tilespmem:s31+$0x15360];
	v0 =	vadd.f32 v0, v3;
	v57 =	vshll.u32 v22, $0x10;
	v59 =	vshll.u32 v27, $0x10  }
0x130: {  	v40 =	vld [tilespmem:s31+$0x153E0];
	v61 =	vshll.u32 v31, $0x10;
	v63 =	vshll.u32 v17, $0x10;
	v35 =	vshll.u32 v24, $0x10  }
0x131: {  	v42 =	vld [tilespmem:s31+$0x15460];
	v37 =	vshll.u32 v53, $0x10;
	v39 =	vshll.u32 v54, $0x10;
	v41 =	vshll.u32 v56, $0x10  }
0x132: {  	v43 =	vshll.u32 v58, $0x10;
	v8 =	vadd.f32 v10, v8;
	v0 =	vadd.f32 v0, v2  }
0x133: {  	v44 =	vshll.u32 v60, $0x10;
	v52 =	vadd.f32 v27, v22;
	v17 =	vadd.f32 v17, v31  }
0x134: {  	v45 =	vshll.u32 v62, $0x10;
	v53 =	vadd.f32 v53, v24;
	v21 =	vadd.f32 v56, v54;
	[tilespmem:s0+$0x1CCD0] =	vst v8  }
0x135: {  	v46 =	vshll.u32 v34, $0x10;
	v4 =	vadd.f32 v60, v58;
	v1 =	vadd.f32 v34, v62;
	[tilespmem:s0+$0x1D0D0] =	vst v0  }
0x136: {  	v47 =	vshll.u32 v36, $0x10;
	v11 =	vadd.f32 v38, v36;
	v5 =	vadd.f32 v42, v40;
	v10 =	vld [tilespmem:s30+$0x14CE0]  }
0x137: {  	v48 =	vshll.u32 v38, $0x10;
	v15 =	vadd.f32 v59, v57;
	v7 =	vadd.f32 v63, v61;
	v8 =	vld [tilespmem:s30+$0x14D60]  }
0x138: {  	v49 =	vshll.u32 v40, $0x10;
	v50 =	vadd.f32 v37, v35;
	v6 =	vadd.f32 v41, v39;
	v20 =	vld [tilespmem:s30+$0x14DE0]  }
0x139: {  	v51 =	vshll.u32 v42, $0x10;
	v3 =	vadd.f32 v44, v43;
	v9 =	vadd.f32 v46, v45;
	v54 =	vld [tilespmem:s30+$0x14E60]  }
0x13a: {  	v2 =	vadd.f32 v48, v47;
	v0 =	vadd.f32 v51, v49;
	v14 =	vld [tilespmem:s30+$0x14EE0]  }
0x13b: {  	v55 =	vadd.f32 v17, v52;
	v56 =	vadd.f32 v21, v53;
	v13 =	vld [tilespmem:s30+$0x14F60]  }
0x13c: {  	v1 =	vadd.f32 v1, v4;
	v7 =	vadd.f32 v7, v15;
	v15 =	vld [tilespmem:s30+$0x14FE0]  }
0x13d: {  	v57 =	vadd.f32 v5, v11;
	v6 =	vadd.f32 v6, v50;
	v16 =	vld [tilespmem:s30+$0x150E0]  }
0x13e: {  	v3 =	vadd.f32 v9, v3;
	v58 =	vld [tilespmem:s30+$0x15160];
	v0 =	vadd.f32 v0, v2  }
0x13f: {  	v59 =	vld [tilespmem:s30+$0x151E0];
	v60 =	vadd.f32 v56, v55;
	v1 =	vadd.f32 v57, v1  }
0x140: {  	v61 =	vld [tilespmem:s30+$0x15260];
	v6 =	vadd.f32 v6, v7;
	v0 =	vadd.f32 v0, v3  }
0x141: {  	v62 =	vld [tilespmem:s30+$0x152E0];
	v1 =	vadd.f32 v1, v60  }
0x142: {  	v63 =	vld [tilespmem:s30+$0x15360];
	v0 =	vadd.f32 v0, v6;
	v33 =	vshll.u32 v10, $0x10;
	v35 =	vshll.u32 v8, $0x10  }
0x143: {  	v34 =	vld [tilespmem:s30+$0x153E0];
	v36 =	vshll.u32 v20, $0x10;
	v37 =	vshll.u32 v54, $0x10;
	v39 =	vshll.u32 v14, $0x10  }
0x144: {  	v38 =	vld [tilespmem:s30+$0x15460];
	[tilespmem:s29+$0x1D0E0] =	vst v1;
	v40 =	vshll.u32 v13, $0x10;
	v41 =	vshll.u32 v15, $0x10;
	v43 =	vshll.u32 v16, $0x10  }
0x145: {  	v2 =	vld [tilespmem:s30+$0x15060];
	v44 =	vshll.u32 v58, $0x10;
	v45 =	vshll.u32 v59, $0x10;
	v8 =	vadd.f32 v8, v10;
	[tilespmem:s29+$0x1CCE0] =	vst v0  }
0x146: {  	v46 =	vshll.u32 v61, $0x10;
	v53 =	vadd.f32 v54, v20;
	v13 =	vadd.f32 v13, v14;
	v22 =	vld [tilespmem:s31+$0x14CF0]  }
0x147: {  	v47 =	vshll.u32 v62, $0x10;
	v5 =	vadd.f32 v58, v16;
	v3 =	vadd.f32 v61, v59;
	v27 =	vld [tilespmem:s31+$0x14D70]  }
0x148: {  	v48 =	vshll.u32 v63, $0x10;
	v6 =	vadd.f32 v63, v62;
	v9 =	vadd.f32 v35, v33;
	v31 =	vld [tilespmem:s31+$0x14DF0]  }
0x149: {  	v49 =	vshll.u32 v34, $0x10;
	v12 =	vadd.f32 v37, v36;
	v18 =	vadd.f32 v40, v39;
	v17 =	vld [tilespmem:s31+$0x14E70]  }
0x14a: {  	v50 =	vshll.u32 v38, $0x10;
	v25 =	vadd.f32 v44, v43;
	v28 =	vadd.f32 v46, v45;
	v24 =	vld [tilespmem:s31+$0x14EF0]  }
0x14b: {  	v42 =	vshll.u32 v2, $0x10;
	v11 =	vadd.f32 v48, v47;
	v19 =	vadd.f32 v50, v49;
	v51 =	vld [tilespmem:s31+$0x14F70]  }
0x14c: {  	v2 =	vadd.f32 v2, v15;
	v21 =	vadd.f32 v42, v41;
	v52 =	vld [tilespmem:s31+$0x14FF0]  }
0x14d: {  	v0 =	vadd.f32 v38, v34;
	v8 =	vadd.f32 v53, v8;
	v54 =	vld [tilespmem:s31+$0x15070]  }
0x14e: {  	v3 =	vadd.f32 v3, v5;
	v56 =	vld [tilespmem:s31+$0x150F0];
	v9 =	vadd.f32 v12, v9  }
0x14f: {  	v58 =	vld [tilespmem:s31+$0x15170];
	v25 =	vadd.f32 v28, v25;
	v11 =	vadd.f32 v19, v11  }
0x150: {  	v60 =	vld [tilespmem:s31+$0x151F0];
	v2 =	vadd.f32 v2, v13;
	v62 =	vadd.f32 v21, v18  }
0x151: {  	v63 =	vld [tilespmem:s31+$0x15270];
	v0 =	vadd.f32 v0, v6;
	v11 =	vadd.f32 v11, v25  }
0x152: {  	v34 =	vld [tilespmem:s31+$0x152F0];
	v2 =	vadd.f32 v2, v8;
	v9 =	vadd.f32 v62, v9  }
0x153: {  	v36 =	vld [tilespmem:s31+$0x15370];
	v0 =	vadd.f32 v0, v3;
	v55 =	vshll.u32 v22, $0x10;
	v57 =	vshll.u32 v27, $0x10  }
0x154: {  	v38 =	vld [tilespmem:s31+$0x153F0];
	v59 =	vshll.u32 v31, $0x10;
	v61 =	vshll.u32 v17, $0x10;
	v33 =	vshll.u32 v24, $0x10  }
0x155: {  	v40 =	vld [tilespmem:s31+$0x15470];
	v35 =	vshll.u32 v51, $0x10;
	v37 =	vshll.u32 v52, $0x10;
	v39 =	vshll.u32 v54, $0x10  }
0x156: {  	v41 =	vshll.u32 v56, $0x10;
	v9 =	vadd.f32 v11, v9;
	v0 =	vadd.f32 v0, v2  }
0x157: {  	v42 =	vshll.u32 v58, $0x10;
	v50 =	vadd.f32 v27, v22;
	v17 =	vadd.f32 v17, v31  }
0x158: {  	v43 =	vshll.u32 v60, $0x10;
	v51 =	vadd.f32 v51, v24;
	v20 =	vadd.f32 v54, v52;
	[tilespmem:s0+$0x1CCE0] =	vst v9  }
0x159: {  	v44 =	vshll.u32 v63, $0x10;
	v4 =	vadd.f32 v58, v56;
	v1 =	vadd.f32 v63, v60;
	[tilespmem:s0+$0x1D0E0] =	vst v0  }
0x15a: {  	v45 =	vshll.u32 v34, $0x10;
	v10 =	vadd.f32 v36, v34;
	v5 =	vadd.f32 v40, v38;
	v11 =	vld [tilespmem:s30+$0x14CF0]  }
0x15b: {  	v46 =	vshll.u32 v36, $0x10;
	v15 =	vadd.f32 v57, v55;
	v7 =	vadd.f32 v61, v59;
	v9 =	vld [tilespmem:s30+$0x14D70]  }
0x15c: {  	v47 =	vshll.u32 v38, $0x10;
	v48 =	vadd.f32 v35, v33;
	v6 =	vadd.f32 v39, v37;
	v21 =	vld [tilespmem:s30+$0x14DF0]  }
0x15d: {  	v49 =	vshll.u32 v40, $0x10;
	v3 =	vadd.f32 v42, v41;
	v8 =	vadd.f32 v44, v43;
	v23 =	vld [tilespmem:s30+$0x14E70]  }
0x15e: {  	v2 =	vadd.f32 v46, v45;
	v0 =	vadd.f32 v49, v47;
	v14 =	vld [tilespmem:s30+$0x14EF0]  }
0x15f: {  	v52 =	vadd.f32 v17, v50;
	v53 =	vadd.f32 v20, v51;
	v12 =	vld [tilespmem:s30+$0x14F70]  }
0x160: {  	v1 =	vadd.f32 v1, v4;
	v7 =	vadd.f32 v7, v15;
	v15 =	vld [tilespmem:s30+$0x14FF0]  }
0x161: {  	v54 =	vadd.f32 v5, v10;
	v6 =	vadd.f32 v6, v48;
	v16 =	vld [tilespmem:s30+$0x150F0]  }
0x162: {  	v3 =	vadd.f32 v8, v3;
	v55 =	vld [tilespmem:s30+$0x15170];
	v0 =	vadd.f32 v0, v2  }
0x163: {  	v56 =	vld [tilespmem:s30+$0x151F0];
	v57 =	vadd.f32 v53, v52;
	v1 =	vadd.f32 v54, v1  }
0x164: {  	v58 =	vld [tilespmem:s30+$0x15270];
	v6 =	vadd.f32 v6, v7;
	v0 =	vadd.f32 v0, v3  }
0x165: {  	v59 =	vld [tilespmem:s30+$0x152F0]  }
0x166: {  	v60 =	vld [tilespmem:s30+$0x15370];
	v1 =	vadd.f32 v1, v57;
	v0 =	vadd.f32 v0, v6  }
0x167: {  	v62 =	vld [tilespmem:s30+$0x153F0];
	v61 =	vshll.u32 v11, $0x10;
	v63 =	vshll.u32 v9, $0x10;
	v33 =	vshll.u32 v21, $0x10  }
0x168: {  	v35 =	vld [tilespmem:s30+$0x15470];
	v34 =	vshll.u32 v23, $0x10;
	v36 =	vshll.u32 v14, $0x10;
	v37 =	vshll.u32 v12, $0x10  }
0x169: {  	v38 =	vshll.u32 v15, $0x10;
	v40 =	vshll.u32 v16, $0x10;
	v41 =	vshll.u32 v55, $0x10  }
0x16a: {  	v42 =	vshll.u32 v56, $0x10;
	v9 =	vadd.f32 v9, v11;
	v54 =	vadd.f32 v23, v21  }
0x16b: {  	v2 =	vld [tilespmem:s30+$0x15070];
	v43 =	vshll.u32 v58, $0x10;
	v12 =	vadd.f32 v12, v14;
	v5 =	vadd.f32 v55, v16  }
0x16c: {  	v44 =	vshll.u32 v59, $0x10;
	v3 =	vadd.f32 v58, v56;
	v55 =	vadd.f32 v60, v59  }
0x16d: {  	v45 =	vshll.u32 v60, $0x10;
	v56 =	vadd.f32 v35, v62;
	v7 =	vadd.f32 v63, v61  }
0x16e: {  	v47 =	vshll.u32 v62, $0x10;
	v46 =	vadd.f32 v34, v33;
	v48 =	vadd.f32 v37, v36  }
0x16f: {  	v50 =	vshll.u32 v35, $0x10;
	v51 =	vadd.f32 v41, v40;
	v52 =	vadd.f32 v43, v42  }
0x170: {  	v39 =	vshll.u32 v2, $0x10;
	v53 =	vadd.f32 v45, v44;
	v17 =	vadd.f32 v50, v47  }
0x171: {  	v2 =	vadd.f32 v2, v15;
	v49 =	vadd.f32 v39, v38  }
0x172: {  	v9 =	vadd.f32 v54, v9;
	v3 =	vadd.f32 v3, v5  }
0x173: {  	v4 =	vadd.f32 v56, v55;
	v7 =	vadd.f32 v46, v7  }
0x174: {  	v58 =	vadd.f32 v52, v51;
	v2 =	vadd.f32 v2, v12  }
0x175: {  	v59 =	vadd.f32 v17, v53;
	v57 =	vadd.f32 v49, v48  }
0x176: {  	p3 =	slt.u32 s26, $0x6;
	v3 =	vadd.f32 v4, v3;
	v2 =	vadd.f32 v2, v9  }
.Ltmp5:
0x177: {  	v61 =	vadd.f32 v59, v58;
	v60 =	vadd.f32 v57, v7;
	(pc) =	sbr.rel @p3 .LBB2_4-.Ltmp5, $4  }
0x178: {  	[tilespmem:s29+$0x1D0F0] =	vst v1;
	v63 =	vadd.f32 v3, v2  }
0x179: {  	[tilespmem:s29+$0x1CCF0] =	vst v0;
	v62 =	vadd.f32 v61, v60  }
0x17a: {  	s31 =	sadd.s32 $0x2, s26;
	[tilespmem:s0+$0x1D0F0] =	vst v63  }
0x17b: {  	s26 =	smov.u32 s31;
	[tilespmem:s0+$0x1CCF0] =	vst v62  }
0x17c: {  	s0 =	sshll.u32 s28, $0x5  }
0x17d: {  	s0 =	sadd.s32 s1, s0  }
0x17e: {  	[hbm4b:s0+s3] =	stream.linear.scatter [tilespmem:s20], [sflag:$0x3], $0x800, $0x38;
	[tilespmem:$0x1DC80] =	vst v63  }
.LBB2_6:
0x17f: {  	s26 =	sshll.u32 s24, $0x1  }
0x180: {  	s0 =	sadd.s32 $0x2, s26  }
0x181: {  	s29 =	sshll.u32 s0, $0x3  }
0x182: {  	p3 =	seq.s32 s24, $0x13;
	s29 =	sadd.s32 s9, s29  }
0x183: {  	p4 =	sgt.u32 @!p3 s29, $0x2710  }
0x184: {  	p4 =	por p4, p3  }
0x185: {  	s31 =	sadd.s32 s25, s6;
	s0 =	sshll.u32 @!p4 s0, $0x7  }
0x186: {  	s29 =	simm.s32 @!p4 $0x80;
	s30 =	simm.s32 @!p4 $0x14C80;
	s0 =	sand.u32 @!p4 $0x3FFFFF80, s0  }
0x187: {  	[tilespmem:s30], [sflag:$0x1] =	stream.indirect.gather @!p4 [spmem:s2], $0x80, s0, s29, $0xb8;
	[tilespmem:$0x1DC80] =	vst v63  }
0x188: {  	s25 =	sadd.s32 $0x8, s31;
	p4 =	sgt.u32 @!p2 s28, $0x2710  }
0x189: {  	p2 =	por p4, p2;
	p4 =	sgt.u32 s25, $0x2708  }
.Ltmp6:
0x18a: {  	_ = 	snop;
	(pc) =	sbr.rel @p4 .LBB2_10-.Ltmp6, $4  }
0x18b: {  	s28 =	simm.s32 @!p2 $0x4  }
0x18c: {  	_ =	swait.ge @!p2 [sflag:s28], $0x800  }
0x18d: {  	[sflag:s28] =	ssyncset.done @!p2 $0x0  }
0x18e: {  	[sflag:s28] =	ssyncadd.s32 @!p2 $0xFFFFF800  }
0x18f: {  	_ =	swait.ge [sflag:s21], $0x4000  }
0x190: {  	[sflag:s21] =	ssyncset.done $0x0  }
0x191: {  	s28 =	simm.s32 $0x0;
	[sflag:s21] =	ssyncadd.s32 $0xFFFFC000  }
.LBB2_8:
0x192: {  	s0 =	sshll.u32 s28, $0xB  }
0x193: {  	s31 =	sand.u32 $0x3FFFF800, s0  }
0x194: {  	v0 =	vld [tilespmem:s31+$0x18C80]  }
0x195: {  	v1 =	vld [tilespmem:s31+$0x18D00]  }
0x196: {  	v2 =	vld [tilespmem:s31+$0x18D80]  }
0x197: {  	v3 =	vld [tilespmem:s31+$0x18E00]  }
0x198: {  	v4 =	vld [tilespmem:s31+$0x18E80]  }
0x199: {  	v5 =	vld [tilespmem:s31+$0x18F00]  }
0x19a: {  	v6 =	vld [tilespmem:s31+$0x18F80]  }
0x19b: {  	v7 =	vld [tilespmem:s31+$0x19000]  }
0x19c: {  	v8 =	vld [tilespmem:s31+$0x19080]  }
0x19d: {  	v9 =	vld [tilespmem:s31+$0x19100]  }
0x19e: {  	v10 =	vld [tilespmem:s31+$0x19180]  }
0x19f: {  	v11 =	vld [tilespmem:s31+$0x19200]  }
0x1a0: {  	v12 =	vld [tilespmem:s31+$0x19280]  }
0x1a1: {  	v13 =	vld [tilespmem:s31+$0x19300]  }
0x1a2: {  	v15 =	vld [tilespmem:s31+$0x19380];
	v14 =	vshll.u32 v0, $0x10  }
0x1a3: {  	v19 =	vld [tilespmem:s31+$0x19400];
	v16 =	vshll.u32 v1, $0x10;
	v17 =	vshll.u32 v2, $0x10;
	v18 =	vshll.u32 v3, $0x10  }
0x1a4: {  	v20 =	vshll.u32 v4, $0x10;
	v21 =	vshll.u32 v5, $0x10;
	v22 =	vshll.u32 v6, $0x10  }
0x1a5: {  	s0 =	sor.u32 $0x1, s28;
	v23 =	vshll.u32 v7, $0x10;
	v24 =	vshll.u32 v8, $0x10;
	v25 =	vshll.u32 v9, $0x10  }
0x1a6: {  	s29 =	sshll.u32 s0, $0xB;
	v26 =	vshll.u32 v10, $0x10;
	v0 =	vadd.f32 v1, v0;
	v30 =	vadd.f32 v7, v6  }
0x1a7: {  	s30 =	sand.u32 $0x3FFFF800, s29;
	v27 =	vshll.u32 v11, $0x10;
	v31 =	vadd.f32 v9, v8;
	v32 =	vadd.f32 v11, v10  }
0x1a8: {  	v44 =	vld [tilespmem:s30+$0x19180];
	v28 =	vshll.u32 v12, $0x10;
	v33 =	vadd.f32 v13, v12;
	v34 =	vadd.f32 v19, v15  }
0x1a9: {  	v46 =	vld [tilespmem:s30+$0x19200];
	v29 =	vshll.u32 v13, $0x10;
	v14 =	vadd.f32 v16, v14;
	v56 =	vadd.f32 v18, v17  }
0x1aa: {  	v48 =	vld [tilespmem:s30+$0x19280];
	v57 =	vshll.u32 v15, $0x10;
	v58 =	vadd.f32 v21, v20;
	v59 =	vadd.f32 v23, v22  }
0x1ab: {  	v49 =	vld [tilespmem:s30+$0x19300];
	v60 =	vshll.u32 v19, $0x10;
	v61 =	vadd.f32 v25, v24;
	v62 =	vadd.f32 v27, v26  }
0x1ac: {  	v51 =	vld [tilespmem:s30+$0x19380];
	v63 =	vadd.f32 v29, v28;
	v17 =	vadd.f32 v60, v57  }
0x1ad: {  	v55 =	vld [tilespmem:s30+$0x19400];
	v28 =	vadd.f32 v3, v2;
	v29 =	vadd.f32 v5, v4  }
0x1ae: {  	v8 =	vld [tilespmem:s30+$0x18E80];
	v40 =	vadd.f32 v32, v31;
	v41 =	vadd.f32 v34, v33  }
0x1af: {  	v11 =	vld [tilespmem:s30+$0x18F00];
	v35 =	vadd.f32 v56, v14;
	v36 =	vadd.f32 v59, v58  }
0x1b0: {  	v7 =	vld [tilespmem:s30+$0x19100];
	v37 =	vadd.f32 v62, v61;
	v38 =	vadd.f32 v17, v63  }
0x1b1: {  	v24 =	vld [tilespmem:s30+$0x18C80];
	v0 =	vadd.f32 v28, v0;
	v39 =	vadd.f32 v30, v29  }
0x1b2: {  	v21 =	vld [tilespmem:s30+$0x18D00];
	v42 =	vadd.f32 v36, v35;
	v43 =	vadd.f32 v38, v37  }
0x1b3: {  	v2 =	vld [tilespmem:s30+$0x18D80];
	v45 =	vadd.f32 v41, v40;
	v0 =	vadd.f32 v39, v0  }
0x1b4: {  	s29 =	sshll.u32 s28, $0x7;
	v5 =	vld [tilespmem:s30+$0x18E00];
	v32 =	vshll.u32 v49, $0x10;
	v4 =	vadd.f32 v46, v44;
	v47 =	vadd.f32 v43, v42  }
0x1b5: {  	s29 =	sand.u32 $0x3FFFFF80, s29;
	v3 =	vld [tilespmem:s30+$0x19080];
	v33 =	vshll.u32 v51, $0x10;
	v1 =	vadd.f32 v49, v48;
	v0 =	vadd.f32 v45, v0  }
0x1b6: {  	v14 =	vld [tilespmem:s30+$0x18F80];
	v62 =	vshll.u32 v44, $0x10;
	v63 =	vshll.u32 v46, $0x10;
	v30 =	vshll.u32 v48, $0x10;
	[tilespmem:s29+$0x1D480] =	vst v47  }
0x1b7: {  	v17 =	vld [tilespmem:s30+$0x19000];
	v28 =	vadd.f32 v63, v62;
	v13 =	vadd.f32 v32, v30;
	v56 =	vshll.u32 v8, $0x10;
	[tilespmem:s29+$0x1D880] =	vst v0  }
0x1b8: {  	v57 =	vshll.u32 v11, $0x10;
	v61 =	vshll.u32 v7, $0x10;
	v35 =	vshll.u32 v55, $0x10;
	v22 =	vld [tilespmem:s31+$0x18C90]  }
0x1b9: {  	v8 =	vadd.f32 v11, v8;
	v50 =	vshll.u32 v24, $0x10;
	v52 =	vshll.u32 v21, $0x10;
	v27 =	vld [tilespmem:s31+$0x18D10]  }
0x1ba: {  	v53 =	vshll.u32 v2, $0x10;
	v18 =	vadd.f32 v57, v56;
	v19 =	vadd.f32 v35, v33;
	v31 =	vld [tilespmem:s31+$0x18D90]  }
0x1bb: {  	v54 =	vshll.u32 v5, $0x10;
	v21 =	vadd.f32 v21, v24;
	v2 =	vadd.f32 v5, v2;
	v16 =	vld [tilespmem:s31+$0x18E10]  }
0x1bc: {  	v60 =	vshll.u32 v3, $0x10;
	v3 =	vadd.f32 v7, v3;
	v10 =	vadd.f32 v52, v50;
	v34 =	vld [tilespmem:s31+$0x18E90]  }
0x1bd: {  	v15 =	vadd.f32 v54, v53;
	v25 =	vadd.f32 v61, v60;
	v36 =	vld [tilespmem:s31+$0x18F10]  }
0x1be: {  	v58 =	vshll.u32 v14, $0x10;
	v40 =	vadd.f32 v17, v14;
	v13 =	vadd.f32 v19, v13;
	v37 =	vld [tilespmem:s31+$0x18F90]  }
0x1bf: {  	v59 =	vshll.u32 v17, $0x10;
	v2 =	vadd.f32 v2, v21;
	v3 =	vadd.f32 v4, v3;
	v38 =	vld [tilespmem:s31+$0x19010]  }
0x1c0: {  	v20 =	vadd.f32 v59, v58;
	v0 =	vadd.f32 v55, v51;
	v41 =	vld [tilespmem:s31+$0x19090]  }
0x1c1: {  	v10 =	vadd.f32 v15, v10;
	v25 =	vadd.f32 v28, v25;
	v43 =	vld [tilespmem:s31+$0x19110]  }
0x1c2: {  	v45 =	vld [tilespmem:s31+$0x19190];
	v8 =	vadd.f32 v40, v8;
	v47 =	vadd.f32 v20, v18  }
0x1c3: {  	v48 =	vld [tilespmem:s31+$0x19210];
	v0 =	vadd.f32 v0, v1;
	v13 =	vadd.f32 v13, v25  }
0x1c4: {  	v50 =	vld [tilespmem:s31+$0x19290];
	v2 =	vadd.f32 v8, v2;
	v10 =	vadd.f32 v47, v10  }
0x1c5: {  	v52 =	vld [tilespmem:s31+$0x19310];
	v0 =	vadd.f32 v0, v3;
	v39 =	vshll.u32 v22, $0x10;
	v42 =	vshll.u32 v27, $0x10  }
0x1c6: {  	v54 =	vld [tilespmem:s31+$0x19390];
	v44 =	vshll.u32 v31, $0x10;
	v46 =	vshll.u32 v16, $0x10;
	v49 =	vshll.u32 v34, $0x10  }
0x1c7: {  	v56 =	vld [tilespmem:s31+$0x19410];
	v51 =	vshll.u32 v36, $0x10;
	v53 =	vshll.u32 v37, $0x10;
	v55 =	vshll.u32 v38, $0x10  }
0x1c8: {  	v57 =	vshll.u32 v41, $0x10;
	v10 =	vadd.f32 v13, v10;
	v0 =	vadd.f32 v0, v2  }
0x1c9: {  	s0 =	sshll.u32 s0, $0x7;
	v58 =	vshll.u32 v43, $0x10;
	v32 =	vadd.f32 v27, v22;
	v16 =	vadd.f32 v16, v31  }
0x1ca: {  	s0 =	sand.u32 $0x3FFFFF80, s0;
	v59 =	vshll.u32 v45, $0x10;
	v33 =	vadd.f32 v36, v34;
	v5 =	vadd.f32 v38, v37  }
0x1cb: {  	v60 =	vshll.u32 v48, $0x10;
	v7 =	vadd.f32 v43, v41;
	v6 =	vadd.f32 v48, v45;
	[tilespmem:s0+$0x1D480] =	vst v10  }
0x1cc: {  	v61 =	vshll.u32 v50, $0x10;
	v11 =	vadd.f32 v52, v50;
	v1 =	vadd.f32 v56, v54;
	[tilespmem:s0+$0x1D880] =	vst v0  }
0x1cd: {  	v62 =	vshll.u32 v52, $0x10;
	v17 =	vadd.f32 v42, v39;
	v9 =	vadd.f32 v46, v44;
	v13 =	vld [tilespmem:s30+$0x18C90]  }
0x1ce: {  	v63 =	vshll.u32 v54, $0x10;
	v24 =	vadd.f32 v51, v49;
	v4 =	vadd.f32 v55, v53;
	v10 =	vld [tilespmem:s30+$0x18D10]  }
0x1cf: {  	v28 =	vshll.u32 v56, $0x10;
	v3 =	vadd.f32 v58, v57;
	v8 =	vadd.f32 v60, v59;
	v21 =	vld [tilespmem:s30+$0x18D90]  }
0x1d0: {  	v2 =	vadd.f32 v62, v61;
	v0 =	vadd.f32 v28, v63;
	v34 =	vld [tilespmem:s30+$0x18E10]  }
0x1d1: {  	v37 =	vadd.f32 v16, v32;
	v5 =	vadd.f32 v5, v33;
	v14 =	vld [tilespmem:s30+$0x18E90]  }
0x1d2: {  	v6 =	vadd.f32 v6, v7;
	v1 =	vadd.f32 v1, v11;
	v15 =	vld [tilespmem:s30+$0x18F10]  }
0x1d3: {  	v9 =	vadd.f32 v9, v17;
	v4 =	vadd.f32 v4, v24;
	v35 =	vld [tilespmem:s30+$0x18F90]  }
0x1d4: {  	v3 =	vadd.f32 v8, v3;
	v36 =	vld [tilespmem:s30+$0x19010];
	v0 =	vadd.f32 v0, v2  }
0x1d5: {  	v38 =	vld [tilespmem:s30+$0x19090];
	v5 =	vadd.f32 v5, v37;
	v1 =	vadd.f32 v1, v6  }
0x1d6: {  	v39 =	vld [tilespmem:s30+$0x19110];
	v4 =	vadd.f32 v4, v9;
	v0 =	vadd.f32 v0, v3  }
0x1d7: {  	v40 =	vld [tilespmem:s30+$0x19190]  }
0x1d8: {  	v41 =	vld [tilespmem:s30+$0x19210];
	v1 =	vadd.f32 v1, v5;
	v0 =	vadd.f32 v0, v4  }
0x1d9: {  	v42 =	vld [tilespmem:s30+$0x19290];
	v44 =	vshll.u32 v13, $0x10;
	v46 =	vshll.u32 v10, $0x10;
	v47 =	vshll.u32 v21, $0x10  }
0x1da: {  	v43 =	vld [tilespmem:s30+$0x19310];
	v48 =	vshll.u32 v34, $0x10;
	v50 =	vshll.u32 v14, $0x10;
	v51 =	vshll.u32 v15, $0x10  }
0x1db: {  	v45 =	vld [tilespmem:s30+$0x19390];
	[tilespmem:s29+$0x1D890] =	vst v1;
	v52 =	vshll.u32 v35, $0x10;
	v53 =	vshll.u32 v36, $0x10;
	v54 =	vshll.u32 v38, $0x10  }
0x1dc: {  	v49 =	vld [tilespmem:s30+$0x19410];
	v55 =	vshll.u32 v39, $0x10;
	v10 =	vadd.f32 v10, v13;
	v32 =	vadd.f32 v34, v21;
	[tilespmem:s29+$0x1D490] =	vst v0  }
0x1dd: {  	v56 =	vshll.u32 v40, $0x10;
	v14 =	vadd.f32 v15, v14;
	v2 =	vadd.f32 v36, v35;
	v22 =	vld [tilespmem:s31+$0x18CA0]  }
0x1de: {  	v57 =	vshll.u32 v41, $0x10;
	v7 =	vadd.f32 v39, v38;
	v3 =	vadd.f32 v41, v40;
	v27 =	vld [tilespmem:s31+$0x18D20]  }
0x1df: {  	v58 =	vshll.u32 v42, $0x10;
	v4 =	vadd.f32 v43, v42;
	v8 =	vadd.f32 v46, v44;
	v31 =	vld [tilespmem:s31+$0x18DA0]  }
0x1e0: {  	v59 =	vshll.u32 v43, $0x10;
	v11 =	vadd.f32 v48, v47;
	v18 =	vadd.f32 v51, v50;
	v17 =	vld [tilespmem:s31+$0x18E20]  }
0x1e1: {  	v60 =	vshll.u32 v45, $0x10;
	v20 =	vadd.f32 v53, v52;
	v25 =	vadd.f32 v55, v54;
	v24 =	vld [tilespmem:s31+$0x18EA0]  }
0x1e2: {  	v61 =	vshll.u32 v49, $0x10;
	v28 =	vadd.f32 v57, v56;
	v9 =	vadd.f32 v59, v58;
	v62 =	vld [tilespmem:s31+$0x18F20]  }
0x1e3: {  	v19 =	vadd.f32 v61, v60;
	v0 =	vadd.f32 v49, v45;
	v63 =	vld [tilespmem:s31+$0x18FA0]  }
0x1e4: {  	v10 =	vadd.f32 v32, v10;
	v2 =	vadd.f32 v2, v14;
	v33 =	vld [tilespmem:s31+$0x19020]  }
0x1e5: {  	v35 =	vld [tilespmem:s31+$0x190A0];
	v8 =	vadd.f32 v11, v8;
	v41 =	vadd.f32 v20, v18  }
0x1e6: {  	v37 =	vld [tilespmem:s31+$0x19120];
	v25 =	vadd.f32 v28, v25;
	v9 =	vadd.f32 v19, v9  }
0x1e7: {  	v3 =	vadd.f32 v3, v7;
	v39 =	vld [tilespmem:s31+$0x191A0];
	v0 =	vadd.f32 v0, v4  }
0x1e8: {  	v42 =	vld [tilespmem:s31+$0x19220];
	v8 =	vadd.f32 v41, v8;
	v9 =	vadd.f32 v9, v25  }
0x1e9: {  	v44 =	vld [tilespmem:s31+$0x192A0];
	v2 =	vadd.f32 v2, v10  }
0x1ea: {  	v46 =	vld [tilespmem:s31+$0x19320];
	v0 =	vadd.f32 v0, v3;
	v8 =	vadd.f32 v9, v8;
	v34 =	vshll.u32 v22, $0x10  }
0x1eb: {  	v48 =	vld [tilespmem:s31+$0x193A0];
	v36 =	vshll.u32 v27, $0x10;
	v38 =	vshll.u32 v31, $0x10;
	v40 =	vshll.u32 v17, $0x10  }
0x1ec: {  	v50 =	vld [tilespmem:s31+$0x19420];
	v43 =	vshll.u32 v24, $0x10;
	v45 =	vshll.u32 v62, $0x10;
	v47 =	vshll.u32 v63, $0x10  }
0x1ed: {  	v49 =	vshll.u32 v33, $0x10;
	v51 =	vshll.u32 v35, $0x10;
	v0 =	vadd.f32 v0, v2  }
0x1ee: {  	v52 =	vshll.u32 v37, $0x10;
	v60 =	vadd.f32 v27, v22;
	v17 =	vadd.f32 v17, v31  }
0x1ef: {  	v53 =	vshll.u32 v39, $0x10;
	v62 =	vadd.f32 v62, v24;
	v21 =	vadd.f32 v33, v63;
	[tilespmem:s0+$0x1D490] =	vst v8  }
0x1f0: {  	v54 =	vshll.u32 v42, $0x10;
	v6 =	vadd.f32 v37, v35;
	v1 =	vadd.f32 v42, v39;
	[tilespmem:s0+$0x1D890] =	vst v0  }
0x1f1: {  	v55 =	vshll.u32 v44, $0x10;
	v13 =	vadd.f32 v46, v44;
	v4 =	vadd.f32 v50, v48;
	v10 =	vld [tilespmem:s30+$0x18CA0]  }
0x1f2: {  	v56 =	vshll.u32 v46, $0x10;
	v15 =	vadd.f32 v36, v34;
	v5 =	vadd.f32 v40, v38;
	v8 =	vld [tilespmem:s30+$0x18D20]  }
0x1f3: {  	v57 =	vshll.u32 v48, $0x10;
	v58 =	vadd.f32 v45, v43;
	v7 =	vadd.f32 v49, v47;
	v61 =	vld [tilespmem:s30+$0x18DA0]  }
0x1f4: {  	v59 =	vshll.u32 v50, $0x10;
	v3 =	vadd.f32 v52, v51;
	v9 =	vadd.f32 v54, v53;
	v63 =	vld [tilespmem:s30+$0x18E20]  }
0x1f5: {  	v2 =	vadd.f32 v56, v55;
	v0 =	vadd.f32 v59, v57;
	v12 =	vld [tilespmem:s30+$0x18EA0]  }
0x1f6: {  	v33 =	vadd.f32 v17, v60;
	v34 =	vadd.f32 v21, v62;
	v11 =	vld [tilespmem:s30+$0x18F20]  }
0x1f7: {  	v1 =	vadd.f32 v1, v6;
	v5 =	vadd.f32 v5, v15;
	v15 =	vld [tilespmem:s30+$0x18FA0]  }
0x1f8: {  	v4 =	vadd.f32 v4, v13;
	v7 =	vadd.f32 v7, v58;
	v35 =	vld [tilespmem:s30+$0x190A0]  }
0x1f9: {  	v3 =	vadd.f32 v9, v3;
	v36 =	vld [tilespmem:s30+$0x19120];
	v0 =	vadd.f32 v0, v2  }
0x1fa: {  	v37 =	vld [tilespmem:s30+$0x191A0];
	v38 =	vadd.f32 v34, v33;
	v1 =	vadd.f32 v4, v1  }
0x1fb: {  	v39 =	vld [tilespmem:s30+$0x19220];
	v5 =	vadd.f32 v7, v5;
	v0 =	vadd.f32 v0, v3  }
0x1fc: {  	v40 =	vld [tilespmem:s30+$0x192A0];
	v1 =	vadd.f32 v1, v38  }
0x1fd: {  	v41 =	vld [tilespmem:s30+$0x19320];
	v0 =	vadd.f32 v0, v5;
	v42 =	vshll.u32 v10, $0x10;
	v44 =	vshll.u32 v8, $0x10  }
0x1fe: {  	v43 =	vld [tilespmem:s30+$0x193A0];
	v45 =	vshll.u32 v61, $0x10;
	v46 =	vshll.u32 v63, $0x10;
	v48 =	vshll.u32 v12, $0x10  }
0x1ff: {  	v47 =	vld [tilespmem:s30+$0x19420];
	[tilespmem:s29+$0x1D8A0] =	vst v1;
	v49 =	vshll.u32 v11, $0x10;
	v50 =	vshll.u32 v15, $0x10;
	v52 =	vshll.u32 v35, $0x10  }
0x200: {  	v2 =	vld [tilespmem:s30+$0x19020];
	v53 =	vshll.u32 v36, $0x10;
	v54 =	vshll.u32 v37, $0x10;
	v8 =	vadd.f32 v8, v10;
	[tilespmem:s29+$0x1D4A0] =	vst v0  }
0x201: {  	v55 =	vshll.u32 v39, $0x10;
	v61 =	vadd.f32 v63, v61;
	v11 =	vadd.f32 v11, v12;
	v22 =	vld [tilespmem:s31+$0x18CB0]  }
0x202: {  	v56 =	vshll.u32 v40, $0x10;
	v6 =	vadd.f32 v36, v35;
	v3 =	vadd.f32 v39, v37;
	v27 =	vld [tilespmem:s31+$0x18D30]  }
0x203: {  	v57 =	vshll.u32 v41, $0x10;
	v5 =	vadd.f32 v41, v40;
	v9 =	vadd.f32 v44, v42;
	v31 =	vld [tilespmem:s31+$0x18DB0]  }
0x204: {  	v58 =	vshll.u32 v43, $0x10;
	v14 =	vadd.f32 v46, v45;
	v18 =	vadd.f32 v49, v48;
	v17 =	vld [tilespmem:s31+$0x18E30]  }
0x205: {  	v59 =	vshll.u32 v47, $0x10;
	v25 =	vadd.f32 v53, v52;
	v28 =	vadd.f32 v55, v54;
	v24 =	vld [tilespmem:s31+$0x18EB0]  }
0x206: {  	v51 =	vshll.u32 v2, $0x10;
	v13 =	vadd.f32 v57, v56;
	v19 =	vadd.f32 v59, v58;
	v60 =	vld [tilespmem:s31+$0x18F30]  }
0x207: {  	v2 =	vadd.f32 v2, v15;
	v21 =	vadd.f32 v51, v50;
	v26 =	vld [tilespmem:s31+$0x18FB0]  }
0x208: {  	v0 =	vadd.f32 v47, v43;
	v8 =	vadd.f32 v61, v8;
	v62 =	vld [tilespmem:s31+$0x19030]  }
0x209: {  	v3 =	vadd.f32 v3, v6;
	v33 =	vld [tilespmem:s31+$0x190B0];
	v9 =	vadd.f32 v14, v9  }
0x20a: {  	v35 =	vld [tilespmem:s31+$0x19130];
	v25 =	vadd.f32 v28, v25;
	v13 =	vadd.f32 v19, v13  }
0x20b: {  	v37 =	vld [tilespmem:s31+$0x191B0];
	v2 =	vadd.f32 v2, v11;
	v39 =	vadd.f32 v21, v18  }
0x20c: {  	v40 =	vld [tilespmem:s31+$0x19230];
	v0 =	vadd.f32 v0, v5;
	v13 =	vadd.f32 v13, v25  }
0x20d: {  	v42 =	vld [tilespmem:s31+$0x192B0];
	v2 =	vadd.f32 v2, v8;
	v9 =	vadd.f32 v39, v9  }
0x20e: {  	v44 =	vld [tilespmem:s31+$0x19330];
	v0 =	vadd.f32 v0, v3;
	v63 =	vshll.u32 v22, $0x10;
	v34 =	vshll.u32 v27, $0x10  }
0x20f: {  	v46 =	vld [tilespmem:s31+$0x193B0];
	v36 =	vshll.u32 v31, $0x10;
	v38 =	vshll.u32 v17, $0x10;
	v41 =	vshll.u32 v24, $0x10  }
0x210: {  	v48 =	vld [tilespmem:s31+$0x19430];
	v43 =	vshll.u32 v60, $0x10;
	v45 =	vshll.u32 v26, $0x10;
	v47 =	vshll.u32 v62, $0x10  }
0x211: {  	v49 =	vshll.u32 v33, $0x10;
	v9 =	vadd.f32 v13, v9;
	v0 =	vadd.f32 v0, v2  }
0x212: {  	v50 =	vshll.u32 v35, $0x10;
	v58 =	vadd.f32 v27, v22;
	v17 =	vadd.f32 v17, v31  }
0x213: {  	v51 =	vshll.u32 v37, $0x10;
	v60 =	vadd.f32 v60, v24;
	v20 =	vadd.f32 v62, v26  }
0x214: {  	v52 =	vshll.u32 v40, $0x10;
	v4 =	vadd.f32 v35, v33;
	v1 =	vadd.f32 v40, v37;
	[tilespmem:s0+$0x1D4A0] =	vst v9  }
0x215: {  	v53 =	vshll.u32 v42, $0x10;
	v10 =	vadd.f32 v44, v42;
	v5 =	vadd.f32 v48, v46;
	[tilespmem:s0+$0x1D8A0] =	vst v0  }
0x216: {  	v54 =	vshll.u32 v44, $0x10;
	v15 =	vadd.f32 v34, v63;
	v7 =	vadd.f32 v38, v36;
	v11 =	vld [tilespmem:s30+$0x18CB0]  }
0x217: {  	v55 =	vshll.u32 v46, $0x10;
	v56 =	vadd.f32 v43, v41;
	v6 =	vadd.f32 v47, v45;
	v9 =	vld [tilespmem:s30+$0x18D30]  }
0x218: {  	v57 =	vshll.u32 v48, $0x10;
	v3 =	vadd.f32 v50, v49;
	v8 =	vadd.f32 v52, v51;
	v59 =	vld [tilespmem:s30+$0x18DB0]  }
0x219: {  	v2 =	vadd.f32 v54, v53;
	v0 =	vadd.f32 v57, v55;
	v61 =	vld [tilespmem:s30+$0x18E30]  }
0x21a: {  	v30 =	vadd.f32 v17, v58;
	v31 =	vadd.f32 v20, v60;
	v12 =	vld [tilespmem:s30+$0x18EB0]  }
0x21b: {  	v1 =	vadd.f32 v1, v4;
	v32 =	vadd.f32 v5, v10;
	v14 =	vld [tilespmem:s30+$0x18F30]  }
0x21c: {  	v7 =	vadd.f32 v7, v15;
	v6 =	vadd.f32 v6, v56;
	v62 =	vld [tilespmem:s30+$0x18FB0]  }
0x21d: {  	v3 =	vadd.f32 v8, v3;
	v63 =	vld [tilespmem:s30+$0x19030];
	v0 =	vadd.f32 v0, v2  }
0x21e: {  	v16 =	vld [tilespmem:s30+$0x190B0];
	v35 =	vadd.f32 v31, v30;
	v1 =	vadd.f32 v32, v1  }
0x21f: {  	v33 =	vld [tilespmem:s30+$0x19130];
	v6 =	vadd.f32 v6, v7;
	v0 =	vadd.f32 v0, v3  }
0x220: {  	v34 =	vld [tilespmem:s30+$0x191B0]  }
0x221: {  	v36 =	vld [tilespmem:s30+$0x19230];
	v1 =	vadd.f32 v1, v35;
	v0 =	vadd.f32 v0, v6  }
0x222: {  	v37 =	vld [tilespmem:s30+$0x192B0];
	v39 =	vshll.u32 v11, $0x10;
	v41 =	vshll.u32 v9, $0x10;
	v42 =	vshll.u32 v59, $0x10  }
0x223: {  	v38 =	vld [tilespmem:s30+$0x19330];
	v43 =	vshll.u32 v61, $0x10;
	v45 =	vshll.u32 v12, $0x10;
	v46 =	vshll.u32 v14, $0x10  }
0x224: {  	v40 =	vld [tilespmem:s30+$0x193B0];
	[tilespmem:s29+$0x1D8B0] =	vst v1;
	v47 =	vshll.u32 v62, $0x10;
	v48 =	vshll.u32 v63, $0x10;
	v49 =	vshll.u32 v16, $0x10  }
0x225: {  	v44 =	vld [tilespmem:s30+$0x19430];
	v50 =	vshll.u32 v33, $0x10;
	v9 =	vadd.f32 v9, v11;
	v59 =	vadd.f32 v61, v59;
	[tilespmem:s29+$0x1D4B0] =	vst v0  }
0x226: {  	v51 =	vshll.u32 v34, $0x10;
	v12 =	vadd.f32 v14, v12;
	v2 =	vadd.f32 v63, v62;
	v22 =	vld [tilespmem:s31+$0x18CC0]  }
0x227: {  	v52 =	vshll.u32 v36, $0x10;
	v5 =	vadd.f32 v33, v16;
	v3 =	vadd.f32 v36, v34;
	v27 =	vld [tilespmem:s31+$0x18D40]  }
0x228: {  	v53 =	vshll.u32 v37, $0x10;
	v6 =	vadd.f32 v38, v37;
	v8 =	vadd.f32 v41, v39;
	v31 =	vld [tilespmem:s31+$0x18DC0]  }
0x229: {  	v54 =	vshll.u32 v38, $0x10;
	v13 =	vadd.f32 v43, v42;
	v18 =	vadd.f32 v46, v45;
	v17 =	vld [tilespmem:s31+$0x18E40]  }
0x22a: {  	v55 =	vshll.u32 v40, $0x10;
	v20 =	vadd.f32 v48, v47;
	v25 =	vadd.f32 v50, v49;
	v24 =	vld [tilespmem:s31+$0x18EC0]  }
0x22b: {  	v56 =	vshll.u32 v44, $0x10;
	v28 =	vadd.f32 v52, v51;
	v10 =	vadd.f32 v54, v53;
	v57 =	vld [tilespmem:s31+$0x18F40]  }
0x22c: {  	v19 =	vadd.f32 v56, v55;
	v0 =	vadd.f32 v44, v40;
	v58 =	vld [tilespmem:s31+$0x18FC0]  }
0x22d: {  	v9 =	vadd.f32 v59, v9;
	v2 =	vadd.f32 v2, v12;
	v60 =	vld [tilespmem:s31+$0x19040]  }
0x22e: {  	v62 =	vld [tilespmem:s31+$0x190C0];
	v8 =	vadd.f32 v13, v8;
	v37 =	vadd.f32 v20, v18  }
0x22f: {  	v33 =	vld [tilespmem:s31+$0x19140];
	v25 =	vadd.f32 v28, v25;
	v10 =	vadd.f32 v19, v10  }
0x230: {  	v3 =	vadd.f32 v3, v5;
	v35 =	vld [tilespmem:s31+$0x191C0];
	v0 =	vadd.f32 v0, v6  }
0x231: {  	v38 =	vld [tilespmem:s31+$0x19240];
	v8 =	vadd.f32 v37, v8;
	v10 =	vadd.f32 v10, v25  }
0x232: {  	v40 =	vld [tilespmem:s31+$0x192C0];
	v2 =	vadd.f32 v2, v9  }
0x233: {  	v42 =	vld [tilespmem:s31+$0x19340];
	v0 =	vadd.f32 v0, v3;
	v8 =	vadd.f32 v10, v8;
	v61 =	vshll.u32 v22, $0x10  }
0x234: {  	v44 =	vld [tilespmem:s31+$0x193C0];
	v63 =	vshll.u32 v27, $0x10;
	v34 =	vshll.u32 v31, $0x10;
	v36 =	vshll.u32 v17, $0x10  }
0x235: {  	v46 =	vld [tilespmem:s31+$0x19440];
	v39 =	vshll.u32 v24, $0x10;
	v41 =	vshll.u32 v57, $0x10;
	v43 =	vshll.u32 v58, $0x10  }
0x236: {  	v45 =	vshll.u32 v60, $0x10;
	v47 =	vshll.u32 v62, $0x10;
	v0 =	vadd.f32 v0, v2  }
0x237: {  	v48 =	vshll.u32 v33, $0x10;
	v56 =	vadd.f32 v27, v22;
	v17 =	vadd.f32 v17, v31  }
0x238: {  	v49 =	vshll.u32 v35, $0x10;
	v57 =	vadd.f32 v57, v24;
	v21 =	vadd.f32 v60, v58;
	[tilespmem:s0+$0x1D4B0] =	vst v8  }
0x239: {  	v50 =	vshll.u32 v38, $0x10;
	v4 =	vadd.f32 v33, v62;
	v1 =	vadd.f32 v38, v35;
	[tilespmem:s0+$0x1D8B0] =	vst v0  }
0x23a: {  	v51 =	vshll.u32 v40, $0x10;
	v11 =	vadd.f32 v42, v40;
	v5 =	vadd.f32 v46, v44;
	v10 =	vld [tilespmem:s30+$0x18CC0]  }
0x23b: {  	v52 =	vshll.u32 v42, $0x10;
	v15 =	vadd.f32 v63, v61;
	v7 =	vadd.f32 v36, v34;
	v8 =	vld [tilespmem:s30+$0x18D40]  }
0x23c: {  	v53 =	vshll.u32 v44, $0x10;
	v54 =	vadd.f32 v41, v39;
	v6 =	vadd.f32 v45, v43;
	v20 =	vld [tilespmem:s30+$0x18DC0]  }
0x23d: {  	v55 =	vshll.u32 v46, $0x10;
	v3 =	vadd.f32 v48, v47;
	v9 =	vadd.f32 v50, v49;
	v58 =	vld [tilespmem:s30+$0x18E40]  }
0x23e: {  	v2 =	vadd.f32 v52, v51;
	v0 =	vadd.f32 v55, v53;
	v14 =	vld [tilespmem:s30+$0x18EC0]  }
0x23f: {  	v59 =	vadd.f32 v17, v56;
	v60 =	vadd.f32 v21, v57;
	v13 =	vld [tilespmem:s30+$0x18F40]  }
0x240: {  	v1 =	vadd.f32 v1, v4;
	v7 =	vadd.f32 v7, v15;
	v15 =	vld [tilespmem:s30+$0x18FC0]  }
0x241: {  	v61 =	vadd.f32 v5, v11;
	v6 =	vadd.f32 v6, v54;
	v16 =	vld [tilespmem:s30+$0x190C0]  }
0x242: {  	v3 =	vadd.f32 v9, v3;
	v62 =	vld [tilespmem:s30+$0x19140];
	v0 =	vadd.f32 v0, v2  }
0x243: {  	v63 =	vld [tilespmem:s30+$0x191C0];
	v33 =	vadd.f32 v60, v59;
	v1 =	vadd.f32 v61, v1  }
0x244: {  	v34 =	vld [tilespmem:s30+$0x19240];
	v6 =	vadd.f32 v6, v7;
	v0 =	vadd.f32 v0, v3  }
0x245: {  	v35 =	vld [tilespmem:s30+$0x192C0];
	v1 =	vadd.f32 v1, v33  }
0x246: {  	v36 =	vld [tilespmem:s30+$0x19340];
	v0 =	vadd.f32 v0, v6;
	v37 =	vshll.u32 v10, $0x10;
	v39 =	vshll.u32 v8, $0x10  }
0x247: {  	v38 =	vld [tilespmem:s30+$0x193C0];
	v40 =	vshll.u32 v20, $0x10;
	v41 =	vshll.u32 v58, $0x10;
	v43 =	vshll.u32 v14, $0x10  }
0x248: {  	v42 =	vld [tilespmem:s30+$0x19440];
	[tilespmem:s29+$0x1D8C0] =	vst v1;
	v44 =	vshll.u32 v13, $0x10;
	v45 =	vshll.u32 v15, $0x10;
	v47 =	vshll.u32 v16, $0x10  }
0x249: {  	v2 =	vld [tilespmem:s30+$0x19040];
	v48 =	vshll.u32 v62, $0x10;
	v49 =	vshll.u32 v63, $0x10;
	v8 =	vadd.f32 v8, v10;
	[tilespmem:s29+$0x1D4C0] =	vst v0  }
0x24a: {  	v50 =	vshll.u32 v34, $0x10;
	v57 =	vadd.f32 v58, v20;
	v13 =	vadd.f32 v13, v14;
	v22 =	vld [tilespmem:s31+$0x18CD0]  }
0x24b: {  	v51 =	vshll.u32 v35, $0x10;
	v5 =	vadd.f32 v62, v16;
	v3 =	vadd.f32 v34, v63;
	v27 =	vld [tilespmem:s31+$0x18D50]  }
0x24c: {  	v52 =	vshll.u32 v36, $0x10;
	v6 =	vadd.f32 v36, v35;
	v9 =	vadd.f32 v39, v37;
	v31 =	vld [tilespmem:s31+$0x18DD0]  }
0x24d: {  	v53 =	vshll.u32 v38, $0x10;
	v12 =	vadd.f32 v41, v40;
	v18 =	vadd.f32 v44, v43;
	v17 =	vld [tilespmem:s31+$0x18E50]  }
0x24e: {  	v54 =	vshll.u32 v42, $0x10;
	v25 =	vadd.f32 v48, v47;
	v28 =	vadd.f32 v50, v49;
	v24 =	vld [tilespmem:s31+$0x18ED0]  }
0x24f: {  	v46 =	vshll.u32 v2, $0x10;
	v11 =	vadd.f32 v52, v51;
	v19 =	vadd.f32 v54, v53;
	v55 =	vld [tilespmem:s31+$0x18F50]  }
0x250: {  	v2 =	vadd.f32 v2, v15;
	v21 =	vadd.f32 v46, v45;
	v56 =	vld [tilespmem:s31+$0x18FD0]  }
0x251: {  	v0 =	vadd.f32 v42, v38;
	v8 =	vadd.f32 v57, v8;
	v58 =	vld [tilespmem:s31+$0x19050]  }
0x252: {  	v3 =	vadd.f32 v3, v5;
	v60 =	vld [tilespmem:s31+$0x190D0];
	v9 =	vadd.f32 v12, v9  }
0x253: {  	v62 =	vld [tilespmem:s31+$0x19150];
	v25 =	vadd.f32 v28, v25;
	v11 =	vadd.f32 v19, v11  }
0x254: {  	v33 =	vld [tilespmem:s31+$0x191D0];
	v2 =	vadd.f32 v2, v13;
	v35 =	vadd.f32 v21, v18  }
0x255: {  	v36 =	vld [tilespmem:s31+$0x19250];
	v0 =	vadd.f32 v0, v6;
	v11 =	vadd.f32 v11, v25  }
0x256: {  	v38 =	vld [tilespmem:s31+$0x192D0];
	v2 =	vadd.f32 v2, v8;
	v9 =	vadd.f32 v35, v9  }
0x257: {  	v40 =	vld [tilespmem:s31+$0x19350];
	v0 =	vadd.f32 v0, v3;
	v59 =	vshll.u32 v22, $0x10;
	v61 =	vshll.u32 v27, $0x10  }
0x258: {  	v42 =	vld [tilespmem:s31+$0x193D0];
	v63 =	vshll.u32 v31, $0x10;
	v34 =	vshll.u32 v17, $0x10;
	v37 =	vshll.u32 v24, $0x10  }
0x259: {  	v44 =	vld [tilespmem:s31+$0x19450];
	v39 =	vshll.u32 v55, $0x10;
	v41 =	vshll.u32 v56, $0x10;
	v43 =	vshll.u32 v58, $0x10  }
0x25a: {  	v45 =	vshll.u32 v60, $0x10;
	v9 =	vadd.f32 v11, v9;
	v0 =	vadd.f32 v0, v2  }
0x25b: {  	v46 =	vshll.u32 v62, $0x10;
	v54 =	vadd.f32 v27, v22;
	v17 =	vadd.f32 v17, v31  }
0x25c: {  	v47 =	vshll.u32 v33, $0x10;
	v55 =	vadd.f32 v55, v24;
	v20 =	vadd.f32 v58, v56;
	[tilespmem:s0+$0x1D4C0] =	vst v9  }
0x25d: {  	v48 =	vshll.u32 v36, $0x10;
	v4 =	vadd.f32 v62, v60;
	v1 =	vadd.f32 v36, v33;
	[tilespmem:s0+$0x1D8C0] =	vst v0  }
0x25e: {  	v49 =	vshll.u32 v38, $0x10;
	v10 =	vadd.f32 v40, v38;
	v5 =	vadd.f32 v44, v42;
	v11 =	vld [tilespmem:s30+$0x18CD0]  }
0x25f: {  	v50 =	vshll.u32 v40, $0x10;
	v15 =	vadd.f32 v61, v59;
	v7 =	vadd.f32 v34, v63;
	v9 =	vld [tilespmem:s30+$0x18D50]  }
0x260: {  	v51 =	vshll.u32 v42, $0x10;
	v52 =	vadd.f32 v39, v37;
	v6 =	vadd.f32 v43, v41;
	v21 =	vld [tilespmem:s30+$0x18DD0]  }
0x261: {  	v53 =	vshll.u32 v44, $0x10;
	v3 =	vadd.f32 v46, v45;
	v8 =	vadd.f32 v48, v47;
	v56 =	vld [tilespmem:s30+$0x18E50]  }
0x262: {  	v2 =	vadd.f32 v50, v49;
	v0 =	vadd.f32 v53, v51;
	v14 =	vld [tilespmem:s30+$0x18ED0]  }
0x263: {  	v57 =	vadd.f32 v17, v54;
	v58 =	vadd.f32 v20, v55;
	v12 =	vld [tilespmem:s30+$0x18F50]  }
0x264: {  	v1 =	vadd.f32 v1, v4;
	v7 =	vadd.f32 v7, v15;
	v15 =	vld [tilespmem:s30+$0x18FD0]  }
0x265: {  	v59 =	vadd.f32 v5, v10;
	v6 =	vadd.f32 v6, v52;
	v16 =	vld [tilespmem:s30+$0x190D0]  }
0x266: {  	v3 =	vadd.f32 v8, v3;
	v60 =	vld [tilespmem:s30+$0x19150];
	v0 =	vadd.f32 v0, v2  }
0x267: {  	v61 =	vld [tilespmem:s30+$0x191D0];
	v62 =	vadd.f32 v58, v57;
	v1 =	vadd.f32 v59, v1  }
0x268: {  	v63 =	vld [tilespmem:s30+$0x19250];
	v6 =	vadd.f32 v6, v7;
	v0 =	vadd.f32 v0, v3  }
0x269: {  	v33 =	vld [tilespmem:s30+$0x192D0];
	v1 =	vadd.f32 v1, v62  }
0x26a: {  	v34 =	vld [tilespmem:s30+$0x19350];
	v0 =	vadd.f32 v0, v6;
	v35 =	vshll.u32 v11, $0x10;
	v37 =	vshll.u32 v9, $0x10  }
0x26b: {  	v36 =	vld [tilespmem:s30+$0x193D0];
	v38 =	vshll.u32 v21, $0x10;
	v39 =	vshll.u32 v56, $0x10;
	v41 =	vshll.u32 v14, $0x10  }
0x26c: {  	v40 =	vld [tilespmem:s30+$0x19450];
	[tilespmem:s29+$0x1D8D0] =	vst v1;
	v42 =	vshll.u32 v12, $0x10;
	v43 =	vshll.u32 v15, $0x10;
	v45 =	vshll.u32 v16, $0x10  }
0x26d: {  	v2 =	vld [tilespmem:s30+$0x19050];
	v46 =	vshll.u32 v60, $0x10;
	v47 =	vshll.u32 v61, $0x10;
	v9 =	vadd.f32 v9, v11;
	[tilespmem:s29+$0x1D4D0] =	vst v0  }
0x26e: {  	v48 =	vshll.u32 v63, $0x10;
	v55 =	vadd.f32 v56, v21;
	v12 =	vadd.f32 v12, v14;
	v22 =	vld [tilespmem:s31+$0x18CE0]  }
0x26f: {  	v49 =	vshll.u32 v33, $0x10;
	v5 =	vadd.f32 v60, v16;
	v3 =	vadd.f32 v63, v61;
	v27 =	vld [tilespmem:s31+$0x18D60]  }
0x270: {  	v50 =	vshll.u32 v34, $0x10;
	v6 =	vadd.f32 v34, v33;
	v8 =	vadd.f32 v37, v35;
	v31 =	vld [tilespmem:s31+$0x18DE0]  }
0x271: {  	v51 =	vshll.u32 v36, $0x10;
	v13 =	vadd.f32 v39, v38;
	v18 =	vadd.f32 v42, v41;
	v17 =	vld [tilespmem:s31+$0x18E60]  }
0x272: {  	v52 =	vshll.u32 v40, $0x10;
	v25 =	vadd.f32 v46, v45;
	v28 =	vadd.f32 v48, v47;
	v24 =	vld [tilespmem:s31+$0x18EE0]  }
0x273: {  	v44 =	vshll.u32 v2, $0x10;
	v10 =	vadd.f32 v50, v49;
	v19 =	vadd.f32 v52, v51;
	v53 =	vld [tilespmem:s31+$0x18F60]  }
0x274: {  	v2 =	vadd.f32 v2, v15;
	v20 =	vadd.f32 v44, v43;
	v54 =	vld [tilespmem:s31+$0x18FE0]  }
0x275: {  	v0 =	vadd.f32 v40, v36;
	v9 =	vadd.f32 v55, v9;
	v56 =	vld [tilespmem:s31+$0x19060]  }
0x276: {  	v3 =	vadd.f32 v3, v5;
	v58 =	vld [tilespmem:s31+$0x190E0];
	v8 =	vadd.f32 v13, v8  }
0x277: {  	v60 =	vld [tilespmem:s31+$0x19160];
	v25 =	vadd.f32 v28, v25;
	v10 =	vadd.f32 v19, v10  }
0x278: {  	v62 =	vld [tilespmem:s31+$0x191E0];
	v2 =	vadd.f32 v2, v12;
	v33 =	vadd.f32 v20, v18  }
0x279: {  	v34 =	vld [tilespmem:s31+$0x19260];
	v0 =	vadd.f32 v0, v6;
	v10 =	vadd.f32 v10, v25  }
0x27a: {  	v36 =	vld [tilespmem:s31+$0x192E0];
	v2 =	vadd.f32 v2, v9;
	v8 =	vadd.f32 v33, v8  }
0x27b: {  	v38 =	vld [tilespmem:s31+$0x19360];
	v0 =	vadd.f32 v0, v3;
	v57 =	vshll.u32 v22, $0x10;
	v59 =	vshll.u32 v27, $0x10  }
0x27c: {  	v40 =	vld [tilespmem:s31+$0x193E0];
	v61 =	vshll.u32 v31, $0x10;
	v63 =	vshll.u32 v17, $0x10;
	v35 =	vshll.u32 v24, $0x10  }
0x27d: {  	v42 =	vld [tilespmem:s31+$0x19460];
	v37 =	vshll.u32 v53, $0x10;
	v39 =	vshll.u32 v54, $0x10;
	v41 =	vshll.u32 v56, $0x10  }
0x27e: {  	v43 =	vshll.u32 v58, $0x10;
	v8 =	vadd.f32 v10, v8;
	v0 =	vadd.f32 v0, v2  }
0x27f: {  	v44 =	vshll.u32 v60, $0x10;
	v52 =	vadd.f32 v27, v22;
	v17 =	vadd.f32 v17, v31  }
0x280: {  	v45 =	vshll.u32 v62, $0x10;
	v53 =	vadd.f32 v53, v24;
	v21 =	vadd.f32 v56, v54;
	[tilespmem:s0+$0x1D4D0] =	vst v8  }
0x281: {  	v46 =	vshll.u32 v34, $0x10;
	v4 =	vadd.f32 v60, v58;
	v1 =	vadd.f32 v34, v62;
	[tilespmem:s0+$0x1D8D0] =	vst v0  }
0x282: {  	v47 =	vshll.u32 v36, $0x10;
	v11 =	vadd.f32 v38, v36;
	v5 =	vadd.f32 v42, v40;
	v10 =	vld [tilespmem:s30+$0x18CE0]  }
0x283: {  	v48 =	vshll.u32 v38, $0x10;
	v15 =	vadd.f32 v59, v57;
	v7 =	vadd.f32 v63, v61;
	v8 =	vld [tilespmem:s30+$0x18D60]  }
0x284: {  	v49 =	vshll.u32 v40, $0x10;
	v50 =	vadd.f32 v37, v35;
	v6 =	vadd.f32 v41, v39;
	v20 =	vld [tilespmem:s30+$0x18DE0]  }
0x285: {  	v51 =	vshll.u32 v42, $0x10;
	v3 =	vadd.f32 v44, v43;
	v9 =	vadd.f32 v46, v45;
	v54 =	vld [tilespmem:s30+$0x18E60]  }
0x286: {  	v2 =	vadd.f32 v48, v47;
	v0 =	vadd.f32 v51, v49;
	v14 =	vld [tilespmem:s30+$0x18EE0]  }
0x287: {  	v55 =	vadd.f32 v17, v52;
	v56 =	vadd.f32 v21, v53;
	v13 =	vld [tilespmem:s30+$0x18F60]  }
0x288: {  	v1 =	vadd.f32 v1, v4;
	v7 =	vadd.f32 v7, v15;
	v15 =	vld [tilespmem:s30+$0x18FE0]  }
0x289: {  	v57 =	vadd.f32 v5, v11;
	v6 =	vadd.f32 v6, v50;
	v16 =	vld [tilespmem:s30+$0x190E0]  }
0x28a: {  	v3 =	vadd.f32 v9, v3;
	v58 =	vld [tilespmem:s30+$0x19160];
	v0 =	vadd.f32 v0, v2  }
0x28b: {  	v59 =	vld [tilespmem:s30+$0x191E0];
	v60 =	vadd.f32 v56, v55;
	v1 =	vadd.f32 v57, v1  }
0x28c: {  	v61 =	vld [tilespmem:s30+$0x19260];
	v6 =	vadd.f32 v6, v7;
	v0 =	vadd.f32 v0, v3  }
0x28d: {  	v62 =	vld [tilespmem:s30+$0x192E0];
	v1 =	vadd.f32 v1, v60  }
0x28e: {  	v63 =	vld [tilespmem:s30+$0x19360];
	v0 =	vadd.f32 v0, v6;
	v33 =	vshll.u32 v10, $0x10;
	v35 =	vshll.u32 v8, $0x10  }
0x28f: {  	v34 =	vld [tilespmem:s30+$0x193E0];
	v36 =	vshll.u32 v20, $0x10;
	v37 =	vshll.u32 v54, $0x10;
	v39 =	vshll.u32 v14, $0x10  }
0x290: {  	v38 =	vld [tilespmem:s30+$0x19460];
	[tilespmem:s29+$0x1D8E0] =	vst v1;
	v40 =	vshll.u32 v13, $0x10;
	v41 =	vshll.u32 v15, $0x10;
	v43 =	vshll.u32 v16, $0x10  }
0x291: {  	v2 =	vld [tilespmem:s30+$0x19060];
	v44 =	vshll.u32 v58, $0x10;
	v45 =	vshll.u32 v59, $0x10;
	v8 =	vadd.f32 v8, v10;
	[tilespmem:s29+$0x1D4E0] =	vst v0  }
0x292: {  	v46 =	vshll.u32 v61, $0x10;
	v53 =	vadd.f32 v54, v20;
	v13 =	vadd.f32 v13, v14;
	v22 =	vld [tilespmem:s31+$0x18CF0]  }
0x293: {  	v47 =	vshll.u32 v62, $0x10;
	v5 =	vadd.f32 v58, v16;
	v3 =	vadd.f32 v61, v59;
	v27 =	vld [tilespmem:s31+$0x18D70]  }
0x294: {  	v48 =	vshll.u32 v63, $0x10;
	v6 =	vadd.f32 v63, v62;
	v9 =	vadd.f32 v35, v33;
	v31 =	vld [tilespmem:s31+$0x18DF0]  }
0x295: {  	v49 =	vshll.u32 v34, $0x10;
	v12 =	vadd.f32 v37, v36;
	v18 =	vadd.f32 v40, v39;
	v17 =	vld [tilespmem:s31+$0x18E70]  }
0x296: {  	v50 =	vshll.u32 v38, $0x10;
	v25 =	vadd.f32 v44, v43;
	v28 =	vadd.f32 v46, v45;
	v24 =	vld [tilespmem:s31+$0x18EF0]  }
0x297: {  	v42 =	vshll.u32 v2, $0x10;
	v11 =	vadd.f32 v48, v47;
	v19 =	vadd.f32 v50, v49;
	v51 =	vld [tilespmem:s31+$0x18F70]  }
0x298: {  	v2 =	vadd.f32 v2, v15;
	v21 =	vadd.f32 v42, v41;
	v52 =	vld [tilespmem:s31+$0x18FF0]  }
0x299: {  	v0 =	vadd.f32 v38, v34;
	v8 =	vadd.f32 v53, v8;
	v54 =	vld [tilespmem:s31+$0x19070]  }
0x29a: {  	v3 =	vadd.f32 v3, v5;
	v56 =	vld [tilespmem:s31+$0x190F0];
	v9 =	vadd.f32 v12, v9  }
0x29b: {  	v58 =	vld [tilespmem:s31+$0x19170];
	v25 =	vadd.f32 v28, v25;
	v11 =	vadd.f32 v19, v11  }
0x29c: {  	v60 =	vld [tilespmem:s31+$0x191F0];
	v2 =	vadd.f32 v2, v13;
	v62 =	vadd.f32 v21, v18  }
0x29d: {  	v63 =	vld [tilespmem:s31+$0x19270];
	v0 =	vadd.f32 v0, v6;
	v11 =	vadd.f32 v11, v25  }
0x29e: {  	v34 =	vld [tilespmem:s31+$0x192F0];
	v2 =	vadd.f32 v2, v8;
	v9 =	vadd.f32 v62, v9  }
0x29f: {  	v36 =	vld [tilespmem:s31+$0x19370];
	v0 =	vadd.f32 v0, v3;
	v55 =	vshll.u32 v22, $0x10;
	v57 =	vshll.u32 v27, $0x10  }
0x2a0: {  	v38 =	vld [tilespmem:s31+$0x193F0];
	v59 =	vshll.u32 v31, $0x10;
	v61 =	vshll.u32 v17, $0x10;
	v33 =	vshll.u32 v24, $0x10  }
0x2a1: {  	v40 =	vld [tilespmem:s31+$0x19470];
	v35 =	vshll.u32 v51, $0x10;
	v37 =	vshll.u32 v52, $0x10;
	v39 =	vshll.u32 v54, $0x10  }
0x2a2: {  	v41 =	vshll.u32 v56, $0x10;
	v9 =	vadd.f32 v11, v9;
	v0 =	vadd.f32 v0, v2  }
0x2a3: {  	v42 =	vshll.u32 v58, $0x10;
	v50 =	vadd.f32 v27, v22;
	v17 =	vadd.f32 v17, v31  }
0x2a4: {  	v43 =	vshll.u32 v60, $0x10;
	v51 =	vadd.f32 v51, v24;
	v20 =	vadd.f32 v54, v52;
	[tilespmem:s0+$0x1D4E0] =	vst v9  }
0x2a5: {  	v44 =	vshll.u32 v63, $0x10;
	v4 =	vadd.f32 v58, v56;
	v1 =	vadd.f32 v63, v60;
	[tilespmem:s0+$0x1D8E0] =	vst v0  }
0x2a6: {  	v45 =	vshll.u32 v34, $0x10;
	v10 =	vadd.f32 v36, v34;
	v5 =	vadd.f32 v40, v38;
	v11 =	vld [tilespmem:s30+$0x18CF0]  }
0x2a7: {  	v46 =	vshll.u32 v36, $0x10;
	v15 =	vadd.f32 v57, v55;
	v7 =	vadd.f32 v61, v59;
	v9 =	vld [tilespmem:s30+$0x18D70]  }
0x2a8: {  	v47 =	vshll.u32 v38, $0x10;
	v48 =	vadd.f32 v35, v33;
	v6 =	vadd.f32 v39, v37;
	v21 =	vld [tilespmem:s30+$0x18DF0]  }
0x2a9: {  	v49 =	vshll.u32 v40, $0x10;
	v3 =	vadd.f32 v42, v41;
	v8 =	vadd.f32 v44, v43;
	v23 =	vld [tilespmem:s30+$0x18E70]  }
0x2aa: {  	v2 =	vadd.f32 v46, v45;
	v0 =	vadd.f32 v49, v47;
	v14 =	vld [tilespmem:s30+$0x18EF0]  }
0x2ab: {  	v52 =	vadd.f32 v17, v50;
	v53 =	vadd.f32 v20, v51;
	v12 =	vld [tilespmem:s30+$0x18F70]  }
0x2ac: {  	v1 =	vadd.f32 v1, v4;
	v7 =	vadd.f32 v7, v15;
	v15 =	vld [tilespmem:s30+$0x18FF0]  }
0x2ad: {  	v54 =	vadd.f32 v5, v10;
	v6 =	vadd.f32 v6, v48;
	v16 =	vld [tilespmem:s30+$0x190F0]  }
0x2ae: {  	v3 =	vadd.f32 v8, v3;
	v55 =	vld [tilespmem:s30+$0x19170];
	v0 =	vadd.f32 v0, v2  }
0x2af: {  	v56 =	vld [tilespmem:s30+$0x191F0];
	v57 =	vadd.f32 v53, v52;
	v1 =	vadd.f32 v54, v1  }
0x2b0: {  	v58 =	vld [tilespmem:s30+$0x19270];
	v6 =	vadd.f32 v6, v7;
	v0 =	vadd.f32 v0, v3  }
0x2b1: {  	v59 =	vld [tilespmem:s30+$0x192F0]  }
0x2b2: {  	v60 =	vld [tilespmem:s30+$0x19370];
	v1 =	vadd.f32 v1, v57;
	v0 =	vadd.f32 v0, v6  }
0x2b3: {  	v62 =	vld [tilespmem:s30+$0x193F0];
	v61 =	vshll.u32 v11, $0x10;
	v63 =	vshll.u32 v9, $0x10;
	v33 =	vshll.u32 v21, $0x10  }
0x2b4: {  	v35 =	vld [tilespmem:s30+$0x19470];
	v34 =	vshll.u32 v23, $0x10;
	v36 =	vshll.u32 v14, $0x10;
	v37 =	vshll.u32 v12, $0x10  }
0x2b5: {  	v38 =	vshll.u32 v15, $0x10;
	v40 =	vshll.u32 v16, $0x10;
	v41 =	vshll.u32 v55, $0x10  }
0x2b6: {  	v42 =	vshll.u32 v56, $0x10;
	v9 =	vadd.f32 v9, v11;
	v54 =	vadd.f32 v23, v21  }
0x2b7: {  	v2 =	vld [tilespmem:s30+$0x19070];
	v43 =	vshll.u32 v58, $0x10;
	v12 =	vadd.f32 v12, v14;
	v5 =	vadd.f32 v55, v16  }
0x2b8: {  	v44 =	vshll.u32 v59, $0x10;
	v3 =	vadd.f32 v58, v56;
	v55 =	vadd.f32 v60, v59  }
0x2b9: {  	v45 =	vshll.u32 v60, $0x10;
	v56 =	vadd.f32 v35, v62;
	v7 =	vadd.f32 v63, v61  }
0x2ba: {  	v47 =	vshll.u32 v62, $0x10;
	v46 =	vadd.f32 v34, v33;
	v48 =	vadd.f32 v37, v36  }
0x2bb: {  	v50 =	vshll.u32 v35, $0x10;
	v51 =	vadd.f32 v41, v40;
	v52 =	vadd.f32 v43, v42  }
0x2bc: {  	v39 =	vshll.u32 v2, $0x10;
	v53 =	vadd.f32 v45, v44;
	v17 =	vadd.f32 v50, v47  }
0x2bd: {  	v2 =	vadd.f32 v2, v15;
	v49 =	vadd.f32 v39, v38  }
0x2be: {  	v9 =	vadd.f32 v54, v9;
	v3 =	vadd.f32 v3, v5  }
0x2bf: {  	v4 =	vadd.f32 v56, v55;
	v7 =	vadd.f32 v46, v7  }
0x2c0: {  	v58 =	vadd.f32 v52, v51;
	v2 =	vadd.f32 v2, v12  }
0x2c1: {  	v59 =	vadd.f32 v17, v53;
	v57 =	vadd.f32 v49, v48  }
0x2c2: {  	p2 =	slt.u32 s28, $0x6;
	v3 =	vadd.f32 v4, v3;
	v2 =	vadd.f32 v2, v9  }
.Ltmp7:
0x2c3: {  	v61 =	vadd.f32 v59, v58;
	v60 =	vadd.f32 v57, v7;
	(pc) =	sbr.rel @p2 .LBB2_8-.Ltmp7, $4  }
0x2c4: {  	[tilespmem:s29+$0x1D8F0] =	vst v1;
	v63 =	vadd.f32 v3, v2  }
0x2c5: {  	[tilespmem:s29+$0x1D4F0] =	vst v0;
	v62 =	vadd.f32 v61, v60  }
0x2c6: {  	s31 =	sadd.s32 $0x2, s28;
	[tilespmem:s0+$0x1D8F0] =	vst v63  }
0x2c7: {  	s28 =	smov.u32 s31;
	[tilespmem:s0+$0x1D4F0] =	vst v62  }
.Ltmp8:
0x2c8: {  	(pc) =	sbr.rel .LBB2_10-.Ltmp8, $4  }
0x2c9: {  	_ = 	snop  }
0x2ca: {  	s0 =	sshll.u32 s25, $0x5  }
0x2cb: {  	s0 =	sadd.s32 s1, s0  }
0x2cc: {  	[hbm4b:s0+s3] =	stream.linear.scatter [tilespmem:s22], [sflag:$0x4], $0x800, $0x38;
	[tilespmem:$0x1DC80] =	vst v63  }
.LBB2_12:
0x2cd: {  	_ =	sfence.sel $0x180000  }
0x2ce: {  	[bflag:$0x0] =	sbarrier.arrive $0xFFFF  }
0x2cf: {  	_ =	strace $0x90000047  }
0x2d0: {  	[bflag:$0x2] =	sbarrier.arrive $0xFFFF  }
0x2d1: {  	s0 =	rddreg [dreg:$0x3]  }
0x2d2: {  	s0 =	sadd.s32 @!p0 $0x100000, s0  }
0x2d3: {  	[sflag:s0] =	ssyncadd.tile.s32 @!p0 $0x1;
	_ =	shalt  }
.Lfunc_end2:
_tile_overlayer_lowered:
.L_overlay_start_2:
0x2d4: {  	(tag) =	ssettag $0x2  }
0x2d5: {  	s0 =	rddreg [dreg:$0x0];
	s2 =	stileid.u32  }
0x2d6: {  	s1 =	rddreg [dreg:$0x1];
	p0 =	sne.s32 s2, $0x0  }
0x2d7: {  	s3 =	rddreg [dreg:$0x2];
	[bflag:$0x3] =	sbarrier.arrive $0xFFFF;
	s2 =	simm.s32 @!p0 $0x1C05  }
0x2d8: {  	[timem:s3], [sflag:s2] =	dma.local @!p0 [hbm:s0], s1  }
0x2d9: {  	s0 =	simm.s32 @!p0 $0x5  }
0x2da: {  	_ =	swait.ge @!p0 [sflag:s0], s1  }
0x2db: {  	s1 =	ssub.s32 @!p0 $0x0, s1;
	[sflag:s0] =	ssyncset.done @!p0 $0x0  }
0x2dc: {  	[sflag:s0] =	ssyncadd.s32 @!p0 s1  }
0x2dd: {  	[bflag:$0x3] =	sbarrier.arrive $0xFFFF  }
0x2de: {  	_ =	shalt  }

</sc_bundles>
